<compile_context>
chip_gen: v7x
topology: tpu7x:2x2x1
jax: 0.10.2.dev20260603
libtpu: 0.0.44.dev20260713+nightly
codegen_flags: <defaults>
</compile_context>

<pallas_src>
import functools

import jax
import jax.numpy as jnp
from jax import lax
from jax.experimental import pallas as pl
from jax.experimental.pallas import tpu as pltpu
from jax.experimental.pallas import tpu_sc as plsc

_EPS = 0.01
_N = 10000
_E = 160000
_C = 128
_NTILES = 16
_EB = 80
_EPT = _E // _NTILES
_NB = _EPT // _EB
_NPAD = 10240
_RPT = _NPAD // _NTILES



@functools.lru_cache(maxsize=None)
def _make_agg(nc):
    mesh = plsc.VectorSubcoreMesh(core_axis_name="c", subcore_axis_name="s")

    def body(*refs):
        tables = refs[0:nc]
        src_hbm, dst_hbm, zeros_hbm = refs[nc:nc + 3]
        outs = refs[nc + 3:2 * nc + 3]
        src_v, dst_v, rows0, rows1, acc, sem0, sem1 = refs[2 * nc + 3:]

        cid = lax.axis_index("c")
        sid = lax.axis_index("s")

        pltpu.sync_copy(src_hbm.at[pl.ds(sid * _EPT, _EPT)], src_v)
        pltpu.sync_copy(dst_hbm.at[sid], dst_v)

        for c in range(nc):
            @pl.when(cid == (c % 2))
            def _round(c=c):
                plsc.subcore_barrier()
                pltpu.sync_copy(zeros_hbm, acc.at[pl.ds(sid * _RPT, _RPT)])
                plsc.subcore_barrier()

                pltpu.async_copy(
                    tables[c].at[src_v.at[pl.ds(0, _EB)]], rows0, sem0)
                pltpu.async_copy(
                    tables[c].at[src_v.at[pl.ds(_EB, _EB)]], rows1, sem1)

                def lane(j, buf, sem):
                    pltpu.make_async_copy(
                        tables[c].at[src_v.at[pl.ds(j * _EB, _EB)]],
                        buf, sem).wait()
                    pltpu.sync_copy(buf, acc.at[dst_v.at[j]], add=True)

                    @pl.when(j + 2 < _NB)
                    def _():
                        pltpu.async_copy(
                            tables[c].at[src_v.at[pl.ds((j + 2) * _EB, _EB)]],
                            buf, sem)

                def step(j, carry):
                    @pl.when(j % 2 == 0)
                    def _():
                        lane(j, rows0, sem0)

                    @pl.when(j % 2 == 1)
                    def _():
                        lane(j, rows1, sem1)
                    return carry

                lax.fori_loop(0, _NB, step, 0)
                plsc.subcore_barrier()
                pltpu.sync_copy(acc.at[pl.ds(sid * _RPT, _RPT)],
                                outs[c].at[pl.ds(sid * _RPT, _RPT)])

    return pl.kernel(
        body,
        out_type=[jax.ShapeDtypeStruct((_NPAD, _C), jnp.float32)
                  for _ in range(nc)],
        mesh=mesh,
        scratch_types=[
            pltpu.VMEM((_EPT,), jnp.int32),
            pltpu.VMEM((_NB, _EB), jnp.int32),
            pltpu.VMEM((_EB, _C), jnp.float32),
            pltpu.VMEM((_EB, _C), jnp.float32),
            pltpu.VMEM_SHARED((_NPAD, _C), jnp.float32),
            pltpu.SemaphoreType.DMA,
            pltpu.SemaphoreType.DMA,
        ],
    )



@functools.lru_cache(maxsize=None)
def _make_pair_gather():
    mesh = plsc.VectorSubcoreMesh(core_axis_name="c", subcore_axis_name="s")

    def body(t0, t1, idx_hbm, o0, o1, idx_v, rows_v, sem):
        cid = lax.axis_index("c")
        sid = lax.axis_index("s")
        pltpu.sync_copy(idx_hbm.at[sid], idx_v)
        for c, (tab, out) in enumerate(((t0, o0), (t1, o1))):
            @pl.when(cid == c)
            def _chunk(tab=tab, out=out):
                pltpu.async_copy(tab.at[idx_v], rows_v, sem).wait()
                pltpu.sync_copy(rows_v, out.at[pl.ds(sid * 128, 128)])

    return pl.kernel(
        body,
        out_type=[jax.ShapeDtypeStruct((2048, _C), jnp.float32)
                  for _ in range(2)],
        mesh=mesh,
        scratch_types=[
            pltpu.VMEM((128,), jnp.int32),
            pltpu.VMEM((128, _C), jnp.float32),
            pltpu.SemaphoreType.DMA,
        ],
    )



def _mlp(h_chunks, xn_chunks, W1, b1, W2, b2):
    kc = len(h_chunks)
    K, J = W1.shape
    O = W2.shape[1]
    oc = O // _C
    R = 1000
    grid = (_N // R,)

    def body(*refs):
        h_refs = refs[0:kc]
        xn_refs = refs[kc:2 * kc]
        w1_ref, b1_ref, w2_ref, b2_ref = refs[2 * kc:2 * kc + 4]
        out_refs = refs[2 * kc + 4:]
        hin = jnp.concatenate(
            [(1.0 + _EPS) * h_refs[c][...] + xn_refs[c][...]
             for c in range(kc)], axis=1)
        z = jnp.dot(hin, w1_ref[...], preferred_element_type=jnp.float32)
        z = jnp.maximum(z + b1_ref[...], 0.0)
        o = jnp.dot(z, w2_ref[...], preferred_element_type=jnp.float32)
        o = jnp.maximum(o + b2_ref[...], 0.0)
        for c in range(oc):
            out_refs[c][...] = o[:, c * _C:(c + 1) * _C]

    row_spec = pl.BlockSpec((R, _C), lambda r: (r, 0))
    full = pl.BlockSpec
    return pl.pallas_call(
        body,
        grid=grid,
        in_specs=(
            [row_spec] * kc + [row_spec] * kc
            + [full((K, J), lambda r: (0, 0)),
               full((1, J), lambda r: (0, 0)),
               full((J, O), lambda r: (0, 0)),
               full((1, O), lambda r: (0, 0))]
        ),
        out_specs=[row_spec] * oc,
        out_shape=[jax.ShapeDtypeStruct((_N, _C), jnp.float32)
                   for _ in range(oc)],
    )(*h_chunks, *xn_chunks, W1, b1.reshape(1, -1), W2, b2.reshape(1, -1))



def _decode(pair_chunks, P1, P2):
    def body(pr0, pr1, p1_ref, p2_ref, out_ref):
        ap = None
        bp = None
        for c, pr in enumerate((pr0, pr1)):
            w = p1_ref[c * _C:(c + 1) * _C, :]
            pa = jnp.dot(pr[0:1024, :], w, preferred_element_type=jnp.float32)
            pb = jnp.dot(pr[1024:2048, :], w,
                         preferred_element_type=jnp.float32)
            ap = pa if ap is None else ap + pa
            bp = pb if bp is None else bp + pb
        t2 = jnp.dot(ap, p2_ref[...], preferred_element_type=jnp.float32)
        out_ref[...] = jnp.sum(t2 * bp, axis=1, keepdims=True)

    return pl.pallas_call(
        body,
        out_shape=jax.ShapeDtypeStruct((1024, 1), jnp.float32),
    )(*pair_chunks, P1, P2)



def _chunked(a):
    n, d = a.shape
    return [a[:, i * _C:(i + 1) * _C] for i in range(d // _C)]


def kernel(x, edge_index, drug_index, label,
           c1_W1, c1_b1, c1_W2, c1_b2,
           c2_W1, c2_b1, c2_W2, c2_b2,
           c3_W1, c3_b1, c3_W2, c3_b2,
           P1, P2):
    src = edge_index[0]
    dst = edge_index[1].reshape(_NTILES, _NB, _EB)
    zeros = jnp.zeros((_RPT, _C), jnp.float32)

    xc = _chunked(x)
    agg2 = _make_agg(2)
    agg4 = _make_agg(4)

    xn1 = agg2(*xc, src, dst, zeros)
    h1 = _mlp(xc, xn1, c1_W1, c1_b1, c1_W2, c1_b2)
    xn2 = agg4(*h1, src, dst, zeros)
    h2 = _mlp(h1, xn2, c2_W1, c2_b1, c2_W2, c2_b2)
    xn3 = agg4(*h2, src, dst, zeros)
    h3 = _mlp(h2, xn3, c3_W1, c3_b1, c3_W2, c3_b2)

    di = drug_index.reshape(-1, 2)
    pidx = jnp.concatenate([di[:, 0] - 1, di[:, 1] - 1]).reshape(_NTILES, 128)
    pairs = _make_pair_gather()(*h3, pidx)
    return _decode(pairs, P1, P2)

# --- scband reference (transcript-rebuilt; emitter-appended) ---
"""Pipeline reference for scband-gindecoder-43241730736197 (READ-ONLY COPY).

The authoritative reference and input builder live on the scoring server;
editing this copy changes nothing except your own understanding.
"""

import jax, jax.numpy as jnp
import numpy as np

EPS = 0.01

def gin_conv(x, edge_index, W1, b1, W2, b2):
    src = edge_index[0]
    dst = edge_index[1]
    msgs = x[src]
    x_n = jnp.zeros_like(x).at[dst].add(msgs)
    h = (1.0 + EPS) * x + x_n
    h = jnp.maximum(h @ W1 + b1, 0.0)
    return h @ W2 + b2

def setup_inputs(seed: int = 0):
    key = jax.random.key(seed)
    ks = jax.random.split(key, 16)
    N, E = 10000, 160000
    in_dim, hid, emb, dec = 256, 512, 256, 256
    x = jax.random.normal(ks[0], (N, in_dim), dtype=jnp.float32)
    edge_index = jax.random.randint(ks[1], (2, E), 0, N, dtype=jnp.int32)
    drug_index = jax.random.randint(ks[2], (2048,), 1, N, dtype=jnp.int32)
    label = jax.random.normal(ks[3], (1024,), dtype=jnp.float32)
    def lin(k, fi, fo):
        return jax.random.normal(k, (fi, fo), dtype=jnp.float32) * (1.0 / np.sqrt(fi))
    params = {
        'c1_W1': lin(ks[4], in_dim, 2 * in_dim), 'c1_b1': jnp.zeros((2 * in_dim,), jnp.float32),
        'c1_W2': lin(ks[5], 2 * in_dim, hid),    'c1_b2': jnp.zeros((hid,), jnp.float32),
        'c2_W1': lin(ks[6], hid, 2 * hid),       'c2_b1': jnp.zeros((2 * hid,), jnp.float32),
        'c2_W2': lin(ks[7], 2 * hid, hid),       'c2_b2': jnp.zeros((hid,), jnp.float32),
        'c3_W1': lin(ks[8], hid, 2 * hid),       'c3_b1': jnp.zeros((2 * hid,), jnp.float32),
        'c3_W2': lin(ks[9], 2 * hid, emb),       'c3_b2': jnp.zeros((emb,), jnp.float32),
        'P1': jax.random.normal(ks[10], (emb, dec), dtype=jnp.float32),
        'P2': jax.random.normal(ks[11], (dec, dec), dtype=jnp.float32),
    }
    inp = {'x': x, 'edge_index': edge_index, 'drug_index': drug_index, 'label': label}
    inp.update(params)
    return inp

def reference(x, edge_index, drug_index, label,
              c1_W1, c1_b1, c1_W2, c1_b2,
              c2_W1, c2_b1, c2_W2, c2_b2,
              c3_W1, c3_b1, c3_W2, c3_b2,
              P1, P2):
    h = jnp.maximum(gin_conv(x, edge_index, c1_W1, c1_b1, c1_W2, c1_b2), 0.0)
    h = jnp.maximum(gin_conv(h, edge_index, c2_W1, c2_b1, c2_W2, c2_b2), 0.0)
    h = jnp.maximum(gin_conv(h, edge_index, c3_W1, c3_b1, c3_W2, c3_b2), 0.0)
    di = drug_index.reshape(-1, 2)
    ia = di[:, 0] - 1
    ib = di[:, 1] - 1
    a_emb = h[ia]
    b_emb = h[ib]
    t = ((a_emb @ P1) @ P2) @ P1.T
    ypred = jnp.sum(t * b_emb, axis=1, keepdims=True)
    return ypred

if __name__ == "__main__":
    import jax
    _d = setup_inputs()
    print(jax.jit(kernel)(*tuple(_d.values())))

</pallas_src>

<mosaic_0001>
#map = affine_map<(d0, d1) -> (0, 0)>
#map1 = affine_map<(d0, d1) -> (0)>
#map2 = affine_map<(d0, d1) -> (0, 0, 0)>
module attributes {stable_mosaic.version = 14 : i64} {
  func.func @body(%arg0: i32, %arg1: i32, %arg2: memref<10000x128xf32, #tpu.memory_space<hbm>>, %arg3: memref<10000x128xf32, #tpu.memory_space<hbm>>, %arg4: memref<160000xi32, #tpu.memory_space<hbm>>, %arg5: memref<16x125x80xi32, #tpu.memory_space<hbm>>, %arg6: memref<640x128xf32, #tpu.memory_space<hbm>>, %arg7: memref<10240x128xf32, #tpu.memory_space<hbm>>, %arg8: memref<10240x128xf32, #tpu.memory_space<hbm>>, %arg9: memref<10000xi32, #tpu.memory_space<vmem>>, %arg10: memref<125x80xi32, #tpu.memory_space<vmem>>, %arg11: memref<80x128xf32, #tpu.memory_space<vmem>>, %arg12: memref<80x128xf32, #tpu.memory_space<vmem>>, %arg13: memref<10240x128xf32, #tpu.memory_space<vmem_shared>>, %arg14: memref<!tpu.dma_semaphore, #tpu.memory_space<semaphore_mem>>, %arg15: memref<!tpu.dma_semaphore, #tpu.memory_space<semaphore_mem>>) attributes {dimension_semantics = [#tpu.dimension_semantics<core_parallel>, #tpu.dimension_semantics<subcore_parallel>], iteration_bounds = array<i64: 2, 16>, scalar_prefetch = 0 : i64, scratch_operands = 7 : i64, tpu.core_type = #tpu.core_type<sc_vector_subcore>, window_params = [{transform_indices = #map}, {transform_indices = #map}, {transform_indices = #map1}, {transform_indices = #map2}, {transform_indices = #map}, {transform_indices = #map}, {transform_indices = #map}]} {
    %mul3A = arith.constant 10000 : i32
    %mul3A_0 = arith.muli %arg1, %mul3A : i32
    "tpu.region"() ({
      %run_scoped3A = tpu.sem_alloc : memref<!tpu.dma_semaphore, #tpu.memory_space<semaphore_mem>>
      %dma_start3A = tpu.memref_slice %arg4[%mul3A_0] : memref<160000xi32, #tpu.memory_space<hbm>> -> memref<10000xi32, #tpu.memory_space<hbm>>
      %dma_start3A_8 = tpu.memref_slice %arg4[%mul3A_0] : memref<160000xi32, #tpu.memory_space<hbm>> -> memref<10000xi32, #tpu.memory_space<hbm>>
      tpu.enqueue_dma source(%dma_start3A_8 : memref<10000xi32, #tpu.memory_space<hbm>>) target(%arg9 : memref<10000xi32, #tpu.memory_space<vmem>>) target_semaphore(%run_scoped3A : memref<!tpu.dma_semaphore, #tpu.memory_space<semaphore_mem>>)
      %dma_wait3A = tpu.memref_slice %arg4[%mul3A_0] : memref<160000xi32, #tpu.memory_space<hbm>> -> memref<10000xi32, #tpu.memory_space<hbm>>
      %dma_wait3A_9 = tpu.memref_slice %arg4[%mul3A_0] : memref<160000xi32, #tpu.memory_space<hbm>> -> memref<10000xi32, #tpu.memory_space<hbm>>
      tpu.wait_dma2 semaphore(%run_scoped3A : memref<!tpu.dma_semaphore, #tpu.memory_space<semaphore_mem>>) src(%dma_wait3A_9 : memref<10000xi32, #tpu.memory_space<hbm>>) dst(%arg9 : memref<10000xi32, #tpu.memory_space<vmem>>)
      tpu.yield
    }) : () -> ()
    "tpu.region"() ({
      %run_scoped3A = tpu.sem_alloc : memref<!tpu.dma_semaphore, #tpu.memory_space<semaphore_mem>>
      %dma_start3A = arith.constant 0 : i32
      %dma_start3A_8 = arith.constant 0 : i32
      %dma_start3A_9 = tpu.memref_slice %arg5[%arg1, %dma_start3A, %dma_start3A_8] : memref<16x125x80xi32, #tpu.memory_space<hbm>> -> memref<1x125x80xi32, #tpu.memory_space<hbm>>
      %dma_start3A_10 = tpu.memref_squeeze %dma_start3A_9 : memref<1x125x80xi32, #tpu.memory_space<hbm>> -> memref<125x80xi32, #tpu.memory_space<hbm>>
      %dma_start3A_11 = arith.constant 0 : i32
      %dma_start3A_12 = arith.constant 0 : i32
      %dma_start3A_13 = tpu.memref_slice %arg5[%arg1, %dma_start3A_11, %dma_start3A_12] : memref<16x125x80xi32, #tpu.memory_space<hbm>> -> memref<1x125x80xi32, #tpu.memory_space<hbm>>
      %dma_start3A_14 = tpu.memref_squeeze %dma_start3A_13 : memref<1x125x80xi32, #tpu.memory_space<hbm>> -> memref<125x80xi32, #tpu.memory_space<hbm>>
      tpu.enqueue_dma source(%dma_start3A_14 : memref<125x80xi32, #tpu.memory_space<hbm>>) target(%arg10 : memref<125x80xi32, #tpu.memory_space<vmem>>) target_semaphore(%run_scoped3A : memref<!tpu.dma_semaphore, #tpu.memory_space<semaphore_mem>>)
      %dma_wait3A = arith.constant 0 : i32
      %dma_wait3A_15 = arith.constant 0 : i32
      %dma_wait3A_16 = tpu.memref_slice %arg5[%arg1, %dma_wait3A, %dma_wait3A_15] : memref<16x125x80xi32, #tpu.memory_space<hbm>> -> memref<1x125x80xi32, #tpu.memory_space<hbm>>
      %dma_wait3A_17 = tpu.memref_squeeze %dma_wait3A_16 : memref<1x125x80xi32, #tpu.memory_space<hbm>> -> memref<125x80xi32, #tpu.memory_space<hbm>>
      %dma_wait3A_18 = arith.constant 0 : i32
      %dma_wait3A_19 = arith.constant 0 : i32
      %dma_wait3A_20 = tpu.memref_slice %arg5[%arg1, %dma_wait3A_18, %dma_wait3A_19] : memref<16x125x80xi32, #tpu.memory_space<hbm>> -> memref<1x125x80xi32, #tpu.memory_space<hbm>>
      %dma_wait3A_21 = tpu.memref_squeeze %dma_wait3A_20 : memref<1x125x80xi32, #tpu.memory_space<hbm>> -> memref<125x80xi32, #tpu.memory_space<hbm>>
      tpu.wait_dma2 semaphore(%run_scoped3A : memref<!tpu.dma_semaphore, #tpu.memory_space<semaphore_mem>>) src(%dma_wait3A_21 : memref<125x80xi32, #tpu.memory_space<hbm>>) dst(%arg10 : memref<125x80xi32, #tpu.memory_space<vmem>>)
      tpu.yield
    }) : () -> ()
    %eq3A = arith.constant 0 : i32
    %eq3A_1 = arith.cmpi eq, %arg0, %eq3A : i32
    %convert_element_type3A = arith.extui %eq3A_1 : i1 to i32
    %cond3A = arith.constant 0 : i32
    %cond3A_2 = arith.cmpi ne, %convert_element_type3A, %cond3A : i32
    scf.if %cond3A_2 {
      %barrier3A = arith.constant 0 : index
      tpu.barrier barrier_id(%barrier3A)
      %mul3A_8 = arith.constant 640 : i32
      %mul3A_9 = arith.muli %arg1, %mul3A_8 : i32
      "tpu.region"() ({
        %run_scoped3A = tpu.sem_alloc : memref<!tpu.dma_semaphore, #tpu.memory_space<semaphore_mem>>
        %dma_start3A_30 = arith.constant 0 : i32
        %dma_start3A_31 = tpu.memref_slice %arg13[%mul3A_9, %dma_start3A_30] : memref<10240x128xf32, #tpu.memory_space<vmem_shared>> -> memref<640x128xf32, #tpu.memory_space<vmem_shared>>
        tpu.enqueue_dma source(%arg6 : memref<640x128xf32, #tpu.memory_space<hbm>>) target(%dma_start3A_31 : memref<640x128xf32, #tpu.memory_space<vmem_shared>>) target_semaphore(%run_scoped3A : memref<!tpu.dma_semaphore, #tpu.memory_space<semaphore_mem>>)
        %dma_wait3A = arith.constant 0 : i32
        %dma_wait3A_32 = tpu.memref_slice %arg13[%mul3A_9, %dma_wait3A] : memref<10240x128xf32, #tpu.memory_space<vmem_shared>> -> memref<640x128xf32, #tpu.memory_space<vmem_shared>>
        tpu.wait_dma2 semaphore(%run_scoped3A : memref<!tpu.dma_semaphore, #tpu.memory_space<semaphore_mem>>) src(%arg6 : memref<640x128xf32, #tpu.memory_space<hbm>>) dst(%dma_wait3A_32 : memref<640x128xf32, #tpu.memory_space<vmem_shared>>)
        tpu.yield
      }) : () -> ()
      %barrier3A_10 = arith.constant 0 : index
      tpu.barrier barrier_id(%barrier3A_10)
      %dma_start3A = arith.constant 0 : i32
      %dma_start3A_11 = tpu.memref_slice %arg9[%dma_start3A] : memref<10000xi32, #tpu.memory_space<vmem>> -> memref<80xi32, #tpu.memory_space<vmem>>
      %dma_start3A_12 = arith.constant 0 : i32
      %dma_start3A_13 = arith.constant 0 : i32
      %dma_start3A_14 = tpu.memref_slice %arg2[%dma_start3A_12, %dma_start3A_13] : memref<10000x128xf32, #tpu.memory_space<hbm>> -> memref<10000x128xf32, #tpu.memory_space<hbm>>
      tpu.enqueue_indirect_dma source(%dma_start3A_14 : memref<10000x128xf32, #tpu.memory_space<hbm>>) target(%arg11 : memref<80x128xf32, #tpu.memory_space<vmem>>) offsets(%dma_start3A_11 : memref<80xi32, #tpu.memory_space<vmem>>) semaphore(%arg14 : memref<!tpu.dma_semaphore, #tpu.memory_space<semaphore_mem>>)
      %dma_start3A_15 = arith.constant 80 : i32
      %dma_start3A_16 = tpu.memref_slice %arg9[%dma_start3A_15] : memref<10000xi32, #tpu.memory_space<vmem>> -> memref<80xi32, #tpu.memory_space<vmem>>
      %dma_start3A_17 = arith.constant 0 : i32
      %dma_start3A_18 = arith.constant 0 : i32
      %dma_start3A_19 = tpu.memref_slice %arg2[%dma_start3A_17, %dma_start3A_18] : memref<10000x128xf32, #tpu.memory_space<hbm>> -> memref<10000x128xf32, #tpu.memory_space<hbm>>
      tpu.enqueue_indirect_dma source(%dma_start3A_19 : memref<10000x128xf32, #tpu.memory_space<hbm>>) target(%arg12 : memref<80x128xf32, #tpu.memory_space<vmem>>) offsets(%dma_start3A_16 : memref<80xi32, #tpu.memory_space<vmem>>) semaphore(%arg15 : memref<!tpu.dma_semaphore, #tpu.memory_space<semaphore_mem>>)
      %scan3A = arith.constant 0 : i32
      %scan3A_20 = arith.constant 0 : i32
      %scan3A_21 = arith.constant 125 : i32
      %scan3A_22 = arith.addi %scan3A_20, %scan3A_21 : i32
      %scan3A_23 = arith.constant 1 : i32
      scf.for %scan3A_30 = %scan3A_20 to %scan3A_22 step %scan3A_23  : i32 {
        %jit3A = arith.constant 2 : i32
        %eq3A_31 = arith.constant 0 : i32
        %eq3A_32 = arith.cmpi eq, %jit3A, %eq3A_31 : i32
        %jit3A_33 = arith.constant 1 : i32
        %select_n3A = arith.select %eq3A_32, %jit3A_33, %jit3A : i32
        %rem3A = arith.remsi %scan3A_30, %select_n3A : i32
        %ne3A = arith.constant 0 : i32
        %ne3A_34 = arith.cmpi ne, %rem3A, %ne3A : i32
        %lt3A = arith.constant 0 : i32
        %lt3A_35 = arith.cmpi slt, %rem3A, %lt3A : i32
        %lt3A_36 = arith.constant 0 : i32
        %lt3A_37 = arith.cmpi slt, %select_n3A, %lt3A_36 : i32
        %ne3A_38 = arith.xori %lt3A_35, %lt3A_37 : i1
        %and3A = arith.andi %ne3A_38, %ne3A_34 : i1
        %add3A = arith.addi %rem3A, %select_n3A : i32
        %select_n3A_39 = arith.select %and3A, %add3A, %rem3A : i32
        %eq3A_40 = arith.constant 0 : i32
        %eq3A_41 = arith.cmpi eq, %select_n3A_39, %eq3A_40 : i32
        %convert_element_type3A_42 = arith.extui %eq3A_41 : i1 to i32
        %cond3A_43 = arith.constant 0 : i32
        %cond3A_44 = arith.cmpi ne, %convert_element_type3A_42, %cond3A_43 : i32
        scf.if %cond3A_44 {
          %mul3A_66 = arith.constant 80 : i32
          %mul3A_67 = arith.muli %scan3A_30, %mul3A_66 : i32
          %dma_wait3A = tpu.memref_slice %arg9[%mul3A_67] : memref<10000xi32, #tpu.memory_space<vmem>> -> memref<80xi32, #tpu.memory_space<vmem>>
          %dma_wait3A_68 = arith.constant 0 : i32
          %dma_wait3A_69 = arith.constant 0 : i32
          %dma_wait3A_70 = tpu.memref_slice %arg2[%dma_wait3A_68, %dma_wait3A_69] : memref<10000x128xf32, #tpu.memory_space<hbm>> -> memref<10000x128xf32, #tpu.memory_space<hbm>>
          tpu.wait_indirect_dma semaphore(%arg14 : memref<!tpu.dma_semaphore, #tpu.memory_space<semaphore_mem>>) src(%dma_wait3A_70 : memref<10000x128xf32, #tpu.memory_space<hbm>>) dst(%arg11 : memref<80x128xf32, #tpu.memory_space<vmem>>)
          "tpu.region"() ({
            %run_scoped3A = tpu.sem_alloc : memref<!tpu.dma_semaphore, #tpu.memory_space<semaphore_mem>>
            %dma_start3A_78 = arith.constant 0 : i32
            %dma_start3A_79 = tpu.memref_slice %arg10[%scan3A_30, %dma_start3A_78] : memref<125x80xi32, #tpu.memory_space<vmem>> -> memref<1x80xi32, #tpu.memory_space<vmem>>
            %dma_start3A_80 = tpu.memref_squeeze %dma_start3A_79 : memref<1x80xi32, #tpu.memory_space<vmem>> -> memref<80xi32, #tpu.memory_space<vmem>>
            %dma_start3A_81 = arith.constant 0 : i32
            %dma_start3A_82 = arith.constant 0 : i32
            %dma_start3A_83 = tpu.memref_slice %arg13[%dma_start3A_81, %dma_start3A_82] : memref<10240x128xf32, #tpu.memory_space<vmem_shared>> -> memref<10240x128xf32, #tpu.memory_space<vmem_shared>>
            tpu.enqueue_indirect_dma source(%arg11 : memref<80x128xf32, #tpu.memory_space<vmem>>) target(%dma_start3A_83 : memref<10240x128xf32, #tpu.memory_space<vmem_shared>>) offsets(%dma_start3A_80 : memref<80xi32, #tpu.memory_space<vmem>>) semaphore(%run_scoped3A : memref<!tpu.dma_semaphore, #tpu.memory_space<semaphore_mem>>) {add = true}
            %dma_wait3A_84 = arith.constant 0 : i32
            %dma_wait3A_85 = tpu.memref_slice %arg10[%scan3A_30, %dma_wait3A_84] : memref<125x80xi32, #tpu.memory_space<vmem>> -> memref<1x80xi32, #tpu.memory_space<vmem>>
            %dma_wait3A_86 = tpu.memref_squeeze %dma_wait3A_85 : memref<1x80xi32, #tpu.memory_space<vmem>> -> memref<80xi32, #tpu.memory_space<vmem>>
            %dma_wait3A_87 = arith.constant 0 : i32
            %dma_wait3A_88 = arith.constant 0 : i32
            %dma_wait3A_89 = tpu.memref_slice %arg13[%dma_wait3A_87, %dma_wait3A_88] : memref<10240x128xf32, #tpu.memory_space<vmem_shared>> -> memref<10240x128xf32, #tpu.memory_space<vmem_shared>>
            tpu.wait_indirect_dma semaphore(%run_scoped3A : memref<!tpu.dma_semaphore, #tpu.memory_space<semaphore_mem>>) src(%arg11 : memref<80x128xf32, #tpu.memory_space<vmem>>) dst(%dma_wait3A_89 : memref<10240x128xf32, #tpu.memory_space<vmem_shared>>)
            tpu.yield
          }) : () -> ()
          %add3A_71 = arith.constant 2 : i32
          %add3A_72 = arith.addi %scan3A_30, %add3A_71 : i32
          %lt3A_73 = arith.constant 125 : i32
          %lt3A_74 = arith.cmpi slt, %add3A_72, %lt3A_73 : i32
          %convert_element_type3A_75 = arith.extui %lt3A_74 : i1 to i32
          %cond3A_76 = arith.constant 0 : i32
          %cond3A_77 = arith.cmpi ne, %convert_element_type3A_75, %cond3A_76 : i32
          scf.if %cond3A_77 {
            %add3A_78 = arith.constant 2 : i32
            %add3A_79 = arith.addi %scan3A_30, %add3A_78 : i32
            %mul3A_80 = arith.constant 80 : i32
            %mul3A_81 = arith.muli %add3A_79, %mul3A_80 : i32
            %dma_start3A_82 = tpu.memref_slice %arg9[%mul3A_81] : memref<10000xi32, #tpu.memory_space<vmem>> -> memref<80xi32, #tpu.memory_space<vmem>>
            %dma_start3A_83 = arith.constant 0 : i32
            %dma_start3A_84 = arith.constant 0 : i32
            %dma_start3A_85 = tpu.memref_slice %arg2[%dma_start3A_83, %dma_start3A_84] : memref<10000x128xf32, #tpu.memory_space<hbm>> -> memref<10000x128xf32, #tpu.memory_space<hbm>>
            tpu.enqueue_indirect_dma source(%dma_start3A_85 : memref<10000x128xf32, #tpu.memory_space<hbm>>) target(%arg11 : memref<80x128xf32, #tpu.memory_space<vmem>>) offsets(%dma_start3A_82 : memref<80xi32, #tpu.memory_space<vmem>>) semaphore(%arg14 : memref<!tpu.dma_semaphore, #tpu.memory_space<semaphore_mem>>)
          } else {
          }
        } else {
        }
        %jit3A_45 = arith.constant 2 : i32
        %eq3A_46 = arith.constant 0 : i32
        %eq3A_47 = arith.cmpi eq, %jit3A_45, %eq3A_46 : i32
        %jit3A_48 = arith.constant 1 : i32
        %select_n3A_49 = arith.select %eq3A_47, %jit3A_48, %jit3A_45 : i32
        %rem3A_50 = arith.remsi %scan3A_30, %select_n3A_49 : i32
        %ne3A_51 = arith.constant 0 : i32
        %ne3A_52 = arith.cmpi ne, %rem3A_50, %ne3A_51 : i32
        %lt3A_53 = arith.constant 0 : i32
        %lt3A_54 = arith.cmpi slt, %rem3A_50, %lt3A_53 : i32
        %lt3A_55 = arith.constant 0 : i32
        %lt3A_56 = arith.cmpi slt, %select_n3A_49, %lt3A_55 : i32
        %ne3A_57 = arith.xori %lt3A_54, %lt3A_56 : i1
        %and3A_58 = arith.andi %ne3A_57, %ne3A_52 : i1
        %add3A_59 = arith.addi %rem3A_50, %select_n3A_49 : i32
        %select_n3A_60 = arith.select %and3A_58, %add3A_59, %rem3A_50 : i32
        %eq3A_61 = arith.constant 1 : i32
        %eq3A_62 = arith.cmpi eq, %select_n3A_60, %eq3A_61 : i32
        %convert_element_type3A_63 = arith.extui %eq3A_62 : i1 to i32
        %cond3A_64 = arith.constant 0 : i32
        %cond3A_65 = arith.cmpi ne, %convert_element_type3A_63, %cond3A_64 : i32
        scf.if %cond3A_65 {
          %mul3A_66 = arith.constant 80 : i32
          %mul3A_67 = arith.muli %scan3A_30, %mul3A_66 : i32
          %dma_wait3A = tpu.memref_slice %arg9[%mul3A_67] : memref<10000xi32, #tpu.memory_space<vmem>> -> memref<80xi32, #tpu.memory_space<vmem>>
          %dma_wait3A_68 = arith.constant 0 : i32
          %dma_wait3A_69 = arith.constant 0 : i32
          %dma_wait3A_70 = tpu.memref_slice %arg2[%dma_wait3A_68, %dma_wait3A_69] : memref<10000x128xf32, #tpu.memory_space<hbm>> -> memref<10000x128xf32, #tpu.memory_space<hbm>>
          tpu.wait_indirect_dma semaphore(%arg15 : memref<!tpu.dma_semaphore, #tpu.memory_space<semaphore_mem>>) src(%dma_wait3A_70 : memref<10000x128xf32, #tpu.memory_space<hbm>>) dst(%arg12 : memref<80x128xf32, #tpu.memory_space<vmem>>)
          "tpu.region"() ({
            %run_scoped3A = tpu.sem_alloc : memref<!tpu.dma_semaphore, #tpu.memory_space<semaphore_mem>>
            %dma_start3A_78 = arith.constant 0 : i32
            %dma_start3A_79 = tpu.memref_slice %arg10[%scan3A_30, %dma_start3A_78] : memref<125x80xi32, #tpu.memory_space<vmem>> -> memref<1x80xi32, #tpu.memory_space<vmem>>
            %dma_start3A_80 = tpu.memref_squeeze %dma_start3A_79 : memref<1x80xi32, #tpu.memory_space<vmem>> -> memref<80xi32, #tpu.memory_space<vmem>>
            %dma_start3A_81 = arith.constant 0 : i32
            %dma_start3A_82 = arith.constant 0 : i32
            %dma_start3A_83 = tpu.memref_slice %arg13[%dma_start3A_81, %dma_start3A_82] : memref<10240x128xf32, #tpu.memory_space<vmem_shared>> -> memref<10240x128xf32, #tpu.memory_space<vmem_shared>>
            tpu.enqueue_indirect_dma source(%arg12 : memref<80x128xf32, #tpu.memory_space<vmem>>) target(%dma_start3A_83 : memref<10240x128xf32, #tpu.memory_space<vmem_shared>>) offsets(%dma_start3A_80 : memref<80xi32, #tpu.memory_space<vmem>>) semaphore(%run_scoped3A : memref<!tpu.dma_semaphore, #tpu.memory_space<semaphore_mem>>) {add = true}
            %dma_wait3A_84 = arith.constant 0 : i32
            %dma_wait3A_85 = tpu.memref_slice %arg10[%scan3A_30, %dma_wait3A_84] : memref<125x80xi32, #tpu.memory_space<vmem>> -> memref<1x80xi32, #tpu.memory_space<vmem>>
            %dma_wait3A_86 = tpu.memref_squeeze %dma_wait3A_85 : memref<1x80xi32, #tpu.memory_space<vmem>> -> memref<80xi32, #tpu.memory_space<vmem>>
            %dma_wait3A_87 = arith.constant 0 : i32
            %dma_wait3A_88 = arith.constant 0 : i32
            %dma_wait3A_89 = tpu.memref_slice %arg13[%dma_wait3A_87, %dma_wait3A_88] : memref<10240x128xf32, #tpu.memory_space<vmem_shared>> -> memref<10240x128xf32, #tpu.memory_space<vmem_shared>>
            tpu.wait_indirect_dma semaphore(%run_scoped3A : memref<!tpu.dma_semaphore, #tpu.memory_space<semaphore_mem>>) src(%arg12 : memref<80x128xf32, #tpu.memory_space<vmem>>) dst(%dma_wait3A_89 : memref<10240x128xf32, #tpu.memory_space<vmem_shared>>)
            tpu.yield
          }) : () -> ()
          %add3A_71 = arith.constant 2 : i32
          %add3A_72 = arith.addi %scan3A_30, %add3A_71 : i32
          %lt3A_73 = arith.constant 125 : i32
          %lt3A_74 = arith.cmpi slt, %add3A_72, %lt3A_73 : i32
          %convert_element_type3A_75 = arith.extui %lt3A_74 : i1 to i32
          %cond3A_76 = arith.constant 0 : i32
          %cond3A_77 = arith.cmpi ne, %convert_element_type3A_75, %cond3A_76 : i32
          scf.if %cond3A_77 {
            %add3A_78 = arith.constant 2 : i32
            %add3A_79 = arith.addi %scan3A_30, %add3A_78 : i32
            %mul3A_80 = arith.constant 80 : i32
            %mul3A_81 = arith.muli %add3A_79, %mul3A_80 : i32
            %dma_start3A_82 = tpu.memref_slice %arg9[%mul3A_81] : memref<10000xi32, #tpu.memory_space<vmem>> -> memref<80xi32, #tpu.memory_space<vmem>>
            %dma_start3A_83 = arith.constant 0 : i32
            %dma_start3A_84 = arith.constant 0 : i32
            %dma_start3A_85 = tpu.memref_slice %arg2[%dma_start3A_83, %dma_start3A_84] : memref<10000x128xf32, #tpu.memory_space<hbm>> -> memref<10000x128xf32, #tpu.memory_space<hbm>>
            tpu.enqueue_indirect_dma source(%dma_start3A_85 : memref<10000x128xf32, #tpu.memory_space<hbm>>) target(%arg12 : memref<80x128xf32, #tpu.memory_space<vmem>>) offsets(%dma_start3A_82 : memref<80xi32, #tpu.memory_space<vmem>>) semaphore(%arg15 : memref<!tpu.dma_semaphore, #tpu.memory_space<semaphore_mem>>)
          } else {
          }
        } else {
        }
      }
      %scan3A_24 = arith.constant 125 : i32
      %barrier3A_25 = arith.constant 0 : index
      tpu.barrier barrier_id(%barrier3A_25)
      %mul3A_26 = arith.constant 640 : i32
      %mul3A_27 = arith.muli %arg1, %mul3A_26 : i32
      %mul3A_28 = arith.constant 640 : i32
      %mul3A_29 = arith.muli %arg1, %mul3A_28 : i32
      "tpu.region"() ({
        %run_scoped3A = tpu.sem_alloc : memref<!tpu.dma_semaphore, #tpu.memory_space<semaphore_mem>>
        %dma_start3A_30 = arith.constant 0 : i32
        %dma_start3A_31 = tpu.memref_slice %arg7[%mul3A_29, %dma_start3A_30] : memref<10240x128xf32, #tpu.memory_space<hbm>> -> memref<640x128xf32, #tpu.memory_space<hbm>>
        %dma_start3A_32 = arith.constant 0 : i32
        %dma_start3A_33 = tpu.memref_slice %arg13[%mul3A_27, %dma_start3A_32] : memref<10240x128xf32, #tpu.memory_space<vmem_shared>> -> memref<640x128xf32, #tpu.memory_space<vmem_shared>>
        tpu.enqueue_dma source(%dma_start3A_33 : memref<640x128xf32, #tpu.memory_space<vmem_shared>>) target(%dma_start3A_31 : memref<640x128xf32, #tpu.memory_space<hbm>>) target_semaphore(%run_scoped3A : memref<!tpu.dma_semaphore, #tpu.memory_space<semaphore_mem>>)
        %dma_wait3A = arith.constant 0 : i32
        %dma_wait3A_34 = tpu.memref_slice %arg7[%mul3A_29, %dma_wait3A] : memref<10240x128xf32, #tpu.memory_space<hbm>> -> memref<640x128xf32, #tpu.memory_space<hbm>>
        %dma_wait3A_35 = arith.constant 0 : i32
        %dma_wait3A_36 = tpu.memref_slice %arg13[%mul3A_27, %dma_wait3A_35] : memref<10240x128xf32, #tpu.memory_space<vmem_shared>> -> memref<640x128xf32, #tpu.memory_space<vmem_shared>>
        tpu.wait_dma2 semaphore(%run_scoped3A : memref<!tpu.dma_semaphore, #tpu.memory_space<semaphore_mem>>) src(%dma_wait3A_36 : memref<640x128xf32, #tpu.memory_space<vmem_shared>>) dst(%dma_wait3A_34 : memref<640x128xf32, #tpu.memory_space<hbm>>)
        tpu.yield
      }) : () -> ()
    } else {
    }
    %eq3A_3 = arith.constant 1 : i32
    %eq3A_4 = arith.cmpi eq, %arg0, %eq3A_3 : i32
    %convert_element_type3A_5 = arith.extui %eq3A_4 : i1 to i32
    %cond3A_6 = arith.constant 0 : i32
    %cond3A_7 = arith.cmpi ne, %convert_element_type3A_5, %cond3A_6 : i32
    scf.if %cond3A_7 {
      %barrier3A = arith.constant 0 : index
      tpu.barrier barrier_id(%barrier3A)
      %mul3A_8 = arith.constant 640 : i32
      %mul3A_9 = arith.muli %arg1, %mul3A_8 : i32
      "tpu.region"() ({
        %run_scoped3A = tpu.sem_alloc : memref<!tpu.dma_semaphore, #tpu.memory_space<semaphore_mem>>
        %dma_start3A_30 = arith.constant 0 : i32
        %dma_start3A_31 = tpu.memref_slice %arg13[%mul3A_9, %dma_start3A_30] : memref<10240x128xf32, #tpu.memory_space<vmem_shared>> -> memref<640x128xf32, #tpu.memory_space<vmem_shared>>
        tpu.enqueue_dma source(%arg6 : memref<640x128xf32, #tpu.memory_space<hbm>>) target(%dma_start3A_31 : memref<640x128xf32, #tpu.memory_space<vmem_shared>>) target_semaphore(%run_scoped3A : memref<!tpu.dma_semaphore, #tpu.memory_space<semaphore_mem>>)
        %dma_wait3A = arith.constant 0 : i32
        %dma_wait3A_32 = tpu.memref_slice %arg13[%mul3A_9, %dma_wait3A] : memref<10240x128xf32, #tpu.memory_space<vmem_shared>> -> memref<640x128xf32, #tpu.memory_space<vmem_shared>>
        tpu.wait_dma2 semaphore(%run_scoped3A : memref<!tpu.dma_semaphore, #tpu.memory_space<semaphore_mem>>) src(%arg6 : memref<640x128xf32, #tpu.memory_space<hbm>>) dst(%dma_wait3A_32 : memref<640x128xf32, #tpu.memory_space<vmem_shared>>)
        tpu.yield
      }) : () -> ()
      %barrier3A_10 = arith.constant 0 : index
      tpu.barrier barrier_id(%barrier3A_10)
      %dma_start3A = arith.constant 0 : i32
      %dma_start3A_11 = tpu.memref_slice %arg9[%dma_start3A] : memref<10000xi32, #tpu.memory_space<vmem>> -> memref<80xi32, #tpu.memory_space<vmem>>
      %dma_start3A_12 = arith.constant 0 : i32
      %dma_start3A_13 = arith.constant 0 : i32
      %dma_start3A_14 = tpu.memref_slice %arg3[%dma_start3A_12, %dma_start3A_13] : memref<10000x128xf32, #tpu.memory_space<hbm>> -> memref<10000x128xf32, #tpu.memory_space<hbm>>
      tpu.enqueue_indirect_dma source(%dma_start3A_14 : memref<10000x128xf32, #tpu.memory_space<hbm>>) target(%arg11 : memref<80x128xf32, #tpu.memory_space<vmem>>) offsets(%dma_start3A_11 : memref<80xi32, #tpu.memory_space<vmem>>) semaphore(%arg14 : memref<!tpu.dma_semaphore, #tpu.memory_space<semaphore_mem>>)
      %dma_start3A_15 = arith.constant 80 : i32
      %dma_start3A_16 = tpu.memref_slice %arg9[%dma_start3A_15] : memref<10000xi32, #tpu.memory_space<vmem>> -> memref<80xi32, #tpu.memory_space<vmem>>
      %dma_start3A_17 = arith.constant 0 : i32
      %dma_start3A_18 = arith.constant 0 : i32
      %dma_start3A_19 = tpu.memref_slice %arg3[%dma_start3A_17, %dma_start3A_18] : memref<10000x128xf32, #tpu.memory_space<hbm>> -> memref<10000x128xf32, #tpu.memory_space<hbm>>
      tpu.enqueue_indirect_dma source(%dma_start3A_19 : memref<10000x128xf32, #tpu.memory_space<hbm>>) target(%arg12 : memref<80x128xf32, #tpu.memory_space<vmem>>) offsets(%dma_start3A_16 : memref<80xi32, #tpu.memory_space<vmem>>) semaphore(%arg15 : memref<!tpu.dma_semaphore, #tpu.memory_space<semaphore_mem>>)
      %scan3A = arith.constant 0 : i32
      %scan3A_20 = arith.constant 0 : i32
      %scan3A_21 = arith.constant 125 : i32
      %scan3A_22 = arith.addi %scan3A_20, %scan3A_21 : i32
      %scan3A_23 = arith.constant 1 : i32
      scf.for %scan3A_30 = %scan3A_20 to %scan3A_22 step %scan3A_23  : i32 {
        %jit3A = arith.constant 2 : i32
        %eq3A_31 = arith.constant 0 : i32
        %eq3A_32 = arith.cmpi eq, %jit3A, %eq3A_31 : i32
        %jit3A_33 = arith.constant 1 : i32
        %select_n3A = arith.select %eq3A_32, %jit3A_33, %jit3A : i32
        %rem3A = arith.remsi %scan3A_30, %select_n3A : i32
        %ne3A = arith.constant 0 : i32
        %ne3A_34 = arith.cmpi ne, %rem3A, %ne3A : i32
        %lt3A = arith.constant 0 : i32
        %lt3A_35 = arith.cmpi slt, %rem3A, %lt3A : i32
        %lt3A_36 = arith.constant 0 : i32
        %lt3A_37 = arith.cmpi slt, %select_n3A, %lt3A_36 : i32
        %ne3A_38 = arith.xori %lt3A_35, %lt3A_37 : i1
        %and3A = arith.andi %ne3A_38, %ne3A_34 : i1
        %add3A = arith.addi %rem3A, %select_n3A : i32
        %select_n3A_39 = arith.select %and3A, %add3A, %rem3A : i32
        %eq3A_40 = arith.constant 0 : i32
        %eq3A_41 = arith.cmpi eq, %select_n3A_39, %eq3A_40 : i32
        %convert_element_type3A_42 = arith.extui %eq3A_41 : i1 to i32
        %cond3A_43 = arith.constant 0 : i32
        %cond3A_44 = arith.cmpi ne, %convert_element_type3A_42, %cond3A_43 : i32
        scf.if %cond3A_44 {
          %mul3A_66 = arith.constant 80 : i32
          %mul3A_67 = arith.muli %scan3A_30, %mul3A_66 : i32
          %dma_wait3A = tpu.memref_slice %arg9[%mul3A_67] : memref<10000xi32, #tpu.memory_space<vmem>> -> memref<80xi32, #tpu.memory_space<vmem>>
          %dma_wait3A_68 = arith.constant 0 : i32
          %dma_wait3A_69 = arith.constant 0 : i32
          %dma_wait3A_70 = tpu.memref_slice %arg3[%dma_wait3A_68, %dma_wait3A_69] : memref<10000x128xf32, #tpu.memory_space<hbm>> -> memref<10000x128xf32, #tpu.memory_space<hbm>>
          tpu.wait_indirect_dma semaphore(%arg14 : memref<!tpu.dma_semaphore, #tpu.memory_space<semaphore_mem>>) src(%dma_wait3A_70 : memref<10000x128xf32, #tpu.memory_space<hbm>>) dst(%arg11 : memref<80x128xf32, #tpu.memory_space<vmem>>)
          "tpu.region"() ({
            %run_scoped3A = tpu.sem_alloc : memref<!tpu.dma_semaphore, #tpu.memory_space<semaphore_mem>>
            %dma_start3A_78 = arith.constant 0 : i32
            %dma_start3A_79 = tpu.memref_slice %arg10[%scan3A_30, %dma_start3A_78] : memref<125x80xi32, #tpu.memory_space<vmem>> -> memref<1x80xi32, #tpu.memory_space<vmem>>
            %dma_start3A_80 = tpu.memref_squeeze %dma_start3A_79 : memref<1x80xi32, #tpu.memory_space<vmem>> -> memref<80xi32, #tpu.memory_space<vmem>>
            %dma_start3A_81 = arith.constant 0 : i32
            %dma_start3A_82 = arith.constant 0 : i32
            %dma_start3A_83 = tpu.memref_slice %arg13[%dma_start3A_81, %dma_start3A_82] : memref<10240x128xf32, #tpu.memory_space<vmem_shared>> -> memref<10240x128xf32, #tpu.memory_space<vmem_shared>>
            tpu.enqueue_indirect_dma source(%arg11 : memref<80x128xf32, #tpu.memory_space<vmem>>) target(%dma_start3A_83 : memref<10240x128xf32, #tpu.memory_space<vmem_shared>>) offsets(%dma_start3A_80 : memref<80xi32, #tpu.memory_space<vmem>>) semaphore(%run_scoped3A : memref<!tpu.dma_semaphore, #tpu.memory_space<semaphore_mem>>) {add = true}
            %dma_wait3A_84 = arith.constant 0 : i32
            %dma_wait3A_85 = tpu.memref_slice %arg10[%scan3A_30, %dma_wait3A_84] : memref<125x80xi32, #tpu.memory_space<vmem>> -> memref<1x80xi32, #tpu.memory_space<vmem>>
            %dma_wait3A_86 = tpu.memref_squeeze %dma_wait3A_85 : memref<1x80xi32, #tpu.memory_space<vmem>> -> memref<80xi32, #tpu.memory_space<vmem>>
            %dma_wait3A_87 = arith.constant 0 : i32
            %dma_wait3A_88 = arith.constant 0 : i32
            %dma_wait3A_89 = tpu.memref_slice %arg13[%dma_wait3A_87, %dma_wait3A_88] : memref<10240x128xf32, #tpu.memory_space<vmem_shared>> -> memref<10240x128xf32, #tpu.memory_space<vmem_shared>>
            tpu.wait_indirect_dma semaphore(%run_scoped3A : memref<!tpu.dma_semaphore, #tpu.memory_space<semaphore_mem>>) src(%arg11 : memref<80x128xf32, #tpu.memory_space<vmem>>) dst(%dma_wait3A_89 : memref<10240x128xf32, #tpu.memory_space<vmem_shared>>)
            tpu.yield
          }) : () -> ()
          %add3A_71 = arith.constant 2 : i32
          %add3A_72 = arith.addi %scan3A_30, %add3A_71 : i32
          %lt3A_73 = arith.constant 125 : i32
          %lt3A_74 = arith.cmpi slt, %add3A_72, %lt3A_73 : i32
          %convert_element_type3A_75 = arith.extui %lt3A_74 : i1 to i32
          %cond3A_76 = arith.constant 0 : i32
          %cond3A_77 = arith.cmpi ne, %convert_element_type3A_75, %cond3A_76 : i32
          scf.if %cond3A_77 {
            %add3A_78 = arith.constant 2 : i32
            %add3A_79 = arith.addi %scan3A_30, %add3A_78 : i32
            %mul3A_80 = arith.constant 80 : i32
            %mul3A_81 = arith.muli %add3A_79, %mul3A_80 : i32
            %dma_start3A_82 = tpu.memref_slice %arg9[%mul3A_81] : memref<10000xi32, #tpu.memory_space<vmem>> -> memref<80xi32, #tpu.memory_space<vmem>>
            %dma_start3A_83 = arith.constant 0 : i32
            %dma_start3A_84 = arith.constant 0 : i32
            %dma_start3A_85 = tpu.memref_slice %arg3[%dma_start3A_83, %dma_start3A_84] : memref<10000x128xf32, #tpu.memory_space<hbm>> -> memref<10000x128xf32, #tpu.memory_space<hbm>>
            tpu.enqueue_indirect_dma source(%dma_start3A_85 : memref<10000x128xf32, #tpu.memory_space<hbm>>) target(%arg11 : memref<80x128xf32, #tpu.memory_space<vmem>>) offsets(%dma_start3A_82 : memref<80xi32, #tpu.memory_space<vmem>>) semaphore(%arg14 : memref<!tpu.dma_semaphore, #tpu.memory_space<semaphore_mem>>)
          } else {
          }
        } else {
        }
        %jit3A_45 = arith.constant 2 : i32
        %eq3A_46 = arith.constant 0 : i32
        %eq3A_47 = arith.cmpi eq, %jit3A_45, %eq3A_46 : i32
        %jit3A_48 = arith.constant 1 : i32
        %select_n3A_49 = arith.select %eq3A_47, %jit3A_48, %jit3A_45 : i32
        %rem3A_50 = arith.remsi %scan3A_30, %select_n3A_49 : i32
        %ne3A_51 = arith.constant 0 : i32
        %ne3A_52 = arith.cmpi ne, %rem3A_50, %ne3A_51 : i32
        %lt3A_53 = arith.constant 0 : i32
        %lt3A_54 = arith.cmpi slt, %rem3A_50, %lt3A_53 : i32
        %lt3A_55 = arith.constant 0 : i32
        %lt3A_56 = arith.cmpi slt, %select_n3A_49, %lt3A_55 : i32
        %ne3A_57 = arith.xori %lt3A_54, %lt3A_56 : i1
        %and3A_58 = arith.andi %ne3A_57, %ne3A_52 : i1
        %add3A_59 = arith.addi %rem3A_50, %select_n3A_49 : i32
        %select_n3A_60 = arith.select %and3A_58, %add3A_59, %rem3A_50 : i32
        %eq3A_61 = arith.constant 1 : i32
        %eq3A_62 = arith.cmpi eq, %select_n3A_60, %eq3A_61 : i32
        %convert_element_type3A_63 = arith.extui %eq3A_62 : i1 to i32
        %cond3A_64 = arith.constant 0 : i32
        %cond3A_65 = arith.cmpi ne, %convert_element_type3A_63, %cond3A_64 : i32
        scf.if %cond3A_65 {
          %mul3A_66 = arith.constant 80 : i32
          %mul3A_67 = arith.muli %scan3A_30, %mul3A_66 : i32
          %dma_wait3A = tpu.memref_slice %arg9[%mul3A_67] : memref<10000xi32, #tpu.memory_space<vmem>> -> memref<80xi32, #tpu.memory_space<vmem>>
          %dma_wait3A_68 = arith.constant 0 : i32
          %dma_wait3A_69 = arith.constant 0 : i32
          %dma_wait3A_70 = tpu.memref_slice %arg3[%dma_wait3A_68, %dma_wait3A_69] : memref<10000x128xf32, #tpu.memory_space<hbm>> -> memref<10000x128xf32, #tpu.memory_space<hbm>>
          tpu.wait_indirect_dma semaphore(%arg15 : memref<!tpu.dma_semaphore, #tpu.memory_space<semaphore_mem>>) src(%dma_wait3A_70 : memref<10000x128xf32, #tpu.memory_space<hbm>>) dst(%arg12 : memref<80x128xf32, #tpu.memory_space<vmem>>)
          "tpu.region"() ({
            %run_scoped3A = tpu.sem_alloc : memref<!tpu.dma_semaphore, #tpu.memory_space<semaphore_mem>>
            %dma_start3A_78 = arith.constant 0 : i32
            %dma_start3A_79 = tpu.memref_slice %arg10[%scan3A_30, %dma_start3A_78] : memref<125x80xi32, #tpu.memory_space<vmem>> -> memref<1x80xi32, #tpu.memory_space<vmem>>
            %dma_start3A_80 = tpu.memref_squeeze %dma_start3A_79 : memref<1x80xi32, #tpu.memory_space<vmem>> -> memref<80xi32, #tpu.memory_space<vmem>>
            %dma_start3A_81 = arith.constant 0 : i32
            %dma_start3A_82 = arith.constant 0 : i32
            %dma_start3A_83 = tpu.memref_slice %arg13[%dma_start3A_81, %dma_start3A_82] : memref<10240x128xf32, #tpu.memory_space<vmem_shared>> -> memref<10240x128xf32, #tpu.memory_space<vmem_shared>>
            tpu.enqueue_indirect_dma source(%arg12 : memref<80x128xf32, #tpu.memory_space<vmem>>) target(%dma_start3A_83 : memref<10240x128xf32, #tpu.memory_space<vmem_shared>>) offsets(%dma_start3A_80 : memref<80xi32, #tpu.memory_space<vmem>>) semaphore(%run_scoped3A : memref<!tpu.dma_semaphore, #tpu.memory_space<semaphore_mem>>) {add = true}
            %dma_wait3A_84 = arith.constant 0 : i32
            %dma_wait3A_85 = tpu.memref_slice %arg10[%scan3A_30, %dma_wait3A_84] : memref<125x80xi32, #tpu.memory_space<vmem>> -> memref<1x80xi32, #tpu.memory_space<vmem>>
            %dma_wait3A_86 = tpu.memref_squeeze %dma_wait3A_85 : memref<1x80xi32, #tpu.memory_space<vmem>> -> memref<80xi32, #tpu.memory_space<vmem>>
            %dma_wait3A_87 = arith.constant 0 : i32
            %dma_wait3A_88 = arith.constant 0 : i32
            %dma_wait3A_89 = tpu.memref_slice %arg13[%dma_wait3A_87, %dma_wait3A_88] : memref<10240x128xf32, #tpu.memory_space<vmem_shared>> -> memref<10240x128xf32, #tpu.memory_space<vmem_shared>>
            tpu.wait_indirect_dma semaphore(%run_scoped3A : memref<!tpu.dma_semaphore, #tpu.memory_space<semaphore_mem>>) src(%arg12 : memref<80x128xf32, #tpu.memory_space<vmem>>) dst(%dma_wait3A_89 : memref<10240x128xf32, #tpu.memory_space<vmem_shared>>)
            tpu.yield
          }) : () -> ()
          %add3A_71 = arith.constant 2 : i32
          %add3A_72 = arith.addi %scan3A_30, %add3A_71 : i32
          %lt3A_73 = arith.constant 125 : i32
          %lt3A_74 = arith.cmpi slt, %add3A_72, %lt3A_73 : i32
          %convert_element_type3A_75 = arith.extui %lt3A_74 : i1 to i32
          %cond3A_76 = arith.constant 0 : i32
          %cond3A_77 = arith.cmpi ne, %convert_element_type3A_75, %cond3A_76 : i32
          scf.if %cond3A_77 {
            %add3A_78 = arith.constant 2 : i32
            %add3A_79 = arith.addi %scan3A_30, %add3A_78 : i32
            %mul3A_80 = arith.constant 80 : i32
            %mul3A_81 = arith.muli %add3A_79, %mul3A_80 : i32
            %dma_start3A_82 = tpu.memref_slice %arg9[%mul3A_81] : memref<10000xi32, #tpu.memory_space<vmem>> -> memref<80xi32, #tpu.memory_space<vmem>>
            %dma_start3A_83 = arith.constant 0 : i32
            %dma_start3A_84 = arith.constant 0 : i32
            %dma_start3A_85 = tpu.memref_slice %arg3[%dma_start3A_83, %dma_start3A_84] : memref<10000x128xf32, #tpu.memory_space<hbm>> -> memref<10000x128xf32, #tpu.memory_space<hbm>>
            tpu.enqueue_indirect_dma source(%dma_start3A_85 : memref<10000x128xf32, #tpu.memory_space<hbm>>) target(%arg12 : memref<80x128xf32, #tpu.memory_space<vmem>>) offsets(%dma_start3A_82 : memref<80xi32, #tpu.memory_space<vmem>>) semaphore(%arg15 : memref<!tpu.dma_semaphore, #tpu.memory_space<semaphore_mem>>)
          } else {
          }
        } else {
        }
      }
      %scan3A_24 = arith.constant 125 : i32
      %barrier3A_25 = arith.constant 0 : index
      tpu.barrier barrier_id(%barrier3A_25)
      %mul3A_26 = arith.constant 640 : i32
      %mul3A_27 = arith.muli %arg1, %mul3A_26 : i32
      %mul3A_28 = arith.constant 640 : i32
      %mul3A_29 = arith.muli %arg1, %mul3A_28 : i32
      "tpu.region"() ({
        %run_scoped3A = tpu.sem_alloc : memref<!tpu.dma_semaphore, #tpu.memory_space<semaphore_mem>>
        %dma_start3A_30 = arith.constant 0 : i32
        %dma_start3A_31 = tpu.memref_slice %arg8[%mul3A_29, %dma_start3A_30] : memref<10240x128xf32, #tpu.memory_space<hbm>> -> memref<640x128xf32, #tpu.memory_space<hbm>>
        %dma_start3A_32 = arith.constant 0 : i32
        %dma_start3A_33 = tpu.memref_slice %arg13[%mul3A_27, %dma_start3A_32] : memref<10240x128xf32, #tpu.memory_space<vmem_shared>> -> memref<640x128xf32, #tpu.memory_space<vmem_shared>>
        tpu.enqueue_dma source(%dma_start3A_33 : memref<640x128xf32, #tpu.memory_space<vmem_shared>>) target(%dma_start3A_31 : memref<640x128xf32, #tpu.memory_space<hbm>>) target_semaphore(%run_scoped3A : memref<!tpu.dma_semaphore, #tpu.memory_space<semaphore_mem>>)
        %dma_wait3A = arith.constant 0 : i32
        %dma_wait3A_34 = tpu.memref_slice %arg8[%mul3A_29, %dma_wait3A] : memref<10240x128xf32, #tpu.memory_space<hbm>> -> memref<640x128xf32, #tpu.memory_space<hbm>>
        %dma_wait3A_35 = arith.constant 0 : i32
        %dma_wait3A_36 = tpu.memref_slice %arg13[%mul3A_27, %dma_wait3A_35] : memref<10240x128xf32, #tpu.memory_space<vmem_shared>> -> memref<640x128xf32, #tpu.memory_space<vmem_shared>>
        tpu.wait_dma2 semaphore(%run_scoped3A : memref<!tpu.dma_semaphore, #tpu.memory_space<semaphore_mem>>) src(%dma_wait3A_36 : memref<640x128xf32, #tpu.memory_space<vmem_shared>>) dst(%dma_wait3A_34 : memref<640x128xf32, #tpu.memory_space<hbm>>)
        tpu.yield
      }) : () -> ()
    } else {
    }
    return
  }
}

#map = affine_map<(d0, d1) -> (0, 0)>
#map1 = affine_map<(d0, d1) -> (0)>
#map2 = affine_map<(d0, d1) -> (0, 0, 0)>
module attributes {stable_mosaic.version = 14 : i64} {
  func.func @body(%arg0: i32, %arg1: i32, %arg2: memref<10000x128xf32, #tpu.memory_space<hbm>>, %arg3: memref<10000x128xf32, #tpu.memory_space<hbm>>, %arg4: memref<10000x128xf32, #tpu.memory_space<hbm>>, %arg5: memref<10000x128xf32, #tpu.memory_space<hbm>>, %arg6: memref<160000xi32, #tpu.memory_space<hbm>>, %arg7: memref<16x125x80xi32, #tpu.memory_space<hbm>>, %arg8: memref<640x128xf32, #tpu.memory_space<hbm>>, %arg9: memref<10240x128xf32, #tpu.memory_space<hbm>>, %arg10: memref<10240x128xf32, #tpu.memory_space<hbm>>, %arg11: memref<10240x128xf32, #tpu.memory_space<hbm>>, %arg12: memref<10240x128xf32, #tpu.memory_space<hbm>>, %arg13: memref<10000xi32, #tpu.memory_space<vmem>>, %arg14: memref<125x80xi32, #tpu.memory_space<vmem>>, %arg15: memref<80x128xf32, #tpu.memory_space<vmem>>, %arg16: memref<80x128xf32, #tpu.memory_space<vmem>>, %arg17: memref<10240x128xf32, #tpu.memory_space<vmem_shared>>, %arg18: memref<!tpu.dma_semaphore, #tpu.memory_space<semaphore_mem>>, %arg19: memref<!tpu.dma_semaphore, #tpu.memory_space<semaphore_mem>>) attributes {dimension_semantics = [#tpu.dimension_semantics<core_parallel>, #tpu.dimension_semantics<subcore_parallel>], iteration_bounds = array<i64: 2, 16>, scalar_prefetch = 0 : i64, scratch_operands = 7 : i64, tpu.core_type = #tpu.core_type<sc_vector_subcore>, window_params = [{transform_indices = #map}, {transform_indices = #map}, {transform_indices = #map}, {transform_indices = #map}, {transform_indices = #map1}, {transform_indices = #map2}, {transform_indices = #map}, {transform_indices = #map}, {transform_indices = #map}, {transform_indices = #map}, {transform_indices = #map}]} {
    %mul3A = arith.constant 10000 : i32
    %mul3A_0 = arith.muli %arg1, %mul3A : i32
    "tpu.region"() ({
      %run_scoped3A = tpu.sem_alloc : memref<!tpu.dma_semaphore, #tpu.memory_space<semaphore_mem>>
      %dma_start3A = tpu.memref_slice %arg6[%mul3A_0] : memref<160000xi32, #tpu.memory_space<hbm>> -> memref<10000xi32, #tpu.memory_space<hbm>>
      %dma_start3A_18 = tpu.memref_slice %arg6[%mul3A_0] : memref<160000xi32, #tpu.memory_space<hbm>> -> memref<10000xi32, #tpu.memory_space<hbm>>
      tpu.enqueue_dma source(%dma_start3A_18 : memref<10000xi32, #tpu.memory_space<hbm>>) target(%arg13 : memref<10000xi32, #tpu.memory_space<vmem>>) target_semaphore(%run_scoped3A : memref<!tpu.dma_semaphore, #tpu.memory_space<semaphore_mem>>)
      %dma_wait3A = tpu.memref_slice %arg6[%mul3A_0] : memref<160000xi32, #tpu.memory_space<hbm>> -> memref<10000xi32, #tpu.memory_space<hbm>>
      %dma_wait3A_19 = tpu.memref_slice %arg6[%mul3A_0] : memref<160000xi32, #tpu.memory_space<hbm>> -> memref<10000xi32, #tpu.memory_space<hbm>>
      tpu.wait_dma2 semaphore(%run_scoped3A : memref<!tpu.dma_semaphore, #tpu.memory_space<semaphore_mem>>) src(%dma_wait3A_19 : memref<10000xi32, #tpu.memory_space<hbm>>) dst(%arg13 : memref<10000xi32, #tpu.memory_space<vmem>>)
      tpu.yield
    }) : () -> ()
    "tpu.region"() ({
      %run_scoped3A = tpu.sem_alloc : memref<!tpu.dma_semaphore, #tpu.memory_space<semaphore_mem>>
      %dma_start3A = arith.constant 0 : i32
      %dma_start3A_18 = arith.constant 0 : i32
      %dma_start3A_19 = tpu.memref_slice %arg7[%arg1, %dma_start3A, %dma_start3A_18] : memref<16x125x80xi32, #tpu.memory_space<hbm>> -> memref<1x125x80xi32, #tpu.memory_space<hbm>>
      %dma_start3A_20 = tpu.memref_squeeze %dma_start3A_19 : memref<1x125x80xi32, #tpu.memory_space<hbm>> -> memref<125x80xi32, #tpu.memory_space<hbm>>
      %dma_start3A_21 = arith.constant 0 : i32
      %dma_start3A_22 = arith.constant 0 : i32
      %dma_start3A_23 = tpu.memref_slice %arg7[%arg1, %dma_start3A_21, %dma_start3A_22] : memref<16x125x80xi32, #tpu.memory_space<hbm>> -> memref<1x125x80xi32, #tpu.memory_space<hbm>>
      %dma_start3A_24 = tpu.memref_squeeze %dma_start3A_23 : memref<1x125x80xi32, #tpu.memory_space<hbm>> -> memref<125x80xi32, #tpu.memory_space<hbm>>
      tpu.enqueue_dma source(%dma_start3A_24 : memref<125x80xi32, #tpu.memory_space<hbm>>) target(%arg14 : memref<125x80xi32, #tpu.memory_space<vmem>>) target_semaphore(%run_scoped3A : memref<!tpu.dma_semaphore, #tpu.memory_space<semaphore_mem>>)
      %dma_wait3A = arith.constant 0 : i32
      %dma_wait3A_25 = arith.constant 0 : i32
      %dma_wait3A_26 = tpu.memref_slice %arg7[%arg1, %dma_wait3A, %dma_wait3A_25] : memref<16x125x80xi32, #tpu.memory_space<hbm>> -> memref<1x125x80xi32, #tpu.memory_space<hbm>>
      %dma_wait3A_27 = tpu.memref_squeeze %dma_wait3A_26 : memref<1x125x80xi32, #tpu.memory_space<hbm>> -> memref<125x80xi32, #tpu.memory_space<hbm>>
      %dma_wait3A_28 = arith.constant 0 : i32
      %dma_wait3A_29 = arith.constant 0 : i32
      %dma_wait3A_30 = tpu.memref_slice %arg7[%arg1, %dma_wait3A_28, %dma_wait3A_29] : memref<16x125x80xi32, #tpu.memory_space<hbm>> -> memref<1x125x80xi32, #tpu.memory_space<hbm>>
      %dma_wait3A_31 = tpu.memref_squeeze %dma_wait3A_30 : memref<1x125x80xi32, #tpu.memory_space<hbm>> -> memref<125x80xi32, #tpu.memory_space<hbm>>
      tpu.wait_dma2 semaphore(%run_scoped3A : memref<!tpu.dma_semaphore, #tpu.memory_space<semaphore_mem>>) src(%dma_wait3A_31 : memref<125x80xi32, #tpu.memory_space<hbm>>) dst(%arg14 : memref<125x80xi32, #tpu.memory_space<vmem>>)
      tpu.yield
    }) : () -> ()
    %eq3A = arith.constant 0 : i32
    %eq3A_1 = arith.cmpi eq, %arg0, %eq3A : i32
    %convert_element_type3A = arith.extui %eq3A_1 : i1 to i32
    %cond3A = arith.constant 0 : i32
    %cond3A_2 = arith.cmpi ne, %convert_element_type3A, %cond3A : i32
    scf.if %cond3A_2 {
      %barrier3A = arith.constant 0 : index
      tpu.barrier barrier_id(%barrier3A)
      %mul3A_18 = arith.constant 640 : i32
      %mul3A_19 = arith.muli %arg1, %mul3A_18 : i32
      "tpu.region"() ({
        %run_scoped3A = tpu.sem_alloc : memref<!tpu.dma_semaphore, #tpu.memory_space<semaphore_mem>>
        %dma_start3A_40 = arith.constant 0 : i32
        %dma_start3A_41 = tpu.memref_slice %arg17[%mul3A_19, %dma_start3A_40] : memref<10240x128xf32, #tpu.memory_space<vmem_shared>> -> memref<640x128xf32, #tpu.memory_space<vmem_shared>>
        tpu.enqueue_dma source(%arg8 : memref<640x128xf32, #tpu.memory_space<hbm>>) target(%dma_start3A_41 : memref<640x128xf32, #tpu.memory_space<vmem_shared>>) target_semaphore(%run_scoped3A : memref<!tpu.dma_semaphore, #tpu.memory_space<semaphore_mem>>)
        %dma_wait3A = arith.constant 0 : i32
        %dma_wait3A_42 = tpu.memref_slice %arg17[%mul3A_19, %dma_wait3A] : memref<10240x128xf32, #tpu.memory_space<vmem_shared>> -> memref<640x128xf32, #tpu.memory_space<vmem_shared>>
        tpu.wait_dma2 semaphore(%run_scoped3A : memref<!tpu.dma_semaphore, #tpu.memory_space<semaphore_mem>>) src(%arg8 : memref<640x128xf32, #tpu.memory_space<hbm>>) dst(%dma_wait3A_42 : memref<640x128xf32, #tpu.memory_space<vmem_shared>>)
        tpu.yield
      }) : () -> ()
      %barrier3A_20 = arith.constant 0 : index
      tpu.barrier barrier_id(%barrier3A_20)
      %dma_start3A = arith.constant 0 : i32
      %dma_start3A_21 = tpu.memref_slice %arg13[%dma_start3A] : memref<10000xi32, #tpu.memory_space<vmem>> -> memref<80xi32, #tpu.memory_space<vmem>>
      %dma_start3A_22 = arith.constant 0 : i32
      %dma_start3A_23 = arith.constant 0 : i32
      %dma_start3A_24 = tpu.memref_slice %arg2[%dma_start3A_22, %dma_start3A_23] : memref<10000x128xf32, #tpu.memory_space<hbm>> -> memref<10000x128xf32, #tpu.memory_space<hbm>>
      tpu.enqueue_indirect_dma source(%dma_start3A_24 : memref<10000x128xf32, #tpu.memory_space<hbm>>) target(%arg15 : memref<80x128xf32, #tpu.memory_space<vmem>>) offsets(%dma_start3A_21 : memref<80xi32, #tpu.memory_space<vmem>>) semaphore(%arg18 : memref<!tpu.dma_semaphore, #tpu.memory_space<semaphore_mem>>)
      %dma_start3A_25 = arith.constant 80 : i32
      %dma_start3A_26 = tpu.memref_slice %arg13[%dma_start3A_25] : memref<10000xi32, #tpu.memory_space<vmem>> -> memref<80xi32, #tpu.memory_space<vmem>>
      %dma_start3A_27 = arith.constant 0 : i32
      %dma_start3A_28 = arith.constant 0 : i32
      %dma_start3A_29 = tpu.memref_slice %arg2[%dma_start3A_27, %dma_start3A_28] : memref<10000x128xf32, #tpu.memory_space<hbm>> -> memref<10000x128xf32, #tpu.memory_space<hbm>>
      tpu.enqueue_indirect_dma source(%dma_start3A_29 : memref<10000x128xf32, #tpu.memory_space<hbm>>) target(%arg16 : memref<80x128xf32, #tpu.memory_space<vmem>>) offsets(%dma_start3A_26 : memref<80xi32, #tpu.memory_space<vmem>>) semaphore(%arg19 : memref<!tpu.dma_semaphore, #tpu.memory_space<semaphore_mem>>)
      %scan3A = arith.constant 0 : i32
      %scan3A_30 = arith.constant 0 : i32
      %scan3A_31 = arith.constant 125 : i32
      %scan3A_32 = arith.addi %scan3A_30, %scan3A_31 : i32
      %scan3A_33 = arith.constant 1 : i32
      scf.for %scan3A_40 = %scan3A_30 to %scan3A_32 step %scan3A_33  : i32 {
        %jit3A = arith.constant 2 : i32
        %eq3A_41 = arith.constant 0 : i32
        %eq3A_42 = arith.cmpi eq, %jit3A, %eq3A_41 : i32
        %jit3A_43 = arith.constant 1 : i32
        %select_n3A = arith.select %eq3A_42, %jit3A_43, %jit3A : i32
        %rem3A = arith.remsi %scan3A_40, %select_n3A : i32
        %ne3A = arith.constant 0 : i32
        %ne3A_44 = arith.cmpi ne, %rem3A, %ne3A : i32
        %lt3A = arith.constant 0 : i32
        %lt3A_45 = arith.cmpi slt, %rem3A, %lt3A : i32
        %lt3A_46 = arith.constant 0 : i32
        %lt3A_47 = arith.cmpi slt, %select_n3A, %lt3A_46 : i32
        %ne3A_48 = arith.xori %lt3A_45, %lt3A_47 : i1
        %and3A = arith.andi %ne3A_48, %ne3A_44 : i1
        %add3A = arith.addi %rem3A, %select_n3A : i32
        %select_n3A_49 = arith.select %and3A, %add3A, %rem3A : i32
        %eq3A_50 = arith.constant 0 : i32
        %eq3A_51 = arith.cmpi eq, %select_n3A_49, %eq3A_50 : i32
        %convert_element_type3A_52 = arith.extui %eq3A_51 : i1 to i32
        %cond3A_53 = arith.constant 0 : i32
        %cond3A_54 = arith.cmpi ne, %convert_element_type3A_52, %cond3A_53 : i32
        scf.if %cond3A_54 {
          %mul3A_76 = arith.constant 80 : i32
          %mul3A_77 = arith.muli %scan3A_40, %mul3A_76 : i32
          %dma_wait3A = tpu.memref_slice %arg13[%mul3A_77] : memref<10000xi32, #tpu.memory_space<vmem>> -> memref<80xi32, #tpu.memory_space<vmem>>
          %dma_wait3A_78 = arith.constant 0 : i32
          %dma_wait3A_79 = arith.constant 0 : i32
          %dma_wait3A_80 = tpu.memref_slice %arg2[%dma_wait3A_78, %dma_wait3A_79] : memref<10000x128xf32, #tpu.memory_space<hbm>> -> memref<10000x128xf32, #tpu.memory_space<hbm>>
          tpu.wait_indirect_dma semaphore(%arg18 : memref<!tpu.dma_semaphore, #tpu.memory_space<semaphore_mem>>) src(%dma_wait3A_80 : memref<10000x128xf32, #tpu.memory_space<hbm>>) dst(%arg15 : memref<80x128xf32, #tpu.memory_space<vmem>>)
          "tpu.region"() ({
            %run_scoped3A = tpu.sem_alloc : memref<!tpu.dma_semaphore, #tpu.memory_space<semaphore_mem>>
            %dma_start3A_88 = arith.constant 0 : i32
            %dma_start3A_89 = tpu.memref_slice %arg14[%scan3A_40, %dma_start3A_88] : memref<125x80xi32, #tpu.memory_space<vmem>> -> memref<1x80xi32, #tpu.memory_space<vmem>>
            %dma_start3A_90 = tpu.memref_squeeze %dma_start3A_89 : memref<1x80xi32, #tpu.memory_space<vmem>> -> memref<80xi32, #tpu.memory_space<vmem>>
            %dma_start3A_91 = arith.constant 0 : i32
            %dma_start3A_92 = arith.constant 0 : i32
            %dma_start3A_93 = tpu.memref_slice %arg17[%dma_start3A_91, %dma_start3A_92] : memref<10240x128xf32, #tpu.memory_space<vmem_shared>> -> memref<10240x128xf32, #tpu.memory_space<vmem_shared>>
            tpu.enqueue_indirect_dma source(%arg15 : memref<80x128xf32, #tpu.memory_space<vmem>>) target(%dma_start3A_93 : memref<10240x128xf32, #tpu.memory_space<vmem_shared>>) offsets(%dma_start3A_90 : memref<80xi32, #tpu.memory_space<vmem>>) semaphore(%run_scoped3A : memref<!tpu.dma_semaphore, #tpu.memory_space<semaphore_mem>>) {add = true}
            %dma_wait3A_94 = arith.constant 0 : i32
            %dma_wait3A_95 = tpu.memref_slice %arg14[%scan3A_40, %dma_wait3A_94] : memref<125x80xi32, #tpu.memory_space<vmem>> -> memref<1x80xi32, #tpu.memory_space<vmem>>
            %dma_wait3A_96 = tpu.memref_squeeze %dma_wait3A_95 : memref<1x80xi32, #tpu.memory_space<vmem>> -> memref<80xi32, #tpu.memory_space<vmem>>
            %dma_wait3A_97 = arith.constant 0 : i32
            %dma_wait3A_98 = arith.constant 0 : i32
            %dma_wait3A_99 = tpu.memref_slice %arg17[%dma_wait3A_97, %dma_wait3A_98] : memref<10240x128xf32, #tpu.memory_space<vmem_shared>> -> memref<10240x128xf32, #tpu.memory_space<vmem_shared>>
            tpu.wait_indirect_dma semaphore(%run_scoped3A : memref<!tpu.dma_semaphore, #tpu.memory_space<semaphore_mem>>) src(%arg15 : memref<80x128xf32, #tpu.memory_space<vmem>>) dst(%dma_wait3A_99 : memref<10240x128xf32, #tpu.memory_space<vmem_shared>>)
            tpu.yield
          }) : () -> ()
          %add3A_81 = arith.constant 2 : i32
          %add3A_82 = arith.addi %scan3A_40, %add3A_81 : i32
          %lt3A_83 = arith.constant 125 : i32
          %lt3A_84 = arith.cmpi slt, %add3A_82, %lt3A_83 : i32
          %convert_element_type3A_85 = arith.extui %lt3A_84 : i1 to i32
          %cond3A_86 = arith.constant 0 : i32
          %cond3A_87 = arith.cmpi ne, %convert_element_type3A_85, %cond3A_86 : i32
          scf.if %cond3A_87 {
            %add3A_88 = arith.constant 2 : i32
            %add3A_89 = arith.addi %scan3A_40, %add3A_88 : i32
            %mul3A_90 = arith.constant 80 : i32
            %mul3A_91 = arith.muli %add3A_89, %mul3A_90 : i32
            %dma_start3A_92 = tpu.memref_slice %arg13[%mul3A_91] : memref<10000xi32, #tpu.memory_space<vmem>> -> memref<80xi32, #tpu.memory_space<vmem>>
            %dma_start3A_93 = arith.constant 0 : i32
            %dma_start3A_94 = arith.constant 0 : i32
            %dma_start3A_95 = tpu.memref_slice %arg2[%dma_start3A_93, %dma_start3A_94] : memref<10000x128xf32, #tpu.memory_space<hbm>> -> memref<10000x128xf32, #tpu.memory_space<hbm>>
            tpu.enqueue_indirect_dma source(%dma_start3A_95 : memref<10000x128xf32, #tpu.memory_space<hbm>>) target(%arg15 : memref<80x128xf32, #tpu.memory_space<vmem>>) offsets(%dma_start3A_92 : memref<80xi32, #tpu.memory_space<vmem>>) semaphore(%arg18 : memref<!tpu.dma_semaphore, #tpu.memory_space<semaphore_mem>>)
          } else {
          }
        } else {
        }
        %jit3A_55 = arith.constant 2 : i32
        %eq3A_56 = arith.constant 0 : i32
        %eq3A_57 = arith.cmpi eq, %jit3A_55, %eq3A_56 : i32
        %jit3A_58 = arith.constant 1 : i32
        %select_n3A_59 = arith.select %eq3A_57, %jit3A_58, %jit3A_55 : i32
        %rem3A_60 = arith.remsi %scan3A_40, %select_n3A_59 : i32
        %ne3A_61 = arith.constant 0 : i32
        %ne3A_62 = arith.cmpi ne, %rem3A_60, %ne3A_61 : i32
        %lt3A_63 = arith.constant 0 : i32
        %lt3A_64 = arith.cmpi slt, %rem3A_60, %lt3A_63 : i32
        %lt3A_65 = arith.constant 0 : i32
        %lt3A_66 = arith.cmpi slt, %select_n3A_59, %lt3A_65 : i32
        %ne3A_67 = arith.xori %lt3A_64, %lt3A_66 : i1
        %and3A_68 = arith.andi %ne3A_67, %ne3A_62 : i1
        %add3A_69 = arith.addi %rem3A_60, %select_n3A_59 : i32
        %select_n3A_70 = arith.select %and3A_68, %add3A_69, %rem3A_60 : i32
        %eq3A_71 = arith.constant 1 : i32
        %eq3A_72 = arith.cmpi eq, %select_n3A_70, %eq3A_71 : i32
        %convert_element_type3A_73 = arith.extui %eq3A_72 : i1 to i32
        %cond3A_74 = arith.constant 0 : i32
        %cond3A_75 = arith.cmpi ne, %convert_element_type3A_73, %cond3A_74 : i32
        scf.if %cond3A_75 {
          %mul3A_76 = arith.constant 80 : i32
          %mul3A_77 = arith.muli %scan3A_40, %mul3A_76 : i32
          %dma_wait3A = tpu.memref_slice %arg13[%mul3A_77] : memref<10000xi32, #tpu.memory_space<vmem>> -> memref<80xi32, #tpu.memory_space<vmem>>
          %dma_wait3A_78 = arith.constant 0 : i32
          %dma_wait3A_79 = arith.constant 0 : i32
          %dma_wait3A_80 = tpu.memref_slice %arg2[%dma_wait3A_78, %dma_wait3A_79] : memref<10000x128xf32, #tpu.memory_space<hbm>> -> memref<10000x128xf32, #tpu.memory_space<hbm>>
          tpu.wait_indirect_dma semaphore(%arg19 : memref<!tpu.dma_semaphore, #tpu.memory_space<semaphore_mem>>) src(%dma_wait3A_80 : memref<10000x128xf32, #tpu.memory_space<hbm>>) dst(%arg16 : memref<80x128xf32, #tpu.memory_space<vmem>>)
          "tpu.region"() ({
            %run_scoped3A = tpu.sem_alloc : memref<!tpu.dma_semaphore, #tpu.memory_space<semaphore_mem>>
            %dma_start3A_88 = arith.constant 0 : i32
            %dma_start3A_89 = tpu.memref_slice %arg14[%scan3A_40, %dma_start3A_88] : memref<125x80xi32, #tpu.memory_space<vmem>> -> memref<1x80xi32, #tpu.memory_space<vmem>>
            %dma_start3A_90 = tpu.memref_squeeze %dma_start3A_89 : memref<1x80xi32, #tpu.memory_space<vmem>> -> memref<80xi32, #tpu.memory_space<vmem>>
            %dma_start3A_91 = arith.constant 0 : i32
            %dma_start3A_92 = arith.constant 0 : i32
            %dma_start3A_93 = tpu.memref_slice %arg17[%dma_start3A_91, %dma_start3A_92] : memref<10240x128xf32, #tpu.memory_space<vmem_shared>> -> memref<10240x128xf32, #tpu.memory_space<vmem_shared>>
            tpu.enqueue_indirect_dma source(%arg16 : memref<80x128xf32, #tpu.memory_space<vmem>>) target(%dma_start3A_93 : memref<10240x128xf32, #tpu.memory_space<vmem_shared>>) offsets(%dma_start3A_90 : memref<80xi32, #tpu.memory_space<vmem>>) semaphore(%run_scoped3A : memref<!tpu.dma_semaphore, #tpu.memory_space<semaphore_mem>>) {add = true}
            %dma_wait3A_94 = arith.constant 0 : i32
            %dma_wait3A_95 = tpu.memref_slice %arg14[%scan3A_40, %dma_wait3A_94] : memref<125x80xi32, #tpu.memory_space<vmem>> -> memref<1x80xi32, #tpu.memory_space<vmem>>
            %dma_wait3A_96 = tpu.memref_squeeze %dma_wait3A_95 : memref<1x80xi32, #tpu.memory_space<vmem>> -> memref<80xi32, #tpu.memory_space<vmem>>
            %dma_wait3A_97 = arith.constant 0 : i32
            %dma_wait3A_98 = arith.constant 0 : i32
            %dma_wait3A_99 = tpu.memref_slice %arg17[%dma_wait3A_97, %dma_wait3A_98] : memref<10240x128xf32, #tpu.memory_space<vmem_shared>> -> memref<10240x128xf32, #tpu.memory_space<vmem_shared>>
            tpu.wait_indirect_dma semaphore(%run_scoped3A : memref<!tpu.dma_semaphore, #tpu.memory_space<semaphore_mem>>) src(%arg16 : memref<80x128xf32, #tpu.memory_space<vmem>>) dst(%dma_wait3A_99 : memref<10240x128xf32, #tpu.memory_space<vmem_shared>>)
            tpu.yield
          }) : () -> ()
          %add3A_81 = arith.constant 2 : i32
          %add3A_82 = arith.addi %scan3A_40, %add3A_81 : i32
          %lt3A_83 = arith.constant 125 : i32
          %lt3A_84 = arith.cmpi slt, %add3A_82, %lt3A_83 : i32
          %convert_element_type3A_85 = arith.extui %lt3A_84 : i1 to i32
          %cond3A_86 = arith.constant 0 : i32
          %cond3A_87 = arith.cmpi ne, %convert_element_type3A_85, %cond3A_86 : i32
          scf.if %cond3A_87 {
            %add3A_88 = arith.constant 2 : i32
            %add3A_89 = arith.addi %scan3A_40, %add3A_88 : i32
            %mul3A_90 = arith.constant 80 : i32
            %mul3A_91 = arith.muli %add3A_89, %mul3A_90 : i32
            %dma_start3A_92 = tpu.memref_slice %arg13[%mul3A_91] : memref<10000xi32, #tpu.memory_space<vmem>> -> memref<80xi32, #tpu.memory_space<vmem>>
            %dma_start3A_93 = arith.constant 0 : i32
            %dma_start3A_94 = arith.constant 0 : i32
            %dma_start3A_95 = tpu.memref_slice %arg2[%dma_start3A_93, %dma_start3A_94] : memref<10000x128xf32, #tpu.memory_space<hbm>> -> memref<10000x128xf32, #tpu.memory_space<hbm>>
            tpu.enqueue_indirect_dma source(%dma_start3A_95 : memref<10000x128xf32, #tpu.memory_space<hbm>>) target(%arg16 : memref<80x128xf32, #tpu.memory_space<vmem>>) offsets(%dma_start3A_92 : memref<80xi32, #tpu.memory_space<vmem>>) semaphore(%arg19 : memref<!tpu.dma_semaphore, #tpu.memory_space<semaphore_mem>>)
          } else {
          }
        } else {
        }
      }
      %scan3A_34 = arith.constant 125 : i32
      %barrier3A_35 = arith.constant 0 : index
      tpu.barrier barrier_id(%barrier3A_35)
      %mul3A_36 = arith.constant 640 : i32
      %mul3A_37 = arith.muli %arg1, %mul3A_36 : i32
      %mul3A_38 = arith.constant 640 : i32
      %mul3A_39 = arith.muli %arg1, %mul3A_38 : i32
      "tpu.region"() ({
        %run_scoped3A = tpu.sem_alloc : memref<!tpu.dma_semaphore, #tpu.memory_space<semaphore_mem>>
        %dma_start3A_40 = arith.constant 0 : i32
        %dma_start3A_41 = tpu.memref_slice %arg9[%mul3A_39, %dma_start3A_40] : memref<10240x128xf32, #tpu.memory_space<hbm>> -> memref<640x128xf32, #tpu.memory_space<hbm>>
        %dma_start3A_42 = arith.constant 0 : i32
        %dma_start3A_43 = tpu.memref_slice %arg17[%mul3A_37, %dma_start3A_42] : memref<10240x128xf32, #tpu.memory_space<vmem_shared>> -> memref<640x128xf32, #tpu.memory_space<vmem_shared>>
        tpu.enqueue_dma source(%dma_start3A_43 : memref<640x128xf32, #tpu.memory_space<vmem_shared>>) target(%dma_start3A_41 : memref<640x128xf32, #tpu.memory_space<hbm>>) target_semaphore(%run_scoped3A : memref<!tpu.dma_semaphore, #tpu.memory_space<semaphore_mem>>)
        %dma_wait3A = arith.constant 0 : i32
        %dma_wait3A_44 = tpu.memref_slice %arg9[%mul3A_39, %dma_wait3A] : memref<10240x128xf32, #tpu.memory_space<hbm>> -> memref<640x128xf32, #tpu.memory_space<hbm>>
        %dma_wait3A_45 = arith.constant 0 : i32
        %dma_wait3A_46 = tpu.memref_slice %arg17[%mul3A_37, %dma_wait3A_45] : memref<10240x128xf32, #tpu.memory_space<vmem_shared>> -> memref<640x128xf32, #tpu.memory_space<vmem_shared>>
        tpu.wait_dma2 semaphore(%run_scoped3A : memref<!tpu.dma_semaphore, #tpu.memory_space<semaphore_mem>>) src(%dma_wait3A_46 : memref<640x128xf32, #tpu.memory_space<vmem_shared>>) dst(%dma_wait3A_44 : memref<640x128xf32, #tpu.memory_space<hbm>>)
        tpu.yield
      }) : () -> ()
    } else {
    }
    %eq3A_3 = arith.constant 1 : i32
    %eq3A_4 = arith.cmpi eq, %arg0, %eq3A_3 : i32
    %convert_element_type3A_5 = arith.extui %eq3A_4 : i1 to i32
    %cond3A_6 = arith.constant 0 : i32
    %cond3A_7 = arith.cmpi ne, %convert_element_type3A_5, %cond3A_6 : i32
    scf.if %cond3A_7 {
      %barrier3A = arith.constant 0 : index
      tpu.barrier barrier_id(%barrier3A)
      %mul3A_18 = arith.constant 640 : i32
      %mul3A_19 = arith.muli %arg1, %mul3A_18 : i32
      "tpu.region"() ({
        %run_scoped3A = tpu.sem_alloc : memref<!tpu.dma_semaphore, #tpu.memory_space<semaphore_mem>>
        %dma_start3A_40 = arith.constant 0 : i32
        %dma_start3A_41 = tpu.memref_slice %arg17[%mul3A_19, %dma_start3A_40] : memref<10240x128xf32, #tpu.memory_space<vmem_shared>> -> memref<640x128xf32, #tpu.memory_space<vmem_shared>>
        tpu.enqueue_dma source(%arg8 : memref<640x128xf32, #tpu.memory_space<hbm>>) target(%dma_start3A_41 : memref<640x128xf32, #tpu.memory_space<vmem_shared>>) target_semaphore(%run_scoped3A : memref<!tpu.dma_semaphore, #tpu.memory_space<semaphore_mem>>)
        %dma_wait3A = arith.constant 0 : i32
        %dma_wait3A_42 = tpu.memref_slice %arg17[%mul3A_19, %dma_wait3A] : memref<10240x128xf32, #tpu.memory_space<vmem_shared>> -> memref<640x128xf32, #tpu.memory_space<vmem_shared>>
        tpu.wait_dma2 semaphore(%run_scoped3A : memref<!tpu.dma_semaphore, #tpu.memory_space<semaphore_mem>>) src(%arg8 : memref<640x128xf32, #tpu.memory_space<hbm>>) dst(%dma_wait3A_42 : memref<640x128xf32, #tpu.memory_space<vmem_shared>>)
        tpu.yield
      }) : () -> ()
      %barrier3A_20 = arith.constant 0 : index
      tpu.barrier barrier_id(%barrier3A_20)
      %dma_start3A = arith.constant 0 : i32
      %dma_start3A_21 = tpu.memref_slice %arg13[%dma_start3A] : memref<10000xi32, #tpu.memory_space<vmem>> -> memref<80xi32, #tpu.memory_space<vmem>>
      %dma_start3A_22 = arith.constant 0 : i32
      %dma_start3A_23 = arith.constant 0 : i32
      %dma_start3A_24 = tpu.memref_slice %arg3[%dma_start3A_22, %dma_start3A_23] : memref<10000x128xf32, #tpu.memory_space<hbm>> -> memref<10000x128xf32, #tpu.memory_space<hbm>>
      tpu.enqueue_indirect_dma source(%dma_start3A_24 : memref<10000x128xf32, #tpu.memory_space<hbm>>) target(%arg15 : memref<80x128xf32, #tpu.memory_space<vmem>>) offsets(%dma_start3A_21 : memref<80xi32, #tpu.memory_space<vmem>>) semaphore(%arg18 : memref<!tpu.dma_semaphore, #tpu.memory_space<semaphore_mem>>)
      %dma_start3A_25 = arith.constant 80 : i32
      %dma_start3A_26 = tpu.memref_slice %arg13[%dma_start3A_25] : memref<10000xi32, #tpu.memory_space<vmem>> -> memref<80xi32, #tpu.memory_space<vmem>>
      %dma_start3A_27 = arith.constant 0 : i32
      %dma_start3A_28 = arith.constant 0 : i32
      %dma_start3A_29 = tpu.memref_slice %arg3[%dma_start3A_27, %dma_start3A_28] : memref<10000x128xf32, #tpu.memory_space<hbm>> -> memref<10000x128xf32, #tpu.memory_space<hbm>>
      tpu.enqueue_indirect_dma source(%dma_start3A_29 : memref<10000x128xf32, #tpu.memory_space<hbm>>) target(%arg16 : memref<80x128xf32, #tpu.memory_space<vmem>>) offsets(%dma_start3A_26 : memref<80xi32, #tpu.memory_space<vmem>>) semaphore(%arg19 : memref<!tpu.dma_semaphore, #tpu.memory_space<semaphore_mem>>)
      %scan3A = arith.constant 0 : i32
      %scan3A_30 = arith.constant 0 : i32
      %scan3A_31 = arith.constant 125 : i32
      %scan3A_32 = arith.addi %scan3A_30, %scan3A_31 : i32
      %scan3A_33 = arith.constant 1 : i32
      scf.for %scan3A_40 = %scan3A_30 to %scan3A_32 step %scan3A_33  : i32 {
        %jit3A = arith.constant 2 : i32
        %eq3A_41 = arith.constant 0 : i32
        %eq3A_42 = arith.cmpi eq, %jit3A, %eq3A_41 : i32
        %jit3A_43 = arith.constant 1 : i32
        %select_n3A = arith.select %eq3A_42, %jit3A_43, %jit3A : i32
        %rem3A = arith.remsi %scan3A_40, %select_n3A : i32
        %ne3A = arith.constant 0 : i32
        %ne3A_44 = arith.cmpi ne, %rem3A, %ne3A : i32
        %lt3A = arith.constant 0 : i32
        %lt3A_45 = arith.cmpi slt, %rem3A, %lt3A : i32
        %lt3A_46 = arith.constant 0 : i32
        %lt3A_47 = arith.cmpi slt, %select_n3A, %lt3A_46 : i32
        %ne3A_48 = arith.xori %lt3A_45, %lt3A_47 : i1
        %and3A = arith.andi %ne3A_48, %ne3A_44 : i1
        %add3A = arith.addi %rem3A, %select_n3A : i32
        %select_n3A_49 = arith.select %and3A, %add3A, %rem3A : i32
        %eq3A_50 = arith.constant 0 : i32
        %eq3A_51 = arith.cmpi eq, %select_n3A_49, %eq3A_50 : i32
        %convert_element_type3A_52 = arith.extui %eq3A_51 : i1 to i32
        %cond3A_53 = arith.constant 0 : i32
        %cond3A_54 = arith.cmpi ne, %convert_element_type3A_52, %cond3A_53 : i32
        scf.if %cond3A_54 {
          %mul3A_76 = arith.constant 80 : i32
          %mul3A_77 = arith.muli %scan3A_40, %mul3A_76 : i32
          %dma_wait3A = tpu.memref_slice %arg13[%mul3A_77] : memref<10000xi32, #tpu.memory_space<vmem>> -> memref<80xi32, #tpu.memory_space<vmem>>
          %dma_wait3A_78 = arith.constant 0 : i32
          %dma_wait3A_79 = arith.constant 0 : i32
          %dma_wait3A_80 = tpu.memref_slice %arg3[%dma_wait3A_78, %dma_wait3A_79] : memref<10000x128xf32, #tpu.memory_space<hbm>> -> memref<10000x128xf32, #tpu.memory_space<hbm>>
          tpu.wait_indirect_dma semaphore(%arg18 : memref<!tpu.dma_semaphore, #tpu.memory_space<semaphore_mem>>) src(%dma_wait3A_80 : memref<10000x128xf32, #tpu.memory_space<hbm>>) dst(%arg15 : memref<80x128xf32, #tpu.memory_space<vmem>>)
          "tpu.region"() ({
            %run_scoped3A = tpu.sem_alloc : memref<!tpu.dma_semaphore, #tpu.memory_space<semaphore_mem>>
            %dma_start3A_88 = arith.constant 0 : i32
            %dma_start3A_89 = tpu.memref_slice %arg14[%scan3A_40, %dma_start3A_88] : memref<125x80xi32, #tpu.memory_space<vmem>> -> memref<1x80xi32, #tpu.memory_space<vmem>>
            %dma_start3A_90 = tpu.memref_squeeze %dma_start3A_89 : memref<1x80xi32, #tpu.memory_space<vmem>> -> memref<80xi32, #tpu.memory_space<vmem>>
            %dma_start3A_91 = arith.constant 0 : i32
            %dma_start3A_92 = arith.constant 0 : i32
            %dma_start3A_93 = tpu.memref_slice %arg17[%dma_start3A_91, %dma_start3A_92] : memref<10240x128xf32, #tpu.memory_space<vmem_shared>> -> memref<10240x128xf32, #tpu.memory_space<vmem_shared>>
            tpu.enqueue_indirect_dma source(%arg15 : memref<80x128xf32, #tpu.memory_space<vmem>>) target(%dma_start3A_93 : memref<10240x128xf32, #tpu.memory_space<vmem_shared>>) offsets(%dma_start3A_90 : memref<80xi32, #tpu.memory_space<vmem>>) semaphore(%run_scoped3A : memref<!tpu.dma_semaphore, #tpu.memory_space<semaphore_mem>>) {add = true}
            %dma_wait3A_94 = arith.constant 0 : i32
            %dma_wait3A_95 = tpu.memref_slice %arg14[%scan3A_40, %dma_wait3A_94] : memref<125x80xi32, #tpu.memory_space<vmem>> -> memref<1x80xi32, #tpu.memory_space<vmem>>
            %dma_wait3A_96 = tpu.memref_squeeze %dma_wait3A_95 : memref<1x80xi32, #tpu.memory_space<vmem>> -> memref<80xi32, #tpu.memory_space<vmem>>
            %dma_wait3A_97 = arith.constant 0 : i32
            %dma_wait3A_98 = arith.constant 0 : i32
            %dma_wait3A_99 = tpu.memref_slice %arg17[%dma_wait3A_97, %dma_wait3A_98] : memref<10240x128xf32, #tpu.memory_space<vmem_shared>> -> memref<10240x128xf32, #tpu.memory_space<vmem_shared>>
            tpu.wait_indirect_dma semaphore(%run_scoped3A : memref<!tpu.dma_semaphore, #tpu.memory_space<semaphore_mem>>) src(%arg15 : memref<80x128xf32, #tpu.memory_space<vmem>>) dst(%dma_wait3A_99 : memref<10240x128xf32, #tpu.memory_space<vmem_shared>>)
            tpu.yield
          }) : () -> ()
          %add3A_81 = arith.constant 2 : i32
          %add3A_82 = arith.addi %scan3A_40, %add3A_81 : i32
          %lt3A_83 = arith.constant 125 : i32
          %lt3A_84 = arith.cmpi slt, %add3A_82, %lt3A_83 : i32
          %convert_element_type3A_85 = arith.extui %lt3A_84 : i1 to i32
          %cond3A_86 = arith.constant 0 : i32
          %cond3A_87 = arith.cmpi ne, %convert_element_type3A_85, %cond3A_86 : i32
          scf.if %cond3A_87 {
            %add3A_88 = arith.constant 2 : i32
            %add3A_89 = arith.addi %scan3A_40, %add3A_88 : i32
            %mul3A_90 = arith.constant 80 : i32
            %mul3A_91 = arith.muli %add3A_89, %mul3A_90 : i32
            %dma_start3A_92 = tpu.memref_slice %arg13[%mul3A_91] : memref<10000xi32, #tpu.memory_space<vmem>> -> memref<80xi32, #tpu.memory_space<vmem>>
            %dma_start3A_93 = arith.constant 0 : i32
            %dma_start3A_94 = arith.constant 0 : i32
            %dma_start3A_95 = tpu.memref_slice %arg3[%dma_start3A_93, %dma_start3A_94] : memref<10000x128xf32, #tpu.memory_space<hbm>> -> memref<10000x128xf32, #tpu.memory_space<hbm>>
            tpu.enqueue_indirect_dma source(%dma_start3A_95 : memref<10000x128xf32, #tpu.memory_space<hbm>>) target(%arg15 : memref<80x128xf32, #tpu.memory_space<vmem>>) offsets(%dma_start3A_92 : memref<80xi32, #tpu.memory_space<vmem>>) semaphore(%arg18 : memref<!tpu.dma_semaphore, #tpu.memory_space<semaphore_mem>>)
          } else {
          }
        } else {
        }
        %jit3A_55 = arith.constant 2 : i32
        %eq3A_56 = arith.constant 0 : i32
        %eq3A_57 = arith.cmpi eq, %jit3A_55, %eq3A_56 : i32
        %jit3A_58 = arith.constant 1 : i32
        %select_n3A_59 = arith.select %eq3A_57, %jit3A_58, %jit3A_55 : i32
        %rem3A_60 = arith.remsi %scan3A_40, %select_n3A_59 : i32
        %ne3A_61 = arith.constant 0 : i32
        %ne3A_62 = arith.cmpi ne, %rem3A_60, %ne3A_61 : i32
        %lt3A_63 = arith.constant 0 : i32
        %lt3A_64 = arith.cmpi slt, %rem3A_60, %lt3A_63 : i32
        %lt3A_65 = arith.constant 0 : i32
        %lt3A_66 = arith.cmpi slt, %select_n3A_59, %lt3A_65 : i32
        %ne3A_67 = arith.xori %lt3A_64, %lt3A_66 : i1
        %and3A_68 = arith.andi %ne3A_67, %ne3A_62 : i1
        %add3A_69 = arith.addi %rem3A_60, %select_n3A_59 : i32
        %select_n3A_70 = arith.select %and3A_68, %add3A_69, %rem3A_60 : i32
        %eq3A_71 = arith.constant 1 : i32
        %eq3A_72 = arith.cmpi eq, %select_n3A_70, %eq3A_71 : i32
        %convert_element_type3A_73 = arith.extui %eq3A_72 : i1 to i32
        %cond3A_74 = arith.constant 0 : i32
        %cond3A_75 = arith.cmpi ne, %convert_element_type3A_73, %cond3A_74 : i32
        scf.if %cond3A_75 {
          %mul3A_76 = arith.constant 80 : i32
          %mul3A_77 = arith.muli %scan3A_40, %mul3A_76 : i32
          %dma_wait3A = tpu.memref_slice %arg13[%mul3A_77] : memref<10000xi32, #tpu.memory_space<vmem>> -> memref<80xi32, #tpu.memory_space<vmem>>
          %dma_wait3A_78 = arith.constant 0 : i32
          %dma_wait3A_79 = arith.constant 0 : i32
          %dma_wait3A_80 = tpu.memref_slice %arg3[%dma_wait3A_78, %dma_wait3A_79] : memref<10000x128xf32, #tpu.memory_space<hbm>> -> memref<10000x128xf32, #tpu.memory_space<hbm>>
          tpu.wait_indirect_dma semaphore(%arg19 : memref<!tpu.dma_semaphore, #tpu.memory_space<semaphore_mem>>) src(%dma_wait3A_80 : memref<10000x128xf32, #tpu.memory_space<hbm>>) dst(%arg16 : memref<80x128xf32, #tpu.memory_space<vmem>>)
          "tpu.region"() ({
            %run_scoped3A = tpu.sem_alloc : memref<!tpu.dma_semaphore, #tpu.memory_space<semaphore_mem>>
            %dma_start3A_88 = arith.constant 0 : i32
            %dma_start3A_89 = tpu.memref_slice %arg14[%scan3A_40, %dma_start3A_88] : memref<125x80xi32, #tpu.memory_space<vmem>> -> memref<1x80xi32, #tpu.memory_space<vmem>>
            %dma_start3A_90 = tpu.memref_squeeze %dma_start3A_89 : memref<1x80xi32, #tpu.memory_space<vmem>> -> memref<80xi32, #tpu.memory_space<vmem>>
            %dma_start3A_91 = arith.constant 0 : i32
            %dma_start3A_92 = arith.constant 0 : i32
            %dma_start3A_93 = tpu.memref_slice %arg17[%dma_start3A_91, %dma_start3A_92] : memref<10240x128xf32, #tpu.memory_space<vmem_shared>> -> memref<10240x128xf32, #tpu.memory_space<vmem_shared>>
            tpu.enqueue_indirect_dma source(%arg16 : memref<80x128xf32, #tpu.memory_space<vmem>>) target(%dma_start3A_93 : memref<10240x128xf32, #tpu.memory_space<vmem_shared>>) offsets(%dma_start3A_90 : memref<80xi32, #tpu.memory_space<vmem>>) semaphore(%run_scoped3A : memref<!tpu.dma_semaphore, #tpu.memory_space<semaphore_mem>>) {add = true}
            %dma_wait3A_94 = arith.constant 0 : i32
            %dma_wait3A_95 = tpu.memref_slice %arg14[%scan3A_40, %dma_wait3A_94] : memref<125x80xi32, #tpu.memory_space<vmem>> -> memref<1x80xi32, #tpu.memory_space<vmem>>
            %dma_wait3A_96 = tpu.memref_squeeze %dma_wait3A_95 : memref<1x80xi32, #tpu.memory_space<vmem>> -> memref<80xi32, #tpu.memory_space<vmem>>
            %dma_wait3A_97 = arith.constant 0 : i32
            %dma_wait3A_98 = arith.constant 0 : i32
            %dma_wait3A_99 = tpu.memref_slice %arg17[%dma_wait3A_97, %dma_wait3A_98] : memref<10240x128xf32, #tpu.memory_space<vmem_shared>> -> memref<10240x128xf32, #tpu.memory_space<vmem_shared>>
            tpu.wait_indirect_dma semaphore(%run_scoped3A : memref<!tpu.dma_semaphore, #tpu.memory_space<semaphore_mem>>) src(%arg16 : memref<80x128xf32, #tpu.memory_space<vmem>>) dst(%dma_wait3A_99 : memref<10240x128xf32, #tpu.memory_space<vmem_shared>>)
            tpu.yield
          }) : () -> ()
          %add3A_81 = arith.constant 2 : i32
          %add3A_82 = arith.addi %scan3A_40, %add3A_81 : i32
          %lt3A_83 = arith.constant 125 : i32
          %lt3A_84 = arith.cmpi slt, %add3A_82, %lt3A_83 : i32
          %convert_element_type3A_85 = arith.extui %lt3A_84 : i1 to i32
          %cond3A_86 = arith.constant 0 : i32
          %cond3A_87 = arith.cmpi ne, %convert_element_type3A_85, %cond3A_86 : i32
          scf.if %cond3A_87 {
            %add3A_88 = arith.constant 2 : i32
            %add3A_89 = arith.addi %scan3A_40, %add3A_88 : i32
            %mul3A_90 = arith.constant 80 : i32
            %mul3A_91 = arith.muli %add3A_89, %mul3A_90 : i32
            %dma_start3A_92 = tpu.memref_slice %arg13[%mul3A_91] : memref<10000xi32, #tpu.memory_space<vmem>> -> memref<80xi32, #tpu.memory_space<vmem>>
            %dma_start3A_93 = arith.constant 0 : i32
            %dma_start3A_94 = arith.constant 0 : i32
            %dma_start3A_95 = tpu.memref_slice %arg3[%dma_start3A_93, %dma_start3A_94] : memref<10000x128xf32, #tpu.memory_space<hbm>> -> memref<10000x128xf32, #tpu.memory_space<hbm>>
            tpu.enqueue_indirect_dma source(%dma_start3A_95 : memref<10000x128xf32, #tpu.memory_space<hbm>>) target(%arg16 : memref<80x128xf32, #tpu.memory_space<vmem>>) offsets(%dma_start3A_92 : memref<80xi32, #tpu.memory_space<vmem>>) semaphore(%arg19 : memref<!tpu.dma_semaphore, #tpu.memory_space<semaphore_mem>>)
          } else {
          }
        } else {
        }
      }
      %scan3A_34 = arith.constant 125 : i32
      %barrier3A_35 = arith.constant 0 : index
      tpu.barrier barrier_id(%barrier3A_35)
      %mul3A_36 = arith.constant 640 : i32
      %mul3A_37 = arith.muli %arg1, %mul3A_36 : i32
      %mul3A_38 = arith.constant 640 : i32
      %mul3A_39 = arith.muli %arg1, %mul3A_38 : i32
      "tpu.region"() ({
        %run_scoped3A = tpu.sem_alloc : memref<!tpu.dma_semaphore, #tpu.memory_space<semaphore_mem>>
        %dma_start3A_40 = arith.constant 0 : i32
        %dma_start3A_41 = tpu.memref_slice %arg10[%mul3A_39, %dma_start3A_40] : memref<10240x128xf32, #tpu.memory_space<hbm>> -> memref<640x128xf32, #tpu.memory_space<hbm>>
        %dma_start3A_42 = arith.constant 0 : i32
        %dma_start3A_43 = tpu.memref_slice %arg17[%mul3A_37, %dma_start3A_42] : memref<10240x128xf32, #tpu.memory_space<vmem_shared>> -> memref<640x128xf32, #tpu.memory_space<vmem_shared>>
        tpu.enqueue_dma source(%dma_start3A_43 : memref<640x128xf32, #tpu.memory_space<vmem_shared>>) target(%dma_start3A_41 : memref<640x128xf32, #tpu.memory_space<hbm>>) target_semaphore(%run_scoped3A : memref<!tpu.dma_semaphore, #tpu.memory_space<semaphore_mem>>)
        %dma_wait3A = arith.constant 0 : i32
        %dma_wait3A_44 = tpu.memref_slice %arg10[%mul3A_39, %dma_wait3A] : memref<10240x128xf32, #tpu.memory_space<hbm>> -> memref<640x128xf32, #tpu.memory_space<hbm>>
        %dma_wait3A_45 = arith.constant 0 : i32
        %dma_wait3A_46 = tpu.memref_slice %arg17[%mul3A_37, %dma_wait3A_45] : memref<10240x128xf32, #tpu.memory_space<vmem_shared>> -> memref<640x128xf32, #tpu.memory_space<vmem_shared>>
        tpu.wait_dma2 semaphore(%run_scoped3A : memref<!tpu.dma_semaphore, #tpu.memory_space<semaphore_mem>>) src(%dma_wait3A_46 : memref<640x128xf32, #tpu.memory_space<vmem_shared>>) dst(%dma_wait3A_44 : memref<640x128xf32, #tpu.memory_space<hbm>>)
        tpu.yield
      }) : () -> ()
    } else {
    }
    %eq3A_8 = arith.constant 0 : i32
    %eq3A_9 = arith.cmpi eq, %arg0, %eq3A_8 : i32
    %convert_element_type3A_10 = arith.extui %eq3A_9 : i1 to i32
    %cond3A_11 = arith.constant 0 : i32
    %cond3A_12 = arith.cmpi ne, %convert_element_type3A_10, %cond3A_11 : i32
    scf.if %cond3A_12 {
      %barrier3A = arith.constant 0 : index
      tpu.barrier barrier_id(%barrier3A)
      %mul3A_18 = arith.constant 640 : i32
      %mul3A_19 = arith.muli %arg1, %mul3A_18 : i32
      "tpu.region"() ({
        %run_scoped3A = tpu.sem_alloc : memref<!tpu.dma_semaphore, #tpu.memory_space<semaphore_mem>>
        %dma_start3A_40 = arith.constant 0 : i32
        %dma_start3A_41 = tpu.memref_slice %arg17[%mul3A_19, %dma_start3A_40] : memref<10240x128xf32, #tpu.memory_space<vmem_shared>> -> memref<640x128xf32, #tpu.memory_space<vmem_shared>>
        tpu.enqueue_dma source(%arg8 : memref<640x128xf32, #tpu.memory_space<hbm>>) target(%dma_start3A_41 : memref<640x128xf32, #tpu.memory_space<vmem_shared>>) target_semaphore(%run_scoped3A : memref<!tpu.dma_semaphore, #tpu.memory_space<semaphore_mem>>)
        %dma_wait3A = arith.constant 0 : i32
        %dma_wait3A_42 = tpu.memref_slice %arg17[%mul3A_19, %dma_wait3A] : memref<10240x128xf32, #tpu.memory_space<vmem_shared>> -> memref<640x128xf32, #tpu.memory_space<vmem_shared>>
        tpu.wait_dma2 semaphore(%run_scoped3A : memref<!tpu.dma_semaphore, #tpu.memory_space<semaphore_mem>>) src(%arg8 : memref<640x128xf32, #tpu.memory_space<hbm>>) dst(%dma_wait3A_42 : memref<640x128xf32, #tpu.memory_space<vmem_shared>>)
        tpu.yield
      }) : () -> ()
      %barrier3A_20 = arith.constant 0 : index
      tpu.barrier barrier_id(%barrier3A_20)
      %dma_start3A = arith.constant 0 : i32
      %dma_start3A_21 = tpu.memref_slice %arg13[%dma_start3A] : memref<10000xi32, #tpu.memory_space<vmem>> -> memref<80xi32, #tpu.memory_space<vmem>>
      %dma_start3A_22 = arith.constant 0 : i32
      %dma_start3A_23 = arith.constant 0 : i32
      %dma_start3A_24 = tpu.memref_slice %arg4[%dma_start3A_22, %dma_start3A_23] : memref<10000x128xf32, #tpu.memory_space<hbm>> -> memref<10000x128xf32, #tpu.memory_space<hbm>>
      tpu.enqueue_indirect_dma source(%dma_start3A_24 : memref<10000x128xf32, #tpu.memory_space<hbm>>) target(%arg15 : memref<80x128xf32, #tpu.memory_space<vmem>>) offsets(%dma_start3A_21 : memref<80xi32, #tpu.memory_space<vmem>>) semaphore(%arg18 : memref<!tpu.dma_semaphore, #tpu.memory_space<semaphore_mem>>)
      %dma_start3A_25 = arith.constant 80 : i32
      %dma_start3A_26 = tpu.memref_slice %arg13[%dma_start3A_25] : memref<10000xi32, #tpu.memory_space<vmem>> -> memref<80xi32, #tpu.memory_space<vmem>>
      %dma_start3A_27 = arith.constant 0 : i32
      %dma_start3A_28 = arith.constant 0 : i32
      %dma_start3A_29 = tpu.memref_slice %arg4[%dma_start3A_27, %dma_start3A_28] : memref<10000x128xf32, #tpu.memory_space<hbm>> -> memref<10000x128xf32, #tpu.memory_space<hbm>>
      tpu.enqueue_indirect_dma source(%dma_start3A_29 : memref<10000x128xf32, #tpu.memory_space<hbm>>) target(%arg16 : memref<80x128xf32, #tpu.memory_space<vmem>>) offsets(%dma_start3A_26 : memref<80xi32, #tpu.memory_space<vmem>>) semaphore(%arg19 : memref<!tpu.dma_semaphore, #tpu.memory_space<semaphore_mem>>)
      %scan3A = arith.constant 0 : i32
      %scan3A_30 = arith.constant 0 : i32
      %scan3A_31 = arith.constant 125 : i32
      %scan3A_32 = arith.addi %scan3A_30, %scan3A_31 : i32
      %scan3A_33 = arith.constant 1 : i32
      scf.for %scan3A_40 = %scan3A_30 to %scan3A_32 step %scan3A_33  : i32 {
        %jit3A = arith.constant 2 : i32
        %eq3A_41 = arith.constant 0 : i32
        %eq3A_42 = arith.cmpi eq, %jit3A, %eq3A_41 : i32
        %jit3A_43 = arith.constant 1 : i32
        %select_n3A = arith.select %eq3A_42, %jit3A_43, %jit3A : i32
        %rem3A = arith.remsi %scan3A_40, %select_n3A : i32
        %ne3A = arith.constant 0 : i32
        %ne3A_44 = arith.cmpi ne, %rem3A, %ne3A : i32
        %lt3A = arith.constant 0 : i32
        %lt3A_45 = arith.cmpi slt, %rem3A, %lt3A : i32
        %lt3A_46 = arith.constant 0 : i32
        %lt3A_47 = arith.cmpi slt, %select_n3A, %lt3A_46 : i32
        %ne3A_48 = arith.xori %lt3A_45, %lt3A_47 : i1
        %and3A = arith.andi %ne3A_48, %ne3A_44 : i1
        %add3A = arith.addi %rem3A, %select_n3A : i32
        %select_n3A_49 = arith.select %and3A, %add3A, %rem3A : i32
        %eq3A_50 = arith.constant 0 : i32
        %eq3A_51 = arith.cmpi eq, %select_n3A_49, %eq3A_50 : i32
        %convert_element_type3A_52 = arith.extui %eq3A_51 : i1 to i32
        %cond3A_53 = arith.constant 0 : i32
        %cond3A_54 = arith.cmpi ne, %convert_element_type3A_52, %cond3A_53 : i32
        scf.if %cond3A_54 {
          %mul3A_76 = arith.constant 80 : i32
          %mul3A_77 = arith.muli %scan3A_40, %mul3A_76 : i32
          %dma_wait3A = tpu.memref_slice %arg13[%mul3A_77] : memref<10000xi32, #tpu.memory_space<vmem>> -> memref<80xi32, #tpu.memory_space<vmem>>
          %dma_wait3A_78 = arith.constant 0 : i32
          %dma_wait3A_79 = arith.constant 0 : i32
          %dma_wait3A_80 = tpu.memref_slice %arg4[%dma_wait3A_78, %dma_wait3A_79] : memref<10000x128xf32, #tpu.memory_space<hbm>> -> memref<10000x128xf32, #tpu.memory_space<hbm>>
          tpu.wait_indirect_dma semaphore(%arg18 : memref<!tpu.dma_semaphore, #tpu.memory_space<semaphore_mem>>) src(%dma_wait3A_80 : memref<10000x128xf32, #tpu.memory_space<hbm>>) dst(%arg15 : memref<80x128xf32, #tpu.memory_space<vmem>>)
          "tpu.region"() ({
            %run_scoped3A = tpu.sem_alloc : memref<!tpu.dma_semaphore, #tpu.memory_space<semaphore_mem>>
            %dma_start3A_88 = arith.constant 0 : i32
            %dma_start3A_89 = tpu.memref_slice %arg14[%scan3A_40, %dma_start3A_88] : memref<125x80xi32, #tpu.memory_space<vmem>> -> memref<1x80xi32, #tpu.memory_space<vmem>>
            %dma_start3A_90 = tpu.memref_squeeze %dma_start3A_89 : memref<1x80xi32, #tpu.memory_space<vmem>> -> memref<80xi32, #tpu.memory_space<vmem>>
            %dma_start3A_91 = arith.constant 0 : i32
            %dma_start3A_92 = arith.constant 0 : i32
            %dma_start3A_93 = tpu.memref_slice %arg17[%dma_start3A_91, %dma_start3A_92] : memref<10240x128xf32, #tpu.memory_space<vmem_shared>> -> memref<10240x128xf32, #tpu.memory_space<vmem_shared>>
            tpu.enqueue_indirect_dma source(%arg15 : memref<80x128xf32, #tpu.memory_space<vmem>>) target(%dma_start3A_93 : memref<10240x128xf32, #tpu.memory_space<vmem_shared>>) offsets(%dma_start3A_90 : memref<80xi32, #tpu.memory_space<vmem>>) semaphore(%run_scoped3A : memref<!tpu.dma_semaphore, #tpu.memory_space<semaphore_mem>>) {add = true}
            %dma_wait3A_94 = arith.constant 0 : i32
            %dma_wait3A_95 = tpu.memref_slice %arg14[%scan3A_40, %dma_wait3A_94] : memref<125x80xi32, #tpu.memory_space<vmem>> -> memref<1x80xi32, #tpu.memory_space<vmem>>
            %dma_wait3A_96 = tpu.memref_squeeze %dma_wait3A_95 : memref<1x80xi32, #tpu.memory_space<vmem>> -> memref<80xi32, #tpu.memory_space<vmem>>
            %dma_wait3A_97 = arith.constant 0 : i32
            %dma_wait3A_98 = arith.constant 0 : i32
            %dma_wait3A_99 = tpu.memref_slice %arg17[%dma_wait3A_97, %dma_wait3A_98] : memref<10240x128xf32, #tpu.memory_space<vmem_shared>> -> memref<10240x128xf32, #tpu.memory_space<vmem_shared>>
            tpu.wait_indirect_dma semaphore(%run_scoped3A : memref<!tpu.dma_semaphore, #tpu.memory_space<semaphore_mem>>) src(%arg15 : memref<80x128xf32, #tpu.memory_space<vmem>>) dst(%dma_wait3A_99 : memref<10240x128xf32, #tpu.memory_space<vmem_shared>>)
            tpu.yield
          }) : () -> ()
          %add3A_81 = arith.constant 2 : i32
          %add3A_82 = arith.addi %scan3A_40, %add3A_81 : i32
          %lt3A_83 = arith.constant 125 : i32
          %lt3A_84 = arith.cmpi slt, %add3A_82, %lt3A_83 : i32
          %convert_element_type3A_85 = arith.extui %lt3A_84 : i1 to i32
          %cond3A_86 = arith.constant 0 : i32
          %cond3A_87 = arith.cmpi ne, %convert_element_type3A_85, %cond3A_86 : i32
          scf.if %cond3A_87 {
            %add3A_88 = arith.constant 2 : i32
            %add3A_89 = arith.addi %scan3A_40, %add3A_88 : i32
            %mul3A_90 = arith.constant 80 : i32
            %mul3A_91 = arith.muli %add3A_89, %mul3A_90 : i32
            %dma_start3A_92 = tpu.memref_slice %arg13[%mul3A_91] : memref<10000xi32, #tpu.memory_space<vmem>> -> memref<80xi32, #tpu.memory_space<vmem>>
            %dma_start3A_93 = arith.constant 0 : i32
            %dma_start3A_94 = arith.constant 0 : i32
            %dma_start3A_95 = tpu.memref_slice %arg4[%dma_start3A_93, %dma_start3A_94] : memref<10000x128xf32, #tpu.memory_space<hbm>> -> memref<10000x128xf32, #tpu.memory_space<hbm>>
            tpu.enqueue_indirect_dma source(%dma_start3A_95 : memref<10000x128xf32, #tpu.memory_space<hbm>>) target(%arg15 : memref<80x128xf32, #tpu.memory_space<vmem>>) offsets(%dma_start3A_92 : memref<80xi32, #tpu.memory_space<vmem>>) semaphore(%arg18 : memref<!tpu.dma_semaphore, #tpu.memory_space<semaphore_mem>>)
          } else {
          }
        } else {
        }
        %jit3A_55 = arith.constant 2 : i32
        %eq3A_56 = arith.constant 0 : i32
        %eq3A_57 = arith.cmpi eq, %jit3A_55, %eq3A_56 : i32
        %jit3A_58 = arith.constant 1 : i32
        %select_n3A_59 = arith.select %eq3A_57, %jit3A_58, %jit3A_55 : i32
        %rem3A_60 = arith.remsi %scan3A_40, %select_n3A_59 : i32
        %ne3A_61 = arith.constant 0 : i32
        %ne3A_62 = arith.cmpi ne, %rem3A_60, %ne3A_61 : i32
        %lt3A_63 = arith.constant 0 : i32
        %lt3A_64 = arith.cmpi slt, %rem3A_60, %lt3A_63 : i32
        %lt3A_65 = arith.constant 0 : i32
        %lt3A_66 = arith.cmpi slt, %select_n3A_59, %lt3A_65 : i32
        %ne3A_67 = arith.xori %lt3A_64, %lt3A_66 : i1
        %and3A_68 = arith.andi %ne3A_67, %ne3A_62 : i1
        %add3A_69 = arith.addi %rem3A_60, %select_n3A_59 : i32
        %select_n3A_70 = arith.select %and3A_68, %add3A_69, %rem3A_60 : i32
        %eq3A_71 = arith.constant 1 : i32
        %eq3A_72 = arith.cmpi eq, %select_n3A_70, %eq3A_71 : i32
        %convert_element_type3A_73 = arith.extui %eq3A_72 : i1 to i32
        %cond3A_74 = arith.constant 0 : i32
        %cond3A_75 = arith.cmpi ne, %convert_element_type3A_73, %cond3A_74 : i32
        scf.if %cond3A_75 {
          %mul3A_76 = arith.constant 80 : i32
          %mul3A_77 = arith.muli %scan3A_40, %mul3A_76 : i32
          %dma_wait3A = tpu.memref_slice %arg13[%mul3A_77] : memref<10000xi32, #tpu.memory_space<vmem>> -> memref<80xi32, #tpu.memory_space<vmem>>
          %dma_wait3A_78 = arith.constant 0 : i32
          %dma_wait3A_79 = arith.constant 0 : i32
          %dma_wait3A_80 = tpu.memref_slice %arg4[%dma_wait3A_78, %dma_wait3A_79] : memref<10000x128xf32, #tpu.memory_space<hbm>> -> memref<10000x128xf32, #tpu.memory_space<hbm>>
          tpu.wait_indirect_dma semaphore(%arg19 : memref<!tpu.dma_semaphore, #tpu.memory_space<semaphore_mem>>) src(%dma_wait3A_80 : memref<10000x128xf32, #tpu.memory_space<hbm>>) dst(%arg16 : memref<80x128xf32, #tpu.memory_space<vmem>>)
          "tpu.region"() ({
            %run_scoped3A = tpu.sem_alloc : memref<!tpu.dma_semaphore, #tpu.memory_space<semaphore_mem>>
            %dma_start3A_88 = arith.constant 0 : i32
            %dma_start3A_89 = tpu.memref_slice %arg14[%scan3A_40, %dma_start3A_88] : memref<125x80xi32, #tpu.memory_space<vmem>> -> memref<1x80xi32, #tpu.memory_space<vmem>>
            %dma_start3A_90 = tpu.memref_squeeze %dma_start3A_89 : memref<1x80xi32, #tpu.memory_space<vmem>> -> memref<80xi32, #tpu.memory_space<vmem>>
            %dma_start3A_91 = arith.constant 0 : i32
            %dma_start3A_92 = arith.constant 0 : i32
            %dma_start3A_93 = tpu.memref_slice %arg17[%dma_start3A_91, %dma_start3A_92] : memref<10240x128xf32, #tpu.memory_space<vmem_shared>> -> memref<10240x128xf32, #tpu.memory_space<vmem_shared>>
            tpu.enqueue_indirect_dma source(%arg16 : memref<80x128xf32, #tpu.memory_space<vmem>>) target(%dma_start3A_93 : memref<10240x128xf32, #tpu.memory_space<vmem_shared>>) offsets(%dma_start3A_90 : memref<80xi32, #tpu.memory_space<vmem>>) semaphore(%run_scoped3A : memref<!tpu.dma_semaphore, #tpu.memory_space<semaphore_mem>>) {add = true}
            %dma_wait3A_94 = arith.constant 0 : i32
            %dma_wait3A_95 = tpu.memref_slice %arg14[%scan3A_40, %dma_wait3A_94] : memref<125x80xi32, #tpu.memory_space<vmem>> -> memref<1x80xi32, #tpu.memory_space<vmem>>
            %dma_wait3A_96 = tpu.memref_squeeze %dma_wait3A_95 : memref<1x80xi32, #tpu.memory_space<vmem>> -> memref<80xi32, #tpu.memory_space<vmem>>
            %dma_wait3A_97 = arith.constant 0 : i32
            %dma_wait3A_98 = arith.constant 0 : i32
            %dma_wait3A_99 = tpu.memref_slice %arg17[%dma_wait3A_97, %dma_wait3A_98] : memref<10240x128xf32, #tpu.memory_space<vmem_shared>> -> memref<10240x128xf32, #tpu.memory_space<vmem_shared>>
            tpu.wait_indirect_dma semaphore(%run_scoped3A : memref<!tpu.dma_semaphore, #tpu.memory_space<semaphore_mem>>) src(%arg16 : memref<80x128xf32, #tpu.memory_space<vmem>>) dst(%dma_wait3A_99 : memref<10240x128xf32, #tpu.memory_space<vmem_shared>>)
            tpu.yield
          }) : () -> ()
          %add3A_81 = arith.constant 2 : i32
          %add3A_82 = arith.addi %scan3A_40, %add3A_81 : i32
          %lt3A_83 = arith.constant 125 : i32
          %lt3A_84 = arith.cmpi slt, %add3A_82, %lt3A_83 : i32
          %convert_element_type3A_85 = arith.extui %lt3A_84 : i1 to i32
          %cond3A_86 = arith.constant 0 : i32
          %cond3A_87 = arith.cmpi ne, %convert_element_type3A_85, %cond3A_86 : i32
          scf.if %cond3A_87 {
            %add3A_88 = arith.constant 2 : i32
            %add3A_89 = arith.addi %scan3A_40, %add3A_88 : i32
            %mul3A_90 = arith.constant 80 : i32
            %mul3A_91 = arith.muli %add3A_89, %mul3A_90 : i32
            %dma_start3A_92 = tpu.memref_slice %arg13[%mul3A_91] : memref<10000xi32, #tpu.memory_space<vmem>> -> memref<80xi32, #tpu.memory_space<vmem>>
            %dma_start3A_93 = arith.constant 0 : i32
            %dma_start3A_94 = arith.constant 0 : i32
            %dma_start3A_95 = tpu.memref_slice %arg4[%dma_start3A_93, %dma_start3A_94] : memref<10000x128xf32, #tpu.memory_space<hbm>> -> memref<10000x128xf32, #tpu.memory_space<hbm>>
            tpu.enqueue_indirect_dma source(%dma_start3A_95 : memref<10000x128xf32, #tpu.memory_space<hbm>>) target(%arg16 : memref<80x128xf32, #tpu.memory_space<vmem>>) offsets(%dma_start3A_92 : memref<80xi32, #tpu.memory_space<vmem>>) semaphore(%arg19 : memref<!tpu.dma_semaphore, #tpu.memory_space<semaphore_mem>>)
          } else {
          }
        } else {
        }
      }
      %scan3A_34 = arith.constant 125 : i32
      %barrier3A_35 = arith.constant 0 : index
      tpu.barrier barrier_id(%barrier3A_35)
      %mul3A_36 = arith.constant 640 : i32
      %mul3A_37 = arith.muli %arg1, %mul3A_36 : i32
      %mul3A_38 = arith.constant 640 : i32
      %mul3A_39 = arith.muli %arg1, %mul3A_38 : i32
      "tpu.region"() ({
        %run_scoped3A = tpu.sem_alloc : memref<!tpu.dma_semaphore, #tpu.memory_space<semaphore_mem>>
        %dma_start3A_40 = arith.constant 0 : i32
        %dma_start3A_41 = tpu.memref_slice %arg11[%mul3A_39, %dma_start3A_40] : memref<10240x128xf32, #tpu.memory_space<hbm>> -> memref<640x128xf32, #tpu.memory_space<hbm>>
        %dma_start3A_42 = arith.constant 0 : i32
        %dma_start3A_43 = tpu.memref_slice %arg17[%mul3A_37, %dma_start3A_42] : memref<10240x128xf32, #tpu.memory_space<vmem_shared>> -> memref<640x128xf32, #tpu.memory_space<vmem_shared>>
        tpu.enqueue_dma source(%dma_start3A_43 : memref<640x128xf32, #tpu.memory_space<vmem_shared>>) target(%dma_start3A_41 : memref<640x128xf32, #tpu.memory_space<hbm>>) target_semaphore(%run_scoped3A : memref<!tpu.dma_semaphore, #tpu.memory_space<semaphore_mem>>)
        %dma_wait3A = arith.constant 0 : i32
        %dma_wait3A_44 = tpu.memref_slice %arg11[%mul3A_39, %dma_wait3A] : memref<10240x128xf32, #tpu.memory_space<hbm>> -> memref<640x128xf32, #tpu.memory_space<hbm>>
        %dma_wait3A_45 = arith.constant 0 : i32
        %dma_wait3A_46 = tpu.memref_slice %arg17[%mul3A_37, %dma_wait3A_45] : memref<10240x128xf32, #tpu.memory_space<vmem_shared>> -> memref<640x128xf32, #tpu.memory_space<vmem_shared>>
        tpu.wait_dma2 semaphore(%run_scoped3A : memref<!tpu.dma_semaphore, #tpu.memory_space<semaphore_mem>>) src(%dma_wait3A_46 : memref<640x128xf32, #tpu.memory_space<vmem_shared>>) dst(%dma_wait3A_44 : memref<640x128xf32, #tpu.memory_space<hbm>>)
        tpu.yield
      }) : () -> ()
    } else {
    }
    %eq3A_13 = arith.constant 1 : i32
    %eq3A_14 = arith.cmpi eq, %arg0, %eq3A_13 : i32
    %convert_element_type3A_15 = arith.extui %eq3A_14 : i1 to i32
    %cond3A_16 = arith.constant 0 : i32
    %cond3A_17 = arith.cmpi ne, %convert_element_type3A_15, %cond3A_16 : i32
    scf.if %cond3A_17 {
      %barrier3A = arith.constant 0 : index
      tpu.barrier barrier_id(%barrier3A)
      %mul3A_18 = arith.constant 640 : i32
      %mul3A_19 = arith.muli %arg1, %mul3A_18 : i32
      "tpu.region"() ({
        %run_scoped3A = tpu.sem_alloc : memref<!tpu.dma_semaphore, #tpu.memory_space<semaphore_mem>>
        %dma_start3A_40 = arith.constant 0 : i32
        %dma_start3A_41 = tpu.memref_slice %arg17[%mul3A_19, %dma_start3A_40] : memref<10240x128xf32, #tpu.memory_space<vmem_shared>> -> memref<640x128xf32, #tpu.memory_space<vmem_shared>>
        tpu.enqueue_dma source(%arg8 : memref<640x128xf32, #tpu.memory_space<hbm>>) target(%dma_start3A_41 : memref<640x128xf32, #tpu.memory_space<vmem_shared>>) target_semaphore(%run_scoped3A : memref<!tpu.dma_semaphore, #tpu.memory_space<semaphore_mem>>)
        %dma_wait3A = arith.constant 0 : i32
        %dma_wait3A_42 = tpu.memref_slice %arg17[%mul3A_19, %dma_wait3A] : memref<10240x128xf32, #tpu.memory_space<vmem_shared>> -> memref<640x128xf32, #tpu.memory_space<vmem_shared>>
        tpu.wait_dma2 semaphore(%run_scoped3A : memref<!tpu.dma_semaphore, #tpu.memory_space<semaphore_mem>>) src(%arg8 : memref<640x128xf32, #tpu.memory_space<hbm>>) dst(%dma_wait3A_42 : memref<640x128xf32, #tpu.memory_space<vmem_shared>>)
        tpu.yield
      }) : () -> ()
      %barrier3A_20 = arith.constant 0 : index
      tpu.barrier barrier_id(%barrier3A_20)
      %dma_start3A = arith.constant 0 : i32
      %dma_start3A_21 = tpu.memref_slice %arg13[%dma_start3A] : memref<10000xi32, #tpu.memory_space<vmem>> -> memref<80xi32, #tpu.memory_space<vmem>>
      %dma_start3A_22 = arith.constant 0 : i32
      %dma_start3A_23 = arith.constant 0 : i32
      %dma_start3A_24 = tpu.memref_slice %arg5[%dma_start3A_22, %dma_start3A_23] : memref<10000x128xf32, #tpu.memory_space<hbm>> -> memref<10000x128xf32, #tpu.memory_space<hbm>>
      tpu.enqueue_indirect_dma source(%dma_start3A_24 : memref<10000x128xf32, #tpu.memory_space<hbm>>) target(%arg15 : memref<80x128xf32, #tpu.memory_space<vmem>>) offsets(%dma_start3A_21 : memref<80xi32, #tpu.memory_space<vmem>>) semaphore(%arg18 : memref<!tpu.dma_semaphore, #tpu.memory_space<semaphore_mem>>)
      %dma_start3A_25 = arith.constant 80 : i32
      %dma_start3A_26 = tpu.memref_slice %arg13[%dma_start3A_25] : memref<10000xi32, #tpu.memory_space<vmem>> -> memref<80xi32, #tpu.memory_space<vmem>>
      %dma_start3A_27 = arith.constant 0 : i32
      %dma_start3A_28 = arith.constant 0 : i32
      %dma_start3A_29 = tpu.memref_slice %arg5[%dma_start3A_27, %dma_start3A_28] : memref<10000x128xf32, #tpu.memory_space<hbm>> -> memref<10000x128xf32, #tpu.memory_space<hbm>>
      tpu.enqueue_indirect_dma source(%dma_start3A_29 : memref<10000x128xf32, #tpu.memory_space<hbm>>) target(%arg16 : memref<80x128xf32, #tpu.memory_space<vmem>>) offsets(%dma_start3A_26 : memref<80xi32, #tpu.memory_space<vmem>>) semaphore(%arg19 : memref<!tpu.dma_semaphore, #tpu.memory_space<semaphore_mem>>)
      %scan3A = arith.constant 0 : i32
      %scan3A_30 = arith.constant 0 : i32
      %scan3A_31 = arith.constant 125 : i32
      %scan3A_32 = arith.addi %scan3A_30, %scan3A_31 : i32
      %scan3A_33 = arith.constant 1 : i32
      scf.for %scan3A_40 = %scan3A_30 to %scan3A_32 step %scan3A_33  : i32 {
        %jit3A = arith.constant 2 : i32
        %eq3A_41 = arith.constant 0 : i32
        %eq3A_42 = arith.cmpi eq, %jit3A, %eq3A_41 : i32
        %jit3A_43 = arith.constant 1 : i32
        %select_n3A = arith.select %eq3A_42, %jit3A_43, %jit3A : i32
        %rem3A = arith.remsi %scan3A_40, %select_n3A : i32
        %ne3A = arith.constant 0 : i32
        %ne3A_44 = arith.cmpi ne, %rem3A, %ne3A : i32
        %lt3A = arith.constant 0 : i32
        %lt3A_45 = arith.cmpi slt, %rem3A, %lt3A : i32
        %lt3A_46 = arith.constant 0 : i32
        %lt3A_47 = arith.cmpi slt, %select_n3A, %lt3A_46 : i32
        %ne3A_48 = arith.xori %lt3A_45, %lt3A_47 : i1
        %and3A = arith.andi %ne3A_48, %ne3A_44 : i1
        %add3A = arith.addi %rem3A, %select_n3A : i32
        %select_n3A_49 = arith.select %and3A, %add3A, %rem3A : i32
        %eq3A_50 = arith.constant 0 : i32
        %eq3A_51 = arith.cmpi eq, %select_n3A_49, %eq3A_50 : i32
        %convert_element_type3A_52 = arith.extui %eq3A_51 : i1 to i32
        %cond3A_53 = arith.constant 0 : i32
        %cond3A_54 = arith.cmpi ne, %convert_element_type3A_52, %cond3A_53 : i32
        scf.if %cond3A_54 {
          %mul3A_76 = arith.constant 80 : i32
          %mul3A_77 = arith.muli %scan3A_40, %mul3A_76 : i32
          %dma_wait3A = tpu.memref_slice %arg13[%mul3A_77] : memref<10000xi32, #tpu.memory_space<vmem>> -> memref<80xi32, #tpu.memory_space<vmem>>
          %dma_wait3A_78 = arith.constant 0 : i32
          %dma_wait3A_79 = arith.constant 0 : i32
          %dma_wait3A_80 = tpu.memref_slice %arg5[%dma_wait3A_78, %dma_wait3A_79] : memref<10000x128xf32, #tpu.memory_space<hbm>> -> memref<10000x128xf32, #tpu.memory_space<hbm>>
          tpu.wait_indirect_dma semaphore(%arg18 : memref<!tpu.dma_semaphore, #tpu.memory_space<semaphore_mem>>) src(%dma_wait3A_80 : memref<10000x128xf32, #tpu.memory_space<hbm>>) dst(%arg15 : memref<80x128xf32, #tpu.memory_space<vmem>>)
          "tpu.region"() ({
            %run_scoped3A = tpu.sem_alloc : memref<!tpu.dma_semaphore, #tpu.memory_space<semaphore_mem>>
            %dma_start3A_88 = arith.constant 0 : i32
            %dma_start3A_89 = tpu.memref_slice %arg14[%scan3A_40, %dma_start3A_88] : memref<125x80xi32, #tpu.memory_space<vmem>> -> memref<1x80xi32, #tpu.memory_space<vmem>>
            %dma_start3A_90 = tpu.memref_squeeze %dma_start3A_89 : memref<1x80xi32, #tpu.memory_space<vmem>> -> memref<80xi32, #tpu.memory_space<vmem>>
            %dma_start3A_91 = arith.constant 0 : i32
            %dma_start3A_92 = arith.constant 0 : i32
            %dma_start3A_93 = tpu.memref_slice %arg17[%dma_start3A_91, %dma_start3A_92] : memref<10240x128xf32, #tpu.memory_space<vmem_shared>> -> memref<10240x128xf32, #tpu.memory_space<vmem_shared>>
            tpu.enqueue_indirect_dma source(%arg15 : memref<80x128xf32, #tpu.memory_space<vmem>>) target(%dma_start3A_93 : memref<10240x128xf32, #tpu.memory_space<vmem_shared>>) offsets(%dma_start3A_90 : memref<80xi32, #tpu.memory_space<vmem>>) semaphore(%run_scoped3A : memref<!tpu.dma_semaphore, #tpu.memory_space<semaphore_mem>>) {add = true}
            %dma_wait3A_94 = arith.constant 0 : i32
            %dma_wait3A_95 = tpu.memref_slice %arg14[%scan3A_40, %dma_wait3A_94] : memref<125x80xi32, #tpu.memory_space<vmem>> -> memref<1x80xi32, #tpu.memory_space<vmem>>
            %dma_wait3A_96 = tpu.memref_squeeze %dma_wait3A_95 : memref<1x80xi32, #tpu.memory_space<vmem>> -> memref<80xi32, #tpu.memory_space<vmem>>
            %dma_wait3A_97 = arith.constant 0 : i32
            %dma_wait3A_98 = arith.constant 0 : i32
            %dma_wait3A_99 = tpu.memref_slice %arg17[%dma_wait3A_97, %dma_wait3A_98] : memref<10240x128xf32, #tpu.memory_space<vmem_shared>> -> memref<10240x128xf32, #tpu.memory_space<vmem_shared>>
            tpu.wait_indirect_dma semaphore(%run_scoped3A : memref<!tpu.dma_semaphore, #tpu.memory_space<semaphore_mem>>) src(%arg15 : memref<80x128xf32, #tpu.memory_space<vmem>>) dst(%dma_wait3A_99 : memref<10240x128xf32, #tpu.memory_space<vmem_shared>>)
            tpu.yield
          }) : () -> ()
          %add3A_81 = arith.constant 2 : i32
          %add3A_82 = arith.addi %scan3A_40, %add3A_81 : i32
          %lt3A_83 = arith.constant 125 : i32
          %lt3A_84 = arith.cmpi slt, %add3A_82, %lt3A_83 : i32
          %convert_element_type3A_85 = arith.extui %lt3A_84 : i1 to i32
          %cond3A_86 = arith.constant 0 : i32
          %cond3A_87 = arith.cmpi ne, %convert_element_type3A_85, %cond3A_86 : i32
          scf.if %cond3A_87 {
            %add3A_88 = arith.constant 2 : i32
            %add3A_89 = arith.addi %scan3A_40, %add3A_88 : i32
            %mul3A_90 = arith.constant 80 : i32
            %mul3A_91 = arith.muli %add3A_89, %mul3A_90 : i32
            %dma_start3A_92 = tpu.memref_slice %arg13[%mul3A_91] : memref<10000xi32, #tpu.memory_space<vmem>> -> memref<80xi32, #tpu.memory_space<vmem>>
            %dma_start3A_93 = arith.constant 0 : i32
            %dma_start3A_94 = arith.constant 0 : i32
            %dma_start3A_95 = tpu.memref_slice %arg5[%dma_start3A_93, %dma_start3A_94] : memref<10000x128xf32, #tpu.memory_space<hbm>> -> memref<10000x128xf32, #tpu.memory_space<hbm>>
            tpu.enqueue_indirect_dma source(%dma_start3A_95 : memref<10000x128xf32, #tpu.memory_space<hbm>>) target(%arg15 : memref<80x128xf32, #tpu.memory_space<vmem>>) offsets(%dma_start3A_92 : memref<80xi32, #tpu.memory_space<vmem>>) semaphore(%arg18 : memref<!tpu.dma_semaphore, #tpu.memory_space<semaphore_mem>>)
          } else {
          }
        } else {
        }
        %jit3A_55 = arith.constant 2 : i32
        %eq3A_56 = arith.constant 0 : i32
        %eq3A_57 = arith.cmpi eq, %jit3A_55, %eq3A_56 : i32
        %jit3A_58 = arith.constant 1 : i32
        %select_n3A_59 = arith.select %eq3A_57, %jit3A_58, %jit3A_55 : i32
        %rem3A_60 = arith.remsi %scan3A_40, %select_n3A_59 : i32
        %ne3A_61 = arith.constant 0 : i32
        %ne3A_62 = arith.cmpi ne, %rem3A_60, %ne3A_61 : i32
        %lt3A_63 = arith.constant 0 : i32
        %lt3A_64 = arith.cmpi slt, %rem3A_60, %lt3A_63 : i32
        %lt3A_65 = arith.constant 0 : i32
        %lt3A_66 = arith.cmpi slt, %select_n3A_59, %lt3A_65 : i32
        %ne3A_67 = arith.xori %lt3A_64, %lt3A_66 : i1
        %and3A_68 = arith.andi %ne3A_67, %ne3A_62 : i1
        %add3A_69 = arith.addi %rem3A_60, %select_n3A_59 : i32
        %select_n3A_70 = arith.select %and3A_68, %add3A_69, %rem3A_60 : i32
        %eq3A_71 = arith.constant 1 : i32
        %eq3A_72 = arith.cmpi eq, %select_n3A_70, %eq3A_71 : i32
        %convert_element_type3A_73 = arith.extui %eq3A_72 : i1 to i32
        %cond3A_74 = arith.constant 0 : i32
        %cond3A_75 = arith.cmpi ne, %convert_element_type3A_73, %cond3A_74 : i32
        scf.if %cond3A_75 {
          %mul3A_76 = arith.constant 80 : i32
          %mul3A_77 = arith.muli %scan3A_40, %mul3A_76 : i32
          %dma_wait3A = tpu.memref_slice %arg13[%mul3A_77] : memref<10000xi32, #tpu.memory_space<vmem>> -> memref<80xi32, #tpu.memory_space<vmem>>
          %dma_wait3A_78 = arith.constant 0 : i32
          %dma_wait3A_79 = arith.constant 0 : i32
          %dma_wait3A_80 = tpu.memref_slice %arg5[%dma_wait3A_78, %dma_wait3A_79] : memref<10000x128xf32, #tpu.memory_space<hbm>> -> memref<10000x128xf32, #tpu.memory_space<hbm>>
          tpu.wait_indirect_dma semaphore(%arg19 : memref<!tpu.dma_semaphore, #tpu.memory_space<semaphore_mem>>) src(%dma_wait3A_80 : memref<10000x128xf32, #tpu.memory_space<hbm>>) dst(%arg16 : memref<80x128xf32, #tpu.memory_space<vmem>>)
          "tpu.region"() ({
            %run_scoped3A = tpu.sem_alloc : memref<!tpu.dma_semaphore, #tpu.memory_space<semaphore_mem>>
            %dma_start3A_88 = arith.constant 0 : i32
            %dma_start3A_89 = tpu.memref_slice %arg14[%scan3A_40, %dma_start3A_88] : memref<125x80xi32, #tpu.memory_space<vmem>> -> memref<1x80xi32, #tpu.memory_space<vmem>>
            %dma_start3A_90 = tpu.memref_squeeze %dma_start3A_89 : memref<1x80xi32, #tpu.memory_space<vmem>> -> memref<80xi32, #tpu.memory_space<vmem>>
            %dma_start3A_91 = arith.constant 0 : i32
            %dma_start3A_92 = arith.constant 0 : i32
            %dma_start3A_93 = tpu.memref_slice %arg17[%dma_start3A_91, %dma_start3A_92] : memref<10240x128xf32, #tpu.memory_space<vmem_shared>> -> memref<10240x128xf32, #tpu.memory_space<vmem_shared>>
            tpu.enqueue_indirect_dma source(%arg16 : memref<80x128xf32, #tpu.memory_space<vmem>>) target(%dma_start3A_93 : memref<10240x128xf32, #tpu.memory_space<vmem_shared>>) offsets(%dma_start3A_90 : memref<80xi32, #tpu.memory_space<vmem>>) semaphore(%run_scoped3A : memref<!tpu.dma_semaphore, #tpu.memory_space<semaphore_mem>>) {add = true}
            %dma_wait3A_94 = arith.constant 0 : i32
            %dma_wait3A_95 = tpu.memref_slice %arg14[%scan3A_40, %dma_wait3A_94] : memref<125x80xi32, #tpu.memory_space<vmem>> -> memref<1x80xi32, #tpu.memory_space<vmem>>
            %dma_wait3A_96 = tpu.memref_squeeze %dma_wait3A_95 : memref<1x80xi32, #tpu.memory_space<vmem>> -> memref<80xi32, #tpu.memory_space<vmem>>
            %dma_wait3A_97 = arith.constant 0 : i32
            %dma_wait3A_98 = arith.constant 0 : i32
            %dma_wait3A_99 = tpu.memref_slice %arg17[%dma_wait3A_97, %dma_wait3A_98] : memref<10240x128xf32, #tpu.memory_space<vmem_shared>> -> memref<10240x128xf32, #tpu.memory_space<vmem_shared>>
            tpu.wait_indirect_dma semaphore(%run_scoped3A : memref<!tpu.dma_semaphore, #tpu.memory_space<semaphore_mem>>) src(%arg16 : memref<80x128xf32, #tpu.memory_space<vmem>>) dst(%dma_wait3A_99 : memref<10240x128xf32, #tpu.memory_space<vmem_shared>>)
            tpu.yield
          }) : () -> ()
          %add3A_81 = arith.constant 2 : i32
          %add3A_82 = arith.addi %scan3A_40, %add3A_81 : i32
          %lt3A_83 = arith.constant 125 : i32
          %lt3A_84 = arith.cmpi slt, %add3A_82, %lt3A_83 : i32
          %convert_element_type3A_85 = arith.extui %lt3A_84 : i1 to i32
          %cond3A_86 = arith.constant 0 : i32
          %cond3A_87 = arith.cmpi ne, %convert_element_type3A_85, %cond3A_86 : i32
          scf.if %cond3A_87 {
            %add3A_88 = arith.constant 2 : i32
            %add3A_89 = arith.addi %scan3A_40, %add3A_88 : i32
            %mul3A_90 = arith.constant 80 : i32
            %mul3A_91 = arith.muli %add3A_89, %mul3A_90 : i32
            %dma_start3A_92 = tpu.memref_slice %arg13[%mul3A_91] : memref<10000xi32, #tpu.memory_space<vmem>> -> memref<80xi32, #tpu.memory_space<vmem>>
            %dma_start3A_93 = arith.constant 0 : i32
            %dma_start3A_94 = arith.constant 0 : i32
            %dma_start3A_95 = tpu.memref_slice %arg5[%dma_start3A_93, %dma_start3A_94] : memref<10000x128xf32, #tpu.memory_space<hbm>> -> memref<10000x128xf32, #tpu.memory_space<hbm>>
            tpu.enqueue_indirect_dma source(%dma_start3A_95 : memref<10000x128xf32, #tpu.memory_space<hbm>>) target(%arg16 : memref<80x128xf32, #tpu.memory_space<vmem>>) offsets(%dma_start3A_92 : memref<80xi32, #tpu.memory_space<vmem>>) semaphore(%arg19 : memref<!tpu.dma_semaphore, #tpu.memory_space<semaphore_mem>>)
          } else {
          }
        } else {
        }
      }
      %scan3A_34 = arith.constant 125 : i32
      %barrier3A_35 = arith.constant 0 : index
      tpu.barrier barrier_id(%barrier3A_35)
      %mul3A_36 = arith.constant 640 : i32
      %mul3A_37 = arith.muli %arg1, %mul3A_36 : i32
      %mul3A_38 = arith.constant 640 : i32
      %mul3A_39 = arith.muli %arg1, %mul3A_38 : i32
      "tpu.region"() ({
        %run_scoped3A = tpu.sem_alloc : memref<!tpu.dma_semaphore, #tpu.memory_space<semaphore_mem>>
        %dma_start3A_40 = arith.constant 0 : i32
        %dma_start3A_41 = tpu.memref_slice %arg12[%mul3A_39, %dma_start3A_40] : memref<10240x128xf32, #tpu.memory_space<hbm>> -> memref<640x128xf32, #tpu.memory_space<hbm>>
        %dma_start3A_42 = arith.constant 0 : i32
        %dma_start3A_43 = tpu.memref_slice %arg17[%mul3A_37, %dma_start3A_42] : memref<10240x128xf32, #tpu.memory_space<vmem_shared>> -> memref<640x128xf32, #tpu.memory_space<vmem_shared>>
        tpu.enqueue_dma source(%dma_start3A_43 : memref<640x128xf32, #tpu.memory_space<vmem_shared>>) target(%dma_start3A_41 : memref<640x128xf32, #tpu.memory_space<hbm>>) target_semaphore(%run_scoped3A : memref<!tpu.dma_semaphore, #tpu.memory_space<semaphore_mem>>)
        %dma_wait3A = arith.constant 0 : i32
        %dma_wait3A_44 = tpu.memref_slice %arg12[%mul3A_39, %dma_wait3A] : memref<10240x128xf32, #tpu.memory_space<hbm>> -> memref<640x128xf32, #tpu.memory_space<hbm>>
        %dma_wait3A_45 = arith.constant 0 : i32
        %dma_wait3A_46 = tpu.memref_slice %arg17[%mul3A_37, %dma_wait3A_45] : memref<10240x128xf32, #tpu.memory_space<vmem_shared>> -> memref<640x128xf32, #tpu.memory_space<vmem_shared>>
        tpu.wait_dma2 semaphore(%run_scoped3A : memref<!tpu.dma_semaphore, #tpu.memory_space<semaphore_mem>>) src(%dma_wait3A_46 : memref<640x128xf32, #tpu.memory_space<vmem_shared>>) dst(%dma_wait3A_44 : memref<640x128xf32, #tpu.memory_space<hbm>>)
        tpu.yield
      }) : () -> ()
    } else {
    }
    return
  }
}

#map = affine_map<(d0, d1) -> (0, 0)>
module attributes {stable_mosaic.version = 14 : i64} {
  func.func @body(%arg0: i32, %arg1: i32, %arg2: memref<10000x128xf32, #tpu.memory_space<hbm>>, %arg3: memref<10000x128xf32, #tpu.memory_space<hbm>>, %arg4: memref<16x128xi32, #tpu.memory_space<hbm>>, %arg5: memref<2048x128xf32, #tpu.memory_space<hbm>>, %arg6: memref<2048x128xf32, #tpu.memory_space<hbm>>, %arg7: memref<128xi32, #tpu.memory_space<vmem>>, %arg8: memref<128x128xf32, #tpu.memory_space<vmem>>, %arg9: memref<!tpu.dma_semaphore, #tpu.memory_space<semaphore_mem>>) attributes {dimension_semantics = [#tpu.dimension_semantics<core_parallel>, #tpu.dimension_semantics<subcore_parallel>], iteration_bounds = array<i64: 2, 16>, scalar_prefetch = 0 : i64, scratch_operands = 3 : i64, tpu.core_type = #tpu.core_type<sc_vector_subcore>, window_params = [{transform_indices = #map}, {transform_indices = #map}, {transform_indices = #map}, {transform_indices = #map}, {transform_indices = #map}]} {
    "tpu.region"() ({
      %run_scoped3A = tpu.sem_alloc : memref<!tpu.dma_semaphore, #tpu.memory_space<semaphore_mem>>
      %dma_start3A = arith.constant 0 : i32
      %dma_start3A_7 = tpu.memref_slice %arg4[%arg1, %dma_start3A] : memref<16x128xi32, #tpu.memory_space<hbm>> -> memref<1x128xi32, #tpu.memory_space<hbm>>
      %dma_start3A_8 = tpu.memref_squeeze %dma_start3A_7 : memref<1x128xi32, #tpu.memory_space<hbm>> -> memref<128xi32, #tpu.memory_space<hbm>>
      %dma_start3A_9 = arith.constant 0 : i32
      %dma_start3A_10 = tpu.memref_slice %arg4[%arg1, %dma_start3A_9] : memref<16x128xi32, #tpu.memory_space<hbm>> -> memref<1x128xi32, #tpu.memory_space<hbm>>
      %dma_start3A_11 = tpu.memref_squeeze %dma_start3A_10 : memref<1x128xi32, #tpu.memory_space<hbm>> -> memref<128xi32, #tpu.memory_space<hbm>>
      tpu.enqueue_dma source(%dma_start3A_11 : memref<128xi32, #tpu.memory_space<hbm>>) target(%arg7 : memref<128xi32, #tpu.memory_space<vmem>>) target_semaphore(%run_scoped3A : memref<!tpu.dma_semaphore, #tpu.memory_space<semaphore_mem>>)
      %dma_wait3A = arith.constant 0 : i32
      %dma_wait3A_12 = tpu.memref_slice %arg4[%arg1, %dma_wait3A] : memref<16x128xi32, #tpu.memory_space<hbm>> -> memref<1x128xi32, #tpu.memory_space<hbm>>
      %dma_wait3A_13 = tpu.memref_squeeze %dma_wait3A_12 : memref<1x128xi32, #tpu.memory_space<hbm>> -> memref<128xi32, #tpu.memory_space<hbm>>
      %dma_wait3A_14 = arith.constant 0 : i32
      %dma_wait3A_15 = tpu.memref_slice %arg4[%arg1, %dma_wait3A_14] : memref<16x128xi32, #tpu.memory_space<hbm>> -> memref<1x128xi32, #tpu.memory_space<hbm>>
      %dma_wait3A_16 = tpu.memref_squeeze %dma_wait3A_15 : memref<1x128xi32, #tpu.memory_space<hbm>> -> memref<128xi32, #tpu.memory_space<hbm>>
      tpu.wait_dma2 semaphore(%run_scoped3A : memref<!tpu.dma_semaphore, #tpu.memory_space<semaphore_mem>>) src(%dma_wait3A_16 : memref<128xi32, #tpu.memory_space<hbm>>) dst(%arg7 : memref<128xi32, #tpu.memory_space<vmem>>)
      tpu.yield
    }) : () -> ()
    %eq3A = arith.constant 0 : i32
    %eq3A_0 = arith.cmpi eq, %arg0, %eq3A : i32
    %convert_element_type3A = arith.extui %eq3A_0 : i1 to i32
    %cond3A = arith.constant 0 : i32
    %cond3A_1 = arith.cmpi ne, %convert_element_type3A, %cond3A : i32
    scf.if %cond3A_1 {
      %dma_start3A = arith.constant 0 : i32
      %dma_start3A_7 = arith.constant 0 : i32
      %dma_start3A_8 = tpu.memref_slice %arg2[%dma_start3A, %dma_start3A_7] : memref<10000x128xf32, #tpu.memory_space<hbm>> -> memref<10000x128xf32, #tpu.memory_space<hbm>>
      tpu.enqueue_indirect_dma source(%dma_start3A_8 : memref<10000x128xf32, #tpu.memory_space<hbm>>) target(%arg8 : memref<128x128xf32, #tpu.memory_space<vmem>>) offsets(%arg7 : memref<128xi32, #tpu.memory_space<vmem>>) semaphore(%arg9 : memref<!tpu.dma_semaphore, #tpu.memory_space<semaphore_mem>>)
      %dma_wait3A = arith.constant 0 : i32
      %dma_wait3A_9 = arith.constant 0 : i32
      %dma_wait3A_10 = tpu.memref_slice %arg2[%dma_wait3A, %dma_wait3A_9] : memref<10000x128xf32, #tpu.memory_space<hbm>> -> memref<10000x128xf32, #tpu.memory_space<hbm>>
      tpu.wait_indirect_dma semaphore(%arg9 : memref<!tpu.dma_semaphore, #tpu.memory_space<semaphore_mem>>) src(%dma_wait3A_10 : memref<10000x128xf32, #tpu.memory_space<hbm>>) dst(%arg8 : memref<128x128xf32, #tpu.memory_space<vmem>>)
      %mul3A = arith.constant 128 : i32
      %mul3A_11 = arith.muli %arg1, %mul3A : i32
      "tpu.region"() ({
        %run_scoped3A = tpu.sem_alloc : memref<!tpu.dma_semaphore, #tpu.memory_space<semaphore_mem>>
        %dma_start3A_12 = arith.constant 0 : i32
        %dma_start3A_13 = tpu.memref_slice %arg5[%mul3A_11, %dma_start3A_12] : memref<2048x128xf32, #tpu.memory_space<hbm>> -> memref<128x128xf32, #tpu.memory_space<hbm>>
        %dma_start3A_14 = arith.constant 0 : i32
        %dma_start3A_15 = tpu.memref_slice %arg5[%mul3A_11, %dma_start3A_14] : memref<2048x128xf32, #tpu.memory_space<hbm>> -> memref<128x128xf32, #tpu.memory_space<hbm>>
        tpu.enqueue_dma source(%arg8 : memref<128x128xf32, #tpu.memory_space<vmem>>) target(%dma_start3A_15 : memref<128x128xf32, #tpu.memory_space<hbm>>) target_semaphore(%run_scoped3A : memref<!tpu.dma_semaphore, #tpu.memory_space<semaphore_mem>>)
        %dma_wait3A_16 = arith.constant 0 : i32
        %dma_wait3A_17 = tpu.memref_slice %arg5[%mul3A_11, %dma_wait3A_16] : memref<2048x128xf32, #tpu.memory_space<hbm>> -> memref<128x128xf32, #tpu.memory_space<hbm>>
        %dma_wait3A_18 = arith.constant 0 : i32
        %dma_wait3A_19 = tpu.memref_slice %arg5[%mul3A_11, %dma_wait3A_18] : memref<2048x128xf32, #tpu.memory_space<hbm>> -> memref<128x128xf32, #tpu.memory_space<hbm>>
        tpu.wait_dma2 semaphore(%run_scoped3A : memref<!tpu.dma_semaphore, #tpu.memory_space<semaphore_mem>>) src(%arg8 : memref<128x128xf32, #tpu.memory_space<vmem>>) dst(%dma_wait3A_19 : memref<128x128xf32, #tpu.memory_space<hbm>>)
        tpu.yield
      }) : () -> ()
    } else {
    }
    %eq3A_2 = arith.constant 1 : i32
    %eq3A_3 = arith.cmpi eq, %arg0, %eq3A_2 : i32
    %convert_element_type3A_4 = arith.extui %eq3A_3 : i1 to i32
    %cond3A_5 = arith.constant 0 : i32
    %cond3A_6 = arith.cmpi ne, %convert_element_type3A_4, %cond3A_5 : i32
    scf.if %cond3A_6 {
      %dma_start3A = arith.constant 0 : i32
      %dma_start3A_7 = arith.constant 0 : i32
      %dma_start3A_8 = tpu.memref_slice %arg3[%dma_start3A, %dma_start3A_7] : memref<10000x128xf32, #tpu.memory_space<hbm>> -> memref<10000x128xf32, #tpu.memory_space<hbm>>
      tpu.enqueue_indirect_dma source(%dma_start3A_8 : memref<10000x128xf32, #tpu.memory_space<hbm>>) target(%arg8 : memref<128x128xf32, #tpu.memory_space<vmem>>) offsets(%arg7 : memref<128xi32, #tpu.memory_space<vmem>>) semaphore(%arg9 : memref<!tpu.dma_semaphore, #tpu.memory_space<semaphore_mem>>)
      %dma_wait3A = arith.constant 0 : i32
      %dma_wait3A_9 = arith.constant 0 : i32
      %dma_wait3A_10 = tpu.memref_slice %arg3[%dma_wait3A, %dma_wait3A_9] : memref<10000x128xf32, #tpu.memory_space<hbm>> -> memref<10000x128xf32, #tpu.memory_space<hbm>>
      tpu.wait_indirect_dma semaphore(%arg9 : memref<!tpu.dma_semaphore, #tpu.memory_space<semaphore_mem>>) src(%dma_wait3A_10 : memref<10000x128xf32, #tpu.memory_space<hbm>>) dst(%arg8 : memref<128x128xf32, #tpu.memory_space<vmem>>)
      %mul3A = arith.constant 128 : i32
      %mul3A_11 = arith.muli %arg1, %mul3A : i32
      "tpu.region"() ({
        %run_scoped3A = tpu.sem_alloc : memref<!tpu.dma_semaphore, #tpu.memory_space<semaphore_mem>>
        %dma_start3A_12 = arith.constant 0 : i32
        %dma_start3A_13 = tpu.memref_slice %arg6[%mul3A_11, %dma_start3A_12] : memref<2048x128xf32, #tpu.memory_space<hbm>> -> memref<128x128xf32, #tpu.memory_space<hbm>>
        %dma_start3A_14 = arith.constant 0 : i32
        %dma_start3A_15 = tpu.memref_slice %arg6[%mul3A_11, %dma_start3A_14] : memref<2048x128xf32, #tpu.memory_space<hbm>> -> memref<128x128xf32, #tpu.memory_space<hbm>>
        tpu.enqueue_dma source(%arg8 : memref<128x128xf32, #tpu.memory_space<vmem>>) target(%dma_start3A_15 : memref<128x128xf32, #tpu.memory_space<hbm>>) target_semaphore(%run_scoped3A : memref<!tpu.dma_semaphore, #tpu.memory_space<semaphore_mem>>)
        %dma_wait3A_16 = arith.constant 0 : i32
        %dma_wait3A_17 = tpu.memref_slice %arg6[%mul3A_11, %dma_wait3A_16] : memref<2048x128xf32, #tpu.memory_space<hbm>> -> memref<128x128xf32, #tpu.memory_space<hbm>>
        %dma_wait3A_18 = arith.constant 0 : i32
        %dma_wait3A_19 = tpu.memref_slice %arg6[%mul3A_11, %dma_wait3A_18] : memref<2048x128xf32, #tpu.memory_space<hbm>> -> memref<128x128xf32, #tpu.memory_space<hbm>>
        tpu.wait_dma2 semaphore(%run_scoped3A : memref<!tpu.dma_semaphore, #tpu.memory_space<semaphore_mem>>) src(%arg8 : memref<128x128xf32, #tpu.memory_space<vmem>>) dst(%dma_wait3A_19 : memref<128x128xf32, #tpu.memory_space<hbm>>)
        tpu.yield
      }) : () -> ()
    } else {
    }
    return
  }
}

#map = affine_map<(d0, d1) -> (0, 0)>
#map1 = affine_map<(d0, d1) -> (0)>
#map2 = affine_map<(d0, d1) -> (0, 0, 0)>
module attributes {stable_mosaic.version = 14 : i64} {
  func.func @body(%arg0: i32, %arg1: i32, %arg2: memref<10000x128xf32, #tpu.memory_space<hbm>>, %arg3: memref<10000x128xf32, #tpu.memory_space<hbm>>, %arg4: memref<10000x128xf32, #tpu.memory_space<hbm>>, %arg5: memref<10000x128xf32, #tpu.memory_space<hbm>>, %arg6: memref<160000xi32, #tpu.memory_space<hbm>>, %arg7: memref<16x125x80xi32, #tpu.memory_space<hbm>>, %arg8: memref<640x128xf32, #tpu.memory_space<hbm>>, %arg9: memref<10240x128xf32, #tpu.memory_space<hbm>>, %arg10: memref<10240x128xf32, #tpu.memory_space<hbm>>, %arg11: memref<10240x128xf32, #tpu.memory_space<hbm>>, %arg12: memref<10240x128xf32, #tpu.memory_space<hbm>>, %arg13: memref<10000xi32, #tpu.memory_space<vmem>>, %arg14: memref<125x80xi32, #tpu.memory_space<vmem>>, %arg15: memref<80x128xf32, #tpu.memory_space<vmem>>, %arg16: memref<80x128xf32, #tpu.memory_space<vmem>>, %arg17: memref<10240x128xf32, #tpu.memory_space<vmem_shared>>, %arg18: memref<!tpu.dma_semaphore, #tpu.memory_space<semaphore_mem>>, %arg19: memref<!tpu.dma_semaphore, #tpu.memory_space<semaphore_mem>>) attributes {dimension_semantics = [#tpu.dimension_semantics<core_parallel>, #tpu.dimension_semantics<subcore_parallel>], iteration_bounds = array<i64: 2, 16>, scalar_prefetch = 0 : i64, scratch_operands = 7 : i64, tpu.core_type = #tpu.core_type<sc_vector_subcore>, window_params = [{transform_indices = #map}, {transform_indices = #map}, {transform_indices = #map}, {transform_indices = #map}, {transform_indices = #map1}, {transform_indices = #map2}, {transform_indices = #map}, {transform_indices = #map}, {transform_indices = #map}, {transform_indices = #map}, {transform_indices = #map}]} {
    %mul3A = arith.constant 10000 : i32
    %mul3A_0 = arith.muli %arg1, %mul3A : i32
    "tpu.region"() ({
      %run_scoped3A = tpu.sem_alloc : memref<!tpu.dma_semaphore, #tpu.memory_space<semaphore_mem>>
      %dma_start3A = tpu.memref_slice %arg6[%mul3A_0] : memref<160000xi32, #tpu.memory_space<hbm>> -> memref<10000xi32, #tpu.memory_space<hbm>>
      %dma_start3A_18 = tpu.memref_slice %arg6[%mul3A_0] : memref<160000xi32, #tpu.memory_space<hbm>> -> memref<10000xi32, #tpu.memory_space<hbm>>
      tpu.enqueue_dma source(%dma_start3A_18 : memref<10000xi32, #tpu.memory_space<hbm>>) target(%arg13 : memref<10000xi32, #tpu.memory_space<vmem>>) target_semaphore(%run_scoped3A : memref<!tpu.dma_semaphore, #tpu.memory_space<semaphore_mem>>)
      %dma_wait3A = tpu.memref_slice %arg6[%mul3A_0] : memref<160000xi32, #tpu.memory_space<hbm>> -> memref<10000xi32, #tpu.memory_space<hbm>>
      %dma_wait3A_19 = tpu.memref_slice %arg6[%mul3A_0] : memref<160000xi32, #tpu.memory_space<hbm>> -> memref<10000xi32, #tpu.memory_space<hbm>>
      tpu.wait_dma2 semaphore(%run_scoped3A : memref<!tpu.dma_semaphore, #tpu.memory_space<semaphore_mem>>) src(%dma_wait3A_19 : memref<10000xi32, #tpu.memory_space<hbm>>) dst(%arg13 : memref<10000xi32, #tpu.memory_space<vmem>>)
      tpu.yield
    }) : () -> ()
    "tpu.region"() ({
      %run_scoped3A = tpu.sem_alloc : memref<!tpu.dma_semaphore, #tpu.memory_space<semaphore_mem>>
      %dma_start3A = arith.constant 0 : i32
      %dma_start3A_18 = arith.constant 0 : i32
      %dma_start3A_19 = tpu.memref_slice %arg7[%arg1, %dma_start3A, %dma_start3A_18] : memref<16x125x80xi32, #tpu.memory_space<hbm>> -> memref<1x125x80xi32, #tpu.memory_space<hbm>>
      %dma_start3A_20 = tpu.memref_squeeze %dma_start3A_19 : memref<1x125x80xi32, #tpu.memory_space<hbm>> -> memref<125x80xi32, #tpu.memory_space<hbm>>
      %dma_start3A_21 = arith.constant 0 : i32
      %dma_start3A_22 = arith.constant 0 : i32
      %dma_start3A_23 = tpu.memref_slice %arg7[%arg1, %dma_start3A_21, %dma_start3A_22] : memref<16x125x80xi32, #tpu.memory_space<hbm>> -> memref<1x125x80xi32, #tpu.memory_space<hbm>>
      %dma_start3A_24 = tpu.memref_squeeze %dma_start3A_23 : memref<1x125x80xi32, #tpu.memory_space<hbm>> -> memref<125x80xi32, #tpu.memory_space<hbm>>
      tpu.enqueue_dma source(%dma_start3A_24 : memref<125x80xi32, #tpu.memory_space<hbm>>) target(%arg14 : memref<125x80xi32, #tpu.memory_space<vmem>>) target_semaphore(%run_scoped3A : memref<!tpu.dma_semaphore, #tpu.memory_space<semaphore_mem>>)
      %dma_wait3A = arith.constant 0 : i32
      %dma_wait3A_25 = arith.constant 0 : i32
      %dma_wait3A_26 = tpu.memref_slice %arg7[%arg1, %dma_wait3A, %dma_wait3A_25] : memref<16x125x80xi32, #tpu.memory_space<hbm>> -> memref<1x125x80xi32, #tpu.memory_space<hbm>>
      %dma_wait3A_27 = tpu.memref_squeeze %dma_wait3A_26 : memref<1x125x80xi32, #tpu.memory_space<hbm>> -> memref<125x80xi32, #tpu.memory_space<hbm>>
      %dma_wait3A_28 = arith.constant 0 : i32
      %dma_wait3A_29 = arith.constant 0 : i32
      %dma_wait3A_30 = tpu.memref_slice %arg7[%arg1, %dma_wait3A_28, %dma_wait3A_29] : memref<16x125x80xi32, #tpu.memory_space<hbm>> -> memref<1x125x80xi32, #tpu.memory_space<hbm>>
      %dma_wait3A_31 = tpu.memref_squeeze %dma_wait3A_30 : memref<1x125x80xi32, #tpu.memory_space<hbm>> -> memref<125x80xi32, #tpu.memory_space<hbm>>
      tpu.wait_dma2 semaphore(%run_scoped3A : memref<!tpu.dma_semaphore, #tpu.memory_space<semaphore_mem>>) src(%dma_wait3A_31 : memref<125x80xi32, #tpu.memory_space<hbm>>) dst(%arg14 : memref<125x80xi32, #tpu.memory_space<vmem>>)
      tpu.yield
    }) : () -> ()
    %eq3A = arith.constant 0 : i32
    %eq3A_1 = arith.cmpi eq, %arg0, %eq3A : i32
    %convert_element_type3A = arith.extui %eq3A_1 : i1 to i32
    %cond3A = arith.constant 0 : i32
    %cond3A_2 = arith.cmpi ne, %convert_element_type3A, %cond3A : i32
    scf.if %cond3A_2 {
      %barrier3A = arith.constant 0 : index
      tpu.barrier barrier_id(%barrier3A)
      %mul3A_18 = arith.constant 640 : i32
      %mul3A_19 = arith.muli %arg1, %mul3A_18 : i32
      "tpu.region"() ({
        %run_scoped3A = tpu.sem_alloc : memref<!tpu.dma_semaphore, #tpu.memory_space<semaphore_mem>>
        %dma_start3A_40 = arith.constant 0 : i32
        %dma_start3A_41 = tpu.memref_slice %arg17[%mul3A_19, %dma_start3A_40] : memref<10240x128xf32, #tpu.memory_space<vmem_shared>> -> memref<640x128xf32, #tpu.memory_space<vmem_shared>>
        tpu.enqueue_dma source(%arg8 : memref<640x128xf32, #tpu.memory_space<hbm>>) target(%dma_start3A_41 : memref<640x128xf32, #tpu.memory_space<vmem_shared>>) target_semaphore(%run_scoped3A : memref<!tpu.dma_semaphore, #tpu.memory_space<semaphore_mem>>)
        %dma_wait3A = arith.constant 0 : i32
        %dma_wait3A_42 = tpu.memref_slice %arg17[%mul3A_19, %dma_wait3A] : memref<10240x128xf32, #tpu.memory_space<vmem_shared>> -> memref<640x128xf32, #tpu.memory_space<vmem_shared>>
        tpu.wait_dma2 semaphore(%run_scoped3A : memref<!tpu.dma_semaphore, #tpu.memory_space<semaphore_mem>>) src(%arg8 : memref<640x128xf32, #tpu.memory_space<hbm>>) dst(%dma_wait3A_42 : memref<640x128xf32, #tpu.memory_space<vmem_shared>>)
        tpu.yield
      }) : () -> ()
      %barrier3A_20 = arith.constant 0 : index
      tpu.barrier barrier_id(%barrier3A_20)
      %dma_start3A = arith.constant 0 : i32
      %dma_start3A_21 = tpu.memref_slice %arg13[%dma_start3A] : memref<10000xi32, #tpu.memory_space<vmem>> -> memref<80xi32, #tpu.memory_space<vmem>>
      %dma_start3A_22 = arith.constant 0 : i32
      %dma_start3A_23 = arith.constant 0 : i32
      %dma_start3A_24 = tpu.memref_slice %arg2[%dma_start3A_22, %dma_start3A_23] : memref<10000x128xf32, #tpu.memory_space<hbm>> -> memref<10000x128xf32, #tpu.memory_space<hbm>>
      tpu.enqueue_indirect_dma source(%dma_start3A_24 : memref<10000x128xf32, #tpu.memory_space<hbm>>) target(%arg15 : memref<80x128xf32, #tpu.memory_space<vmem>>) offsets(%dma_start3A_21 : memref<80xi32, #tpu.memory_space<vmem>>) semaphore(%arg18 : memref<!tpu.dma_semaphore, #tpu.memory_space<semaphore_mem>>)
      %dma_start3A_25 = arith.constant 80 : i32
      %dma_start3A_26 = tpu.memref_slice %arg13[%dma_start3A_25] : memref<10000xi32, #tpu.memory_space<vmem>> -> memref<80xi32, #tpu.memory_space<vmem>>
      %dma_start3A_27 = arith.constant 0 : i32
      %dma_start3A_28 = arith.constant 0 : i32
      %dma_start3A_29 = tpu.memref_slice %arg2[%dma_start3A_27, %dma_start3A_28] : memref<10000x128xf32, #tpu.memory_space<hbm>> -> memref<10000x128xf32, #tpu.memory_space<hbm>>
      tpu.enqueue_indirect_dma source(%dma_start3A_29 : memref<10000x128xf32, #tpu.memory_space<hbm>>) target(%arg16 : memref<80x128xf32, #tpu.memory_space<vmem>>) offsets(%dma_start3A_26 : memref<80xi32, #tpu.memory_space<vmem>>) semaphore(%arg19 : memref<!tpu.dma_semaphore, #tpu.memory_space<semaphore_mem>>)
      %scan3A = arith.constant 0 : i32
      %scan3A_30 = arith.constant 0 : i32
      %scan3A_31 = arith.constant 125 : i32
      %scan3A_32 = arith.addi %scan3A_30, %scan3A_31 : i32
      %scan3A_33 = arith.constant 1 : i32
      scf.for %scan3A_40 = %scan3A_30 to %scan3A_32 step %scan3A_33  : i32 {
        %jit3A = arith.constant 2 : i32
        %eq3A_41 = arith.constant 0 : i32
        %eq3A_42 = arith.cmpi eq, %jit3A, %eq3A_41 : i32
        %jit3A_43 = arith.constant 1 : i32
        %select_n3A = arith.select %eq3A_42, %jit3A_43, %jit3A : i32
        %rem3A = arith.remsi %scan3A_40, %select_n3A : i32
        %ne3A = arith.constant 0 : i32
        %ne3A_44 = arith.cmpi ne, %rem3A, %ne3A : i32
        %lt3A = arith.constant 0 : i32
        %lt3A_45 = arith.cmpi slt, %rem3A, %lt3A : i32
        %lt3A_46 = arith.constant 0 : i32
        %lt3A_47 = arith.cmpi slt, %select_n3A, %lt3A_46 : i32
        %ne3A_48 = arith.xori %lt3A_45, %lt3A_47 : i1
        %and3A = arith.andi %ne3A_48, %ne3A_44 : i1
        %add3A = arith.addi %rem3A, %select_n3A : i32
        %select_n3A_49 = arith.select %and3A, %add3A, %rem3A : i32
        %eq3A_50 = arith.constant 0 : i32
        %eq3A_51 = arith.cmpi eq, %select_n3A_49, %eq3A_50 : i32
        %convert_element_type3A_52 = arith.extui %eq3A_51 : i1 to i32
        %cond3A_53 = arith.constant 0 : i32
        %cond3A_54 = arith.cmpi ne, %convert_element_type3A_52, %cond3A_53 : i32
        scf.if %cond3A_54 {
          %mul3A_76 = arith.constant 80 : i32
          %mul3A_77 = arith.muli %scan3A_40, %mul3A_76 : i32
          %dma_wait3A = tpu.memref_slice %arg13[%mul3A_77] : memref<10000xi32, #tpu.memory_space<vmem>> -> memref<80xi32, #tpu.memory_space<vmem>>
          %dma_wait3A_78 = arith.constant 0 : i32
          %dma_wait3A_79 = arith.constant 0 : i32
          %dma_wait3A_80 = tpu.memref_slice %arg2[%dma_wait3A_78, %dma_wait3A_79] : memref<10000x128xf32, #tpu.memory_space<hbm>> -> memref<10000x128xf32, #tpu.memory_space<hbm>>
          tpu.wait_indirect_dma semaphore(%arg18 : memref<!tpu.dma_semaphore, #tpu.memory_space<semaphore_mem>>) src(%dma_wait3A_80 : memref<10000x128xf32, #tpu.memory_space<hbm>>) dst(%arg15 : memref<80x128xf32, #tpu.memory_space<vmem>>)
          "tpu.region"() ({
            %run_scoped3A = tpu.sem_alloc : memref<!tpu.dma_semaphore, #tpu.memory_space<semaphore_mem>>
            %dma_start3A_88 = arith.constant 0 : i32
            %dma_start3A_89 = tpu.memref_slice %arg14[%scan3A_40, %dma_start3A_88] : memref<125x80xi32, #tpu.memory_space<vmem>> -> memref<1x80xi32, #tpu.memory_space<vmem>>
            %dma_start3A_90 = tpu.memref_squeeze %dma_start3A_89 : memref<1x80xi32, #tpu.memory_space<vmem>> -> memref<80xi32, #tpu.memory_space<vmem>>
            %dma_start3A_91 = arith.constant 0 : i32
            %dma_start3A_92 = arith.constant 0 : i32
            %dma_start3A_93 = tpu.memref_slice %arg17[%dma_start3A_91, %dma_start3A_92] : memref<10240x128xf32, #tpu.memory_space<vmem_shared>> -> memref<10240x128xf32, #tpu.memory_space<vmem_shared>>
            tpu.enqueue_indirect_dma source(%arg15 : memref<80x128xf32, #tpu.memory_space<vmem>>) target(%dma_start3A_93 : memref<10240x128xf32, #tpu.memory_space<vmem_shared>>) offsets(%dma_start3A_90 : memref<80xi32, #tpu.memory_space<vmem>>) semaphore(%run_scoped3A : memref<!tpu.dma_semaphore, #tpu.memory_space<semaphore_mem>>) {add = true}
            %dma_wait3A_94 = arith.constant 0 : i32
            %dma_wait3A_95 = tpu.memref_slice %arg14[%scan3A_40, %dma_wait3A_94] : memref<125x80xi32, #tpu.memory_space<vmem>> -> memref<1x80xi32, #tpu.memory_space<vmem>>
            %dma_wait3A_96 = tpu.memref_squeeze %dma_wait3A_95 : memref<1x80xi32, #tpu.memory_space<vmem>> -> memref<80xi32, #tpu.memory_space<vmem>>
            %dma_wait3A_97 = arith.constant 0 : i32
            %dma_wait3A_98 = arith.constant 0 : i32
            %dma_wait3A_99 = tpu.memref_slice %arg17[%dma_wait3A_97, %dma_wait3A_98] : memref<10240x128xf32, #tpu.memory_space<vmem_shared>> -> memref<10240x128xf32, #tpu.memory_space<vmem_shared>>
            tpu.wait_indirect_dma semaphore(%run_scoped3A : memref<!tpu.dma_semaphore, #tpu.memory_space<semaphore_mem>>) src(%arg15 : memref<80x128xf32, #tpu.memory_space<vmem>>) dst(%dma_wait3A_99 : memref<10240x128xf32, #tpu.memory_space<vmem_shared>>)
            tpu.yield
          }) : () -> ()
          %add3A_81 = arith.constant 2 : i32
          %add3A_82 = arith.addi %scan3A_40, %add3A_81 : i32
          %lt3A_83 = arith.constant 125 : i32
          %lt3A_84 = arith.cmpi slt, %add3A_82, %lt3A_83 : i32
          %convert_element_type3A_85 = arith.extui %lt3A_84 : i1 to i32
          %cond3A_86 = arith.constant 0 : i32
          %cond3A_87 = arith.cmpi ne, %convert_element_type3A_85, %cond3A_86 : i32
          scf.if %cond3A_87 {
            %add3A_88 = arith.constant 2 : i32
            %add3A_89 = arith.addi %scan3A_40, %add3A_88 : i32
            %mul3A_90 = arith.constant 80 : i32
            %mul3A_91 = arith.muli %add3A_89, %mul3A_90 : i32
            %dma_start3A_92 = tpu.memref_slice %arg13[%mul3A_91] : memref<10000xi32, #tpu.memory_space<vmem>> -> memref<80xi32, #tpu.memory_space<vmem>>
            %dma_start3A_93 = arith.constant 0 : i32
            %dma_start3A_94 = arith.constant 0 : i32
            %dma_start3A_95 = tpu.memref_slice %arg2[%dma_start3A_93, %dma_start3A_94] : memref<10000x128xf32, #tpu.memory_space<hbm>> -> memref<10000x128xf32, #tpu.memory_space<hbm>>
            tpu.enqueue_indirect_dma source(%dma_start3A_95 : memref<10000x128xf32, #tpu.memory_space<hbm>>) target(%arg15 : memref<80x128xf32, #tpu.memory_space<vmem>>) offsets(%dma_start3A_92 : memref<80xi32, #tpu.memory_space<vmem>>) semaphore(%arg18 : memref<!tpu.dma_semaphore, #tpu.memory_space<semaphore_mem>>)
          } else {
          }
        } else {
        }
        %jit3A_55 = arith.constant 2 : i32
        %eq3A_56 = arith.constant 0 : i32
        %eq3A_57 = arith.cmpi eq, %jit3A_55, %eq3A_56 : i32
        %jit3A_58 = arith.constant 1 : i32
        %select_n3A_59 = arith.select %eq3A_57, %jit3A_58, %jit3A_55 : i32
        %rem3A_60 = arith.remsi %scan3A_40, %select_n3A_59 : i32
        %ne3A_61 = arith.constant 0 : i32
        %ne3A_62 = arith.cmpi ne, %rem3A_60, %ne3A_61 : i32
        %lt3A_63 = arith.constant 0 : i32
        %lt3A_64 = arith.cmpi slt, %rem3A_60, %lt3A_63 : i32
        %lt3A_65 = arith.constant 0 : i32
        %lt3A_66 = arith.cmpi slt, %select_n3A_59, %lt3A_65 : i32
        %ne3A_67 = arith.xori %lt3A_64, %lt3A_66 : i1
        %and3A_68 = arith.andi %ne3A_67, %ne3A_62 : i1
        %add3A_69 = arith.addi %rem3A_60, %select_n3A_59 : i32
        %select_n3A_70 = arith.select %and3A_68, %add3A_69, %rem3A_60 : i32
        %eq3A_71 = arith.constant 1 : i32
        %eq3A_72 = arith.cmpi eq, %select_n3A_70, %eq3A_71 : i32
        %convert_element_type3A_73 = arith.extui %eq3A_72 : i1 to i32
        %cond3A_74 = arith.constant 0 : i32
        %cond3A_75 = arith.cmpi ne, %convert_element_type3A_73, %cond3A_74 : i32
        scf.if %cond3A_75 {
          %mul3A_76 = arith.constant 80 : i32
          %mul3A_77 = arith.muli %scan3A_40, %mul3A_76 : i32
          %dma_wait3A = tpu.memref_slice %arg13[%mul3A_77] : memref<10000xi32, #tpu.memory_space<vmem>> -> memref<80xi32, #tpu.memory_space<vmem>>
          %dma_wait3A_78 = arith.constant 0 : i32
          %dma_wait3A_79 = arith.constant 0 : i32
          %dma_wait3A_80 = tpu.memref_slice %arg2[%dma_wait3A_78, %dma_wait3A_79] : memref<10000x128xf32, #tpu.memory_space<hbm>> -> memref<10000x128xf32, #tpu.memory_space<hbm>>
          tpu.wait_indirect_dma semaphore(%arg19 : memref<!tpu.dma_semaphore, #tpu.memory_space<semaphore_mem>>) src(%dma_wait3A_80 : memref<10000x128xf32, #tpu.memory_space<hbm>>) dst(%arg16 : memref<80x128xf32, #tpu.memory_space<vmem>>)
          "tpu.region"() ({
            %run_scoped3A = tpu.sem_alloc : memref<!tpu.dma_semaphore, #tpu.memory_space<semaphore_mem>>
            %dma_start3A_88 = arith.constant 0 : i32
            %dma_start3A_89 = tpu.memref_slice %arg14[%scan3A_40, %dma_start3A_88] : memref<125x80xi32, #tpu.memory_space<vmem>> -> memref<1x80xi32, #tpu.memory_space<vmem>>
            %dma_start3A_90 = tpu.memref_squeeze %dma_start3A_89 : memref<1x80xi32, #tpu.memory_space<vmem>> -> memref<80xi32, #tpu.memory_space<vmem>>
            %dma_start3A_91 = arith.constant 0 : i32
            %dma_start3A_92 = arith.constant 0 : i32
            %dma_start3A_93 = tpu.memref_slice %arg17[%dma_start3A_91, %dma_start3A_92] : memref<10240x128xf32, #tpu.memory_space<vmem_shared>> -> memref<10240x128xf32, #tpu.memory_space<vmem_shared>>
            tpu.enqueue_indirect_dma source(%arg16 : memref<80x128xf32, #tpu.memory_space<vmem>>) target(%dma_start3A_93 : memref<10240x128xf32, #tpu.memory_space<vmem_shared>>) offsets(%dma_start3A_90 : memref<80xi32, #tpu.memory_space<vmem>>) semaphore(%run_scoped3A : memref<!tpu.dma_semaphore, #tpu.memory_space<semaphore_mem>>) {add = true}
            %dma_wait3A_94 = arith.constant 0 : i32
            %dma_wait3A_95 = tpu.memref_slice %arg14[%scan3A_40, %dma_wait3A_94] : memref<125x80xi32, #tpu.memory_space<vmem>> -> memref<1x80xi32, #tpu.memory_space<vmem>>
            %dma_wait3A_96 = tpu.memref_squeeze %dma_wait3A_95 : memref<1x80xi32, #tpu.memory_space<vmem>> -> memref<80xi32, #tpu.memory_space<vmem>>
            %dma_wait3A_97 = arith.constant 0 : i32
            %dma_wait3A_98 = arith.constant 0 : i32
            %dma_wait3A_99 = tpu.memref_slice %arg17[%dma_wait3A_97, %dma_wait3A_98] : memref<10240x128xf32, #tpu.memory_space<vmem_shared>> -> memref<10240x128xf32, #tpu.memory_space<vmem_shared>>
            tpu.wait_indirect_dma semaphore(%run_scoped3A : memref<!tpu.dma_semaphore, #tpu.memory_space<semaphore_mem>>) src(%arg16 : memref<80x128xf32, #tpu.memory_space<vmem>>) dst(%dma_wait3A_99 : memref<10240x128xf32, #tpu.memory_space<vmem_shared>>)
            tpu.yield
          }) : () -> ()
          %add3A_81 = arith.constant 2 : i32
          %add3A_82 = arith.addi %scan3A_40, %add3A_81 : i32
          %lt3A_83 = arith.constant 125 : i32
          %lt3A_84 = arith.cmpi slt, %add3A_82, %lt3A_83 : i32
          %convert_element_type3A_85 = arith.extui %lt3A_84 : i1 to i32
          %cond3A_86 = arith.constant 0 : i32
          %cond3A_87 = arith.cmpi ne, %convert_element_type3A_85, %cond3A_86 : i32
          scf.if %cond3A_87 {
            %add3A_88 = arith.constant 2 : i32
            %add3A_89 = arith.addi %scan3A_40, %add3A_88 : i32
            %mul3A_90 = arith.constant 80 : i32
            %mul3A_91 = arith.muli %add3A_89, %mul3A_90 : i32
            %dma_start3A_92 = tpu.memref_slice %arg13[%mul3A_91] : memref<10000xi32, #tpu.memory_space<vmem>> -> memref<80xi32, #tpu.memory_space<vmem>>
            %dma_start3A_93 = arith.constant 0 : i32
            %dma_start3A_94 = arith.constant 0 : i32
            %dma_start3A_95 = tpu.memref_slice %arg2[%dma_start3A_93, %dma_start3A_94] : memref<10000x128xf32, #tpu.memory_space<hbm>> -> memref<10000x128xf32, #tpu.memory_space<hbm>>
            tpu.enqueue_indirect_dma source(%dma_start3A_95 : memref<10000x128xf32, #tpu.memory_space<hbm>>) target(%arg16 : memref<80x128xf32, #tpu.memory_space<vmem>>) offsets(%dma_start3A_92 : memref<80xi32, #tpu.memory_space<vmem>>) semaphore(%arg19 : memref<!tpu.dma_semaphore, #tpu.memory_space<semaphore_mem>>)
          } else {
          }
        } else {
        }
      }
      %scan3A_34 = arith.constant 125 : i32
      %barrier3A_35 = arith.constant 0 : index
      tpu.barrier barrier_id(%barrier3A_35)
      %mul3A_36 = arith.constant 640 : i32
      %mul3A_37 = arith.muli %arg1, %mul3A_36 : i32
      %mul3A_38 = arith.constant 640 : i32
      %mul3A_39 = arith.muli %arg1, %mul3A_38 : i32
      "tpu.region"() ({
        %run_scoped3A = tpu.sem_alloc : memref<!tpu.dma_semaphore, #tpu.memory_space<semaphore_mem>>
        %dma_start3A_40 = arith.constant 0 : i32
        %dma_start3A_41 = tpu.memref_slice %arg9[%mul3A_39, %dma_start3A_40] : memref<10240x128xf32, #tpu.memory_space<hbm>> -> memref<640x128xf32, #tpu.memory_space<hbm>>
        %dma_start3A_42 = arith.constant 0 : i32
        %dma_start3A_43 = tpu.memref_slice %arg17[%mul3A_37, %dma_start3A_42] : memref<10240x128xf32, #tpu.memory_space<vmem_shared>> -> memref<640x128xf32, #tpu.memory_space<vmem_shared>>
        tpu.enqueue_dma source(%dma_start3A_43 : memref<640x128xf32, #tpu.memory_space<vmem_shared>>) target(%dma_start3A_41 : memref<640x128xf32, #tpu.memory_space<hbm>>) target_semaphore(%run_scoped3A : memref<!tpu.dma_semaphore, #tpu.memory_space<semaphore_mem>>)
        %dma_wait3A = arith.constant 0 : i32
        %dma_wait3A_44 = tpu.memref_slice %arg9[%mul3A_39, %dma_wait3A] : memref<10240x128xf32, #tpu.memory_space<hbm>> -> memref<640x128xf32, #tpu.memory_space<hbm>>
        %dma_wait3A_45 = arith.constant 0 : i32
        %dma_wait3A_46 = tpu.memref_slice %arg17[%mul3A_37, %dma_wait3A_45] : memref<10240x128xf32, #tpu.memory_space<vmem_shared>> -> memref<640x128xf32, #tpu.memory_space<vmem_shared>>
        tpu.wait_dma2 semaphore(%run_scoped3A : memref<!tpu.dma_semaphore, #tpu.memory_space<semaphore_mem>>) src(%dma_wait3A_46 : memref<640x128xf32, #tpu.memory_space<vmem_shared>>) dst(%dma_wait3A_44 : memref<640x128xf32, #tpu.memory_space<hbm>>)
        tpu.yield
      }) : () -> ()
    } else {
    }
    %eq3A_3 = arith.constant 1 : i32
    %eq3A_4 = arith.cmpi eq, %arg0, %eq3A_3 : i32
    %convert_element_type3A_5 = arith.extui %eq3A_4 : i1 to i32
    %cond3A_6 = arith.constant 0 : i32
    %cond3A_7 = arith.cmpi ne, %convert_element_type3A_5, %cond3A_6 : i32
    scf.if %cond3A_7 {
      %barrier3A = arith.constant 0 : index
      tpu.barrier barrier_id(%barrier3A)
      %mul3A_18 = arith.constant 640 : i32
      %mul3A_19 = arith.muli %arg1, %mul3A_18 : i32
      "tpu.region"() ({
        %run_scoped3A = tpu.sem_alloc : memref<!tpu.dma_semaphore, #tpu.memory_space<semaphore_mem>>
        %dma_start3A_40 = arith.constant 0 : i32
        %dma_start3A_41 = tpu.memref_slice %arg17[%mul3A_19, %dma_start3A_40] : memref<10240x128xf32, #tpu.memory_space<vmem_shared>> -> memref<640x128xf32, #tpu.memory_space<vmem_shared>>
        tpu.enqueue_dma source(%arg8 : memref<640x128xf32, #tpu.memory_space<hbm>>) target(%dma_start3A_41 : memref<640x128xf32, #tpu.memory_space<vmem_shared>>) target_semaphore(%run_scoped3A : memref<!tpu.dma_semaphore, #tpu.memory_space<semaphore_mem>>)
        %dma_wait3A = arith.constant 0 : i32
        %dma_wait3A_42 = tpu.memref_slice %arg17[%mul3A_19, %dma_wait3A] : memref<10240x128xf32, #tpu.memory_space<vmem_shared>> -> memref<640x128xf32, #tpu.memory_space<vmem_shared>>
        tpu.wait_dma2 semaphore(%run_scoped3A : memref<!tpu.dma_semaphore, #tpu.memory_space<semaphore_mem>>) src(%arg8 : memref<640x128xf32, #tpu.memory_space<hbm>>) dst(%dma_wait3A_42 : memref<640x128xf32, #tpu.memory_space<vmem_shared>>)
        tpu.yield
      }) : () -> ()
      %barrier3A_20 = arith.constant 0 : index
      tpu.barrier barrier_id(%barrier3A_20)
      %dma_start3A = arith.constant 0 : i32
      %dma_start3A_21 = tpu.memref_slice %arg13[%dma_start3A] : memref<10000xi32, #tpu.memory_space<vmem>> -> memref<80xi32, #tpu.memory_space<vmem>>
      %dma_start3A_22 = arith.constant 0 : i32
      %dma_start3A_23 = arith.constant 0 : i32
      %dma_start3A_24 = tpu.memref_slice %arg3[%dma_start3A_22, %dma_start3A_23] : memref<10000x128xf32, #tpu.memory_space<hbm>> -> memref<10000x128xf32, #tpu.memory_space<hbm>>
      tpu.enqueue_indirect_dma source(%dma_start3A_24 : memref<10000x128xf32, #tpu.memory_space<hbm>>) target(%arg15 : memref<80x128xf32, #tpu.memory_space<vmem>>) offsets(%dma_start3A_21 : memref<80xi32, #tpu.memory_space<vmem>>) semaphore(%arg18 : memref<!tpu.dma_semaphore, #tpu.memory_space<semaphore_mem>>)
      %dma_start3A_25 = arith.constant 80 : i32
      %dma_start3A_26 = tpu.memref_slice %arg13[%dma_start3A_25] : memref<10000xi32, #tpu.memory_space<vmem>> -> memref<80xi32, #tpu.memory_space<vmem>>
      %dma_start3A_27 = arith.constant 0 : i32
      %dma_start3A_28 = arith.constant 0 : i32
      %dma_start3A_29 = tpu.memref_slice %arg3[%dma_start3A_27, %dma_start3A_28] : memref<10000x128xf32, #tpu.memory_space<hbm>> -> memref<10000x128xf32, #tpu.memory_space<hbm>>
      tpu.enqueue_indirect_dma source(%dma_start3A_29 : memref<10000x128xf32, #tpu.memory_space<hbm>>) target(%arg16 : memref<80x128xf32, #tpu.memory_space<vmem>>) offsets(%dma_start3A_26 : memref<80xi32, #tpu.memory_space<vmem>>) semaphore(%arg19 : memref<!tpu.dma_semaphore, #tpu.memory_space<semaphore_mem>>)
      %scan3A = arith.constant 0 : i32
      %scan3A_30 = arith.constant 0 : i32
      %scan3A_31 = arith.constant 125 : i32
      %scan3A_32 = arith.addi %scan3A_30, %scan3A_31 : i32
      %scan3A_33 = arith.constant 1 : i32
      scf.for %scan3A_40 = %scan3A_30 to %scan3A_32 step %scan3A_33  : i32 {
        %jit3A = arith.constant 2 : i32
        %eq3A_41 = arith.constant 0 : i32
        %eq3A_42 = arith.cmpi eq, %jit3A, %eq3A_41 : i32
        %jit3A_43 = arith.constant 1 : i32
        %select_n3A = arith.select %eq3A_42, %jit3A_43, %jit3A : i32
        %rem3A = arith.remsi %scan3A_40, %select_n3A : i32
        %ne3A = arith.constant 0 : i32
        %ne3A_44 = arith.cmpi ne, %rem3A, %ne3A : i32
        %lt3A = arith.constant 0 : i32
        %lt3A_45 = arith.cmpi slt, %rem3A, %lt3A : i32
        %lt3A_46 = arith.constant 0 : i32
        %lt3A_47 = arith.cmpi slt, %select_n3A, %lt3A_46 : i32
        %ne3A_48 = arith.xori %lt3A_45, %lt3A_47 : i1
        %and3A = arith.andi %ne3A_48, %ne3A_44 : i1
        %add3A = arith.addi %rem3A, %select_n3A : i32
        %select_n3A_49 = arith.select %and3A, %add3A, %rem3A : i32
        %eq3A_50 = arith.constant 0 : i32
        %eq3A_51 = arith.cmpi eq, %select_n3A_49, %eq3A_50 : i32
        %convert_element_type3A_52 = arith.extui %eq3A_51 : i1 to i32
        %cond3A_53 = arith.constant 0 : i32
        %cond3A_54 = arith.cmpi ne, %convert_element_type3A_52, %cond3A_53 : i32
        scf.if %cond3A_54 {
          %mul3A_76 = arith.constant 80 : i32
          %mul3A_77 = arith.muli %scan3A_40, %mul3A_76 : i32
          %dma_wait3A = tpu.memref_slice %arg13[%mul3A_77] : memref<10000xi32, #tpu.memory_space<vmem>> -> memref<80xi32, #tpu.memory_space<vmem>>
          %dma_wait3A_78 = arith.constant 0 : i32
          %dma_wait3A_79 = arith.constant 0 : i32
          %dma_wait3A_80 = tpu.memref_slice %arg3[%dma_wait3A_78, %dma_wait3A_79] : memref<10000x128xf32, #tpu.memory_space<hbm>> -> memref<10000x128xf32, #tpu.memory_space<hbm>>
          tpu.wait_indirect_dma semaphore(%arg18 : memref<!tpu.dma_semaphore, #tpu.memory_space<semaphore_mem>>) src(%dma_wait3A_80 : memref<10000x128xf32, #tpu.memory_space<hbm>>) dst(%arg15 : memref<80x128xf32, #tpu.memory_space<vmem>>)
          "tpu.region"() ({
            %run_scoped3A = tpu.sem_alloc : memref<!tpu.dma_semaphore, #tpu.memory_space<semaphore_mem>>
            %dma_start3A_88 = arith.constant 0 : i32
            %dma_start3A_89 = tpu.memref_slice %arg14[%scan3A_40, %dma_start3A_88] : memref<125x80xi32, #tpu.memory_space<vmem>> -> memref<1x80xi32, #tpu.memory_space<vmem>>
            %dma_start3A_90 = tpu.memref_squeeze %dma_start3A_89 : memref<1x80xi32, #tpu.memory_space<vmem>> -> memref<80xi32, #tpu.memory_space<vmem>>
            %dma_start3A_91 = arith.constant 0 : i32
            %dma_start3A_92 = arith.constant 0 : i32
            %dma_start3A_93 = tpu.memref_slice %arg17[%dma_start3A_91, %dma_start3A_92] : memref<10240x128xf32, #tpu.memory_space<vmem_shared>> -> memref<10240x128xf32, #tpu.memory_space<vmem_shared>>
            tpu.enqueue_indirect_dma source(%arg15 : memref<80x128xf32, #tpu.memory_space<vmem>>) target(%dma_start3A_93 : memref<10240x128xf32, #tpu.memory_space<vmem_shared>>) offsets(%dma_start3A_90 : memref<80xi32, #tpu.memory_space<vmem>>) semaphore(%run_scoped3A : memref<!tpu.dma_semaphore, #tpu.memory_space<semaphore_mem>>) {add = true}
            %dma_wait3A_94 = arith.constant 0 : i32
            %dma_wait3A_95 = tpu.memref_slice %arg14[%scan3A_40, %dma_wait3A_94] : memref<125x80xi32, #tpu.memory_space<vmem>> -> memref<1x80xi32, #tpu.memory_space<vmem>>
            %dma_wait3A_96 = tpu.memref_squeeze %dma_wait3A_95 : memref<1x80xi32, #tpu.memory_space<vmem>> -> memref<80xi32, #tpu.memory_space<vmem>>
            %dma_wait3A_97 = arith.constant 0 : i32
            %dma_wait3A_98 = arith.constant 0 : i32
            %dma_wait3A_99 = tpu.memref_slice %arg17[%dma_wait3A_97, %dma_wait3A_98] : memref<10240x128xf32, #tpu.memory_space<vmem_shared>> -> memref<10240x128xf32, #tpu.memory_space<vmem_shared>>
            tpu.wait_indirect_dma semaphore(%run_scoped3A : memref<!tpu.dma_semaphore, #tpu.memory_space<semaphore_mem>>) src(%arg15 : memref<80x128xf32, #tpu.memory_space<vmem>>) dst(%dma_wait3A_99 : memref<10240x128xf32, #tpu.memory_space<vmem_shared>>)
            tpu.yield
          }) : () -> ()
          %add3A_81 = arith.constant 2 : i32
          %add3A_82 = arith.addi %scan3A_40, %add3A_81 : i32
          %lt3A_83 = arith.constant 125 : i32
          %lt3A_84 = arith.cmpi slt, %add3A_82, %lt3A_83 : i32
          %convert_element_type3A_85 = arith.extui %lt3A_84 : i1 to i32
          %cond3A_86 = arith.constant 0 : i32
          %cond3A_87 = arith.cmpi ne, %convert_element_type3A_85, %cond3A_86 : i32
          scf.if %cond3A_87 {
            %add3A_88 = arith.constant 2 : i32
            %add3A_89 = arith.addi %scan3A_40, %add3A_88 : i32
            %mul3A_90 = arith.constant 80 : i32
            %mul3A_91 = arith.muli %add3A_89, %mul3A_90 : i32
            %dma_start3A_92 = tpu.memref_slice %arg13[%mul3A_91] : memref<10000xi32, #tpu.memory_space<vmem>> -> memref<80xi32, #tpu.memory_space<vmem>>
            %dma_start3A_93 = arith.constant 0 : i32
            %dma_start3A_94 = arith.constant 0 : i32
            %dma_start3A_95 = tpu.memref_slice %arg3[%dma_start3A_93, %dma_start3A_94] : memref<10000x128xf32, #tpu.memory_space<hbm>> -> memref<10000x128xf32, #tpu.memory_space<hbm>>
            tpu.enqueue_indirect_dma source(%dma_start3A_95 : memref<10000x128xf32, #tpu.memory_space<hbm>>) target(%arg15 : memref<80x128xf32, #tpu.memory_space<vmem>>) offsets(%dma_start3A_92 : memref<80xi32, #tpu.memory_space<vmem>>) semaphore(%arg18 : memref<!tpu.dma_semaphore, #tpu.memory_space<semaphore_mem>>)
          } else {
          }
        } else {
        }
        %jit3A_55 = arith.constant 2 : i32
        %eq3A_56 = arith.constant 0 : i32
        %eq3A_57 = arith.cmpi eq, %jit3A_55, %eq3A_56 : i32
        %jit3A_58 = arith.constant 1 : i32
        %select_n3A_59 = arith.select %eq3A_57, %jit3A_58, %jit3A_55 : i32
        %rem3A_60 = arith.remsi %scan3A_40, %select_n3A_59 : i32
        %ne3A_61 = arith.constant 0 : i32
        %ne3A_62 = arith.cmpi ne, %rem3A_60, %ne3A_61 : i32
        %lt3A_63 = arith.constant 0 : i32
        %lt3A_64 = arith.cmpi slt, %rem3A_60, %lt3A_63 : i32
        %lt3A_65 = arith.constant 0 : i32
        %lt3A_66 = arith.cmpi slt, %select_n3A_59, %lt3A_65 : i32
        %ne3A_67 = arith.xori %lt3A_64, %lt3A_66 : i1
        %and3A_68 = arith.andi %ne3A_67, %ne3A_62 : i1
        %add3A_69 = arith.addi %rem3A_60, %select_n3A_59 : i32
        %select_n3A_70 = arith.select %and3A_68, %add3A_69, %rem3A_60 : i32
        %eq3A_71 = arith.constant 1 : i32
        %eq3A_72 = arith.cmpi eq, %select_n3A_70, %eq3A_71 : i32
        %convert_element_type3A_73 = arith.extui %eq3A_72 : i1 to i32
        %cond3A_74 = arith.constant 0 : i32
        %cond3A_75 = arith.cmpi ne, %convert_element_type3A_73, %cond3A_74 : i32
        scf.if %cond3A_75 {
          %mul3A_76 = arith.constant 80 : i32
          %mul3A_77 = arith.muli %scan3A_40, %mul3A_76 : i32
          %dma_wait3A = tpu.memref_slice %arg13[%mul3A_77] : memref<10000xi32, #tpu.memory_space<vmem>> -> memref<80xi32, #tpu.memory_space<vmem>>
          %dma_wait3A_78 = arith.constant 0 : i32
          %dma_wait3A_79 = arith.constant 0 : i32
          %dma_wait3A_80 = tpu.memref_slice %arg3[%dma_wait3A_78, %dma_wait3A_79] : memref<10000x128xf32, #tpu.memory_space<hbm>> -> memref<10000x128xf32, #tpu.memory_space<hbm>>
          tpu.wait_indirect_dma semaphore(%arg19 : memref<!tpu.dma_semaphore, #tpu.memory_space<semaphore_mem>>) src(%dma_wait3A_80 : memref<10000x128xf32, #tpu.memory_space<hbm>>) dst(%arg16 : memref<80x128xf32, #tpu.memory_space<vmem>>)
          "tpu.region"() ({
            %run_scoped3A = tpu.sem_alloc : memref<!tpu.dma_semaphore, #tpu.memory_space<semaphore_mem>>
            %dma_start3A_88 = arith.constant 0 : i32
            %dma_start3A_89 = tpu.memref_slice %arg14[%scan3A_40, %dma_start3A_88] : memref<125x80xi32, #tpu.memory_space<vmem>> -> memref<1x80xi32, #tpu.memory_space<vmem>>
            %dma_start3A_90 = tpu.memref_squeeze %dma_start3A_89 : memref<1x80xi32, #tpu.memory_space<vmem>> -> memref<80xi32, #tpu.memory_space<vmem>>
            %dma_start3A_91 = arith.constant 0 : i32
            %dma_start3A_92 = arith.constant 0 : i32
            %dma_start3A_93 = tpu.memref_slice %arg17[%dma_start3A_91, %dma_start3A_92] : memref<10240x128xf32, #tpu.memory_space<vmem_shared>> -> memref<10240x128xf32, #tpu.memory_space<vmem_shared>>
            tpu.enqueue_indirect_dma source(%arg16 : memref<80x128xf32, #tpu.memory_space<vmem>>) target(%dma_start3A_93 : memref<10240x128xf32, #tpu.memory_space<vmem_shared>>) offsets(%dma_start3A_90 : memref<80xi32, #tpu.memory_space<vmem>>) semaphore(%run_scoped3A : memref<!tpu.dma_semaphore, #tpu.memory_space<semaphore_mem>>) {add = true}
            %dma_wait3A_94 = arith.constant 0 : i32
            %dma_wait3A_95 = tpu.memref_slice %arg14[%scan3A_40, %dma_wait3A_94] : memref<125x80xi32, #tpu.memory_space<vmem>> -> memref<1x80xi32, #tpu.memory_space<vmem>>
            %dma_wait3A_96 = tpu.memref_squeeze %dma_wait3A_95 : memref<1x80xi32, #tpu.memory_space<vmem>> -> memref<80xi32, #tpu.memory_space<vmem>>
            %dma_wait3A_97 = arith.constant 0 : i32
            %dma_wait3A_98 = arith.constant 0 : i32
            %dma_wait3A_99 = tpu.memref_slice %arg17[%dma_wait3A_97, %dma_wait3A_98] : memref<10240x128xf32, #tpu.memory_space<vmem_shared>> -> memref<10240x128xf32, #tpu.memory_space<vmem_shared>>
            tpu.wait_indirect_dma semaphore(%run_scoped3A : memref<!tpu.dma_semaphore, #tpu.memory_space<semaphore_mem>>) src(%arg16 : memref<80x128xf32, #tpu.memory_space<vmem>>) dst(%dma_wait3A_99 : memref<10240x128xf32, #tpu.memory_space<vmem_shared>>)
            tpu.yield
          }) : () -> ()
          %add3A_81 = arith.constant 2 : i32
          %add3A_82 = arith.addi %scan3A_40, %add3A_81 : i32
          %lt3A_83 = arith.constant 125 : i32
          %lt3A_84 = arith.cmpi slt, %add3A_82, %lt3A_83 : i32
          %convert_element_type3A_85 = arith.extui %lt3A_84 : i1 to i32
          %cond3A_86 = arith.constant 0 : i32
          %cond3A_87 = arith.cmpi ne, %convert_element_type3A_85, %cond3A_86 : i32
          scf.if %cond3A_87 {
            %add3A_88 = arith.constant 2 : i32
            %add3A_89 = arith.addi %scan3A_40, %add3A_88 : i32
            %mul3A_90 = arith.constant 80 : i32
            %mul3A_91 = arith.muli %add3A_89, %mul3A_90 : i32
            %dma_start3A_92 = tpu.memref_slice %arg13[%mul3A_91] : memref<10000xi32, #tpu.memory_space<vmem>> -> memref<80xi32, #tpu.memory_space<vmem>>
            %dma_start3A_93 = arith.constant 0 : i32
            %dma_start3A_94 = arith.constant 0 : i32
            %dma_start3A_95 = tpu.memref_slice %arg3[%dma_start3A_93, %dma_start3A_94] : memref<10000x128xf32, #tpu.memory_space<hbm>> -> memref<10000x128xf32, #tpu.memory_space<hbm>>
            tpu.enqueue_indirect_dma source(%dma_start3A_95 : memref<10000x128xf32, #tpu.memory_space<hbm>>) target(%arg16 : memref<80x128xf32, #tpu.memory_space<vmem>>) offsets(%dma_start3A_92 : memref<80xi32, #tpu.memory_space<vmem>>) semaphore(%arg19 : memref<!tpu.dma_semaphore, #tpu.memory_space<semaphore_mem>>)
          } else {
          }
        } else {
        }
      }
      %scan3A_34 = arith.constant 125 : i32
      %barrier3A_35 = arith.constant 0 : index
      tpu.barrier barrier_id(%barrier3A_35)
      %mul3A_36 = arith.constant 640 : i32
      %mul3A_37 = arith.muli %arg1, %mul3A_36 : i32
      %mul3A_38 = arith.constant 640 : i32
      %mul3A_39 = arith.muli %arg1, %mul3A_38 : i32
      "tpu.region"() ({
        %run_scoped3A = tpu.sem_alloc : memref<!tpu.dma_semaphore, #tpu.memory_space<semaphore_mem>>
        %dma_start3A_40 = arith.constant 0 : i32
        %dma_start3A_41 = tpu.memref_slice %arg10[%mul3A_39, %dma_start3A_40] : memref<10240x128xf32, #tpu.memory_space<hbm>> -> memref<640x128xf32, #tpu.memory_space<hbm>>
        %dma_start3A_42 = arith.constant 0 : i32
        %dma_start3A_43 = tpu.memref_slice %arg17[%mul3A_37, %dma_start3A_42] : memref<10240x128xf32, #tpu.memory_space<vmem_shared>> -> memref<640x128xf32, #tpu.memory_space<vmem_shared>>
        tpu.enqueue_dma source(%dma_start3A_43 : memref<640x128xf32, #tpu.memory_space<vmem_shared>>) target(%dma_start3A_41 : memref<640x128xf32, #tpu.memory_space<hbm>>) target_semaphore(%run_scoped3A : memref<!tpu.dma_semaphore, #tpu.memory_space<semaphore_mem>>)
        %dma_wait3A = arith.constant 0 : i32
        %dma_wait3A_44 = tpu.memref_slice %arg10[%mul3A_39, %dma_wait3A] : memref<10240x128xf32, #tpu.memory_space<hbm>> -> memref<640x128xf32, #tpu.memory_space<hbm>>
        %dma_wait3A_45 = arith.constant 0 : i32
        %dma_wait3A_46 = tpu.memref_slice %arg17[%mul3A_37, %dma_wait3A_45] : memref<10240x128xf32, #tpu.memory_space<vmem_shared>> -> memref<640x128xf32, #tpu.memory_space<vmem_shared>>
        tpu.wait_dma2 semaphore(%run_scoped3A : memref<!tpu.dma_semaphore, #tpu.memory_space<semaphore_mem>>) src(%dma_wait3A_46 : memref<640x128xf32, #tpu.memory_space<vmem_shared>>) dst(%dma_wait3A_44 : memref<640x128xf32, #tpu.memory_space<hbm>>)
        tpu.yield
      }) : () -> ()
    } else {
    }
    %eq3A_8 = arith.constant 0 : i32
    %eq3A_9 = arith.cmpi eq, %arg0, %eq3A_8 : i32
    %convert_element_type3A_10 = arith.extui %eq3A_9 : i1 to i32
    %cond3A_11 = arith.constant 0 : i32
    %cond3A_12 = arith.cmpi ne, %convert_element_type3A_10, %cond3A_11 : i32
    scf.if %cond3A_12 {
      %barrier3A = arith.constant 0 : index
      tpu.barrier barrier_id(%barrier3A)
      %mul3A_18 = arith.constant 640 : i32
      %mul3A_19 = arith.muli %arg1, %mul3A_18 : i32
      "tpu.region"() ({
        %run_scoped3A = tpu.sem_alloc : memref<!tpu.dma_semaphore, #tpu.memory_space<semaphore_mem>>
        %dma_start3A_40 = arith.constant 0 : i32
        %dma_start3A_41 = tpu.memref_slice %arg17[%mul3A_19, %dma_start3A_40] : memref<10240x128xf32, #tpu.memory_space<vmem_shared>> -> memref<640x128xf32, #tpu.memory_space<vmem_shared>>
        tpu.enqueue_dma source(%arg8 : memref<640x128xf32, #tpu.memory_space<hbm>>) target(%dma_start3A_41 : memref<640x128xf32, #tpu.memory_space<vmem_shared>>) target_semaphore(%run_scoped3A : memref<!tpu.dma_semaphore, #tpu.memory_space<semaphore_mem>>)
        %dma_wait3A = arith.constant 0 : i32
        %dma_wait3A_42 = tpu.memref_slice %arg17[%mul3A_19, %dma_wait3A] : memref<10240x128xf32, #tpu.memory_space<vmem_shared>> -> memref<640x128xf32, #tpu.memory_space<vmem_shared>>
        tpu.wait_dma2 semaphore(%run_scoped3A : memref<!tpu.dma_semaphore, #tpu.memory_space<semaphore_mem>>) src(%arg8 : memref<640x128xf32, #tpu.memory_space<hbm>>) dst(%dma_wait3A_42 : memref<640x128xf32, #tpu.memory_space<vmem_shared>>)
        tpu.yield
      }) : () -> ()
      %barrier3A_20 = arith.constant 0 : index
      tpu.barrier barrier_id(%barrier3A_20)
      %dma_start3A = arith.constant 0 : i32
      %dma_start3A_21 = tpu.memref_slice %arg13[%dma_start3A] : memref<10000xi32, #tpu.memory_space<vmem>> -> memref<80xi32, #tpu.memory_space<vmem>>
      %dma_start3A_22 = arith.constant 0 : i32
      %dma_start3A_23 = arith.constant 0 : i32
      %dma_start3A_24 = tpu.memref_slice %arg4[%dma_start3A_22, %dma_start3A_23] : memref<10000x128xf32, #tpu.memory_space<hbm>> -> memref<10000x128xf32, #tpu.memory_space<hbm>>
      tpu.enqueue_indirect_dma source(%dma_start3A_24 : memref<10000x128xf32, #tpu.memory_space<hbm>>) target(%arg15 : memref<80x128xf32, #tpu.memory_space<vmem>>) offsets(%dma_start3A_21 : memref<80xi32, #tpu.memory_space<vmem>>) semaphore(%arg18 : memref<!tpu.dma_semaphore, #tpu.memory_space<semaphore_mem>>)
      %dma_start3A_25 = arith.constant 80 : i32
      %dma_start3A_26 = tpu.memref_slice %arg13[%dma_start3A_25] : memref<10000xi32, #tpu.memory_space<vmem>> -> memref<80xi32, #tpu.memory_space<vmem>>
      %dma_start3A_27 = arith.constant 0 : i32
      %dma_start3A_28 = arith.constant 0 : i32
      %dma_start3A_29 = tpu.memref_slice %arg4[%dma_start3A_27, %dma_start3A_28] : memref<10000x128xf32, #tpu.memory_space<hbm>> -> memref<10000x128xf32, #tpu.memory_space<hbm>>
      tpu.enqueue_indirect_dma source(%dma_start3A_29 : memref<10000x128xf32, #tpu.memory_space<hbm>>) target(%arg16 : memref<80x128xf32, #tpu.memory_space<vmem>>) offsets(%dma_start3A_26 : memref<80xi32, #tpu.memory_space<vmem>>) semaphore(%arg19 : memref<!tpu.dma_semaphore, #tpu.memory_space<semaphore_mem>>)
      %scan3A = arith.constant 0 : i32
      %scan3A_30 = arith.constant 0 : i32
      %scan3A_31 = arith.constant 125 : i32
      %scan3A_32 = arith.addi %scan3A_30, %scan3A_31 : i32
      %scan3A_33 = arith.constant 1 : i32
      scf.for %scan3A_40 = %scan3A_30 to %scan3A_32 step %scan3A_33  : i32 {
        %jit3A = arith.constant 2 : i32
        %eq3A_41 = arith.constant 0 : i32
        %eq3A_42 = arith.cmpi eq, %jit3A, %eq3A_41 : i32
        %jit3A_43 = arith.constant 1 : i32
        %select_n3A = arith.select %eq3A_42, %jit3A_43, %jit3A : i32
        %rem3A = arith.remsi %scan3A_40, %select_n3A : i32
        %ne3A = arith.constant 0 : i32
        %ne3A_44 = arith.cmpi ne, %rem3A, %ne3A : i32
        %lt3A = arith.constant 0 : i32
        %lt3A_45 = arith.cmpi slt, %rem3A, %lt3A : i32
        %lt3A_46 = arith.constant 0 : i32
        %lt3A_47 = arith.cmpi slt, %select_n3A, %lt3A_46 : i32
        %ne3A_48 = arith.xori %lt3A_45, %lt3A_47 : i1
        %and3A = arith.andi %ne3A_48, %ne3A_44 : i1
        %add3A = arith.addi %rem3A, %select_n3A : i32
        %select_n3A_49 = arith.select %and3A, %add3A, %rem3A : i32
        %eq3A_50 = arith.constant 0 : i32
        %eq3A_51 = arith.cmpi eq, %select_n3A_49, %eq3A_50 : i32
        %convert_element_type3A_52 = arith.extui %eq3A_51 : i1 to i32
        %cond3A_53 = arith.constant 0 : i32
        %cond3A_54 = arith.cmpi ne, %convert_element_type3A_52, %cond3A_53 : i32
        scf.if %cond3A_54 {
          %mul3A_76 = arith.constant 80 : i32
          %mul3A_77 = arith.muli %scan3A_40, %mul3A_76 : i32
          %dma_wait3A = tpu.memref_slice %arg13[%mul3A_77] : memref<10000xi32, #tpu.memory_space<vmem>> -> memref<80xi32, #tpu.memory_space<vmem>>
          %dma_wait3A_78 = arith.constant 0 : i32
          %dma_wait3A_79 = arith.constant 0 : i32
          %dma_wait3A_80 = tpu.memref_slice %arg4[%dma_wait3A_78, %dma_wait3A_79] : memref<10000x128xf32, #tpu.memory_space<hbm>> -> memref<10000x128xf32, #tpu.memory_space<hbm>>
          tpu.wait_indirect_dma semaphore(%arg18 : memref<!tpu.dma_semaphore, #tpu.memory_space<semaphore_mem>>) src(%dma_wait3A_80 : memref<10000x128xf32, #tpu.memory_space<hbm>>) dst(%arg15 : memref<80x128xf32, #tpu.memory_space<vmem>>)
          "tpu.region"() ({
            %run_scoped3A = tpu.sem_alloc : memref<!tpu.dma_semaphore, #tpu.memory_space<semaphore_mem>>
            %dma_start3A_88 = arith.constant 0 : i32
            %dma_start3A_89 = tpu.memref_slice %arg14[%scan3A_40, %dma_start3A_88] : memref<125x80xi32, #tpu.memory_space<vmem>> -> memref<1x80xi32, #tpu.memory_space<vmem>>
            %dma_start3A_90 = tpu.memref_squeeze %dma_start3A_89 : memref<1x80xi32, #tpu.memory_space<vmem>> -> memref<80xi32, #tpu.memory_space<vmem>>
            %dma_start3A_91 = arith.constant 0 : i32
            %dma_start3A_92 = arith.constant 0 : i32
            %dma_start3A_93 = tpu.memref_slice %arg17[%dma_start3A_91, %dma_start3A_92] : memref<10240x128xf32, #tpu.memory_space<vmem_shared>> -> memref<10240x128xf32, #tpu.memory_space<vmem_shared>>
            tpu.enqueue_indirect_dma source(%arg15 : memref<80x128xf32, #tpu.memory_space<vmem>>) target(%dma_start3A_93 : memref<10240x128xf32, #tpu.memory_space<vmem_shared>>) offsets(%dma_start3A_90 : memref<80xi32, #tpu.memory_space<vmem>>) semaphore(%run_scoped3A : memref<!tpu.dma_semaphore, #tpu.memory_space<semaphore_mem>>) {add = true}
            %dma_wait3A_94 = arith.constant 0 : i32
            %dma_wait3A_95 = tpu.memref_slice %arg14[%scan3A_40, %dma_wait3A_94] : memref<125x80xi32, #tpu.memory_space<vmem>> -> memref<1x80xi32, #tpu.memory_space<vmem>>
            %dma_wait3A_96 = tpu.memref_squeeze %dma_wait3A_95 : memref<1x80xi32, #tpu.memory_space<vmem>> -> memref<80xi32, #tpu.memory_space<vmem>>
            %dma_wait3A_97 = arith.constant 0 : i32
            %dma_wait3A_98 = arith.constant 0 : i32
            %dma_wait3A_99 = tpu.memref_slice %arg17[%dma_wait3A_97, %dma_wait3A_98] : memref<10240x128xf32, #tpu.memory_space<vmem_shared>> -> memref<10240x128xf32, #tpu.memory_space<vmem_shared>>
            tpu.wait_indirect_dma semaphore(%run_scoped3A : memref<!tpu.dma_semaphore, #tpu.memory_space<semaphore_mem>>) src(%arg15 : memref<80x128xf32, #tpu.memory_space<vmem>>) dst(%dma_wait3A_99 : memref<10240x128xf32, #tpu.memory_space<vmem_shared>>)
            tpu.yield
          }) : () -> ()
          %add3A_81 = arith.constant 2 : i32
          %add3A_82 = arith.addi %scan3A_40, %add3A_81 : i32
          %lt3A_83 = arith.constant 125 : i32
          %lt3A_84 = arith.cmpi slt, %add3A_82, %lt3A_83 : i32
          %convert_element_type3A_85 = arith.extui %lt3A_84 : i1 to i32
          %cond3A_86 = arith.constant 0 : i32
          %cond3A_87 = arith.cmpi ne, %convert_element_type3A_85, %cond3A_86 : i32
          scf.if %cond3A_87 {
            %add3A_88 = arith.constant 2 : i32
            %add3A_89 = arith.addi %scan3A_40, %add3A_88 : i32
            %mul3A_90 = arith.constant 80 : i32
            %mul3A_91 = arith.muli %add3A_89, %mul3A_90 : i32
            %dma_start3A_92 = tpu.memref_slice %arg13[%mul3A_91] : memref<10000xi32, #tpu.memory_space<vmem>> -> memref<80xi32, #tpu.memory_space<vmem>>
            %dma_start3A_93 = arith.constant 0 : i32
            %dma_start3A_94 = arith.constant 0 : i32
            %dma_start3A_95 = tpu.memref_slice %arg4[%dma_start3A_93, %dma_start3A_94] : memref<10000x128xf32, #tpu.memory_space<hbm>> -> memref<10000x128xf32, #tpu.memory_space<hbm>>
            tpu.enqueue_indirect_dma source(%dma_start3A_95 : memref<10000x128xf32, #tpu.memory_space<hbm>>) target(%arg15 : memref<80x128xf32, #tpu.memory_space<vmem>>) offsets(%dma_start3A_92 : memref<80xi32, #tpu.memory_space<vmem>>) semaphore(%arg18 : memref<!tpu.dma_semaphore, #tpu.memory_space<semaphore_mem>>)
          } else {
          }
        } else {
        }
        %jit3A_55 = arith.constant 2 : i32
        %eq3A_56 = arith.constant 0 : i32
        %eq3A_57 = arith.cmpi eq, %jit3A_55, %eq3A_56 : i32
        %jit3A_58 = arith.constant 1 : i32
        %select_n3A_59 = arith.select %eq3A_57, %jit3A_58, %jit3A_55 : i32
        %rem3A_60 = arith.remsi %scan3A_40, %select_n3A_59 : i32
        %ne3A_61 = arith.constant 0 : i32
        %ne3A_62 = arith.cmpi ne, %rem3A_60, %ne3A_61 : i32
        %lt3A_63 = arith.constant 0 : i32
        %lt3A_64 = arith.cmpi slt, %rem3A_60, %lt3A_63 : i32
        %lt3A_65 = arith.constant 0 : i32
        %lt3A_66 = arith.cmpi slt, %select_n3A_59, %lt3A_65 : i32
        %ne3A_67 = arith.xori %lt3A_64, %lt3A_66 : i1
        %and3A_68 = arith.andi %ne3A_67, %ne3A_62 : i1
        %add3A_69 = arith.addi %rem3A_60, %select_n3A_59 : i32
        %select_n3A_70 = arith.select %and3A_68, %add3A_69, %rem3A_60 : i32
        %eq3A_71 = arith.constant 1 : i32
        %eq3A_72 = arith.cmpi eq, %select_n3A_70, %eq3A_71 : i32
        %convert_element_type3A_73 = arith.extui %eq3A_72 : i1 to i32
        %cond3A_74 = arith.constant 0 : i32
        %cond3A_75 = arith.cmpi ne, %convert_element_type3A_73, %cond3A_74 : i32
        scf.if %cond3A_75 {
          %mul3A_76 = arith.constant 80 : i32
          %mul3A_77 = arith.muli %scan3A_40, %mul3A_76 : i32
          %dma_wait3A = tpu.memref_slice %arg13[%mul3A_77] : memref<10000xi32, #tpu.memory_space<vmem>> -> memref<80xi32, #tpu.memory_space<vmem>>
          %dma_wait3A_78 = arith.constant 0 : i32
          %dma_wait3A_79 = arith.constant 0 : i32
          %dma_wait3A_80 = tpu.memref_slice %arg4[%dma_wait3A_78, %dma_wait3A_79] : memref<10000x128xf32, #tpu.memory_space<hbm>> -> memref<10000x128xf32, #tpu.memory_space<hbm>>
          tpu.wait_indirect_dma semaphore(%arg19 : memref<!tpu.dma_semaphore, #tpu.memory_space<semaphore_mem>>) src(%dma_wait3A_80 : memref<10000x128xf32, #tpu.memory_space<hbm>>) dst(%arg16 : memref<80x128xf32, #tpu.memory_space<vmem>>)
          "tpu.region"() ({
            %run_scoped3A = tpu.sem_alloc : memref<!tpu.dma_semaphore, #tpu.memory_space<semaphore_mem>>
            %dma_start3A_88 = arith.constant 0 : i32
            %dma_start3A_89 = tpu.memref_slice %arg14[%scan3A_40, %dma_start3A_88] : memref<125x80xi32, #tpu.memory_space<vmem>> -> memref<1x80xi32, #tpu.memory_space<vmem>>
            %dma_start3A_90 = tpu.memref_squeeze %dma_start3A_89 : memref<1x80xi32, #tpu.memory_space<vmem>> -> memref<80xi32, #tpu.memory_space<vmem>>
            %dma_start3A_91 = arith.constant 0 : i32
            %dma_start3A_92 = arith.constant 0 : i32
            %dma_start3A_93 = tpu.memref_slice %arg17[%dma_start3A_91, %dma_start3A_92] : memref<10240x128xf32, #tpu.memory_space<vmem_shared>> -> memref<10240x128xf32, #tpu.memory_space<vmem_shared>>
            tpu.enqueue_indirect_dma source(%arg16 : memref<80x128xf32, #tpu.memory_space<vmem>>) target(%dma_start3A_93 : memref<10240x128xf32, #tpu.memory_space<vmem_shared>>) offsets(%dma_start3A_90 : memref<80xi32, #tpu.memory_space<vmem>>) semaphore(%run_scoped3A : memref<!tpu.dma_semaphore, #tpu.memory_space<semaphore_mem>>) {add = true}
            %dma_wait3A_94 = arith.constant 0 : i32
            %dma_wait3A_95 = tpu.memref_slice %arg14[%scan3A_40, %dma_wait3A_94] : memref<125x80xi32, #tpu.memory_space<vmem>> -> memref<1x80xi32, #tpu.memory_space<vmem>>
            %dma_wait3A_96 = tpu.memref_squeeze %dma_wait3A_95 : memref<1x80xi32, #tpu.memory_space<vmem>> -> memref<80xi32, #tpu.memory_space<vmem>>
            %dma_wait3A_97 = arith.constant 0 : i32
            %dma_wait3A_98 = arith.constant 0 : i32
            %dma_wait3A_99 = tpu.memref_slice %arg17[%dma_wait3A_97, %dma_wait3A_98] : memref<10240x128xf32, #tpu.memory_space<vmem_shared>> -> memref<10240x128xf32, #tpu.memory_space<vmem_shared>>
            tpu.wait_indirect_dma semaphore(%run_scoped3A : memref<!tpu.dma_semaphore, #tpu.memory_space<semaphore_mem>>) src(%arg16 : memref<80x128xf32, #tpu.memory_space<vmem>>) dst(%dma_wait3A_99 : memref<10240x128xf32, #tpu.memory_space<vmem_shared>>)
            tpu.yield
          }) : () -> ()
          %add3A_81 = arith.constant 2 : i32
          %add3A_82 = arith.addi %scan3A_40, %add3A_81 : i32
          %lt3A_83 = arith.constant 125 : i32
          %lt3A_84 = arith.cmpi slt, %add3A_82, %lt3A_83 : i32
          %convert_element_type3A_85 = arith.extui %lt3A_84 : i1 to i32
          %cond3A_86 = arith.constant 0 : i32
          %cond3A_87 = arith.cmpi ne, %convert_element_type3A_85, %cond3A_86 : i32
          scf.if %cond3A_87 {
            %add3A_88 = arith.constant 2 : i32
            %add3A_89 = arith.addi %scan3A_40, %add3A_88 : i32
            %mul3A_90 = arith.constant 80 : i32
            %mul3A_91 = arith.muli %add3A_89, %mul3A_90 : i32
            %dma_start3A_92 = tpu.memref_slice %arg13[%mul3A_91] : memref<10000xi32, #tpu.memory_space<vmem>> -> memref<80xi32, #tpu.memory_space<vmem>>
            %dma_start3A_93 = arith.constant 0 : i32
            %dma_start3A_94 = arith.constant 0 : i32
            %dma_start3A_95 = tpu.memref_slice %arg4[%dma_start3A_93, %dma_start3A_94] : memref<10000x128xf32, #tpu.memory_space<hbm>> -> memref<10000x128xf32, #tpu.memory_space<hbm>>
            tpu.enqueue_indirect_dma source(%dma_start3A_95 : memref<10000x128xf32, #tpu.memory_space<hbm>>) target(%arg16 : memref<80x128xf32, #tpu.memory_space<vmem>>) offsets(%dma_start3A_92 : memref<80xi32, #tpu.memory_space<vmem>>) semaphore(%arg19 : memref<!tpu.dma_semaphore, #tpu.memory_space<semaphore_mem>>)
          } else {
          }
        } else {
        }
      }
      %scan3A_34 = arith.constant 125 : i32
      %barrier3A_35 = arith.constant 0 : index
      tpu.barrier barrier_id(%barrier3A_35)
      %mul3A_36 = arith.constant 640 : i32
      %mul3A_37 = arith.muli %arg1, %mul3A_36 : i32
      %mul3A_38 = arith.constant 640 : i32
      %mul3A_39 = arith.muli %arg1, %mul3A_38 : i32
      "tpu.region"() ({
        %run_scoped3A = tpu.sem_alloc : memref<!tpu.dma_semaphore, #tpu.memory_space<semaphore_mem>>
        %dma_start3A_40 = arith.constant 0 : i32
        %dma_start3A_41 = tpu.memref_slice %arg11[%mul3A_39, %dma_start3A_40] : memref<10240x128xf32, #tpu.memory_space<hbm>> -> memref<640x128xf32, #tpu.memory_space<hbm>>
        %dma_start3A_42 = arith.constant 0 : i32
        %dma_start3A_43 = tpu.memref_slice %arg17[%mul3A_37, %dma_start3A_42] : memref<10240x128xf32, #tpu.memory_space<vmem_shared>> -> memref<640x128xf32, #tpu.memory_space<vmem_shared>>
        tpu.enqueue_dma source(%dma_start3A_43 : memref<640x128xf32, #tpu.memory_space<vmem_shared>>) target(%dma_start3A_41 : memref<640x128xf32, #tpu.memory_space<hbm>>) target_semaphore(%run_scoped3A : memref<!tpu.dma_semaphore, #tpu.memory_space<semaphore_mem>>)
        %dma_wait3A = arith.constant 0 : i32
        %dma_wait3A_44 = tpu.memref_slice %arg11[%mul3A_39, %dma_wait3A] : memref<10240x128xf32, #tpu.memory_space<hbm>> -> memref<640x128xf32, #tpu.memory_space<hbm>>
        %dma_wait3A_45 = arith.constant 0 : i32
        %dma_wait3A_46 = tpu.memref_slice %arg17[%mul3A_37, %dma_wait3A_45] : memref<10240x128xf32, #tpu.memory_space<vmem_shared>> -> memref<640x128xf32, #tpu.memory_space<vmem_shared>>
        tpu.wait_dma2 semaphore(%run_scoped3A : memref<!tpu.dma_semaphore, #tpu.memory_space<semaphore_mem>>) src(%dma_wait3A_46 : memref<640x128xf32, #tpu.memory_space<vmem_shared>>) dst(%dma_wait3A_44 : memref<640x128xf32, #tpu.memory_space<hbm>>)
        tpu.yield
      }) : () -> ()
    } else {
    }
    %eq3A_13 = arith.constant 1 : i32
    %eq3A_14 = arith.cmpi eq, %arg0, %eq3A_13 : i32
    %convert_element_type3A_15 = arith.extui %eq3A_14 : i1 to i32
    %cond3A_16 = arith.constant 0 : i32
    %cond3A_17 = arith.cmpi ne, %convert_element_type3A_15, %cond3A_16 : i32
    scf.if %cond3A_17 {
      %barrier3A = arith.constant 0 : index
      tpu.barrier barrier_id(%barrier3A)
      %mul3A_18 = arith.constant 640 : i32
      %mul3A_19 = arith.muli %arg1, %mul3A_18 : i32
      "tpu.region"() ({
        %run_scoped3A = tpu.sem_alloc : memref<!tpu.dma_semaphore, #tpu.memory_space<semaphore_mem>>
        %dma_start3A_40 = arith.constant 0 : i32
        %dma_start3A_41 = tpu.memref_slice %arg17[%mul3A_19, %dma_start3A_40] : memref<10240x128xf32, #tpu.memory_space<vmem_shared>> -> memref<640x128xf32, #tpu.memory_space<vmem_shared>>
        tpu.enqueue_dma source(%arg8 : memref<640x128xf32, #tpu.memory_space<hbm>>) target(%dma_start3A_41 : memref<640x128xf32, #tpu.memory_space<vmem_shared>>) target_semaphore(%run_scoped3A : memref<!tpu.dma_semaphore, #tpu.memory_space<semaphore_mem>>)
        %dma_wait3A = arith.constant 0 : i32
        %dma_wait3A_42 = tpu.memref_slice %arg17[%mul3A_19, %dma_wait3A] : memref<10240x128xf32, #tpu.memory_space<vmem_shared>> -> memref<640x128xf32, #tpu.memory_space<vmem_shared>>
        tpu.wait_dma2 semaphore(%run_scoped3A : memref<!tpu.dma_semaphore, #tpu.memory_space<semaphore_mem>>) src(%arg8 : memref<640x128xf32, #tpu.memory_space<hbm>>) dst(%dma_wait3A_42 : memref<640x128xf32, #tpu.memory_space<vmem_shared>>)
        tpu.yield
      }) : () -> ()
      %barrier3A_20 = arith.constant 0 : index
      tpu.barrier barrier_id(%barrier3A_20)
      %dma_start3A = arith.constant 0 : i32
      %dma_start3A_21 = tpu.memref_slice %arg13[%dma_start3A] : memref<10000xi32, #tpu.memory_space<vmem>> -> memref<80xi32, #tpu.memory_space<vmem>>
      %dma_start3A_22 = arith.constant 0 : i32
      %dma_start3A_23 = arith.constant 0 : i32
      %dma_start3A_24 = tpu.memref_slice %arg5[%dma_start3A_22, %dma_start3A_23] : memref<10000x128xf32, #tpu.memory_space<hbm>> -> memref<10000x128xf32, #tpu.memory_space<hbm>>
      tpu.enqueue_indirect_dma source(%dma_start3A_24 : memref<10000x128xf32, #tpu.memory_space<hbm>>) target(%arg15 : memref<80x128xf32, #tpu.memory_space<vmem>>) offsets(%dma_start3A_21 : memref<80xi32, #tpu.memory_space<vmem>>) semaphore(%arg18 : memref<!tpu.dma_semaphore, #tpu.memory_space<semaphore_mem>>)
      %dma_start3A_25 = arith.constant 80 : i32
      %dma_start3A_26 = tpu.memref_slice %arg13[%dma_start3A_25] : memref<10000xi32, #tpu.memory_space<vmem>> -> memref<80xi32, #tpu.memory_space<vmem>>
      %dma_start3A_27 = arith.constant 0 : i32
      %dma_start3A_28 = arith.constant 0 : i32
      %dma_start3A_29 = tpu.memref_slice %arg5[%dma_start3A_27, %dma_start3A_28] : memref<10000x128xf32, #tpu.memory_space<hbm>> -> memref<10000x128xf32, #tpu.memory_space<hbm>>
      tpu.enqueue_indirect_dma source(%dma_start3A_29 : memref<10000x128xf32, #tpu.memory_space<hbm>>) target(%arg16 : memref<80x128xf32, #tpu.memory_space<vmem>>) offsets(%dma_start3A_26 : memref<80xi32, #tpu.memory_space<vmem>>) semaphore(%arg19 : memref<!tpu.dma_semaphore, #tpu.memory_space<semaphore_mem>>)
      %scan3A = arith.constant 0 : i32
      %scan3A_30 = arith.constant 0 : i32
      %scan3A_31 = arith.constant 125 : i32
      %scan3A_32 = arith.addi %scan3A_30, %scan3A_31 : i32
      %scan3A_33 = arith.constant 1 : i32
      scf.for %scan3A_40 = %scan3A_30 to %scan3A_32 step %scan3A_33  : i32 {
        %jit3A = arith.constant 2 : i32
        %eq3A_41 = arith.constant 0 : i32
        %eq3A_42 = arith.cmpi eq, %jit3A, %eq3A_41 : i32
        %jit3A_43 = arith.constant 1 : i32
        %select_n3A = arith.select %eq3A_42, %jit3A_43, %jit3A : i32
        %rem3A = arith.remsi %scan3A_40, %select_n3A : i32
        %ne3A = arith.constant 0 : i32
        %ne3A_44 = arith.cmpi ne, %rem3A, %ne3A : i32
        %lt3A = arith.constant 0 : i32
        %lt3A_45 = arith.cmpi slt, %rem3A, %lt3A : i32
        %lt3A_46 = arith.constant 0 : i32
        %lt3A_47 = arith.cmpi slt, %select_n3A, %lt3A_46 : i32
        %ne3A_48 = arith.xori %lt3A_45, %lt3A_47 : i1
        %and3A = arith.andi %ne3A_48, %ne3A_44 : i1
        %add3A = arith.addi %rem3A, %select_n3A : i32
        %select_n3A_49 = arith.select %and3A, %add3A, %rem3A : i32
        %eq3A_50 = arith.constant 0 : i32
        %eq3A_51 = arith.cmpi eq, %select_n3A_49, %eq3A_50 : i32
        %convert_element_type3A_52 = arith.extui %eq3A_51 : i1 to i32
        %cond3A_53 = arith.constant 0 : i32
        %cond3A_54 = arith.cmpi ne, %convert_element_type3A_52, %cond3A_53 : i32
        scf.if %cond3A_54 {
          %mul3A_76 = arith.constant 80 : i32
          %mul3A_77 = arith.muli %scan3A_40, %mul3A_76 : i32
          %dma_wait3A = tpu.memref_slice %arg13[%mul3A_77] : memref<10000xi32, #tpu.memory_space<vmem>> -> memref<80xi32, #tpu.memory_space<vmem>>
          %dma_wait3A_78 = arith.constant 0 : i32
          %dma_wait3A_79 = arith.constant 0 : i32
          %dma_wait3A_80 = tpu.memref_slice %arg5[%dma_wait3A_78, %dma_wait3A_79] : memref<10000x128xf32, #tpu.memory_space<hbm>> -> memref<10000x128xf32, #tpu.memory_space<hbm>>
          tpu.wait_indirect_dma semaphore(%arg18 : memref<!tpu.dma_semaphore, #tpu.memory_space<semaphore_mem>>) src(%dma_wait3A_80 : memref<10000x128xf32, #tpu.memory_space<hbm>>) dst(%arg15 : memref<80x128xf32, #tpu.memory_space<vmem>>)
          "tpu.region"() ({
            %run_scoped3A = tpu.sem_alloc : memref<!tpu.dma_semaphore, #tpu.memory_space<semaphore_mem>>
            %dma_start3A_88 = arith.constant 0 : i32
            %dma_start3A_89 = tpu.memref_slice %arg14[%scan3A_40, %dma_start3A_88] : memref<125x80xi32, #tpu.memory_space<vmem>> -> memref<1x80xi32, #tpu.memory_space<vmem>>
            %dma_start3A_90 = tpu.memref_squeeze %dma_start3A_89 : memref<1x80xi32, #tpu.memory_space<vmem>> -> memref<80xi32, #tpu.memory_space<vmem>>
            %dma_start3A_91 = arith.constant 0 : i32
            %dma_start3A_92 = arith.constant 0 : i32
            %dma_start3A_93 = tpu.memref_slice %arg17[%dma_start3A_91, %dma_start3A_92] : memref<10240x128xf32, #tpu.memory_space<vmem_shared>> -> memref<10240x128xf32, #tpu.memory_space<vmem_shared>>
            tpu.enqueue_indirect_dma source(%arg15 : memref<80x128xf32, #tpu.memory_space<vmem>>) target(%dma_start3A_93 : memref<10240x128xf32, #tpu.memory_space<vmem_shared>>) offsets(%dma_start3A_90 : memref<80xi32, #tpu.memory_space<vmem>>) semaphore(%run_scoped3A : memref<!tpu.dma_semaphore, #tpu.memory_space<semaphore_mem>>) {add = true}
            %dma_wait3A_94 = arith.constant 0 : i32
            %dma_wait3A_95 = tpu.memref_slice %arg14[%scan3A_40, %dma_wait3A_94] : memref<125x80xi32, #tpu.memory_space<vmem>> -> memref<1x80xi32, #tpu.memory_space<vmem>>
            %dma_wait3A_96 = tpu.memref_squeeze %dma_wait3A_95 : memref<1x80xi32, #tpu.memory_space<vmem>> -> memref<80xi32, #tpu.memory_space<vmem>>
            %dma_wait3A_97 = arith.constant 0 : i32
            %dma_wait3A_98 = arith.constant 0 : i32
            %dma_wait3A_99 = tpu.memref_slice %arg17[%dma_wait3A_97, %dma_wait3A_98] : memref<10240x128xf32, #tpu.memory_space<vmem_shared>> -> memref<10240x128xf32, #tpu.memory_space<vmem_shared>>
            tpu.wait_indirect_dma semaphore(%run_scoped3A : memref<!tpu.dma_semaphore, #tpu.memory_space<semaphore_mem>>) src(%arg15 : memref<80x128xf32, #tpu.memory_space<vmem>>) dst(%dma_wait3A_99 : memref<10240x128xf32, #tpu.memory_space<vmem_shared>>)
            tpu.yield
          }) : () -> ()
          %add3A_81 = arith.constant 2 : i32
          %add3A_82 = arith.addi %scan3A_40, %add3A_81 : i32
          %lt3A_83 = arith.constant 125 : i32
          %lt3A_84 = arith.cmpi slt, %add3A_82, %lt3A_83 : i32
          %convert_element_type3A_85 = arith.extui %lt3A_84 : i1 to i32
          %cond3A_86 = arith.constant 0 : i32
          %cond3A_87 = arith.cmpi ne, %convert_element_type3A_85, %cond3A_86 : i32
          scf.if %cond3A_87 {
            %add3A_88 = arith.constant 2 : i32
            %add3A_89 = arith.addi %scan3A_40, %add3A_88 : i32
            %mul3A_90 = arith.constant 80 : i32
            %mul3A_91 = arith.muli %add3A_89, %mul3A_90 : i32
            %dma_start3A_92 = tpu.memref_slice %arg13[%mul3A_91] : memref<10000xi32, #tpu.memory_space<vmem>> -> memref<80xi32, #tpu.memory_space<vmem>>
            %dma_start3A_93 = arith.constant 0 : i32
            %dma_start3A_94 = arith.constant 0 : i32
            %dma_start3A_95 = tpu.memref_slice %arg5[%dma_start3A_93, %dma_start3A_94] : memref<10000x128xf32, #tpu.memory_space<hbm>> -> memref<10000x128xf32, #tpu.memory_space<hbm>>
            tpu.enqueue_indirect_dma source(%dma_start3A_95 : memref<10000x128xf32, #tpu.memory_space<hbm>>) target(%arg15 : memref<80x128xf32, #tpu.memory_space<vmem>>) offsets(%dma_start3A_92 : memref<80xi32, #tpu.memory_space<vmem>>) semaphore(%arg18 : memref<!tpu.dma_semaphore, #tpu.memory_space<semaphore_mem>>)
          } else {
          }
        } else {
        }
        %jit3A_55 = arith.constant 2 : i32
        %eq3A_56 = arith.constant 0 : i32
        %eq3A_57 = arith.cmpi eq, %jit3A_55, %eq3A_56 : i32
        %jit3A_58 = arith.constant 1 : i32
        %select_n3A_59 = arith.select %eq3A_57, %jit3A_58, %jit3A_55 : i32
        %rem3A_60 = arith.remsi %scan3A_40, %select_n3A_59 : i32
        %ne3A_61 = arith.constant 0 : i32
        %ne3A_62 = arith.cmpi ne, %rem3A_60, %ne3A_61 : i32
        %lt3A_63 = arith.constant 0 : i32
        %lt3A_64 = arith.cmpi slt, %rem3A_60, %lt3A_63 : i32
        %lt3A_65 = arith.constant 0 : i32
        %lt3A_66 = arith.cmpi slt, %select_n3A_59, %lt3A_65 : i32
        %ne3A_67 = arith.xori %lt3A_64, %lt3A_66 : i1
        %and3A_68 = arith.andi %ne3A_67, %ne3A_62 : i1
        %add3A_69 = arith.addi %rem3A_60, %select_n3A_59 : i32
        %select_n3A_70 = arith.select %and3A_68, %add3A_69, %rem3A_60 : i32
        %eq3A_71 = arith.constant 1 : i32
        %eq3A_72 = arith.cmpi eq, %select_n3A_70, %eq3A_71 : i32
        %convert_element_type3A_73 = arith.extui %eq3A_72 : i1 to i32
        %cond3A_74 = arith.constant 0 : i32
        %cond3A_75 = arith.cmpi ne, %convert_element_type3A_73, %cond3A_74 : i32
        scf.if %cond3A_75 {
          %mul3A_76 = arith.constant 80 : i32
          %mul3A_77 = arith.muli %scan3A_40, %mul3A_76 : i32
          %dma_wait3A = tpu.memref_slice %arg13[%mul3A_77] : memref<10000xi32, #tpu.memory_space<vmem>> -> memref<80xi32, #tpu.memory_space<vmem>>
          %dma_wait3A_78 = arith.constant 0 : i32
          %dma_wait3A_79 = arith.constant 0 : i32
          %dma_wait3A_80 = tpu.memref_slice %arg5[%dma_wait3A_78, %dma_wait3A_79] : memref<10000x128xf32, #tpu.memory_space<hbm>> -> memref<10000x128xf32, #tpu.memory_space<hbm>>
          tpu.wait_indirect_dma semaphore(%arg19 : memref<!tpu.dma_semaphore, #tpu.memory_space<semaphore_mem>>) src(%dma_wait3A_80 : memref<10000x128xf32, #tpu.memory_space<hbm>>) dst(%arg16 : memref<80x128xf32, #tpu.memory_space<vmem>>)
          "tpu.region"() ({
            %run_scoped3A = tpu.sem_alloc : memref<!tpu.dma_semaphore, #tpu.memory_space<semaphore_mem>>
            %dma_start3A_88 = arith.constant 0 : i32
            %dma_start3A_89 = tpu.memref_slice %arg14[%scan3A_40, %dma_start3A_88] : memref<125x80xi32, #tpu.memory_space<vmem>> -> memref<1x80xi32, #tpu.memory_space<vmem>>
            %dma_start3A_90 = tpu.memref_squeeze %dma_start3A_89 : memref<1x80xi32, #tpu.memory_space<vmem>> -> memref<80xi32, #tpu.memory_space<vmem>>
            %dma_start3A_91 = arith.constant 0 : i32
            %dma_start3A_92 = arith.constant 0 : i32
            %dma_start3A_93 = tpu.memref_slice %arg17[%dma_start3A_91, %dma_start3A_92] : memref<10240x128xf32, #tpu.memory_space<vmem_shared>> -> memref<10240x128xf32, #tpu.memory_space<vmem_shared>>
            tpu.enqueue_indirect_dma source(%arg16 : memref<80x128xf32, #tpu.memory_space<vmem>>) target(%dma_start3A_93 : memref<10240x128xf32, #tpu.memory_space<vmem_shared>>) offsets(%dma_start3A_90 : memref<80xi32, #tpu.memory_space<vmem>>) semaphore(%run_scoped3A : memref<!tpu.dma_semaphore, #tpu.memory_space<semaphore_mem>>) {add = true}
            %dma_wait3A_94 = arith.constant 0 : i32
            %dma_wait3A_95 = tpu.memref_slice %arg14[%scan3A_40, %dma_wait3A_94] : memref<125x80xi32, #tpu.memory_space<vmem>> -> memref<1x80xi32, #tpu.memory_space<vmem>>
            %dma_wait3A_96 = tpu.memref_squeeze %dma_wait3A_95 : memref<1x80xi32, #tpu.memory_space<vmem>> -> memref<80xi32, #tpu.memory_space<vmem>>
            %dma_wait3A_97 = arith.constant 0 : i32
            %dma_wait3A_98 = arith.constant 0 : i32
            %dma_wait3A_99 = tpu.memref_slice %arg17[%dma_wait3A_97, %dma_wait3A_98] : memref<10240x128xf32, #tpu.memory_space<vmem_shared>> -> memref<10240x128xf32, #tpu.memory_space<vmem_shared>>
            tpu.wait_indirect_dma semaphore(%run_scoped3A : memref<!tpu.dma_semaphore, #tpu.memory_space<semaphore_mem>>) src(%arg16 : memref<80x128xf32, #tpu.memory_space<vmem>>) dst(%dma_wait3A_99 : memref<10240x128xf32, #tpu.memory_space<vmem_shared>>)
            tpu.yield
          }) : () -> ()
          %add3A_81 = arith.constant 2 : i32
          %add3A_82 = arith.addi %scan3A_40, %add3A_81 : i32
          %lt3A_83 = arith.constant 125 : i32
          %lt3A_84 = arith.cmpi slt, %add3A_82, %lt3A_83 : i32
          %convert_element_type3A_85 = arith.extui %lt3A_84 : i1 to i32
          %cond3A_86 = arith.constant 0 : i32
          %cond3A_87 = arith.cmpi ne, %convert_element_type3A_85, %cond3A_86 : i32
          scf.if %cond3A_87 {
            %add3A_88 = arith.constant 2 : i32
            %add3A_89 = arith.addi %scan3A_40, %add3A_88 : i32
            %mul3A_90 = arith.constant 80 : i32
            %mul3A_91 = arith.muli %add3A_89, %mul3A_90 : i32
            %dma_start3A_92 = tpu.memref_slice %arg13[%mul3A_91] : memref<10000xi32, #tpu.memory_space<vmem>> -> memref<80xi32, #tpu.memory_space<vmem>>
            %dma_start3A_93 = arith.constant 0 : i32
            %dma_start3A_94 = arith.constant 0 : i32
            %dma_start3A_95 = tpu.memref_slice %arg5[%dma_start3A_93, %dma_start3A_94] : memref<10000x128xf32, #tpu.memory_space<hbm>> -> memref<10000x128xf32, #tpu.memory_space<hbm>>
            tpu.enqueue_indirect_dma source(%dma_start3A_95 : memref<10000x128xf32, #tpu.memory_space<hbm>>) target(%arg16 : memref<80x128xf32, #tpu.memory_space<vmem>>) offsets(%dma_start3A_92 : memref<80xi32, #tpu.memory_space<vmem>>) semaphore(%arg19 : memref<!tpu.dma_semaphore, #tpu.memory_space<semaphore_mem>>)
          } else {
          }
        } else {
        }
      }
      %scan3A_34 = arith.constant 125 : i32
      %barrier3A_35 = arith.constant 0 : index
      tpu.barrier barrier_id(%barrier3A_35)
      %mul3A_36 = arith.constant 640 : i32
      %mul3A_37 = arith.muli %arg1, %mul3A_36 : i32
      %mul3A_38 = arith.constant 640 : i32
      %mul3A_39 = arith.muli %arg1, %mul3A_38 : i32
      "tpu.region"() ({
        %run_scoped3A = tpu.sem_alloc : memref<!tpu.dma_semaphore, #tpu.memory_space<semaphore_mem>>
        %dma_start3A_40 = arith.constant 0 : i32
        %dma_start3A_41 = tpu.memref_slice %arg12[%mul3A_39, %dma_start3A_40] : memref<10240x128xf32, #tpu.memory_space<hbm>> -> memref<640x128xf32, #tpu.memory_space<hbm>>
        %dma_start3A_42 = arith.constant 0 : i32
        %dma_start3A_43 = tpu.memref_slice %arg17[%mul3A_37, %dma_start3A_42] : memref<10240x128xf32, #tpu.memory_space<vmem_shared>> -> memref<640x128xf32, #tpu.memory_space<vmem_shared>>
        tpu.enqueue_dma source(%dma_start3A_43 : memref<640x128xf32, #tpu.memory_space<vmem_shared>>) target(%dma_start3A_41 : memref<640x128xf32, #tpu.memory_space<hbm>>) target_semaphore(%run_scoped3A : memref<!tpu.dma_semaphore, #tpu.memory_space<semaphore_mem>>)
        %dma_wait3A = arith.constant 0 : i32
        %dma_wait3A_44 = tpu.memref_slice %arg12[%mul3A_39, %dma_wait3A] : memref<10240x128xf32, #tpu.memory_space<hbm>> -> memref<640x128xf32, #tpu.memory_space<hbm>>
        %dma_wait3A_45 = arith.constant 0 : i32
        %dma_wait3A_46 = tpu.memref_slice %arg17[%mul3A_37, %dma_wait3A_45] : memref<10240x128xf32, #tpu.memory_space<vmem_shared>> -> memref<640x128xf32, #tpu.memory_space<vmem_shared>>
        tpu.wait_dma2 semaphore(%run_scoped3A : memref<!tpu.dma_semaphore, #tpu.memory_space<semaphore_mem>>) src(%dma_wait3A_46 : memref<640x128xf32, #tpu.memory_space<vmem_shared>>) dst(%dma_wait3A_44 : memref<640x128xf32, #tpu.memory_space<hbm>>)
        tpu.yield
      }) : () -> ()
    } else {
    }
    return
  }
}

module attributes {stable_mosaic.version = 14 : i64} {
  func.func @body(%arg0: i32, %arg1: memref<1000x128xf32, #tpu.memory_space<vmem>>, %arg2: memref<1000x128xf32, #tpu.memory_space<vmem>>, %arg3: memref<1000x128xf32, #tpu.memory_space<vmem>>, %arg4: memref<1000x128xf32, #tpu.memory_space<vmem>>, %arg5: memref<256x512xf32, #tpu.memory_space<vmem>>, %arg6: memref<1x512xf32, #tpu.memory_space<vmem>>, %arg7: memref<512x512xf32, #tpu.memory_space<vmem>>, %arg8: memref<1x512xf32, #tpu.memory_space<vmem>>, %arg9: memref<1000x128xf32, #tpu.memory_space<vmem>>, %arg10: memref<1000x128xf32, #tpu.memory_space<vmem>>, %arg11: memref<1000x128xf32, #tpu.memory_space<vmem>>, %arg12: memref<1000x128xf32, #tpu.memory_space<vmem>>) attributes {dimension_semantics = [#tpu.dimension_semantics<arbitrary>], iteration_bounds = array<i64: 10>, scalar_prefetch = 0 : i64, scratch_operands = 0 : i64, tpu.core_type = #tpu.core_type<tc>, window_params = [{transform_indices = @transform_0, window_bounds = array<i64: 1000, 128>}, {transform_indices = @transform_1, window_bounds = array<i64: 1000, 128>}, {transform_indices = @transform_2, window_bounds = array<i64: 1000, 128>}, {transform_indices = @transform_3, window_bounds = array<i64: 1000, 128>}, {pipeline_mode = #tpu.pipeline_mode<synchronous>, transform_indices = @transform_4, window_bounds = array<i64: 256, 512>}, {pipeline_mode = #tpu.pipeline_mode<synchronous>, transform_indices = @transform_5, window_bounds = array<i64: 1, 512>}, {pipeline_mode = #tpu.pipeline_mode<synchronous>, transform_indices = @transform_6, window_bounds = array<i64: 512, 512>}, {pipeline_mode = #tpu.pipeline_mode<synchronous>, transform_indices = @transform_7, window_bounds = array<i64: 1, 512>}, {transform_indices = @transform_8, window_bounds = array<i64: 1000, 128>}, {transform_indices = @transform_9, window_bounds = array<i64: 1000, 128>}, {transform_indices = @transform_10, window_bounds = array<i64: 1000, 128>}, {transform_indices = @transform_11, window_bounds = array<i64: 1000, 128>}]} {
    %get3A = arith.constant 0 : index
    %get3A_0 = arith.constant 0 : index
    %get3A_1 = vector.load %arg1[%get3A, %get3A_0] : memref<1000x128xf32, #tpu.memory_space<vmem>>, vector<1000x128xf32>
    %mul3A = arith.constant 1.010000e+00 : f32
    %mul3A_2 = vector.broadcast %mul3A : f32 to vector<1000x128xf32>
    %mul3A_3 = arith.mulf %mul3A_2, %get3A_1 : vector<1000x128xf32>
    %get3A_4 = arith.constant 0 : index
    %get3A_5 = arith.constant 0 : index
    %get3A_6 = vector.load %arg3[%get3A_4, %get3A_5] : memref<1000x128xf32, #tpu.memory_space<vmem>>, vector<1000x128xf32>
    %add3A = arith.addf %mul3A_3, %get3A_6 : vector<1000x128xf32>
    %get3A_7 = arith.constant 0 : index
    %get3A_8 = arith.constant 0 : index
    %get3A_9 = vector.load %arg2[%get3A_7, %get3A_8] : memref<1000x128xf32, #tpu.memory_space<vmem>>, vector<1000x128xf32>
    %mul3A_10 = arith.constant 1.010000e+00 : f32
    %mul3A_11 = vector.broadcast %mul3A_10 : f32 to vector<1000x128xf32>
    %mul3A_12 = arith.mulf %mul3A_11, %get3A_9 : vector<1000x128xf32>
    %get3A_13 = arith.constant 0 : index
    %get3A_14 = arith.constant 0 : index
    %get3A_15 = vector.load %arg4[%get3A_13, %get3A_14] : memref<1000x128xf32, #tpu.memory_space<vmem>>, vector<1000x128xf32>
    %add3A_16 = arith.addf %mul3A_12, %get3A_15 : vector<1000x128xf32>
    %concatenate3A = tpu.concatenate %add3A, %add3A_16 in 1 : vector<1000x128xf32>, vector<1000x128xf32> -> vector<1000x256xf32>
    %get3A_17 = arith.constant 0 : index
    %get3A_18 = arith.constant 0 : index
    %get3A_19 = vector.load %arg5[%get3A_17, %get3A_18] : memref<256x512xf32, #tpu.memory_space<vmem>>, vector<256x512xf32>
    %dot_general3A = arith.constant dense<0.000000e+00> : vector<1000x512xf32>
    %dot_general3A_20 = tpu.matmul %concatenate3A, %get3A_19, %dot_general3A {dimension_numbers = #tpu.dot_dimension_numbers<[1], [0], [0], [1], [0, 0, 1, 1], [], []>, transpose_lhs_hint = false} : vector<1000x256xf32>, vector<256x512xf32>, vector<1000x512xf32> -> vector<1000x512xf32>
    %get3A_21 = arith.constant 0 : index
    %get3A_22 = arith.constant 0 : index
    %get3A_23 = vector.load %arg6[%get3A_21, %get3A_22] : memref<1x512xf32, #tpu.memory_space<vmem>>, vector<1x512xf32>
    %add3A_24 = vector.broadcast %get3A_23 : vector<1x512xf32> to vector<1000x512xf32>
    %add3A_25 = arith.addf %dot_general3A_20, %add3A_24 : vector<1000x512xf32>
    %max3A = arith.constant 0.000000e+00 : f32
    %max3A_26 = vector.broadcast %max3A : f32 to vector<1000x512xf32>
    %max3A_27 = arith.maximumf %add3A_25, %max3A_26 : vector<1000x512xf32>
    %get3A_28 = arith.constant 0 : index
    %get3A_29 = arith.constant 0 : index
    %get3A_30 = vector.load %arg7[%get3A_28, %get3A_29] : memref<512x512xf32, #tpu.memory_space<vmem>>, vector<512x512xf32>
    %dot_general3A_31 = arith.constant dense<0.000000e+00> : vector<1000x512xf32>
    %dot_general3A_32 = tpu.matmul %max3A_27, %get3A_30, %dot_general3A_31 {dimension_numbers = #tpu.dot_dimension_numbers<[1], [0], [0], [1], [0, 0, 1, 1], [], []>, transpose_lhs_hint = false} : vector<1000x512xf32>, vector<512x512xf32>, vector<1000x512xf32> -> vector<1000x512xf32>
    %get3A_33 = arith.constant 0 : index
    %get3A_34 = arith.constant 0 : index
    %get3A_35 = vector.load %arg8[%get3A_33, %get3A_34] : memref<1x512xf32, #tpu.memory_space<vmem>>, vector<1x512xf32>
    %add3A_36 = vector.broadcast %get3A_35 : vector<1x512xf32> to vector<1000x512xf32>
    %add3A_37 = arith.addf %dot_general3A_32, %add3A_36 : vector<1000x512xf32>
    %max3A_38 = arith.constant 0.000000e+00 : f32
    %max3A_39 = vector.broadcast %max3A_38 : f32 to vector<1000x512xf32>
    %max3A_40 = arith.maximumf %add3A_37, %max3A_39 : vector<1000x512xf32>
    %slice3A = vector.extract_strided_slice %max3A_40 {offsets = [0, 0], sizes = [1000, 128], strides = [1, 1]} : vector<1000x512xf32> to vector<1000x128xf32>
    %swap3A = arith.constant 0 : index
    %swap3A_41 = arith.constant 0 : index
    %swap3A_42 = vector.load %arg9[%swap3A, %swap3A_41] : memref<1000x128xf32, #tpu.memory_space<vmem>>, vector<1000x128xf32>
    tpu.vector_store %arg9[%swap3A, %swap3A_41], %slice3A {strides = array<i32>} : memref<1000x128xf32, #tpu.memory_space<vmem>>, vector<1000x128xf32>,
    %slice3A_43 = vector.extract_strided_slice %max3A_40 {offsets = [0, 128], sizes = [1000, 128], strides = [1, 1]} : vector<1000x512xf32> to vector<1000x128xf32>
    %swap3A_44 = arith.constant 0 : index
    %swap3A_45 = arith.constant 0 : index
    %swap3A_46 = vector.load %arg10[%swap3A_44, %swap3A_45] : memref<1000x128xf32, #tpu.memory_space<vmem>>, vector<1000x128xf32>
    tpu.vector_store %arg10[%swap3A_44, %swap3A_45], %slice3A_43 {strides = array<i32>} : memref<1000x128xf32, #tpu.memory_space<vmem>>, vector<1000x128xf32>,
    %slice3A_47 = vector.extract_strided_slice %max3A_40 {offsets = [0, 256], sizes = [1000, 128], strides = [1, 1]} : vector<1000x512xf32> to vector<1000x128xf32>
    %swap3A_48 = arith.constant 0 : index
    %swap3A_49 = arith.constant 0 : index
    %swap3A_50 = vector.load %arg11[%swap3A_48, %swap3A_49] : memref<1000x128xf32, #tpu.memory_space<vmem>>, vector<1000x128xf32>
    tpu.vector_store %arg11[%swap3A_48, %swap3A_49], %slice3A_47 {strides = array<i32>} : memref<1000x128xf32, #tpu.memory_space<vmem>>, vector<1000x128xf32>,
    %slice3A_51 = vector.extract_strided_slice %max3A_40 {offsets = [0, 384], sizes = [1000, 128], strides = [1, 1]} : vector<1000x512xf32> to vector<1000x128xf32>
    %swap3A_52 = arith.constant 0 : index
    %swap3A_53 = arith.constant 0 : index
    %swap3A_54 = vector.load %arg12[%swap3A_52, %swap3A_53] : memref<1000x128xf32, #tpu.memory_space<vmem>>, vector<1000x128xf32>
    tpu.vector_store %arg12[%swap3A_52, %swap3A_53], %slice3A_51 {strides = array<i32>} : memref<1000x128xf32, #tpu.memory_space<vmem>>, vector<1000x128xf32>,
    return
  }
  func.func @transform_0(%arg0: i32) -> (i32, i32) {
    %c0_i32 = arith.constant 0 : i32
    %c0_i32_0 = arith.constant 0 : i32
    return %arg0, %c0_i32 : i32, i32
  }
  func.func @transform_1(%arg0: i32) -> (i32, i32) {
    %c0_i32 = arith.constant 0 : i32
    %c0_i32_0 = arith.constant 0 : i32
    return %arg0, %c0_i32 : i32, i32
  }
  func.func @transform_2(%arg0: i32) -> (i32, i32) {
    %c0_i32 = arith.constant 0 : i32
    %c0_i32_0 = arith.constant 0 : i32
    return %arg0, %c0_i32 : i32, i32
  }
  func.func @transform_3(%arg0: i32) -> (i32, i32) {
    %c0_i32 = arith.constant 0 : i32
    %c0_i32_0 = arith.constant 0 : i32
    return %arg0, %c0_i32 : i32, i32
  }
  func.func @transform_4(%arg0: i32) -> (i32, i32) {
    %c0_i32 = arith.constant 0 : i32
    %c0_i32_0 = arith.constant 0 : i32
    %c0_i32_1 = arith.constant 0 : i32
    return %c0_i32, %c0_i32_0 : i32, i32
  }
  func.func @transform_5(%arg0: i32) -> (i32, i32) {
    %c0_i32 = arith.constant 0 : i32
    %c0_i32_0 = arith.constant 0 : i32
    %c0_i32_1 = arith.constant 0 : i32
    return %c0_i32, %c0_i32_0 : i32, i32
  }
  func.func @transform_6(%arg0: i32) -> (i32, i32) {
    %c0_i32 = arith.constant 0 : i32
    %c0_i32_0 = arith.constant 0 : i32
    %c0_i32_1 = arith.constant 0 : i32
    return %c0_i32, %c0_i32_0 : i32, i32
  }
  func.func @transform_7(%arg0: i32) -> (i32, i32) {
    %c0_i32 = arith.constant 0 : i32
    %c0_i32_0 = arith.constant 0 : i32
    %c0_i32_1 = arith.constant 0 : i32
    return %c0_i32, %c0_i32_0 : i32, i32
  }
  func.func @transform_8(%arg0: i32) -> (i32, i32) {
    %c0_i32 = arith.constant 0 : i32
    %c0_i32_0 = arith.constant 0 : i32
    return %arg0, %c0_i32 : i32, i32
  }
  func.func @transform_9(%arg0: i32) -> (i32, i32) {
    %c0_i32 = arith.constant 0 : i32
    %c0_i32_0 = arith.constant 0 : i32
    return %arg0, %c0_i32 : i32, i32
  }
  func.func @transform_10(%arg0: i32) -> (i32, i32) {
    %c0_i32 = arith.constant 0 : i32
    %c0_i32_0 = arith.constant 0 : i32
    return %arg0, %c0_i32 : i32, i32
  }
  func.func @transform_11(%arg0: i32) -> (i32, i32) {
    %c0_i32 = arith.constant 0 : i32
    %c0_i32_0 = arith.constant 0 : i32
    return %arg0, %c0_i32 : i32, i32
  }
}

module attributes {stable_mosaic.version = 14 : i64} {
  func.func @body(%arg0: i32, %arg1: memref<1000x128xf32, #tpu.memory_space<vmem>>, %arg2: memref<1000x128xf32, #tpu.memory_space<vmem>>, %arg3: memref<1000x128xf32, #tpu.memory_space<vmem>>, %arg4: memref<1000x128xf32, #tpu.memory_space<vmem>>, %arg5: memref<1000x128xf32, #tpu.memory_space<vmem>>, %arg6: memref<1000x128xf32, #tpu.memory_space<vmem>>, %arg7: memref<1000x128xf32, #tpu.memory_space<vmem>>, %arg8: memref<1000x128xf32, #tpu.memory_space<vmem>>, %arg9: memref<512x1024xf32, #tpu.memory_space<vmem>>, %arg10: memref<1x1024xf32, #tpu.memory_space<vmem>>, %arg11: memref<1024x512xf32, #tpu.memory_space<vmem>>, %arg12: memref<1x512xf32, #tpu.memory_space<vmem>>, %arg13: memref<1000x128xf32, #tpu.memory_space<vmem>>, %arg14: memref<1000x128xf32, #tpu.memory_space<vmem>>, %arg15: memref<1000x128xf32, #tpu.memory_space<vmem>>, %arg16: memref<1000x128xf32, #tpu.memory_space<vmem>>) attributes {dimension_semantics = [#tpu.dimension_semantics<arbitrary>], iteration_bounds = array<i64: 10>, scalar_prefetch = 0 : i64, scratch_operands = 0 : i64, tpu.core_type = #tpu.core_type<tc>, window_params = [{transform_indices = @transform_0, window_bounds = array<i64: 1000, 128>}, {transform_indices = @transform_1, window_bounds = array<i64: 1000, 128>}, {transform_indices = @transform_2, window_bounds = array<i64: 1000, 128>}, {transform_indices = @transform_3, window_bounds = array<i64: 1000, 128>}, {transform_indices = @transform_4, window_bounds = array<i64: 1000, 128>}, {transform_indices = @transform_5, window_bounds = array<i64: 1000, 128>}, {transform_indices = @transform_6, window_bounds = array<i64: 1000, 128>}, {transform_indices = @transform_7, window_bounds = array<i64: 1000, 128>}, {pipeline_mode = #tpu.pipeline_mode<synchronous>, transform_indices = @transform_8, window_bounds = array<i64: 512, 1024>}, {pipeline_mode = #tpu.pipeline_mode<synchronous>, transform_indices = @transform_9, window_bounds = array<i64: 1, 1024>}, {pipeline_mode = #tpu.pipeline_mode<synchronous>, transform_indices = @transform_10, window_bounds = array<i64: 1024, 512>}, {pipeline_mode = #tpu.pipeline_mode<synchronous>, transform_indices = @transform_11, window_bounds = array<i64: 1, 512>}, {transform_indices = @transform_12, window_bounds = array<i64: 1000, 128>}, {transform_indices = @transform_13, window_bounds = array<i64: 1000, 128>}, {transform_indices = @transform_14, window_bounds = array<i64: 1000, 128>}, {transform_indices = @transform_15, window_bounds = array<i64: 1000, 128>}]} {
    %get3A = arith.constant 0 : index
    %get3A_0 = arith.constant 0 : index
    %get3A_1 = vector.load %arg1[%get3A, %get3A_0] : memref<1000x128xf32, #tpu.memory_space<vmem>>, vector<1000x128xf32>
    %mul3A = arith.constant 1.010000e+00 : f32
    %mul3A_2 = vector.broadcast %mul3A : f32 to vector<1000x128xf32>
    %mul3A_3 = arith.mulf %mul3A_2, %get3A_1 : vector<1000x128xf32>
    %get3A_4 = arith.constant 0 : index
    %get3A_5 = arith.constant 0 : index
    %get3A_6 = vector.load %arg5[%get3A_4, %get3A_5] : memref<1000x128xf32, #tpu.memory_space<vmem>>, vector<1000x128xf32>
    %add3A = arith.addf %mul3A_3, %get3A_6 : vector<1000x128xf32>
    %get3A_7 = arith.constant 0 : index
    %get3A_8 = arith.constant 0 : index
    %get3A_9 = vector.load %arg2[%get3A_7, %get3A_8] : memref<1000x128xf32, #tpu.memory_space<vmem>>, vector<1000x128xf32>
    %mul3A_10 = arith.constant 1.010000e+00 : f32
    %mul3A_11 = vector.broadcast %mul3A_10 : f32 to vector<1000x128xf32>
    %mul3A_12 = arith.mulf %mul3A_11, %get3A_9 : vector<1000x128xf32>
    %get3A_13 = arith.constant 0 : index
    %get3A_14 = arith.constant 0 : index
    %get3A_15 = vector.load %arg6[%get3A_13, %get3A_14] : memref<1000x128xf32, #tpu.memory_space<vmem>>, vector<1000x128xf32>
    %add3A_16 = arith.addf %mul3A_12, %get3A_15 : vector<1000x128xf32>
    %get3A_17 = arith.constant 0 : index
    %get3A_18 = arith.constant 0 : index
    %get3A_19 = vector.load %arg3[%get3A_17, %get3A_18] : memref<1000x128xf32, #tpu.memory_space<vmem>>, vector<1000x128xf32>
    %mul3A_20 = arith.constant 1.010000e+00 : f32
    %mul3A_21 = vector.broadcast %mul3A_20 : f32 to vector<1000x128xf32>
    %mul3A_22 = arith.mulf %mul3A_21, %get3A_19 : vector<1000x128xf32>
    %get3A_23 = arith.constant 0 : index
    %get3A_24 = arith.constant 0 : index
    %get3A_25 = vector.load %arg7[%get3A_23, %get3A_24] : memref<1000x128xf32, #tpu.memory_space<vmem>>, vector<1000x128xf32>
    %add3A_26 = arith.addf %mul3A_22, %get3A_25 : vector<1000x128xf32>
    %get3A_27 = arith.constant 0 : index
    %get3A_28 = arith.constant 0 : index
    %get3A_29 = vector.load %arg4[%get3A_27, %get3A_28] : memref<1000x128xf32, #tpu.memory_space<vmem>>, vector<1000x128xf32>
    %mul3A_30 = arith.constant 1.010000e+00 : f32
    %mul3A_31 = vector.broadcast %mul3A_30 : f32 to vector<1000x128xf32>
    %mul3A_32 = arith.mulf %mul3A_31, %get3A_29 : vector<1000x128xf32>
    %get3A_33 = arith.constant 0 : index
    %get3A_34 = arith.constant 0 : index
    %get3A_35 = vector.load %arg8[%get3A_33, %get3A_34] : memref<1000x128xf32, #tpu.memory_space<vmem>>, vector<1000x128xf32>
    %add3A_36 = arith.addf %mul3A_32, %get3A_35 : vector<1000x128xf32>
    %concatenate3A = tpu.concatenate %add3A, %add3A_16, %add3A_26, %add3A_36 in 1 : vector<1000x128xf32>, vector<1000x128xf32>, vector<1000x128xf32>, vector<1000x128xf32> -> vector<1000x512xf32>
    %get3A_37 = arith.constant 0 : index
    %get3A_38 = arith.constant 0 : index
    %get3A_39 = vector.load %arg9[%get3A_37, %get3A_38] : memref<512x1024xf32, #tpu.memory_space<vmem>>, vector<512x1024xf32>
    %dot_general3A = arith.constant dense<0.000000e+00> : vector<1000x1024xf32>
    %dot_general3A_40 = tpu.matmul %concatenate3A, %get3A_39, %dot_general3A {dimension_numbers = #tpu.dot_dimension_numbers<[1], [0], [0], [1], [0, 0, 1, 1], [], []>, transpose_lhs_hint = false} : vector<1000x512xf32>, vector<512x1024xf32>, vector<1000x1024xf32> -> vector<1000x1024xf32>
    %get3A_41 = arith.constant 0 : index
    %get3A_42 = arith.constant 0 : index
    %get3A_43 = vector.load %arg10[%get3A_41, %get3A_42] : memref<1x1024xf32, #tpu.memory_space<vmem>>, vector<1x1024xf32>
    %add3A_44 = vector.broadcast %get3A_43 : vector<1x1024xf32> to vector<1000x1024xf32>
    %add3A_45 = arith.addf %dot_general3A_40, %add3A_44 : vector<1000x1024xf32>
    %max3A = arith.constant 0.000000e+00 : f32
    %max3A_46 = vector.broadcast %max3A : f32 to vector<1000x1024xf32>
    %max3A_47 = arith.maximumf %add3A_45, %max3A_46 : vector<1000x1024xf32>
    %get3A_48 = arith.constant 0 : index
    %get3A_49 = arith.constant 0 : index
    %get3A_50 = vector.load %arg11[%get3A_48, %get3A_49] : memref<1024x512xf32, #tpu.memory_space<vmem>>, vector<1024x512xf32>
    %dot_general3A_51 = arith.constant dense<0.000000e+00> : vector<1000x512xf32>
    %dot_general3A_52 = tpu.matmul %max3A_47, %get3A_50, %dot_general3A_51 {dimension_numbers = #tpu.dot_dimension_numbers<[1], [0], [0], [1], [0, 0, 1, 1], [], []>, transpose_lhs_hint = false} : vector<1000x1024xf32>, vector<1024x512xf32>, vector<1000x512xf32> -> vector<1000x512xf32>
    %get3A_53 = arith.constant 0 : index
    %get3A_54 = arith.constant 0 : index
    %get3A_55 = vector.load %arg12[%get3A_53, %get3A_54] : memref<1x512xf32, #tpu.memory_space<vmem>>, vector<1x512xf32>
    %add3A_56 = vector.broadcast %get3A_55 : vector<1x512xf32> to vector<1000x512xf32>
    %add3A_57 = arith.addf %dot_general3A_52, %add3A_56 : vector<1000x512xf32>
    %max3A_58 = arith.constant 0.000000e+00 : f32
    %max3A_59 = vector.broadcast %max3A_58 : f32 to vector<1000x512xf32>
    %max3A_60 = arith.maximumf %add3A_57, %max3A_59 : vector<1000x512xf32>
    %slice3A = vector.extract_strided_slice %max3A_60 {offsets = [0, 0], sizes = [1000, 128], strides = [1, 1]} : vector<1000x512xf32> to vector<1000x128xf32>
    %swap3A = arith.constant 0 : index
    %swap3A_61 = arith.constant 0 : index
    %swap3A_62 = vector.load %arg13[%swap3A, %swap3A_61] : memref<1000x128xf32, #tpu.memory_space<vmem>>, vector<1000x128xf32>
    tpu.vector_store %arg13[%swap3A, %swap3A_61], %slice3A {strides = array<i32>} : memref<1000x128xf32, #tpu.memory_space<vmem>>, vector<1000x128xf32>,
    %slice3A_63 = vector.extract_strided_slice %max3A_60 {offsets = [0, 128], sizes = [1000, 128], strides = [1, 1]} : vector<1000x512xf32> to vector<1000x128xf32>
    %swap3A_64 = arith.constant 0 : index
    %swap3A_65 = arith.constant 0 : index
    %swap3A_66 = vector.load %arg14[%swap3A_64, %swap3A_65] : memref<1000x128xf32, #tpu.memory_space<vmem>>, vector<1000x128xf32>
    tpu.vector_store %arg14[%swap3A_64, %swap3A_65], %slice3A_63 {strides = array<i32>} : memref<1000x128xf32, #tpu.memory_space<vmem>>, vector<1000x128xf32>,
    %slice3A_67 = vector.extract_strided_slice %max3A_60 {offsets = [0, 256], sizes = [1000, 128], strides = [1, 1]} : vector<1000x512xf32> to vector<1000x128xf32>
    %swap3A_68 = arith.constant 0 : index
    %swap3A_69 = arith.constant 0 : index
    %swap3A_70 = vector.load %arg15[%swap3A_68, %swap3A_69] : memref<1000x128xf32, #tpu.memory_space<vmem>>, vector<1000x128xf32>
    tpu.vector_store %arg15[%swap3A_68, %swap3A_69], %slice3A_67 {strides = array<i32>} : memref<1000x128xf32, #tpu.memory_space<vmem>>, vector<1000x128xf32>,
    %slice3A_71 = vector.extract_strided_slice %max3A_60 {offsets = [0, 384], sizes = [1000, 128], strides = [1, 1]} : vector<1000x512xf32> to vector<1000x128xf32>
    %swap3A_72 = arith.constant 0 : index
    %swap3A_73 = arith.constant 0 : index
    %swap3A_74 = vector.load %arg16[%swap3A_72, %swap3A_73] : memref<1000x128xf32, #tpu.memory_space<vmem>>, vector<1000x128xf32>
    tpu.vector_store %arg16[%swap3A_72, %swap3A_73], %slice3A_71 {strides = array<i32>} : memref<1000x128xf32, #tpu.memory_space<vmem>>, vector<1000x128xf32>,
    return
  }
  func.func @transform_0(%arg0: i32) -> (i32, i32) {
    %c0_i32 = arith.constant 0 : i32
    %c0_i32_0 = arith.constant 0 : i32
    return %arg0, %c0_i32 : i32, i32
  }
  func.func @transform_1(%arg0: i32) -> (i32, i32) {
    %c0_i32 = arith.constant 0 : i32
    %c0_i32_0 = arith.constant 0 : i32
    return %arg0, %c0_i32 : i32, i32
  }
  func.func @transform_2(%arg0: i32) -> (i32, i32) {
    %c0_i32 = arith.constant 0 : i32
    %c0_i32_0 = arith.constant 0 : i32
    return %arg0, %c0_i32 : i32, i32
  }
  func.func @transform_3(%arg0: i32) -> (i32, i32) {
    %c0_i32 = arith.constant 0 : i32
    %c0_i32_0 = arith.constant 0 : i32
    return %arg0, %c0_i32 : i32, i32
  }
  func.func @transform_4(%arg0: i32) -> (i32, i32) {
    %c0_i32 = arith.constant 0 : i32
    %c0_i32_0 = arith.constant 0 : i32
    return %arg0, %c0_i32 : i32, i32
  }
  func.func @transform_5(%arg0: i32) -> (i32, i32) {
    %c0_i32 = arith.constant 0 : i32
    %c0_i32_0 = arith.constant 0 : i32
    return %arg0, %c0_i32 : i32, i32
  }
  func.func @transform_6(%arg0: i32) -> (i32, i32) {
    %c0_i32 = arith.constant 0 : i32
    %c0_i32_0 = arith.constant 0 : i32
    return %arg0, %c0_i32 : i32, i32
  }
  func.func @transform_7(%arg0: i32) -> (i32, i32) {
    %c0_i32 = arith.constant 0 : i32
    %c0_i32_0 = arith.constant 0 : i32
    return %arg0, %c0_i32 : i32, i32
  }
  func.func @transform_8(%arg0: i32) -> (i32, i32) {
    %c0_i32 = arith.constant 0 : i32
    %c0_i32_0 = arith.constant 0 : i32
    %c0_i32_1 = arith.constant 0 : i32
    return %c0_i32, %c0_i32_0 : i32, i32
  }
  func.func @transform_9(%arg0: i32) -> (i32, i32) {
    %c0_i32 = arith.constant 0 : i32
    %c0_i32_0 = arith.constant 0 : i32
    %c0_i32_1 = arith.constant 0 : i32
    return %c0_i32, %c0_i32_0 : i32, i32
  }
  func.func @transform_10(%arg0: i32) -> (i32, i32) {
    %c0_i32 = arith.constant 0 : i32
    %c0_i32_0 = arith.constant 0 : i32
    %c0_i32_1 = arith.constant 0 : i32
    return %c0_i32, %c0_i32_0 : i32, i32
  }
  func.func @transform_11(%arg0: i32) -> (i32, i32) {
    %c0_i32 = arith.constant 0 : i32
    %c0_i32_0 = arith.constant 0 : i32
    %c0_i32_1 = arith.constant 0 : i32
    return %c0_i32, %c0_i32_0 : i32, i32
  }
  func.func @transform_12(%arg0: i32) -> (i32, i32) {
    %c0_i32 = arith.constant 0 : i32
    %c0_i32_0 = arith.constant 0 : i32
    return %arg0, %c0_i32 : i32, i32
  }
  func.func @transform_13(%arg0: i32) -> (i32, i32) {
    %c0_i32 = arith.constant 0 : i32
    %c0_i32_0 = arith.constant 0 : i32
    return %arg0, %c0_i32 : i32, i32
  }
  func.func @transform_14(%arg0: i32) -> (i32, i32) {
    %c0_i32 = arith.constant 0 : i32
    %c0_i32_0 = arith.constant 0 : i32
    return %arg0, %c0_i32 : i32, i32
  }
  func.func @transform_15(%arg0: i32) -> (i32, i32) {
    %c0_i32 = arith.constant 0 : i32
    %c0_i32_0 = arith.constant 0 : i32
    return %arg0, %c0_i32 : i32, i32
  }
}

module attributes {stable_mosaic.version = 14 : i64} {
  func.func @body(%arg0: i32, %arg1: memref<1000x128xf32, #tpu.memory_space<vmem>>, %arg2: memref<1000x128xf32, #tpu.memory_space<vmem>>, %arg3: memref<1000x128xf32, #tpu.memory_space<vmem>>, %arg4: memref<1000x128xf32, #tpu.memory_space<vmem>>, %arg5: memref<1000x128xf32, #tpu.memory_space<vmem>>, %arg6: memref<1000x128xf32, #tpu.memory_space<vmem>>, %arg7: memref<1000x128xf32, #tpu.memory_space<vmem>>, %arg8: memref<1000x128xf32, #tpu.memory_space<vmem>>, %arg9: memref<512x1024xf32, #tpu.memory_space<vmem>>, %arg10: memref<1x1024xf32, #tpu.memory_space<vmem>>, %arg11: memref<1024x256xf32, #tpu.memory_space<vmem>>, %arg12: memref<1x256xf32, #tpu.memory_space<vmem>>, %arg13: memref<1000x128xf32, #tpu.memory_space<vmem>>, %arg14: memref<1000x128xf32, #tpu.memory_space<vmem>>) attributes {dimension_semantics = [#tpu.dimension_semantics<arbitrary>], iteration_bounds = array<i64: 10>, scalar_prefetch = 0 : i64, scratch_operands = 0 : i64, tpu.core_type = #tpu.core_type<tc>, window_params = [{transform_indices = @transform_0, window_bounds = array<i64: 1000, 128>}, {transform_indices = @transform_1, window_bounds = array<i64: 1000, 128>}, {transform_indices = @transform_2, window_bounds = array<i64: 1000, 128>}, {transform_indices = @transform_3, window_bounds = array<i64: 1000, 128>}, {transform_indices = @transform_4, window_bounds = array<i64: 1000, 128>}, {transform_indices = @transform_5, window_bounds = array<i64: 1000, 128>}, {transform_indices = @transform_6, window_bounds = array<i64: 1000, 128>}, {transform_indices = @transform_7, window_bounds = array<i64: 1000, 128>}, {pipeline_mode = #tpu.pipeline_mode<synchronous>, transform_indices = @transform_8, window_bounds = array<i64: 512, 1024>}, {pipeline_mode = #tpu.pipeline_mode<synchronous>, transform_indices = @transform_9, window_bounds = array<i64: 1, 1024>}, {pipeline_mode = #tpu.pipeline_mode<synchronous>, transform_indices = @transform_10, window_bounds = array<i64: 1024, 256>}, {pipeline_mode = #tpu.pipeline_mode<synchronous>, transform_indices = @transform_11, window_bounds = array<i64: 1, 256>}, {transform_indices = @transform_12, window_bounds = array<i64: 1000, 128>}, {transform_indices = @transform_13, window_bounds = array<i64: 1000, 128>}]} {
    %get3A = arith.constant 0 : index
    %get3A_0 = arith.constant 0 : index
    %get3A_1 = vector.load %arg1[%get3A, %get3A_0] : memref<1000x128xf32, #tpu.memory_space<vmem>>, vector<1000x128xf32>
    %mul3A = arith.constant 1.010000e+00 : f32
    %mul3A_2 = vector.broadcast %mul3A : f32 to vector<1000x128xf32>
    %mul3A_3 = arith.mulf %mul3A_2, %get3A_1 : vector<1000x128xf32>
    %get3A_4 = arith.constant 0 : index
    %get3A_5 = arith.constant 0 : index
    %get3A_6 = vector.load %arg5[%get3A_4, %get3A_5] : memref<1000x128xf32, #tpu.memory_space<vmem>>, vector<1000x128xf32>
    %add3A = arith.addf %mul3A_3, %get3A_6 : vector<1000x128xf32>
    %get3A_7 = arith.constant 0 : index
    %get3A_8 = arith.constant 0 : index
    %get3A_9 = vector.load %arg2[%get3A_7, %get3A_8] : memref<1000x128xf32, #tpu.memory_space<vmem>>, vector<1000x128xf32>
    %mul3A_10 = arith.constant 1.010000e+00 : f32
    %mul3A_11 = vector.broadcast %mul3A_10 : f32 to vector<1000x128xf32>
    %mul3A_12 = arith.mulf %mul3A_11, %get3A_9 : vector<1000x128xf32>
    %get3A_13 = arith.constant 0 : index
    %get3A_14 = arith.constant 0 : index
    %get3A_15 = vector.load %arg6[%get3A_13, %get3A_14] : memref<1000x128xf32, #tpu.memory_space<vmem>>, vector<1000x128xf32>
    %add3A_16 = arith.addf %mul3A_12, %get3A_15 : vector<1000x128xf32>
    %get3A_17 = arith.constant 0 : index
    %get3A_18 = arith.constant 0 : index
    %get3A_19 = vector.load %arg3[%get3A_17, %get3A_18] : memref<1000x128xf32, #tpu.memory_space<vmem>>, vector<1000x128xf32>
    %mul3A_20 = arith.constant 1.010000e+00 : f32
    %mul3A_21 = vector.broadcast %mul3A_20 : f32 to vector<1000x128xf32>
    %mul3A_22 = arith.mulf %mul3A_21, %get3A_19 : vector<1000x128xf32>
    %get3A_23 = arith.constant 0 : index
    %get3A_24 = arith.constant 0 : index
    %get3A_25 = vector.load %arg7[%get3A_23, %get3A_24] : memref<1000x128xf32, #tpu.memory_space<vmem>>, vector<1000x128xf32>
    %add3A_26 = arith.addf %mul3A_22, %get3A_25 : vector<1000x128xf32>
    %get3A_27 = arith.constant 0 : index
    %get3A_28 = arith.constant 0 : index
    %get3A_29 = vector.load %arg4[%get3A_27, %get3A_28] : memref<1000x128xf32, #tpu.memory_space<vmem>>, vector<1000x128xf32>
    %mul3A_30 = arith.constant 1.010000e+00 : f32
    %mul3A_31 = vector.broadcast %mul3A_30 : f32 to vector<1000x128xf32>
    %mul3A_32 = arith.mulf %mul3A_31, %get3A_29 : vector<1000x128xf32>
    %get3A_33 = arith.constant 0 : index
    %get3A_34 = arith.constant 0 : index
    %get3A_35 = vector.load %arg8[%get3A_33, %get3A_34] : memref<1000x128xf32, #tpu.memory_space<vmem>>, vector<1000x128xf32>
    %add3A_36 = arith.addf %mul3A_32, %get3A_35 : vector<1000x128xf32>
    %concatenate3A = tpu.concatenate %add3A, %add3A_16, %add3A_26, %add3A_36 in 1 : vector<1000x128xf32>, vector<1000x128xf32>, vector<1000x128xf32>, vector<1000x128xf32> -> vector<1000x512xf32>
    %get3A_37 = arith.constant 0 : index
    %get3A_38 = arith.constant 0 : index
    %get3A_39 = vector.load %arg9[%get3A_37, %get3A_38] : memref<512x1024xf32, #tpu.memory_space<vmem>>, vector<512x1024xf32>
    %dot_general3A = arith.constant dense<0.000000e+00> : vector<1000x1024xf32>
    %dot_general3A_40 = tpu.matmul %concatenate3A, %get3A_39, %dot_general3A {dimension_numbers = #tpu.dot_dimension_numbers<[1], [0], [0], [1], [0, 0, 1, 1], [], []>, transpose_lhs_hint = false} : vector<1000x512xf32>, vector<512x1024xf32>, vector<1000x1024xf32> -> vector<1000x1024xf32>
    %get3A_41 = arith.constant 0 : index
    %get3A_42 = arith.constant 0 : index
    %get3A_43 = vector.load %arg10[%get3A_41, %get3A_42] : memref<1x1024xf32, #tpu.memory_space<vmem>>, vector<1x1024xf32>
    %add3A_44 = vector.broadcast %get3A_43 : vector<1x1024xf32> to vector<1000x1024xf32>
    %add3A_45 = arith.addf %dot_general3A_40, %add3A_44 : vector<1000x1024xf32>
    %max3A = arith.constant 0.000000e+00 : f32
    %max3A_46 = vector.broadcast %max3A : f32 to vector<1000x1024xf32>
    %max3A_47 = arith.maximumf %add3A_45, %max3A_46 : vector<1000x1024xf32>
    %get3A_48 = arith.constant 0 : index
    %get3A_49 = arith.constant 0 : index
    %get3A_50 = vector.load %arg11[%get3A_48, %get3A_49] : memref<1024x256xf32, #tpu.memory_space<vmem>>, vector<1024x256xf32>
    %dot_general3A_51 = arith.constant dense<0.000000e+00> : vector<1000x256xf32>
    %dot_general3A_52 = tpu.matmul %max3A_47, %get3A_50, %dot_general3A_51 {dimension_numbers = #tpu.dot_dimension_numbers<[1], [0], [0], [1], [0, 0, 1, 1], [], []>, transpose_lhs_hint = false} : vector<1000x1024xf32>, vector<1024x256xf32>, vector<1000x256xf32> -> vector<1000x256xf32>
    %get3A_53 = arith.constant 0 : index
    %get3A_54 = arith.constant 0 : index
    %get3A_55 = vector.load %arg12[%get3A_53, %get3A_54] : memref<1x256xf32, #tpu.memory_space<vmem>>, vector<1x256xf32>
    %add3A_56 = vector.broadcast %get3A_55 : vector<1x256xf32> to vector<1000x256xf32>
    %add3A_57 = arith.addf %dot_general3A_52, %add3A_56 : vector<1000x256xf32>
    %max3A_58 = arith.constant 0.000000e+00 : f32
    %max3A_59 = vector.broadcast %max3A_58 : f32 to vector<1000x256xf32>
    %max3A_60 = arith.maximumf %add3A_57, %max3A_59 : vector<1000x256xf32>
    %slice3A = vector.extract_strided_slice %max3A_60 {offsets = [0, 0], sizes = [1000, 128], strides = [1, 1]} : vector<1000x256xf32> to vector<1000x128xf32>
    %swap3A = arith.constant 0 : index
    %swap3A_61 = arith.constant 0 : index
    %swap3A_62 = vector.load %arg13[%swap3A, %swap3A_61] : memref<1000x128xf32, #tpu.memory_space<vmem>>, vector<1000x128xf32>
    tpu.vector_store %arg13[%swap3A, %swap3A_61], %slice3A {strides = array<i32>} : memref<1000x128xf32, #tpu.memory_space<vmem>>, vector<1000x128xf32>,
    %slice3A_63 = vector.extract_strided_slice %max3A_60 {offsets = [0, 128], sizes = [1000, 128], strides = [1, 1]} : vector<1000x256xf32> to vector<1000x128xf32>
    %swap3A_64 = arith.constant 0 : index
    %swap3A_65 = arith.constant 0 : index
    %swap3A_66 = vector.load %arg14[%swap3A_64, %swap3A_65] : memref<1000x128xf32, #tpu.memory_space<vmem>>, vector<1000x128xf32>
    tpu.vector_store %arg14[%swap3A_64, %swap3A_65], %slice3A_63 {strides = array<i32>} : memref<1000x128xf32, #tpu.memory_space<vmem>>, vector<1000x128xf32>,
    return
  }
  func.func @transform_0(%arg0: i32) -> (i32, i32) {
    %c0_i32 = arith.constant 0 : i32
    %c0_i32_0 = arith.constant 0 : i32
    return %arg0, %c0_i32 : i32, i32
  }
  func.func @transform_1(%arg0: i32) -> (i32, i32) {
    %c0_i32 = arith.constant 0 : i32
    %c0_i32_0 = arith.constant 0 : i32
    return %arg0, %c0_i32 : i32, i32
  }
  func.func @transform_2(%arg0: i32) -> (i32, i32) {
    %c0_i32 = arith.constant 0 : i32
    %c0_i32_0 = arith.constant 0 : i32
    return %arg0, %c0_i32 : i32, i32
  }
  func.func @transform_3(%arg0: i32) -> (i32, i32) {
    %c0_i32 = arith.constant 0 : i32
    %c0_i32_0 = arith.constant 0 : i32
    return %arg0, %c0_i32 : i32, i32
  }
  func.func @transform_4(%arg0: i32) -> (i32, i32) {
    %c0_i32 = arith.constant 0 : i32
    %c0_i32_0 = arith.constant 0 : i32
    return %arg0, %c0_i32 : i32, i32
  }
  func.func @transform_5(%arg0: i32) -> (i32, i32) {
    %c0_i32 = arith.constant 0 : i32
    %c0_i32_0 = arith.constant 0 : i32
    return %arg0, %c0_i32 : i32, i32
  }
  func.func @transform_6(%arg0: i32) -> (i32, i32) {
    %c0_i32 = arith.constant 0 : i32
    %c0_i32_0 = arith.constant 0 : i32
    return %arg0, %c0_i32 : i32, i32
  }
  func.func @transform_7(%arg0: i32) -> (i32, i32) {
    %c0_i32 = arith.constant 0 : i32
    %c0_i32_0 = arith.constant 0 : i32
    return %arg0, %c0_i32 : i32, i32
  }
  func.func @transform_8(%arg0: i32) -> (i32, i32) {
    %c0_i32 = arith.constant 0 : i32
    %c0_i32_0 = arith.constant 0 : i32
    %c0_i32_1 = arith.constant 0 : i32
    return %c0_i32, %c0_i32_0 : i32, i32
  }
  func.func @transform_9(%arg0: i32) -> (i32, i32) {
    %c0_i32 = arith.constant 0 : i32
    %c0_i32_0 = arith.constant 0 : i32
    %c0_i32_1 = arith.constant 0 : i32
    return %c0_i32, %c0_i32_0 : i32, i32
  }
  func.func @transform_10(%arg0: i32) -> (i32, i32) {
    %c0_i32 = arith.constant 0 : i32
    %c0_i32_0 = arith.constant 0 : i32
    %c0_i32_1 = arith.constant 0 : i32
    return %c0_i32, %c0_i32_0 : i32, i32
  }
  func.func @transform_11(%arg0: i32) -> (i32, i32) {
    %c0_i32 = arith.constant 0 : i32
    %c0_i32_0 = arith.constant 0 : i32
    %c0_i32_1 = arith.constant 0 : i32
    return %c0_i32, %c0_i32_0 : i32, i32
  }
  func.func @transform_12(%arg0: i32) -> (i32, i32) {
    %c0_i32 = arith.constant 0 : i32
    %c0_i32_0 = arith.constant 0 : i32
    return %arg0, %c0_i32 : i32, i32
  }
  func.func @transform_13(%arg0: i32) -> (i32, i32) {
    %c0_i32 = arith.constant 0 : i32
    %c0_i32_0 = arith.constant 0 : i32
    return %arg0, %c0_i32 : i32, i32
  }
}

module attributes {stable_mosaic.version = 14 : i64} {
  func.func @body(%arg0: memref<2048x128xf32, #tpu.memory_space<vmem>>, %arg1: memref<2048x128xf32, #tpu.memory_space<vmem>>, %arg2: memref<256x256xf32, #tpu.memory_space<vmem>>, %arg3: memref<256x256xf32, #tpu.memory_space<vmem>>, %arg4: memref<1024x1xf32, #tpu.memory_space<vmem>>) attributes {dimension_semantics = [], scalar_prefetch = 0 : i64, scratch_operands = 0 : i64, tpu.core_type = #tpu.core_type<tc>} {
    %get3A = arith.constant 0 : index
    %get3A_0 = arith.constant 0 : index
    %get3A_1 = vector.load %arg2[%get3A, %get3A_0] : memref<256x256xf32, #tpu.memory_space<vmem>>, vector<128x256xf32>
    %get3A_2 = arith.constant 0 : index
    %get3A_3 = arith.constant 0 : index
    %get3A_4 = vector.load %arg0[%get3A_2, %get3A_3] : memref<2048x128xf32, #tpu.memory_space<vmem>>, vector<1024x128xf32>
    %dot_general3A = arith.constant dense<0.000000e+00> : vector<1024x256xf32>
    %dot_general3A_5 = tpu.matmul %get3A_4, %get3A_1, %dot_general3A {dimension_numbers = #tpu.dot_dimension_numbers<[1], [0], [0], [1], [0, 0, 1, 1], [], []>, transpose_lhs_hint = false} : vector<1024x128xf32>, vector<128x256xf32>, vector<1024x256xf32> -> vector<1024x256xf32>
    %get3A_6 = arith.constant 1024 : index
    %get3A_7 = arith.constant 0 : index
    %get3A_8 = vector.load %arg0[%get3A_6, %get3A_7] : memref<2048x128xf32, #tpu.memory_space<vmem>>, vector<1024x128xf32>
    %dot_general3A_9 = arith.constant dense<0.000000e+00> : vector<1024x256xf32>
    %dot_general3A_10 = tpu.matmul %get3A_8, %get3A_1, %dot_general3A_9 {dimension_numbers = #tpu.dot_dimension_numbers<[1], [0], [0], [1], [0, 0, 1, 1], [], []>, transpose_lhs_hint = false} : vector<1024x128xf32>, vector<128x256xf32>, vector<1024x256xf32> -> vector<1024x256xf32>
    %get3A_11 = arith.constant 128 : index
    %get3A_12 = arith.constant 0 : index
    %get3A_13 = vector.load %arg2[%get3A_11, %get3A_12] : memref<256x256xf32, #tpu.memory_space<vmem>>, vector<128x256xf32>
    %get3A_14 = arith.constant 0 : index
    %get3A_15 = arith.constant 0 : index
    %get3A_16 = vector.load %arg1[%get3A_14, %get3A_15] : memref<2048x128xf32, #tpu.memory_space<vmem>>, vector<1024x128xf32>
    %dot_general3A_17 = arith.constant dense<0.000000e+00> : vector<1024x256xf32>
    %dot_general3A_18 = tpu.matmul %get3A_16, %get3A_13, %dot_general3A_17 {dimension_numbers = #tpu.dot_dimension_numbers<[1], [0], [0], [1], [0, 0, 1, 1], [], []>, transpose_lhs_hint = false} : vector<1024x128xf32>, vector<128x256xf32>, vector<1024x256xf32> -> vector<1024x256xf32>
    %get3A_19 = arith.constant 1024 : index
    %get3A_20 = arith.constant 0 : index
    %get3A_21 = vector.load %arg1[%get3A_19, %get3A_20] : memref<2048x128xf32, #tpu.memory_space<vmem>>, vector<1024x128xf32>
    %dot_general3A_22 = arith.constant dense<0.000000e+00> : vector<1024x256xf32>
    %dot_general3A_23 = tpu.matmul %get3A_21, %get3A_13, %dot_general3A_22 {dimension_numbers = #tpu.dot_dimension_numbers<[1], [0], [0], [1], [0, 0, 1, 1], [], []>, transpose_lhs_hint = false} : vector<1024x128xf32>, vector<128x256xf32>, vector<1024x256xf32> -> vector<1024x256xf32>
    %add3A = arith.addf %dot_general3A_5, %dot_general3A_18 : vector<1024x256xf32>
    %add3A_24 = arith.addf %dot_general3A_10, %dot_general3A_23 : vector<1024x256xf32>
    %get3A_25 = arith.constant 0 : index
    %get3A_26 = arith.constant 0 : index
    %get3A_27 = vector.load %arg3[%get3A_25, %get3A_26] : memref<256x256xf32, #tpu.memory_space<vmem>>, vector<256x256xf32>
    %dot_general3A_28 = arith.constant dense<0.000000e+00> : vector<1024x256xf32>
    %dot_general3A_29 = tpu.matmul %add3A, %get3A_27, %dot_general3A_28 {dimension_numbers = #tpu.dot_dimension_numbers<[1], [0], [0], [1], [0, 0, 1, 1], [], []>, transpose_lhs_hint = false} : vector<1024x256xf32>, vector<256x256xf32>, vector<1024x256xf32> -> vector<1024x256xf32>
    %mul3A = arith.mulf %dot_general3A_29, %add3A_24 : vector<1024x256xf32>
    %reduce_sum3A = arith.constant dense<0.000000e+00> : vector<1024xf32>
    %reduce_sum3A_30 = vector.multi_reduction <add>, %mul3A, %reduce_sum3A [1] : vector<1024x256xf32> to vector<1024xf32>
    %broadcast_in_dim3A = vector.shape_cast %reduce_sum3A_30 : vector<1024xf32> to vector<1024x1xf32>
    %swap3A = arith.constant 0 : index
    %swap3A_31 = arith.constant 0 : index
    %swap3A_32 = vector.load %arg4[%swap3A, %swap3A_31] : memref<1024x1xf32, #tpu.memory_space<vmem>>, vector<1024x1xf32>
    tpu.vector_store %arg4[%swap3A, %swap3A_31], %broadcast_in_dim3A {strides = array<i32>} : memref<1024x1xf32, #tpu.memory_space<vmem>>, vector<1024x1xf32>,
    return
  }
}

</mosaic_0001>

<sc_bundles>
// kernel: kernel.10.cloned.1.call-start
scs
__scs_entry_jumppad:
0x0: {  	(pc) =	sbr.rel $0x88, $3  }
0x1: {  	(tag) =	ssettag $0x0;
	lr =	simm.s32 $0x1  }
0x2: {  	[smem:$0x3F90] =	sst lr;
	_ =	strace $0xD0000000  }
0x3: {  	_ = 	snop  }
0x4: {  	_ = 	snop  }
0x5: {  	_ = 	snop  }
0x6: {  	_ = 	snop  }
0x7: {  	_ = 	snop  }
__scs_overlays_trampoline_lowered:
0x8: {  	[smem:$0x3F9F] =	sst s0  }
0x9: {  	[smem:$0x3FA0] =	sst s1  }
0xa: {  	[smem:$0x3FA1] =	sst s2  }
0xb: {  	[smem:$0x3FA2] =	sst s3  }
0xc: {  	[smem:$0x3FA3] =	sst s4  }
0xd: {  	[smem:$0x3FA4] =	sst s5  }
0xe: {  	[smem:$0x3FA5] =	sst s6  }
0xf: {  	[smem:$0x3FA6] =	sst s7  }
0x10: {  	[smem:$0x3FA7] =	sst s8  }
0x11: {  	[smem:$0x3FA8] =	sst s9;
	s0 =	simm.s32 @!p0 $0x0  }
0x12: {  	s1 =	sld [smem:$0x3F8E];
	s0 =	simm.s32 @p0 $0x1  }
0x13: {  	[smem:$0x3FA9] =	sst s0;
	s0 =	simm.s32 @!p1 $0x0  }
0x14: {  	s2 =	sld [smem:$0x3F8D];
	s0 =	simm.s32 @p1 $0x1  }
0x15: {  	[smem:$0x3FAA] =	sst s0;
	s0 =	simm.s32 @!p2 $0x0  }
0x16: {  	s3 =	sld [smem:$0x3FDB];
	s0 =	simm.s32 @p2 $0x1  }
0x17: {  	s4 =	simm.s32 $0x1BF5;
	[smem:$0x3FAC] =	sst s0  }
0x18: {  	s0 =	sld [smem:$0x3F8F];
	_ =	swait.ge [sflag:s4], $0x0  }
0x19: {  	s7 =	sld [smem:$0x3F90]  }
0x1a: {  	s8 =	sadd.s32 $0xFFFFE003, lr  }
0x1b: {  	s9 =	sadd.s32 $0xFFFFFEF7, lr;
	s5 =	simm.s32 $0xFFFFFFFF;
	p2 =	slt.u32 s8, $0xFFFFF086  }
0x1c: {  	p1 =	slt.u32 s9, $0xF7A;
	s5 =	simm.s32 @!p2 $0x0  }
0x1d: {  	s5 =	simm.s32 @p1 $0x1;
	p0 =	seq.s32 s7, s2  }
0x1e: {  	s7 =	smul.u32 @!p0 $0xF7A, s2;
	p2 =	seq.s32 @!p0 s5, $0x0  }
0x1f: {  	s9 =	smul.u32 $0xF7A, s1;
	s8 =	simm.s32 @!p0 $0x1BF5;
	p2 =	por !p2, p0  }
0x20: {  	[sflag:s8] =	ssyncset.s32 @!p0 $0xFFFFF086;
	s6 =	sadd.s32 @!p0 s3, s7;
	s7 =	simm.s32 @!p0 $0x108  }
0x21: {  	s3 =	sadd.s32 s3, s9;
	s6 =	sadd.s32 @!p0 $0x88, s6;
	s7 =	simm.s32 @p2 $0x1082  }
0x22: {  	[simem:s7], [sflag:s8] =	dma.local @!p0 [hbm:s6], $0xF7A  }
0x23: {  	s9 =	sor.u32 $0xD0000000, s2;
	s6 =	simm.s32 $0x108;
	_ =	swait.ge @!p0 [sflag:s8], $0x0  }
0x24: {  	s3 =	sadd.s32 $0x88, s3;
	s6 =	simm.s32 @!p1 $0x1082;
	[sflag:s4] =	ssyncset.s32 $0xFFFFF086  }
0x25: {  	[simem:s6], [sflag:s4] =	dma.local [hbm:s3], $0xF7A  }
0x26: {  	[smem:$0x3F90] =	sst s1;
	(tag) =	ssettag s2;
	_ =	strace s9  }
0x27: {  	s1 =	sld [smem:$0x3FA0]  }
0x28: {  	s2 =	sld [smem:$0x3FA1]  }
0x29: {  	s4 =	sld [smem:$0x3FA3]  }
0x2a: {  	p0 =	seq.s32 s5, $0x0;
	s5 =	sld [smem:$0x3FA4]  }
0x2b: {  	s6 =	sld [smem:$0x3FA5]  }
0x2c: {  	s7 =	sld [smem:$0x3FA6]  }
0x2d: {  	s3 =	simm.s32 $0x108;
	s8 =	sld [smem:$0x3FA7]  }
0x2e: {  	s3 =	simm.s32 @!p0 $0x1082;
	s9 =	sld [smem:$0x3FA8]  }
0x2f: {  	lr =	sadd.s32 s0, s3;
	s0 =	sld [smem:$0x3F9F]  }
0x30: {  	s3 =	sld [smem:$0x3FA2]  }
0x31: {  	[smem:$0x3FAB] =	sst s10  }
0x32: {  	s10 =	sld [smem:$0x3FA9];
	_ =	sdelay $0x3  }
0x33: {  	p0 =	seq.s32 s10, $0x1;
	s10 =	sld [smem:$0x3FAB];
	_ =	sdelay $0x3  }
0x34: {  	[smem:$0x3FAB] =	sst s10  }
0x35: {  	s10 =	sld [smem:$0x3FAA];
	_ =	sdelay $0x3  }
0x36: {  	p1 =	seq.s32 s10, $0x1;
	s10 =	sld [smem:$0x3FAB];
	_ =	sdelay $0x3  }
0x37: {  	[smem:$0x3FAB] =	sst s10  }
0x38: {  	s10 =	sld [smem:$0x3FAC]  }
0x39: {  	_ = 	snop;
	(pc) =	sbr.ind lr, $3  }
0x3a: {  	_ = 	snop  }
0x3b: {  	_ = 	snop  }
0x3c: {  	p2 =	seq.s32 s10, $0x1;
	s10 =	sld [smem:$0x3FAB]  }
0x3d: {  	_ =	shalt  }
0x3e: {  	_ =	shalt  }
0x3f: {  	_ =	shalt  }
0x40: {  	_ =	shalt  }
0x41: {  	_ =	shalt  }
0x42: {  	_ =	shalt  }
0x43: {  	_ =	shalt  }
0x44: {  	_ =	shalt  }
0x45: {  	_ =	shalt  }
0x46: {  	_ =	shalt  }
0x47: {  	_ =	shalt  }
0x48: {  	_ =	shalt  }
0x49: {  	_ =	shalt  }
0x4a: {  	_ =	shalt  }
0x4b: {  	_ =	shalt  }
0x4c: {  	_ =	shalt  }
0x4d: {  	_ =	shalt  }
0x4e: {  	_ =	shalt  }
0x4f: {  	_ =	shalt  }
0x50: {  	_ =	shalt  }
0x51: {  	_ =	shalt  }
0x52: {  	_ =	shalt  }
0x53: {  	_ =	shalt  }
0x54: {  	_ =	shalt  }
0x55: {  	_ =	shalt  }
0x56: {  	_ =	shalt  }
0x57: {  	_ =	shalt  }
0x58: {  	_ =	shalt  }
0x59: {  	_ =	shalt  }
0x5a: {  	_ =	shalt  }
0x5b: {  	_ =	shalt  }
0x5c: {  	_ =	shalt  }
0x5d: {  	_ =	shalt  }
0x5e: {  	_ =	shalt  }
0x5f: {  	_ =	shalt  }
0x60: {  	_ =	shalt  }
0x61: {  	_ =	shalt  }
0x62: {  	_ =	shalt  }
0x63: {  	_ =	shalt  }
0x64: {  	_ =	shalt  }
0x65: {  	_ =	shalt  }
0x66: {  	_ =	shalt  }
0x67: {  	_ =	shalt  }
0x68: {  	_ =	shalt  }
0x69: {  	_ =	shalt  }
0x6a: {  	_ =	shalt  }
0x6b: {  	_ =	shalt  }
0x6c: {  	_ =	shalt  }
0x6d: {  	_ =	shalt  }
0x6e: {  	_ =	shalt  }
0x6f: {  	_ =	shalt  }
0x70: {  	_ =	shalt  }
0x71: {  	_ =	shalt  }
0x72: {  	_ =	shalt  }
0x73: {  	_ =	shalt  }
0x74: {  	_ =	shalt  }
0x75: {  	_ =	shalt  }
0x76: {  	_ =	shalt  }
0x77: {  	_ =	shalt  }
0x78: {  	_ =	shalt  }
0x79: {  	_ =	shalt  }
0x7a: {  	_ =	shalt  }
0x7b: {  	_ =	shalt  }
0x7c: {  	_ =	shalt  }
0x7d: {  	_ =	shalt  }
0x7e: {  	_ =	shalt  }
0x7f: {  	_ =	shalt  }
0x80: {  	_ =	shalt  }
0x81: {  	_ =	shalt  }
0x82: {  	_ =	shalt  }
0x83: {  	_ =	shalt  }
0x84: {  	_ =	shalt  }
0x85: {  	_ =	shalt  }
0x86: {  	_ =	shalt  }
0x87: {  	_ =	shalt  }
.Lfunc_end0:
.L_simem_size_0:
called_computation_lowered:
.L_overlay_start_0:
0x88: {  	s2 =	sld [smem:$0x3FD9]  }
0x89: {  	s3 =	sld [smem:$0x3FFE];
	_ =	sdelay $0x1  }
0x8a: {  	s1 =	srdreg.scid  }
0x8b: {  	s0 =	sand.u32 $0x1, s1  }
0x8c: {  	s16 =	sshll.u32 s0, $0xA;
	s2 =	sadd.s32 s3, s2  }
0x8d: {  	s2 =	sadd.s32 s2, s16  }
0x8e: {  	[smem:$0x3FB7] =	sst s2  }
0x8f: {  	_ = 	snop  }
0x90: {  	(tm) =	ssettm $0x1  }
0x91: {  	s17 =	sld [smem:$0x3FFB];
	_ =	sdelay $0x3  }
0x92: {  	_ =	strace s17  }
0x93: {  	s2 =	sld [smem:$0x3FFC];
	_ =	sdelay $0x3  }
0x94: {  	_ =	strace s2  }
0x95: {  	s2 =	sld [smem:$0x3FFD];
	_ =	sdelay $0x3  }
0x96: {  	_ =	strace s2  }
0x97: {  	_ =	strace $0x8FFFFFFF  }
0x98: {  	s18 =	sld [smem:$0x3FDB];
	_ =	sdelay $0x1  }
0x99: {  	s19 =	simm.s32 $_scs_section_size  }
0x9a: {  	s4 =	simm.s32 $_size__tile_overlayer_lowered;
	s5 =	simm.s32 $_tile_overlayer_lowered  }
0x9b: {  	s22 =	simm.s32 $0x1BFF;
	s21 =	sshll.u32 s5, $0x1;
	s2 =	sadd.s32 s19, s18  }
0x9c: {  	s6 =	simm.s32 $0x0;
	s20 =	sshll.u32 s4, $0x1;
	s4 =	sadd.s32 s21, s2  }
0x9d: {  	[timem:s6], [sflag:s22] =	dma.local [hbm:s4], s20  }
0x9e: {  	_ =	swait.ge [sflag:s22], s20  }
0x9f: {  	s3 =	ssub.s32 $0x0, s20;
	[sflag:s22] =	ssyncset.done $0x0  }
0xa0: {  	[sflag:s22] =	ssyncadd.s32 s3;
	_ =	sdelay $0x1  }
0xa1: {  	s23 =	simm.s32 $0x1B8B  }
0xa2: {  	_ =	swait.ge [sflag:s23], $0x1  }
0xa3: {  	[sflag:s23] =	ssyncset.done $0x0  }
0xa4: {  	s25 =	simm.s32 $0x1B8E;
	s24 =	sld [smem:$0x3FFE];
	[sflag:s23] =	ssyncadd.s32 $0xFFFFFFFF  }
0xa5: {  	s26 =	simm.s32 $execute0_lowered;
	[smem:$0x3FD2] =	sst s25  }
0xa6: {  	s4 =	sshll.u32 s26, $0x1;
	_ =	strace $0x80000046;
	[dreg:$0x1] =	wrdreg $0xFFFFFFFF  }
0xa7: {  	s28 =	simm.s32 $_size_execute0_lowered;
	s2 =	sadd.s32 s2, s4;
	[dreg:$0x0] =	wrdreg $0x0  }
0xa8: {  	s4 =	sshll.u32 s28, $0x1;
	[dreg:$0x2] =	wrdreg s2  }
0xa9: {  	[dreg:$0x3] =	wrdreg s4  }
0xaa: {  	[dreg:$0x4] =	wrdreg $0xC0  }
0xab: {  	_ =	task [dreg:s6], $0x5FFFF  }
0xac: {  	[dreg:$0x1] =	wrdreg $0xFFFFFFFF  }
0xad: {  	[dreg:$0x0] =	wrdreg $0x60  }
0xae: {  	[dreg:$0x2] =	wrdreg s24  }
0xaf: {  	[dreg:$0x3] =	wrdreg $0xB7800  }
0xb0: {  	[dreg:$0x4] =	wrdreg $0x9  }
0xb1: {  	_ =	task.clear_ibuf [dreg:s6], $0x5FFFF;
	_ =	strace $0x90000046  }
0xb2: {  	s29 =	simm.s32 $0x9;
	_ =	strace $0x80000048  }
0xb3: {  	_ =	swait.ge [sflag:s29], $0x1  }
0xb4: {  	[sflag:s29] =	ssyncadd.s32 $0xFFFFFFFF  }
0xb5: {  	_ =	strace $0x90000048  }
0xb6: {  	_ =	sfence  }
0xb7: {  	s30 =	sld [smem:$0x0];
	_ =	sdelay $0x2  }
0xb8: {  	s31 =	sshll.u32 s1, $0xD;
	s1 =	sshrl.u32 s1, $0x2  }
0xb9: {  	s3 =	sand.u32 $0x4000, s31;
	s1 =	sadd.s32 s1, s30  }
0xba: {  	s0 =	sor.u32 s3, s0;
	s1 =	sshll.u32 s1, $0x11  }
0xbb: {  	s0 =	sor.u32 s1, s0  }
0xbc: {  	s0 =	sadd.s32 $0x8F2B, s0  }
0xbd: {  	[sflag:s0] =	ssyncadd.remote.s32 $0x1  }
0xbe: {  	_ =	sfence.sel $0xFFFF  }
0xbf: {  	[dreg:$0x0] =	wrdreg $0xFFFFFFFF;
	(pc) =	sbr.abs _section_cstart, $3  }
0xc0: {  	[dreg:$0x1] =	wrdreg $0xFFFFFFFF  }
0xc1: {  	_ =	task.clear_ibuf [dreg:s6], $0x2FFFF;
	_ =	strace $0x9FFFFFFF  }
0xc2: {  	(tm) =	ssettm $0x7FFFFFFF  }
0xc3: {  	_ =	shalt  }
tec
execute0_lowered:
.L_overlay_start_1:
0x0: {  	(tag) =	ssettag $0x1  }
0x1: {  	s8 =	rddreg [dreg:$0x0]  }
0x2: {  	s2 =	rddreg [dreg:$0x1]  }
0x3: {  	s0 =	rddreg [dreg:$0x2];
	s3 =	simm.s32 $0x0  }
0x4: {  	s1 =	stileid.u32;
	s9 =	srdreg.scid;
	s17 =	simm.s32 $0x50  }
0x5: {  	s18 =	simm.s32 $0x6780;
	s19 =	simm.s32 $0x8F80;
	s20 =	simm.s32 $0x2  }
0x6: {  	s21 =	simm.s32 $0x0;
	[smem:$0x7FF] =	sst s3;
	s4 =	sadd.s32 $0x38E00, s8  }
0x7: {  	s6 =	smul.u32 $0x4E2, s1;
	s5 =	sadd.s32 $0x11C00, s8;
	s7 =	sshll.u32 s1, $0xB  }
0x8: {  	s12 =	sand.u32 $0x1, s9;
	s13 =	smul.u32 $0x50000, s1;
	s15 =	sshll.u32 s1, $0x6  }
0x9: {  	_ =	strace $0x80000047;
	s11 =	sadd.s32 s7, s8;
	s9 =	ssub.s32 $0x2, s12  }
0xa: {  	s7 =	sadd.s32 $0x62800, s8;
	p0 =	seq.s32 s12, $0x1;
	s15 =	sor.u32 $0x1C03, s15  }
.Ltmp0:
0xb: {  	s10 =	sadd.s32 s6, s8;
	s6 =	sadd.s32 $0x60000, s8;
	(pc) =	sbr.rel .LBB2_1-.Ltmp0, $4  }
0xc: {  	s8 =	sadd.s32 $0x8A800, s8;
	s14 =	sshrl.u32 s9, $0x1;
	s13 =	sshrl.u32 s13, $0x2  }
0xd: {  	s14 =	ssub.s32 s9, s14;
	s9 =	sadd.s32 $0x4C00, s10;
	s10 =	sadd.s32 $0x9C00, s11  }
0xe: {  	s16 =	sadd.s32 s13, s2;
	s11 =	smul.u32 $0x2800, s1;
	s13 =	simm.s32 $0x3  }
0xf: {  	s12 =	smax.u32 s14, $0x1;
	s14 =	simm.s32 $0x2780;
	s16 =	sshrl.u32 s16, $0x3  }
.LBB2_11:
0x10: {  	s22 =	smov.u32 s8  }
.LBB2_12:
0x11: {  	s21 =	sadd.s32 $0x1, s21  }
0x12: {  	p1 =	sne.s32 s21, s12  }
.Ltmp1:
0x13: {  	s22 =	sadd.s32 s22, s11;
	[bflag:$0x0] =	sbarrier.arrive $0xFFFF;
	(pc) =	sbr.rel @!p1 .LBB2_13-.Ltmp1, $4  }
0x14: {  	[hbm:s22], [sflag:s15] =	dma.local [spmem:s16], $0x2800  }
0x15: {  	_ =	swait.ge [sflag:s13], $0x2800  }
0x16: {  	[sflag:s13] =	ssyncset.done $0x0  }
0x17: {  	[sflag:s13] =	ssyncadd.s32 $0xFFFFD800  }
.LBB2_1:
0x18: {  	[tilespmem:s3], [sflag:$0x3] =	stream.linear.gather [hbm4b:s9+s3], $0x2710, $0x38;
	[tilespmem:$0x1F780] =	vst v63  }
0x19: {  	_ =	swait.ge [sflag:s13], $0x2710  }
0x1a: {  	[sflag:s13] =	ssyncset.done $0x0  }
0x1b: {  	[sflag:s13] =	ssyncadd.s32 $0xFFFFD8F0  }
0x1c: {  	[tilespmem:s14], [sflag:$0x3] =	stream.linear.gather [hbm4b:s10+s3], $0x3E80, $0x38;
	[tilespmem:$0x1F780] =	vst v63  }
0x1d: {  	_ =	swait.ge [sflag:s13], $0x3E80  }
0x1e: {  	[sflag:s13] =	ssyncset.done $0x0  }
0x1f: {  	[sflag:s13] =	ssyncadd.s32 $0xFFFFC180  }
0x20: {  	[bflag:$0x0] =	sbarrier.arrive $0xFFFF  }
0x21: {  	[spmem:s16], [sflag:s15] =	dma.local [hbm:s6], $0x2800  }
.Ltmp2:
0x22: {  	_ =	swait.ge [sflag:s13], $0x2800;
	(pc) =	sbr.rel @!p0 .LBB2_2-.Ltmp2, $4  }
0x23: {  	[sflag:s13] =	ssyncset.done $0x0  }
0x24: {  	[sflag:s13] =	ssyncadd.s32 $0xFFFFD800  }
0x25: {  	[bflag:$0x0] =	sbarrier.arrive $0xFFFF  }
0x26: {  	s22 =	simm.s32 $0x0  }
.Ltmp3:
0x27: {  	(pc) =	sbr.rel .LBB2_8-.Ltmp3, $4  }
0x28: {  	_ = 	snop  }
0x29: {  	[tilespmem:s18], [sflag:$0x1] =	stream.indirect.gather [hbm4b:s5+s17], $0x80, s22, s17, $0xb8;
	[tilespmem:$0x1F780] =	vst v63  }
0x2a: {  	s23 =	simm.s32 $0xA0;
	s24 =	simm.s32 $0x2780  }
0x2b: {  	[tilespmem:s19], [sflag:$0x2] =	stream.indirect.gather [hbm4b:s5+s17], $0x80, s17, s17, $0xb8;
	[tilespmem:$0x1F780] =	vst v63  }
.LBB2_10:
0x2c: {  	s22 =	sadd.s32 $0x1, s22  }
0x2d: {  	p1 =	sne.s32 s22, $0x7D  }
.Ltmp4:
0x2e: {  	_ = 	snop;
	(pc) =	sbr.rel @!p1 .LBB2_11-.Ltmp4, $2  }
0x2f: {  	_ =	sdelay $0x2  }
0x30: {  	s23 =	sadd.s32 $0x50, s23;
	s24 =	sadd.s32 $0x80, s24  }
.LBB2_8:
0x31: {  	s25 =	sand.u32 $0x1, s22  }
0x32: {  	p1 =	seq.s32 s25, $0x1  }
0x33: {  	s26 =	simm.s32 @!p1 $0x1  }
0x34: {  	_ =	swait.ge @!p1 [sflag:s26], $0x2800  }
0x35: {  	[sflag:s26] =	ssyncset.done @!p1 $0x0  }
0x36: {  	s28 =	simm.s32 @!p1 $0x6780;
	[sflag:s26] =	ssyncadd.s32 @!p1 $0xFFFFD800;
	s26 =	simm.s32 @!p1 $0x50  }
0x37: {  	[spmem:s2] =	stream.indirect.scatter.add.f32 @!p1 [tilespmem:s28], [sflag:$0x3], $0x80, s24, s26, $0xb8;
	[tilespmem:$0x1F780] =	vst v63  }
0x38: {  	s26 =	simm.s32 @!p1 $0x3  }
0x39: {  	p2 =	sgt.u32 @!p1 s22, $0x7A;
	_ =	swait.ge @!p1 [sflag:s26], $0x2800  }
0x3a: {  	p2 =	por p2, p1;
	[sflag:s26] =	ssyncset.done @!p1 $0x0  }
0x3b: {  	s28 =	simm.s32 @!p2 $0x6780;
	[sflag:s26] =	ssyncadd.s32 @!p1 $0xFFFFD800;
	s26 =	simm.s32 @!p2 $0x50  }
0x3c: {  	[tilespmem:s28], [sflag:$0x1] =	stream.indirect.gather @!p2 [hbm4b:s5+s26], $0x80, s23, s26, $0xb8;
	[tilespmem:$0x1F780] =	vst v63  }
0x3d: {  	p2 =	seq.s32 @!p1 s25, $0x0  }
0x3e: {  	p1 =	por p1, !p2  }
.Ltmp5:
0x3f: {  	_ = 	snop;
	(pc) =	sbr.rel @!p1 .LBB2_10-.Ltmp5, $1  }
0x40: {  	_ =	sdelay $0x3  }
0x41: {  	_ =	swait.ge [sflag:s20], $0x2800  }
0x42: {  	[sflag:s20] =	ssyncset.done $0x0  }
0x43: {  	[sflag:s20] =	ssyncadd.s32 $0xFFFFD800  }
0x44: {  	[spmem:s2] =	stream.indirect.scatter.add.f32 [tilespmem:s19], [sflag:$0x3], $0x80, s24, s17, $0xb8;
	[tilespmem:$0x1F780] =	vst v63  }
.Ltmp6:
0x45: {  	_ = 	snop;
	(pc) =	sbr.rel .LBB2_10-.Ltmp6, $4  }
0x46: {  	_ =	swait.ge [sflag:s13], $0x2800  }
0x47: {  	p1 =	sgt.u32 s22, $0x7A;
	[sflag:s13] =	ssyncset.done $0x0  }
0x48: {  	s25 =	simm.s32 @!p1 $0x50;
	s26 =	simm.s32 @!p1 $0x8F80;
	[sflag:s13] =	ssyncadd.s32 $0xFFFFD800  }
0x49: {  	[tilespmem:s26], [sflag:$0x2] =	stream.indirect.gather @!p1 [hbm4b:s5+s25], $0x80, s23, s25, $0xb8;
	[tilespmem:$0x1F780] =	vst v63  }
.LBB2_2:
.Ltmp7:
0x4a: {  	(pc) =	sbr.rel .LBB2_3-.Ltmp7, $4  }
0x4b: {  	_ = 	snop  }
0x4c: {  	[tilespmem:s18], [sflag:$0x1] =	stream.indirect.gather [hbm4b:s4+s17], $0x80, s22, s17, $0xb8;
	[tilespmem:$0x1F780] =	vst v63  }
0x4d: {  	s23 =	simm.s32 $0xA0;
	s24 =	simm.s32 $0x2780  }
0x4e: {  	[tilespmem:s19], [sflag:$0x2] =	stream.indirect.gather [hbm4b:s4+s17], $0x80, s17, s17, $0xb8;
	[tilespmem:$0x1F780] =	vst v63  }
.LBB2_5:
0x4f: {  	s22 =	sadd.s32 $0x1, s22  }
0x50: {  	p1 =	seq.s32 s22, $0x7D  }
.Ltmp8:
0x51: {  	_ = 	snop;
	(pc) =	sbr.rel @p1 .LBB2_6-.Ltmp8, $2  }
0x52: {  	_ =	sdelay $0x2  }
0x53: {  	s23 =	sadd.s32 $0x50, s23;
	s24 =	sadd.s32 $0x80, s24  }
.LBB2_3:
0x54: {  	s25 =	sand.u32 $0x1, s22  }
0x55: {  	p1 =	seq.s32 s25, $0x1  }
0x56: {  	s26 =	simm.s32 @!p1 $0x1  }
0x57: {  	_ =	swait.ge @!p1 [sflag:s26], $0x2800  }
0x58: {  	[sflag:s26] =	ssyncset.done @!p1 $0x0  }
0x59: {  	s28 =	simm.s32 @!p1 $0x6780;
	[sflag:s26] =	ssyncadd.s32 @!p1 $0xFFFFD800;
	s26 =	simm.s32 @!p1 $0x50  }
0x5a: {  	[spmem:s2] =	stream.indirect.scatter.add.f32 @!p1 [tilespmem:s28], [sflag:$0x3], $0x80, s24, s26, $0xb8;
	[tilespmem:$0x1F780] =	vst v63  }
0x5b: {  	s26 =	simm.s32 @!p1 $0x3  }
0x5c: {  	p2 =	sgt.u32 @!p1 s22, $0x7A;
	_ =	swait.ge @!p1 [sflag:s26], $0x2800  }
0x5d: {  	p2 =	por p2, p1;
	[sflag:s26] =	ssyncset.done @!p1 $0x0  }
0x5e: {  	s28 =	simm.s32 @!p2 $0x6780;
	[sflag:s26] =	ssyncadd.s32 @!p1 $0xFFFFD800;
	s26 =	simm.s32 @!p2 $0x50  }
0x5f: {  	[tilespmem:s28], [sflag:$0x1] =	stream.indirect.gather @!p2 [hbm4b:s4+s26], $0x80, s23, s26, $0xb8;
	[tilespmem:$0x1F780] =	vst v63  }
0x60: {  	p2 =	seq.s32 @!p1 s25, $0x0  }
0x61: {  	p1 =	por p1, !p2  }
.Ltmp9:
0x62: {  	_ = 	snop;
	(pc) =	sbr.rel @!p1 .LBB2_5-.Ltmp9, $1  }
0x63: {  	_ =	sdelay $0x3  }
0x64: {  	_ =	swait.ge [sflag:s20], $0x2800  }
0x65: {  	[sflag:s20] =	ssyncset.done $0x0  }
0x66: {  	[sflag:s20] =	ssyncadd.s32 $0xFFFFD800  }
0x67: {  	[spmem:s2] =	stream.indirect.scatter.add.f32 [tilespmem:s19], [sflag:$0x3], $0x80, s24, s17, $0xb8;
	[tilespmem:$0x1F780] =	vst v63  }
.Ltmp10:
0x68: {  	_ = 	snop;
	(pc) =	sbr.rel .LBB2_5-.Ltmp10, $4  }
0x69: {  	_ =	swait.ge [sflag:s13], $0x2800  }
0x6a: {  	p1 =	sgt.u32 s22, $0x7A;
	[sflag:s13] =	ssyncset.done $0x0  }
0x6b: {  	s25 =	simm.s32 @!p1 $0x50;
	s26 =	simm.s32 @!p1 $0x8F80;
	[sflag:s13] =	ssyncadd.s32 $0xFFFFD800  }
0x6c: {  	[tilespmem:s26], [sflag:$0x2] =	stream.indirect.gather @!p1 [hbm4b:s4+s25], $0x80, s23, s25, $0xb8;
	[tilespmem:$0x1F780] =	vst v63  }
.LBB2_6:
.Ltmp11:
0x6d: {  	(pc) =	sbr.rel .LBB2_12-.Ltmp11, $2  }
0x6e: {  	_ =	sdelay $0x2  }
0x6f: {  	s22 =	smov.u32 s7  }
.LBB2_13:
0x70: {  	_ =	sfence.sel $0x180000  }
0x71: {  	[bflag:$0x0] =	sbarrier.arrive $0xFFFF  }
0x72: {  	p0 =	sne.s32 s1, $0x0;
	_ =	strace $0x90000047  }
0x73: {  	s0 =	sadd.s32 @!p0 $0x100000, s0;
	[bflag:$0x2] =	sbarrier.arrive $0xFFFF  }
0x74: {  	[sflag:s0] =	ssyncadd.tile.s32 @!p0 $0x1;
	_ =	shalt  }
.Lfunc_end2:
_tile_overlayer_lowered:
.L_overlay_start_2:
0x75: {  	(tag) =	ssettag $0x2  }
0x76: {  	s0 =	rddreg [dreg:$0x0];
	s2 =	stileid.u32  }
0x77: {  	s1 =	rddreg [dreg:$0x1];
	p0 =	sne.s32 s2, $0x0  }
0x78: {  	s3 =	rddreg [dreg:$0x2];
	[bflag:$0x3] =	sbarrier.arrive $0xFFFF;
	s2 =	simm.s32 @!p0 $0x1C03  }
0x79: {  	[timem:s3], [sflag:s2] =	dma.local @!p0 [hbm:s0], s1  }
0x7a: {  	s0 =	simm.s32 @!p0 $0x3  }
0x7b: {  	_ =	swait.ge @!p0 [sflag:s0], s1  }
0x7c: {  	s1 =	ssub.s32 @!p0 $0x0, s1;
	[sflag:s0] =	ssyncset.done @!p0 $0x0  }
0x7d: {  	[sflag:s0] =	ssyncadd.s32 @!p0 s1  }
0x7e: {  	[bflag:$0x3] =	sbarrier.arrive $0xFFFF  }
0x7f: {  	_ =	shalt  }

// kernel: kernel.13.cloned.1.call-start
scs
__scs_entry_jumppad:
0x0: {  	(pc) =	sbr.rel $0x88, $3  }
0x1: {  	(tag) =	ssettag $0x0;
	lr =	simm.s32 $0x1  }
0x2: {  	[smem:$0x3F90] =	sst lr;
	_ =	strace $0xD0000000  }
0x3: {  	_ = 	snop  }
0x4: {  	_ = 	snop  }
0x5: {  	_ = 	snop  }
0x6: {  	_ = 	snop  }
0x7: {  	_ = 	snop  }
__scs_overlays_trampoline_lowered:
0x8: {  	[smem:$0x3F9F] =	sst s0  }
0x9: {  	[smem:$0x3FA0] =	sst s1  }
0xa: {  	[smem:$0x3FA1] =	sst s2  }
0xb: {  	[smem:$0x3FA2] =	sst s3  }
0xc: {  	[smem:$0x3FA3] =	sst s4  }
0xd: {  	[smem:$0x3FA4] =	sst s5  }
0xe: {  	[smem:$0x3FA5] =	sst s6  }
0xf: {  	[smem:$0x3FA6] =	sst s7  }
0x10: {  	[smem:$0x3FA7] =	sst s8  }
0x11: {  	[smem:$0x3FA8] =	sst s9;
	s0 =	simm.s32 @!p0 $0x0  }
0x12: {  	s1 =	sld [smem:$0x3F8E];
	s0 =	simm.s32 @p0 $0x1  }
0x13: {  	[smem:$0x3FA9] =	sst s0;
	s0 =	simm.s32 @!p1 $0x0  }
0x14: {  	s2 =	sld [smem:$0x3F8D];
	s0 =	simm.s32 @p1 $0x1  }
0x15: {  	[smem:$0x3FAA] =	sst s0;
	s0 =	simm.s32 @!p2 $0x0  }
0x16: {  	s3 =	sld [smem:$0x3FDB];
	s0 =	simm.s32 @p2 $0x1  }
0x17: {  	s4 =	simm.s32 $0x1BF5;
	[smem:$0x3FAC] =	sst s0  }
0x18: {  	s0 =	sld [smem:$0x3F8F];
	_ =	swait.ge [sflag:s4], $0x0  }
0x19: {  	s7 =	sld [smem:$0x3F90]  }
0x1a: {  	s8 =	sadd.s32 $0xFFFFE003, lr  }
0x1b: {  	s9 =	sadd.s32 $0xFFFFFEF7, lr;
	s5 =	simm.s32 $0xFFFFFFFF;
	p2 =	slt.u32 s8, $0xFFFFF086  }
0x1c: {  	p1 =	slt.u32 s9, $0xF7A;
	s5 =	simm.s32 @!p2 $0x0  }
0x1d: {  	s5 =	simm.s32 @p1 $0x1;
	p0 =	seq.s32 s7, s2  }
0x1e: {  	s7 =	smul.u32 @!p0 $0xF7A, s2;
	p2 =	seq.s32 @!p0 s5, $0x0  }
0x1f: {  	s9 =	smul.u32 $0xF7A, s1;
	s8 =	simm.s32 @!p0 $0x1BF5;
	p2 =	por !p2, p0  }
0x20: {  	[sflag:s8] =	ssyncset.s32 @!p0 $0xFFFFF086;
	s6 =	sadd.s32 @!p0 s3, s7;
	s7 =	simm.s32 @!p0 $0x108  }
0x21: {  	s3 =	sadd.s32 s3, s9;
	s6 =	sadd.s32 @!p0 $0x88, s6;
	s7 =	simm.s32 @p2 $0x1082  }
0x22: {  	[simem:s7], [sflag:s8] =	dma.local @!p0 [hbm:s6], $0xF7A  }
0x23: {  	s9 =	sor.u32 $0xD0000000, s2;
	s6 =	simm.s32 $0x108;
	_ =	swait.ge @!p0 [sflag:s8], $0x0  }
0x24: {  	s3 =	sadd.s32 $0x88, s3;
	s6 =	simm.s32 @!p1 $0x1082;
	[sflag:s4] =	ssyncset.s32 $0xFFFFF086  }
0x25: {  	[simem:s6], [sflag:s4] =	dma.local [hbm:s3], $0xF7A  }
0x26: {  	[smem:$0x3F90] =	sst s1;
	(tag) =	ssettag s2;
	_ =	strace s9  }
0x27: {  	s1 =	sld [smem:$0x3FA0]  }
0x28: {  	s2 =	sld [smem:$0x3FA1]  }
0x29: {  	s4 =	sld [smem:$0x3FA3]  }
0x2a: {  	p0 =	seq.s32 s5, $0x0;
	s5 =	sld [smem:$0x3FA4]  }
0x2b: {  	s6 =	sld [smem:$0x3FA5]  }
0x2c: {  	s7 =	sld [smem:$0x3FA6]  }
0x2d: {  	s3 =	simm.s32 $0x108;
	s8 =	sld [smem:$0x3FA7]  }
0x2e: {  	s3 =	simm.s32 @!p0 $0x1082;
	s9 =	sld [smem:$0x3FA8]  }
0x2f: {  	lr =	sadd.s32 s0, s3;
	s0 =	sld [smem:$0x3F9F]  }
0x30: {  	s3 =	sld [smem:$0x3FA2]  }
0x31: {  	[smem:$0x3FAB] =	sst s10  }
0x32: {  	s10 =	sld [smem:$0x3FA9];
	_ =	sdelay $0x3  }
0x33: {  	p0 =	seq.s32 s10, $0x1;
	s10 =	sld [smem:$0x3FAB];
	_ =	sdelay $0x3  }
0x34: {  	[smem:$0x3FAB] =	sst s10  }
0x35: {  	s10 =	sld [smem:$0x3FAA];
	_ =	sdelay $0x3  }
0x36: {  	p1 =	seq.s32 s10, $0x1;
	s10 =	sld [smem:$0x3FAB];
	_ =	sdelay $0x3  }
0x37: {  	[smem:$0x3FAB] =	sst s10  }
0x38: {  	s10 =	sld [smem:$0x3FAC]  }
0x39: {  	_ = 	snop;
	(pc) =	sbr.ind lr, $3  }
0x3a: {  	_ = 	snop  }
0x3b: {  	_ = 	snop  }
0x3c: {  	p2 =	seq.s32 s10, $0x1;
	s10 =	sld [smem:$0x3FAB]  }
0x3d: {  	_ =	shalt  }
0x3e: {  	_ =	shalt  }
0x3f: {  	_ =	shalt  }
0x40: {  	_ =	shalt  }
0x41: {  	_ =	shalt  }
0x42: {  	_ =	shalt  }
0x43: {  	_ =	shalt  }
0x44: {  	_ =	shalt  }
0x45: {  	_ =	shalt  }
0x46: {  	_ =	shalt  }
0x47: {  	_ =	shalt  }
0x48: {  	_ =	shalt  }
0x49: {  	_ =	shalt  }
0x4a: {  	_ =	shalt  }
0x4b: {  	_ =	shalt  }
0x4c: {  	_ =	shalt  }
0x4d: {  	_ =	shalt  }
0x4e: {  	_ =	shalt  }
0x4f: {  	_ =	shalt  }
0x50: {  	_ =	shalt  }
0x51: {  	_ =	shalt  }
0x52: {  	_ =	shalt  }
0x53: {  	_ =	shalt  }
0x54: {  	_ =	shalt  }
0x55: {  	_ =	shalt  }
0x56: {  	_ =	shalt  }
0x57: {  	_ =	shalt  }
0x58: {  	_ =	shalt  }
0x59: {  	_ =	shalt  }
0x5a: {  	_ =	shalt  }
0x5b: {  	_ =	shalt  }
0x5c: {  	_ =	shalt  }
0x5d: {  	_ =	shalt  }
0x5e: {  	_ =	shalt  }
0x5f: {  	_ =	shalt  }
0x60: {  	_ =	shalt  }
0x61: {  	_ =	shalt  }
0x62: {  	_ =	shalt  }
0x63: {  	_ =	shalt  }
0x64: {  	_ =	shalt  }
0x65: {  	_ =	shalt  }
0x66: {  	_ =	shalt  }
0x67: {  	_ =	shalt  }
0x68: {  	_ =	shalt  }
0x69: {  	_ =	shalt  }
0x6a: {  	_ =	shalt  }
0x6b: {  	_ =	shalt  }
0x6c: {  	_ =	shalt  }
0x6d: {  	_ =	shalt  }
0x6e: {  	_ =	shalt  }
0x6f: {  	_ =	shalt  }
0x70: {  	_ =	shalt  }
0x71: {  	_ =	shalt  }
0x72: {  	_ =	shalt  }
0x73: {  	_ =	shalt  }
0x74: {  	_ =	shalt  }
0x75: {  	_ =	shalt  }
0x76: {  	_ =	shalt  }
0x77: {  	_ =	shalt  }
0x78: {  	_ =	shalt  }
0x79: {  	_ =	shalt  }
0x7a: {  	_ =	shalt  }
0x7b: {  	_ =	shalt  }
0x7c: {  	_ =	shalt  }
0x7d: {  	_ =	shalt  }
0x7e: {  	_ =	shalt  }
0x7f: {  	_ =	shalt  }
0x80: {  	_ =	shalt  }
0x81: {  	_ =	shalt  }
0x82: {  	_ =	shalt  }
0x83: {  	_ =	shalt  }
0x84: {  	_ =	shalt  }
0x85: {  	_ =	shalt  }
0x86: {  	_ =	shalt  }
0x87: {  	_ =	shalt  }
.Lfunc_end0:
.L_simem_size_0:
called_computation.1_lowered:
.L_overlay_start_0:
0x88: {  	s2 =	sld [smem:$0x3FD9]  }
0x89: {  	s3 =	sld [smem:$0x3FFE];
	_ =	sdelay $0x1  }
0x8a: {  	s1 =	srdreg.scid  }
0x8b: {  	s0 =	sand.u32 $0x1, s1  }
0x8c: {  	s16 =	sshll.u32 s0, $0xA;
	s2 =	sadd.s32 s3, s2  }
0x8d: {  	s2 =	sadd.s32 s2, s16  }
0x8e: {  	[smem:$0x3FB7] =	sst s2  }
0x8f: {  	_ = 	snop  }
0x90: {  	(tm) =	ssettm $0x1  }
0x91: {  	s17 =	sld [smem:$0x3FFB];
	_ =	sdelay $0x3  }
0x92: {  	_ =	strace s17  }
0x93: {  	s2 =	sld [smem:$0x3FFC];
	_ =	sdelay $0x3  }
0x94: {  	_ =	strace s2  }
0x95: {  	s2 =	sld [smem:$0x3FFD];
	_ =	sdelay $0x3  }
0x96: {  	_ =	strace s2  }
0x97: {  	_ =	strace $0x8FFFFFFF  }
0x98: {  	s18 =	sld [smem:$0x3FDB];
	_ =	sdelay $0x1  }
0x99: {  	s19 =	simm.s32 $_scs_section_size  }
0x9a: {  	s4 =	simm.s32 $_size__tile_overlayer_lowered;
	s5 =	simm.s32 $_tile_overlayer_lowered  }
0x9b: {  	s22 =	simm.s32 $0x1BFF;
	s21 =	sshll.u32 s5, $0x1;
	s2 =	sadd.s32 s19, s18  }
0x9c: {  	s6 =	simm.s32 $0x0;
	s20 =	sshll.u32 s4, $0x1;
	s4 =	sadd.s32 s21, s2  }
0x9d: {  	[timem:s6], [sflag:s22] =	dma.local [hbm:s4], s20  }
0x9e: {  	_ =	swait.ge [sflag:s22], s20  }
0x9f: {  	s3 =	ssub.s32 $0x0, s20;
	[sflag:s22] =	ssyncset.done $0x0  }
0xa0: {  	[sflag:s22] =	ssyncadd.s32 s3;
	_ =	sdelay $0x1  }
0xa1: {  	s23 =	simm.s32 $0x1B8B  }
0xa2: {  	_ =	swait.ge [sflag:s23], $0x1  }
0xa3: {  	[sflag:s23] =	ssyncset.done $0x0  }
0xa4: {  	s25 =	simm.s32 $0x1B8E;
	s24 =	sld [smem:$0x3FFE];
	[sflag:s23] =	ssyncadd.s32 $0xFFFFFFFF  }
0xa5: {  	s26 =	simm.s32 $execute0_lowered;
	[smem:$0x3FD2] =	sst s25  }
0xa6: {  	s4 =	sshll.u32 s26, $0x1;
	_ =	strace $0x80000049;
	[dreg:$0x1] =	wrdreg $0xFFFFFFFF  }
0xa7: {  	s28 =	simm.s32 $_size_execute0_lowered;
	s2 =	sadd.s32 s2, s4;
	[dreg:$0x0] =	wrdreg $0x0  }
0xa8: {  	s4 =	sshll.u32 s28, $0x1;
	[dreg:$0x2] =	wrdreg s2  }
0xa9: {  	[dreg:$0x3] =	wrdreg s4  }
0xaa: {  	[dreg:$0x4] =	wrdreg $0xC0  }
0xab: {  	_ =	task [dreg:s6], $0x5FFFF  }
0xac: {  	[dreg:$0x1] =	wrdreg $0xFFFFFFFF  }
0xad: {  	[dreg:$0x0] =	wrdreg $0x60  }
0xae: {  	[dreg:$0x2] =	wrdreg s24  }
0xaf: {  	[dreg:$0x3] =	wrdreg $0xB7800  }
0xb0: {  	[dreg:$0x4] =	wrdreg $0x9  }
0xb1: {  	_ =	task.clear_ibuf [dreg:s6], $0x5FFFF;
	_ =	strace $0x90000049  }
0xb2: {  	s29 =	simm.s32 $0x9;
	_ =	strace $0x8000004B  }
0xb3: {  	_ =	swait.ge [sflag:s29], $0x1  }
0xb4: {  	[sflag:s29] =	ssyncadd.s32 $0xFFFFFFFF  }
0xb5: {  	_ =	strace $0x9000004B  }
0xb6: {  	_ =	sfence  }
0xb7: {  	s30 =	sld [smem:$0x0];
	_ =	sdelay $0x2  }
0xb8: {  	s31 =	sshll.u32 s1, $0xD;
	s1 =	sshrl.u32 s1, $0x2  }
0xb9: {  	s3 =	sand.u32 $0x4000, s31;
	s1 =	sadd.s32 s1, s30  }
0xba: {  	s0 =	sor.u32 s3, s0;
	s1 =	sshll.u32 s1, $0x11  }
0xbb: {  	s0 =	sor.u32 s1, s0  }
0xbc: {  	s0 =	sadd.s32 $0x8F2B, s0  }
0xbd: {  	[sflag:s0] =	ssyncadd.remote.s32 $0x1  }
0xbe: {  	_ =	sfence.sel $0xFFFF  }
0xbf: {  	[dreg:$0x0] =	wrdreg $0xFFFFFFFF;
	(pc) =	sbr.abs _section_cstart, $3  }
0xc0: {  	[dreg:$0x1] =	wrdreg $0xFFFFFFFF  }
0xc1: {  	_ =	task.clear_ibuf [dreg:s6], $0x2FFFF;
	_ =	strace $0x9FFFFFFF  }
0xc2: {  	(tm) =	ssettm $0x7FFFFFFF  }
0xc3: {  	_ =	shalt  }
tec
execute0_lowered:
.L_overlay_start_1:
0x0: {  	(tag) =	ssettag $0x1  }
0x1: {  	s11 =	rddreg [dreg:$0x0]  }
0x2: {  	s2 =	rddreg [dreg:$0x1]  }
0x3: {  	s3 =	simm.s32 $0x0;
	s1 =	stileid.u32;
	s9 =	srdreg.scid  }
0x4: {  	s21 =	simm.s32 $0x50;
	s22 =	simm.s32 $0x6780;
	s23 =	simm.s32 $0x8F80  }
0x5: {  	s24 =	simm.s32 $0x2;
	s25 =	simm.s32 $0x0;
	[smem:$0x7FF] =	sst s3  }
0x6: {  	s8 =	smul.u32 $0x4E2, s1;
	s4 =	sadd.s32 $0x11C00, s11;
	s5 =	sadd.s32 $0x38E00, s11  }
0x7: {  	s6 =	sadd.s32 $0x62800, s11;
	s7 =	sadd.s32 $0x89A00, s11;
	s10 =	sshll.u32 s1, $0xB  }
0x8: {  	s17 =	sand.u32 $0x1, s9;
	s9 =	sadd.s32 $0x60000, s11;
	s18 =	smul.u32 $0x50000, s1  }
0x9: {  	s19 =	sshll.u32 s1, $0x6;
	_ =	strace $0x8000004A;
	s13 =	sadd.s32 s10, s11  }
0xa: {  	s14 =	ssub.s32 $0x2, s17;
	s10 =	sadd.s32 $0x100C00, s11;
	p0 =	sne.s32 s17, $0x0  }
0xb: {  	s17 =	simm.s32 $0x3;
	s12 =	sadd.s32 s8, s11;
	s8 =	smul.u32 $0x2800, s1  }
.Ltmp0:
0xc: {  	s19 =	sor.u32 $0x1C03, s19;
	s16 =	sshrl.u32 s14, $0x1;
	(pc) =	sbr.rel .LBB2_1-.Ltmp0, $4  }
0xd: {  	s13 =	sadd.s32 $0x9C00, s13;
	s31 =	sshrl.u32 s18, $0x2;
	s18 =	simm.s32 $0x2780  }
0xe: {  	s16 =	ssub.s32 s14, s16;
	s12 =	sadd.s32 $0x4C00, s12;
	s20 =	sadd.s32 s31, s2  }
0xf: {  	s15 =	sadd.s32 s8, s11;
	s11 =	sadd.s32 $0x128C00, s11;
	s16 =	smax.u32 s16, $0x1  }
0x10: {  	s20 =	sshrl.u32 s20, $0x3;
	s14 =	sadd.s32 $0xD8C00, s15;
	s15 =	sadd.s32 $0xB0C00, s15  }
.LBB2_19:
0x11: {  	s26 =	smov.u32 s11  }
.LBB2_20:
0x12: {  	s25 =	sadd.s32 $0x1, s25  }
0x13: {  	p1 =	sne.s32 s25, s16  }
.Ltmp1:
0x14: {  	s0 =	sadd.s32 s26, s8;
	[bflag:$0x0] =	sbarrier.arrive $0xFFFF;
	(pc) =	sbr.rel @!p1 .LBB2_21-.Ltmp1, $4  }
0x15: {  	[hbm:s0], [sflag:s19] =	dma.local [spmem:s20], $0x2800  }
0x16: {  	_ =	swait.ge [sflag:s17], $0x2800  }
0x17: {  	[sflag:s17] =	ssyncset.done $0x0  }
0x18: {  	[sflag:s17] =	ssyncadd.s32 $0xFFFFD800  }
.LBB2_1:
0x19: {  	[tilespmem:s3], [sflag:$0x3] =	stream.linear.gather [hbm4b:s12+s3], $0x2710, $0x38;
	[tilespmem:$0x1F780] =	vst v63  }
0x1a: {  	_ =	swait.ge [sflag:s17], $0x2710  }
0x1b: {  	[sflag:s17] =	ssyncset.done $0x0  }
0x1c: {  	[sflag:s17] =	ssyncadd.s32 $0xFFFFD8F0  }
0x1d: {  	[tilespmem:s18], [sflag:$0x3] =	stream.linear.gather [hbm4b:s13+s3], $0x3E80, $0x38;
	[tilespmem:$0x1F780] =	vst v63  }
0x1e: {  	_ =	swait.ge [sflag:s17], $0x3E80  }
0x1f: {  	[sflag:s17] =	ssyncset.done $0x0  }
0x20: {  	[sflag:s17] =	ssyncadd.s32 $0xFFFFC180  }
0x21: {  	[bflag:$0x0] =	sbarrier.arrive $0xFFFF  }
0x22: {  	[spmem:s20], [sflag:s19] =	dma.local [hbm:s9], $0x2800  }
.Ltmp2:
0x23: {  	_ =	swait.ge [sflag:s17], $0x2800;
	(pc) =	sbr.rel @p0 .LBB2_11-.Ltmp2, $4  }
0x24: {  	[sflag:s17] =	ssyncset.done $0x0  }
0x25: {  	[sflag:s17] =	ssyncadd.s32 $0xFFFFD800  }
0x26: {  	[bflag:$0x0] =	sbarrier.arrive $0xFFFF  }
0x27: {  	s26 =	simm.s32 $0x0  }
.Ltmp3:
0x28: {  	(pc) =	sbr.rel .LBB2_3-.Ltmp3, $4  }
0x29: {  	_ = 	snop  }
0x2a: {  	[tilespmem:s22], [sflag:$0x1] =	stream.indirect.gather [hbm4b:s4+s21], $0x80, s26, s21, $0xb8;
	[tilespmem:$0x1F780] =	vst v63  }
0x2b: {  	s28 =	simm.s32 $0xA0;
	s29 =	simm.s32 $0x2780  }
0x2c: {  	[tilespmem:s23], [sflag:$0x2] =	stream.indirect.gather [hbm4b:s4+s21], $0x80, s21, s21, $0xb8;
	[tilespmem:$0x1F780] =	vst v63  }
.LBB2_5:
0x2d: {  	s26 =	sadd.s32 $0x1, s26  }
0x2e: {  	p1 =	sne.s32 s26, $0x7D  }
.Ltmp4:
0x2f: {  	_ = 	snop;
	(pc) =	sbr.rel @!p1 .LBB2_6-.Ltmp4, $2  }
0x30: {  	_ =	sdelay $0x2  }
0x31: {  	s28 =	sadd.s32 $0x50, s28;
	s29 =	sadd.s32 $0x80, s29  }
.LBB2_3:
0x32: {  	s30 =	sand.u32 $0x1, s26  }
0x33: {  	p1 =	seq.s32 s30, $0x1  }
0x34: {  	s31 =	simm.s32 @!p1 $0x1  }
0x35: {  	_ =	swait.ge @!p1 [sflag:s31], $0x2800  }
0x36: {  	[sflag:s31] =	ssyncset.done @!p1 $0x0  }
0x37: {  	s0 =	simm.s32 @!p1 $0x6780;
	[sflag:s31] =	ssyncadd.s32 @!p1 $0xFFFFD800;
	s31 =	simm.s32 @!p1 $0x50  }
0x38: {  	[spmem:s2] =	stream.indirect.scatter.add.f32 @!p1 [tilespmem:s0], [sflag:$0x3], $0x80, s29, s31, $0xb8;
	[tilespmem:$0x1F780] =	vst v63  }
0x39: {  	s0 =	simm.s32 @!p1 $0x3  }
0x3a: {  	p2 =	sgt.u32 @!p1 s26, $0x7A;
	_ =	swait.ge @!p1 [sflag:s0], $0x2800  }
0x3b: {  	p2 =	por p2, p1;
	[sflag:s0] =	ssyncset.done @!p1 $0x0  }
0x3c: {  	s31 =	simm.s32 @!p2 $0x6780;
	[sflag:s0] =	ssyncadd.s32 @!p1 $0xFFFFD800;
	s0 =	simm.s32 @!p2 $0x50  }
0x3d: {  	[tilespmem:s31], [sflag:$0x1] =	stream.indirect.gather @!p2 [hbm4b:s4+s0], $0x80, s28, s0, $0xb8;
	[tilespmem:$0x1F780] =	vst v63  }
0x3e: {  	p2 =	seq.s32 @!p1 s30, $0x0  }
0x3f: {  	p1 =	por p1, !p2  }
.Ltmp5:
0x40: {  	_ = 	snop;
	(pc) =	sbr.rel @!p1 .LBB2_5-.Ltmp5, $1  }
0x41: {  	_ =	sdelay $0x3  }
0x42: {  	_ =	swait.ge [sflag:s24], $0x2800  }
0x43: {  	[sflag:s24] =	ssyncset.done $0x0  }
0x44: {  	[sflag:s24] =	ssyncadd.s32 $0xFFFFD800  }
0x45: {  	[spmem:s2] =	stream.indirect.scatter.add.f32 [tilespmem:s23], [sflag:$0x3], $0x80, s29, s21, $0xb8;
	[tilespmem:$0x1F780] =	vst v63  }
.Ltmp6:
0x46: {  	_ = 	snop;
	(pc) =	sbr.rel .LBB2_5-.Ltmp6, $4  }
0x47: {  	_ =	swait.ge [sflag:s17], $0x2800  }
0x48: {  	p1 =	sgt.u32 s26, $0x7A;
	[sflag:s17] =	ssyncset.done $0x0  }
0x49: {  	s0 =	simm.s32 @!p1 $0x50;
	s30 =	simm.s32 @!p1 $0x8F80;
	[sflag:s17] =	ssyncadd.s32 $0xFFFFD800  }
0x4a: {  	[tilespmem:s30], [sflag:$0x2] =	stream.indirect.gather @!p1 [hbm4b:s4+s0], $0x80, s28, s0, $0xb8;
	[tilespmem:$0x1F780] =	vst v63  }
.LBB2_11:
.Ltmp7:
0x4b: {  	(pc) =	sbr.rel .LBB2_12-.Ltmp7, $4  }
0x4c: {  	_ = 	snop  }
0x4d: {  	[tilespmem:s22], [sflag:$0x1] =	stream.indirect.gather [hbm4b:s5+s21], $0x80, s26, s21, $0xb8;
	[tilespmem:$0x1F780] =	vst v63  }
0x4e: {  	s28 =	simm.s32 $0xA0;
	s29 =	simm.s32 $0x2780  }
0x4f: {  	[tilespmem:s23], [sflag:$0x2] =	stream.indirect.gather [hbm4b:s5+s21], $0x80, s21, s21, $0xb8;
	[tilespmem:$0x1F780] =	vst v63  }
.LBB2_14:
0x50: {  	s26 =	sadd.s32 $0x1, s26  }
0x51: {  	p1 =	seq.s32 s26, $0x7D  }
.Ltmp8:
0x52: {  	_ = 	snop;
	(pc) =	sbr.rel @p1 .LBB2_15-.Ltmp8, $2  }
0x53: {  	_ =	sdelay $0x2  }
0x54: {  	s28 =	sadd.s32 $0x50, s28;
	s29 =	sadd.s32 $0x80, s29  }
.LBB2_12:
0x55: {  	s0 =	sand.u32 $0x1, s26  }
0x56: {  	p1 =	seq.s32 s0, $0x1  }
0x57: {  	s30 =	simm.s32 @!p1 $0x1  }
0x58: {  	_ =	swait.ge @!p1 [sflag:s30], $0x2800  }
0x59: {  	[sflag:s30] =	ssyncset.done @!p1 $0x0  }
0x5a: {  	s31 =	simm.s32 @!p1 $0x6780;
	[sflag:s30] =	ssyncadd.s32 @!p1 $0xFFFFD800;
	s30 =	simm.s32 @!p1 $0x50  }
0x5b: {  	[spmem:s2] =	stream.indirect.scatter.add.f32 @!p1 [tilespmem:s31], [sflag:$0x3], $0x80, s29, s30, $0xb8;
	[tilespmem:$0x1F780] =	vst v63  }
0x5c: {  	s30 =	simm.s32 @!p1 $0x3  }
0x5d: {  	p2 =	sgt.u32 @!p1 s26, $0x7A;
	_ =	swait.ge @!p1 [sflag:s30], $0x2800  }
0x5e: {  	p2 =	por p2, p1;
	[sflag:s30] =	ssyncset.done @!p1 $0x0  }
0x5f: {  	s31 =	simm.s32 @!p2 $0x6780;
	[sflag:s30] =	ssyncadd.s32 @!p1 $0xFFFFD800;
	s30 =	simm.s32 @!p2 $0x50  }
0x60: {  	[tilespmem:s31], [sflag:$0x1] =	stream.indirect.gather @!p2 [hbm4b:s5+s30], $0x80, s28, s30, $0xb8;
	[tilespmem:$0x1F780] =	vst v63  }
0x61: {  	p2 =	seq.s32 @!p1 s0, $0x0  }
0x62: {  	p1 =	por p1, !p2  }
.Ltmp9:
0x63: {  	_ = 	snop;
	(pc) =	sbr.rel @!p1 .LBB2_14-.Ltmp9, $1  }
0x64: {  	_ =	sdelay $0x3  }
0x65: {  	_ =	swait.ge [sflag:s24], $0x2800  }
0x66: {  	[sflag:s24] =	ssyncset.done $0x0  }
0x67: {  	[sflag:s24] =	ssyncadd.s32 $0xFFFFD800  }
0x68: {  	[spmem:s2] =	stream.indirect.scatter.add.f32 [tilespmem:s23], [sflag:$0x3], $0x80, s29, s21, $0xb8;
	[tilespmem:$0x1F780] =	vst v63  }
.Ltmp10:
0x69: {  	_ = 	snop;
	(pc) =	sbr.rel .LBB2_14-.Ltmp10, $4  }
0x6a: {  	_ =	swait.ge [sflag:s17], $0x2800  }
0x6b: {  	p1 =	sgt.u32 s26, $0x7A;
	[sflag:s17] =	ssyncset.done $0x0  }
0x6c: {  	s0 =	simm.s32 @!p1 $0x50;
	s30 =	simm.s32 @!p1 $0x8F80;
	[sflag:s17] =	ssyncadd.s32 $0xFFFFD800  }
0x6d: {  	[tilespmem:s30], [sflag:$0x2] =	stream.indirect.gather @!p1 [hbm4b:s5+s0], $0x80, s28, s0, $0xb8;
	[tilespmem:$0x1F780] =	vst v63  }
.LBB2_6:
0x6e: {  	[bflag:$0x0] =	sbarrier.arrive $0xFFFF  }
0x6f: {  	[hbm:s15], [sflag:s19] =	dma.local [spmem:s20], $0x2800  }
0x70: {  	_ =	swait.ge [sflag:s17], $0x2800  }
0x71: {  	[sflag:s17] =	ssyncset.done $0x0  }
0x72: {  	[sflag:s17] =	ssyncadd.s32 $0xFFFFD800  }
0x73: {  	[bflag:$0x0] =	sbarrier.arrive $0xFFFF  }
0x74: {  	[spmem:s20], [sflag:s19] =	dma.local [hbm:s9], $0x2800  }
0x75: {  	_ =	swait.ge [sflag:s17], $0x2800  }
0x76: {  	[sflag:s17] =	ssyncset.done $0x0  }
.Ltmp11:
0x77: {  	[sflag:s17] =	ssyncadd.s32 $0xFFFFD800;
	(pc) =	sbr.rel .LBB2_7-.Ltmp11, $4  }
0x78: {  	s26 =	simm.s32 $0x0;
	[bflag:$0x0] =	sbarrier.arrive $0xFFFF  }
0x79: {  	[tilespmem:s22], [sflag:$0x1] =	stream.indirect.gather [hbm4b:s6+s21], $0x80, s26, s21, $0xb8;
	[tilespmem:$0x1F780] =	vst v63  }
0x7a: {  	s28 =	simm.s32 $0xA0;
	s29 =	simm.s32 $0x2780  }
0x7b: {  	[tilespmem:s23], [sflag:$0x2] =	stream.indirect.gather [hbm4b:s6+s21], $0x80, s21, s21, $0xb8;
	[tilespmem:$0x1F780] =	vst v63  }
.LBB2_9:
0x7c: {  	s26 =	sadd.s32 $0x1, s26  }
0x7d: {  	p1 =	seq.s32 s26, $0x7D  }
.Ltmp12:
0x7e: {  	_ = 	snop;
	(pc) =	sbr.rel @p1 .LBB2_10-.Ltmp12, $2  }
0x7f: {  	_ =	sdelay $0x2  }
0x80: {  	s28 =	sadd.s32 $0x50, s28;
	s29 =	sadd.s32 $0x80, s29  }
.LBB2_7:
0x81: {  	s0 =	sand.u32 $0x1, s26  }
0x82: {  	p1 =	seq.s32 s0, $0x1  }
0x83: {  	s30 =	simm.s32 @!p1 $0x1  }
0x84: {  	_ =	swait.ge @!p1 [sflag:s30], $0x2800  }
0x85: {  	[sflag:s30] =	ssyncset.done @!p1 $0x0  }
0x86: {  	s31 =	simm.s32 @!p1 $0x6780;
	[sflag:s30] =	ssyncadd.s32 @!p1 $0xFFFFD800;
	s30 =	simm.s32 @!p1 $0x50  }
0x87: {  	[spmem:s2] =	stream.indirect.scatter.add.f32 @!p1 [tilespmem:s31], [sflag:$0x3], $0x80, s29, s30, $0xb8;
	[tilespmem:$0x1F780] =	vst v63  }
0x88: {  	s30 =	simm.s32 @!p1 $0x3  }
0x89: {  	p2 =	sgt.u32 @!p1 s26, $0x7A;
	_ =	swait.ge @!p1 [sflag:s30], $0x2800  }
0x8a: {  	p2 =	por p2, p1;
	[sflag:s30] =	ssyncset.done @!p1 $0x0  }
0x8b: {  	s31 =	simm.s32 @!p2 $0x6780;
	[sflag:s30] =	ssyncadd.s32 @!p1 $0xFFFFD800;
	s30 =	simm.s32 @!p2 $0x50  }
0x8c: {  	[tilespmem:s31], [sflag:$0x1] =	stream.indirect.gather @!p2 [hbm4b:s6+s30], $0x80, s28, s30, $0xb8;
	[tilespmem:$0x1F780] =	vst v63  }
0x8d: {  	p2 =	seq.s32 @!p1 s0, $0x0  }
0x8e: {  	p1 =	por p1, !p2  }
.Ltmp13:
0x8f: {  	_ = 	snop;
	(pc) =	sbr.rel @!p1 .LBB2_9-.Ltmp13, $1  }
0x90: {  	_ =	sdelay $0x3  }
0x91: {  	_ =	swait.ge [sflag:s24], $0x2800  }
0x92: {  	[sflag:s24] =	ssyncset.done $0x0  }
0x93: {  	[sflag:s24] =	ssyncadd.s32 $0xFFFFD800  }
0x94: {  	[spmem:s2] =	stream.indirect.scatter.add.f32 [tilespmem:s23], [sflag:$0x3], $0x80, s29, s21, $0xb8;
	[tilespmem:$0x1F780] =	vst v63  }
.Ltmp14:
0x95: {  	_ = 	snop;
	(pc) =	sbr.rel .LBB2_9-.Ltmp14, $4  }
0x96: {  	_ =	swait.ge [sflag:s17], $0x2800  }
0x97: {  	p1 =	sgt.u32 s26, $0x7A;
	[sflag:s17] =	ssyncset.done $0x0  }
0x98: {  	s0 =	simm.s32 @!p1 $0x50;
	s30 =	simm.s32 @!p1 $0x8F80;
	[sflag:s17] =	ssyncadd.s32 $0xFFFFD800  }
0x99: {  	[tilespmem:s30], [sflag:$0x2] =	stream.indirect.gather @!p1 [hbm4b:s6+s0], $0x80, s28, s0, $0xb8;
	[tilespmem:$0x1F780] =	vst v63  }
.LBB2_15:
0x9a: {  	[bflag:$0x0] =	sbarrier.arrive $0xFFFF  }
0x9b: {  	[hbm:s14], [sflag:s19] =	dma.local [spmem:s20], $0x2800  }
0x9c: {  	_ =	swait.ge [sflag:s17], $0x2800  }
0x9d: {  	[sflag:s17] =	ssyncset.done $0x0  }
0x9e: {  	[sflag:s17] =	ssyncadd.s32 $0xFFFFD800  }
0x9f: {  	[bflag:$0x0] =	sbarrier.arrive $0xFFFF  }
0xa0: {  	[spmem:s20], [sflag:s19] =	dma.local [hbm:s9], $0x2800  }
0xa1: {  	_ =	swait.ge [sflag:s17], $0x2800  }
0xa2: {  	[sflag:s17] =	ssyncset.done $0x0  }
.Ltmp15:
0xa3: {  	[sflag:s17] =	ssyncadd.s32 $0xFFFFD800;
	(pc) =	sbr.rel .LBB2_16-.Ltmp15, $4  }
0xa4: {  	s26 =	simm.s32 $0x0;
	[bflag:$0x0] =	sbarrier.arrive $0xFFFF  }
0xa5: {  	[tilespmem:s22], [sflag:$0x1] =	stream.indirect.gather [hbm4b:s7+s21], $0x80, s26, s21, $0xb8;
	[tilespmem:$0x1F780] =	vst v63  }
0xa6: {  	s28 =	simm.s32 $0xA0;
	s29 =	simm.s32 $0x2780  }
0xa7: {  	[tilespmem:s23], [sflag:$0x2] =	stream.indirect.gather [hbm4b:s7+s21], $0x80, s21, s21, $0xb8;
	[tilespmem:$0x1F780] =	vst v63  }
.LBB2_18:
0xa8: {  	s26 =	sadd.s32 $0x1, s26  }
0xa9: {  	p1 =	sne.s32 s26, $0x7D  }
.Ltmp16:
0xaa: {  	_ = 	snop;
	(pc) =	sbr.rel @!p1 .LBB2_19-.Ltmp16, $2  }
0xab: {  	_ =	sdelay $0x2  }
0xac: {  	s28 =	sadd.s32 $0x50, s28;
	s29 =	sadd.s32 $0x80, s29  }
.LBB2_16:
0xad: {  	s0 =	sand.u32 $0x1, s26  }
0xae: {  	p1 =	seq.s32 s0, $0x1  }
0xaf: {  	s30 =	simm.s32 @!p1 $0x1  }
0xb0: {  	_ =	swait.ge @!p1 [sflag:s30], $0x2800  }
0xb1: {  	[sflag:s30] =	ssyncset.done @!p1 $0x0  }
0xb2: {  	s31 =	simm.s32 @!p1 $0x6780;
	[sflag:s30] =	ssyncadd.s32 @!p1 $0xFFFFD800;
	s30 =	simm.s32 @!p1 $0x50  }
0xb3: {  	[spmem:s2] =	stream.indirect.scatter.add.f32 @!p1 [tilespmem:s31], [sflag:$0x3], $0x80, s29, s30, $0xb8;
	[tilespmem:$0x1F780] =	vst v63  }
0xb4: {  	s30 =	simm.s32 @!p1 $0x3  }
0xb5: {  	p2 =	sgt.u32 @!p1 s26, $0x7A;
	_ =	swait.ge @!p1 [sflag:s30], $0x2800  }
0xb6: {  	p2 =	por p2, p1;
	[sflag:s30] =	ssyncset.done @!p1 $0x0  }
0xb7: {  	s31 =	simm.s32 @!p2 $0x6780;
	[sflag:s30] =	ssyncadd.s32 @!p1 $0xFFFFD800;
	s30 =	simm.s32 @!p2 $0x50  }
0xb8: {  	[tilespmem:s31], [sflag:$0x1] =	stream.indirect.gather @!p2 [hbm4b:s7+s30], $0x80, s28, s30, $0xb8;
	[tilespmem:$0x1F780] =	vst v63  }
0xb9: {  	p2 =	seq.s32 @!p1 s0, $0x0  }
0xba: {  	p1 =	por p1, !p2  }
.Ltmp17:
0xbb: {  	_ = 	snop;
	(pc) =	sbr.rel @!p1 .LBB2_18-.Ltmp17, $1  }
0xbc: {  	_ =	sdelay $0x3  }
0xbd: {  	_ =	swait.ge [sflag:s24], $0x2800  }
0xbe: {  	[sflag:s24] =	ssyncset.done $0x0  }
0xbf: {  	[sflag:s24] =	ssyncadd.s32 $0xFFFFD800  }
0xc0: {  	[spmem:s2] =	stream.indirect.scatter.add.f32 [tilespmem:s23], [sflag:$0x3], $0x80, s29, s21, $0xb8;
	[tilespmem:$0x1F780] =	vst v63  }
.Ltmp18:
0xc1: {  	_ = 	snop;
	(pc) =	sbr.rel .LBB2_18-.Ltmp18, $4  }
0xc2: {  	_ =	swait.ge [sflag:s17], $0x2800  }
0xc3: {  	p1 =	sgt.u32 s26, $0x7A;
	[sflag:s17] =	ssyncset.done $0x0  }
0xc4: {  	s0 =	simm.s32 @!p1 $0x50;
	s30 =	simm.s32 @!p1 $0x8F80;
	[sflag:s17] =	ssyncadd.s32 $0xFFFFD800  }
0xc5: {  	[tilespmem:s30], [sflag:$0x2] =	stream.indirect.gather @!p1 [hbm4b:s7+s0], $0x80, s28, s0, $0xb8;
	[tilespmem:$0x1F780] =	vst v63  }
.LBB2_10:
.Ltmp19:
0xc6: {  	(pc) =	sbr.rel .LBB2_20-.Ltmp19, $2  }
0xc7: {  	_ =	sdelay $0x2  }
0xc8: {  	s26 =	smov.u32 s10  }
.LBB2_21:
0xc9: {  	_ =	sfence.sel $0x180000  }
0xca: {  	[bflag:$0x0] =	sbarrier.arrive $0xFFFF  }
0xcb: {  	_ =	strace $0x9000004A  }
0xcc: {  	[bflag:$0x2] =	sbarrier.arrive $0xFFFF  }
0xcd: {  	p0 =	sne.s32 s1, $0x0;
	s0 =	rddreg [dreg:$0x2]  }
0xce: {  	s0 =	sadd.s32 @!p0 $0x100000, s0  }
0xcf: {  	[sflag:s0] =	ssyncadd.tile.s32 @!p0 $0x1;
	_ =	shalt  }
.Lfunc_end2:
_tile_overlayer_lowered:
.L_overlay_start_2:
0xd0: {  	(tag) =	ssettag $0x2  }
0xd1: {  	s0 =	rddreg [dreg:$0x0];
	s2 =	stileid.u32  }
0xd2: {  	s1 =	rddreg [dreg:$0x1];
	p0 =	sne.s32 s2, $0x0  }
0xd3: {  	s3 =	rddreg [dreg:$0x2];
	[bflag:$0x3] =	sbarrier.arrive $0xFFFF;
	s2 =	simm.s32 @!p0 $0x1C03  }
0xd4: {  	[timem:s3], [sflag:s2] =	dma.local @!p0 [hbm:s0], s1  }
0xd5: {  	s0 =	simm.s32 @!p0 $0x3  }
0xd6: {  	_ =	swait.ge @!p0 [sflag:s0], s1  }
0xd7: {  	s1 =	ssub.s32 @!p0 $0x0, s1;
	[sflag:s0] =	ssyncset.done @!p0 $0x0  }
0xd8: {  	[sflag:s0] =	ssyncadd.s32 @!p0 s1  }
0xd9: {  	[bflag:$0x3] =	sbarrier.arrive $0xFFFF  }
0xda: {  	_ =	shalt  }

// kernel: kernel.16.cloned.1.call-start
scs
__scs_entry_jumppad:
0x0: {  	(pc) =	sbr.rel $0x88, $3  }
0x1: {  	(tag) =	ssettag $0x0;
	lr =	simm.s32 $0x1  }
0x2: {  	[smem:$0x3F90] =	sst lr;
	_ =	strace $0xD0000000  }
0x3: {  	_ = 	snop  }
0x4: {  	_ = 	snop  }
0x5: {  	_ = 	snop  }
0x6: {  	_ = 	snop  }
0x7: {  	_ = 	snop  }
__scs_overlays_trampoline_lowered:
0x8: {  	[smem:$0x3F9F] =	sst s0  }
0x9: {  	[smem:$0x3FA0] =	sst s1  }
0xa: {  	[smem:$0x3FA1] =	sst s2  }
0xb: {  	[smem:$0x3FA2] =	sst s3  }
0xc: {  	[smem:$0x3FA3] =	sst s4  }
0xd: {  	[smem:$0x3FA4] =	sst s5  }
0xe: {  	[smem:$0x3FA5] =	sst s6  }
0xf: {  	[smem:$0x3FA6] =	sst s7  }
0x10: {  	[smem:$0x3FA7] =	sst s8  }
0x11: {  	[smem:$0x3FA8] =	sst s9;
	s0 =	simm.s32 @!p0 $0x0  }
0x12: {  	s1 =	sld [smem:$0x3F8E];
	s0 =	simm.s32 @p0 $0x1  }
0x13: {  	[smem:$0x3FA9] =	sst s0;
	s0 =	simm.s32 @!p1 $0x0  }
0x14: {  	s2 =	sld [smem:$0x3F8D];
	s0 =	simm.s32 @p1 $0x1  }
0x15: {  	[smem:$0x3FAA] =	sst s0;
	s0 =	simm.s32 @!p2 $0x0  }
0x16: {  	s3 =	sld [smem:$0x3FDB];
	s0 =	simm.s32 @p2 $0x1  }
0x17: {  	s4 =	simm.s32 $0x1BF5;
	[smem:$0x3FAC] =	sst s0  }
0x18: {  	s0 =	sld [smem:$0x3F8F];
	_ =	swait.ge [sflag:s4], $0x0  }
0x19: {  	s7 =	sld [smem:$0x3F90]  }
0x1a: {  	s8 =	sadd.s32 $0xFFFFE003, lr  }
0x1b: {  	s9 =	sadd.s32 $0xFFFFFEF7, lr;
	s5 =	simm.s32 $0xFFFFFFFF;
	p2 =	slt.u32 s8, $0xFFFFF086  }
0x1c: {  	p1 =	slt.u32 s9, $0xF7A;
	s5 =	simm.s32 @!p2 $0x0  }
0x1d: {  	s5 =	simm.s32 @p1 $0x1;
	p0 =	seq.s32 s7, s2  }
0x1e: {  	s7 =	smul.u32 @!p0 $0xF7A, s2;
	p2 =	seq.s32 @!p0 s5, $0x0  }
0x1f: {  	s9 =	smul.u32 $0xF7A, s1;
	s8 =	simm.s32 @!p0 $0x1BF5;
	p2 =	por !p2, p0  }
0x20: {  	[sflag:s8] =	ssyncset.s32 @!p0 $0xFFFFF086;
	s6 =	sadd.s32 @!p0 s3, s7;
	s7 =	simm.s32 @!p0 $0x108  }
0x21: {  	s3 =	sadd.s32 s3, s9;
	s6 =	sadd.s32 @!p0 $0x88, s6;
	s7 =	simm.s32 @p2 $0x1082  }
0x22: {  	[simem:s7], [sflag:s8] =	dma.local @!p0 [hbm:s6], $0xF7A  }
0x23: {  	s9 =	sor.u32 $0xD0000000, s2;
	s6 =	simm.s32 $0x108;
	_ =	swait.ge @!p0 [sflag:s8], $0x0  }
0x24: {  	s3 =	sadd.s32 $0x88, s3;
	s6 =	simm.s32 @!p1 $0x1082;
	[sflag:s4] =	ssyncset.s32 $0xFFFFF086  }
0x25: {  	[simem:s6], [sflag:s4] =	dma.local [hbm:s3], $0xF7A  }
0x26: {  	[smem:$0x3F90] =	sst s1;
	(tag) =	ssettag s2;
	_ =	strace s9  }
0x27: {  	s1 =	sld [smem:$0x3FA0]  }
0x28: {  	s2 =	sld [smem:$0x3FA1]  }
0x29: {  	s4 =	sld [smem:$0x3FA3]  }
0x2a: {  	p0 =	seq.s32 s5, $0x0;
	s5 =	sld [smem:$0x3FA4]  }
0x2b: {  	s6 =	sld [smem:$0x3FA5]  }
0x2c: {  	s7 =	sld [smem:$0x3FA6]  }
0x2d: {  	s3 =	simm.s32 $0x108;
	s8 =	sld [smem:$0x3FA7]  }
0x2e: {  	s3 =	simm.s32 @!p0 $0x1082;
	s9 =	sld [smem:$0x3FA8]  }
0x2f: {  	lr =	sadd.s32 s0, s3;
	s0 =	sld [smem:$0x3F9F]  }
0x30: {  	s3 =	sld [smem:$0x3FA2]  }
0x31: {  	[smem:$0x3FAB] =	sst s10  }
0x32: {  	s10 =	sld [smem:$0x3FA9];
	_ =	sdelay $0x3  }
0x33: {  	p0 =	seq.s32 s10, $0x1;
	s10 =	sld [smem:$0x3FAB];
	_ =	sdelay $0x3  }
0x34: {  	[smem:$0x3FAB] =	sst s10  }
0x35: {  	s10 =	sld [smem:$0x3FAA];
	_ =	sdelay $0x3  }
0x36: {  	p1 =	seq.s32 s10, $0x1;
	s10 =	sld [smem:$0x3FAB];
	_ =	sdelay $0x3  }
0x37: {  	[smem:$0x3FAB] =	sst s10  }
0x38: {  	s10 =	sld [smem:$0x3FAC]  }
0x39: {  	_ = 	snop;
	(pc) =	sbr.ind lr, $3  }
0x3a: {  	_ = 	snop  }
0x3b: {  	_ = 	snop  }
0x3c: {  	p2 =	seq.s32 s10, $0x1;
	s10 =	sld [smem:$0x3FAB]  }
0x3d: {  	_ =	shalt  }
0x3e: {  	_ =	shalt  }
0x3f: {  	_ =	shalt  }
0x40: {  	_ =	shalt  }
0x41: {  	_ =	shalt  }
0x42: {  	_ =	shalt  }
0x43: {  	_ =	shalt  }
0x44: {  	_ =	shalt  }
0x45: {  	_ =	shalt  }
0x46: {  	_ =	shalt  }
0x47: {  	_ =	shalt  }
0x48: {  	_ =	shalt  }
0x49: {  	_ =	shalt  }
0x4a: {  	_ =	shalt  }
0x4b: {  	_ =	shalt  }
0x4c: {  	_ =	shalt  }
0x4d: {  	_ =	shalt  }
0x4e: {  	_ =	shalt  }
0x4f: {  	_ =	shalt  }
0x50: {  	_ =	shalt  }
0x51: {  	_ =	shalt  }
0x52: {  	_ =	shalt  }
0x53: {  	_ =	shalt  }
0x54: {  	_ =	shalt  }
0x55: {  	_ =	shalt  }
0x56: {  	_ =	shalt  }
0x57: {  	_ =	shalt  }
0x58: {  	_ =	shalt  }
0x59: {  	_ =	shalt  }
0x5a: {  	_ =	shalt  }
0x5b: {  	_ =	shalt  }
0x5c: {  	_ =	shalt  }
0x5d: {  	_ =	shalt  }
0x5e: {  	_ =	shalt  }
0x5f: {  	_ =	shalt  }
0x60: {  	_ =	shalt  }
0x61: {  	_ =	shalt  }
0x62: {  	_ =	shalt  }
0x63: {  	_ =	shalt  }
0x64: {  	_ =	shalt  }
0x65: {  	_ =	shalt  }
0x66: {  	_ =	shalt  }
0x67: {  	_ =	shalt  }
0x68: {  	_ =	shalt  }
0x69: {  	_ =	shalt  }
0x6a: {  	_ =	shalt  }
0x6b: {  	_ =	shalt  }
0x6c: {  	_ =	shalt  }
0x6d: {  	_ =	shalt  }
0x6e: {  	_ =	shalt  }
0x6f: {  	_ =	shalt  }
0x70: {  	_ =	shalt  }
0x71: {  	_ =	shalt  }
0x72: {  	_ =	shalt  }
0x73: {  	_ =	shalt  }
0x74: {  	_ =	shalt  }
0x75: {  	_ =	shalt  }
0x76: {  	_ =	shalt  }
0x77: {  	_ =	shalt  }
0x78: {  	_ =	shalt  }
0x79: {  	_ =	shalt  }
0x7a: {  	_ =	shalt  }
0x7b: {  	_ =	shalt  }
0x7c: {  	_ =	shalt  }
0x7d: {  	_ =	shalt  }
0x7e: {  	_ =	shalt  }
0x7f: {  	_ =	shalt  }
0x80: {  	_ =	shalt  }
0x81: {  	_ =	shalt  }
0x82: {  	_ =	shalt  }
0x83: {  	_ =	shalt  }
0x84: {  	_ =	shalt  }
0x85: {  	_ =	shalt  }
0x86: {  	_ =	shalt  }
0x87: {  	_ =	shalt  }
.Lfunc_end0:
.L_simem_size_0:
called_computation.2_lowered:
.L_overlay_start_0:
0x88: {  	s2 =	sld [smem:$0x3FD9]  }
0x89: {  	s3 =	sld [smem:$0x3FFE];
	_ =	sdelay $0x1  }
0x8a: {  	s1 =	srdreg.scid  }
0x8b: {  	s0 =	sand.u32 $0x1, s1  }
0x8c: {  	s16 =	sshll.u32 s0, $0xA;
	s2 =	sadd.s32 s3, s2  }
0x8d: {  	s2 =	sadd.s32 s2, s16  }
0x8e: {  	[smem:$0x3FB7] =	sst s2  }
0x8f: {  	_ = 	snop  }
0x90: {  	(tm) =	ssettm $0x1  }
0x91: {  	s17 =	sld [smem:$0x3FFB];
	_ =	sdelay $0x3  }
0x92: {  	_ =	strace s17  }
0x93: {  	s2 =	sld [smem:$0x3FFC];
	_ =	sdelay $0x3  }
0x94: {  	_ =	strace s2  }
0x95: {  	s2 =	sld [smem:$0x3FFD];
	_ =	sdelay $0x3  }
0x96: {  	_ =	strace s2  }
0x97: {  	_ =	strace $0x8FFFFFFF  }
0x98: {  	s18 =	sld [smem:$0x3FDB];
	_ =	sdelay $0x1  }
0x99: {  	s19 =	simm.s32 $_scs_section_size  }
0x9a: {  	s4 =	simm.s32 $_size__tile_overlayer_lowered;
	s5 =	simm.s32 $_tile_overlayer_lowered  }
0x9b: {  	s22 =	simm.s32 $0x1BFF;
	s21 =	sshll.u32 s5, $0x1;
	s2 =	sadd.s32 s19, s18  }
0x9c: {  	s6 =	simm.s32 $0x0;
	s20 =	sshll.u32 s4, $0x1;
	s4 =	sadd.s32 s21, s2  }
0x9d: {  	[timem:s6], [sflag:s22] =	dma.local [hbm:s4], s20  }
0x9e: {  	_ =	swait.ge [sflag:s22], s20  }
0x9f: {  	s3 =	ssub.s32 $0x0, s20;
	[sflag:s22] =	ssyncset.done $0x0  }
0xa0: {  	[sflag:s22] =	ssyncadd.s32 s3;
	_ =	sdelay $0x1  }
0xa1: {  	s23 =	simm.s32 $0x1B8B  }
0xa2: {  	_ =	swait.ge [sflag:s23], $0x1  }
0xa3: {  	[sflag:s23] =	ssyncset.done $0x0  }
0xa4: {  	s25 =	simm.s32 $0x1B8E;
	s24 =	sld [smem:$0x3FFE];
	[sflag:s23] =	ssyncadd.s32 $0xFFFFFFFF  }
0xa5: {  	s26 =	simm.s32 $execute0_lowered;
	[smem:$0x3FD2] =	sst s25  }
0xa6: {  	s4 =	sshll.u32 s26, $0x1;
	_ =	strace $0x8000004C;
	[dreg:$0x1] =	wrdreg $0xFFFFFFFF  }
0xa7: {  	s28 =	simm.s32 $_size_execute0_lowered;
	s2 =	sadd.s32 s2, s4;
	[dreg:$0x0] =	wrdreg $0x0  }
0xa8: {  	s4 =	sshll.u32 s28, $0x1;
	[dreg:$0x2] =	wrdreg s2  }
0xa9: {  	[dreg:$0x3] =	wrdreg s4  }
0xaa: {  	[dreg:$0x4] =	wrdreg $0xC0  }
0xab: {  	_ =	task [dreg:s6], $0x5FFFF  }
0xac: {  	[dreg:$0x1] =	wrdreg $0xFFFFFFFF  }
0xad: {  	[dreg:$0x0] =	wrdreg $0x60  }
0xae: {  	[dreg:$0x2] =	wrdreg s24  }
0xaf: {  	[dreg:$0x3] =	wrdreg $0xB7800  }
0xb0: {  	[dreg:$0x4] =	wrdreg $0x9  }
0xb1: {  	_ =	task.clear_ibuf [dreg:s6], $0x5FFFF;
	_ =	strace $0x9000004C  }
0xb2: {  	s29 =	simm.s32 $0x9;
	_ =	strace $0x8000004E  }
0xb3: {  	_ =	swait.ge [sflag:s29], $0x1  }
0xb4: {  	[sflag:s29] =	ssyncadd.s32 $0xFFFFFFFF  }
0xb5: {  	_ =	strace $0x9000004E  }
0xb6: {  	_ =	sfence  }
0xb7: {  	s30 =	sld [smem:$0x0];
	_ =	sdelay $0x2  }
0xb8: {  	s31 =	sshll.u32 s1, $0xD;
	s1 =	sshrl.u32 s1, $0x2  }
0xb9: {  	s3 =	sand.u32 $0x4000, s31;
	s1 =	sadd.s32 s1, s30  }
0xba: {  	s0 =	sor.u32 s3, s0;
	s1 =	sshll.u32 s1, $0x11  }
0xbb: {  	s0 =	sor.u32 s1, s0  }
0xbc: {  	s0 =	sadd.s32 $0x8F2B, s0  }
0xbd: {  	[sflag:s0] =	ssyncadd.remote.s32 $0x1  }
0xbe: {  	_ =	sfence.sel $0xFFFF  }
0xbf: {  	[dreg:$0x0] =	wrdreg $0xFFFFFFFF;
	(pc) =	sbr.abs _section_cstart, $3  }
0xc0: {  	[dreg:$0x1] =	wrdreg $0xFFFFFFFF  }
0xc1: {  	_ =	task.clear_ibuf [dreg:s6], $0x2FFFF;
	_ =	strace $0x9FFFFFFF  }
0xc2: {  	(tm) =	ssettm $0x7FFFFFFF  }
0xc3: {  	_ =	shalt  }
tec
execute0_lowered:
.L_overlay_start_1:
0x0: {  	(tag) =	ssettag $0x1  }
0x1: {  	s11 =	rddreg [dreg:$0x0]  }
0x2: {  	s2 =	rddreg [dreg:$0x1]  }
0x3: {  	s3 =	simm.s32 $0x0;
	s1 =	stileid.u32;
	s9 =	srdreg.scid  }
0x4: {  	s21 =	simm.s32 $0x50;
	s22 =	simm.s32 $0x6780;
	s23 =	simm.s32 $0x8F80  }
0x5: {  	s24 =	simm.s32 $0x2;
	s25 =	simm.s32 $0x0;
	[smem:$0x7FF] =	sst s3  }
0x6: {  	s8 =	smul.u32 $0x4E2, s1;
	s4 =	sadd.s32 $0x11C00, s11;
	s5 =	sadd.s32 $0x38E00, s11  }
0x7: {  	s6 =	sadd.s32 $0x62800, s11;
	s7 =	sadd.s32 $0x150C00, s11;
	s10 =	sshll.u32 s1, $0xB  }
0x8: {  	s17 =	sand.u32 $0x1, s9;
	s9 =	sadd.s32 $0x60000, s11;
	s18 =	smul.u32 $0x50000, s1  }
0x9: {  	s19 =	sshll.u32 s1, $0x6;
	_ =	strace $0x8000004D;
	s13 =	sadd.s32 s10, s11  }
0xa: {  	s14 =	ssub.s32 $0x2, s17;
	s10 =	sadd.s32 $0xD9A00, s11;
	p0 =	sne.s32 s17, $0x0  }
0xb: {  	s17 =	simm.s32 $0x3;
	s12 =	sadd.s32 s8, s11;
	s8 =	smul.u32 $0x2800, s1  }
.Ltmp0:
0xc: {  	s19 =	sor.u32 $0x1C03, s19;
	s16 =	sshrl.u32 s14, $0x1;
	(pc) =	sbr.rel .LBB2_1-.Ltmp0, $4  }
0xd: {  	s13 =	sadd.s32 $0x9C00, s13;
	s31 =	sshrl.u32 s18, $0x2;
	s18 =	simm.s32 $0x2780  }
0xe: {  	s16 =	ssub.s32 s14, s16;
	s12 =	sadd.s32 $0x4C00, s12;
	s20 =	sadd.s32 s31, s2  }
0xf: {  	s15 =	sadd.s32 s8, s11;
	s11 =	sadd.s32 $0x101A00, s11;
	s16 =	smax.u32 s16, $0x1  }
0x10: {  	s20 =	sshrl.u32 s20, $0x3;
	s14 =	sadd.s32 $0xB1A00, s15;
	s15 =	sadd.s32 $0x89A00, s15  }
.LBB2_19:
0x11: {  	s26 =	smov.u32 s11  }
.LBB2_20:
0x12: {  	s25 =	sadd.s32 $0x1, s25  }
0x13: {  	p1 =	sne.s32 s25, s16  }
.Ltmp1:
0x14: {  	s0 =	sadd.s32 s26, s8;
	[bflag:$0x0] =	sbarrier.arrive $0xFFFF;
	(pc) =	sbr.rel @!p1 .LBB2_21-.Ltmp1, $4  }
0x15: {  	[hbm:s0], [sflag:s19] =	dma.local [spmem:s20], $0x2800  }
0x16: {  	_ =	swait.ge [sflag:s17], $0x2800  }
0x17: {  	[sflag:s17] =	ssyncset.done $0x0  }
0x18: {  	[sflag:s17] =	ssyncadd.s32 $0xFFFFD800  }
.LBB2_1:
0x19: {  	[tilespmem:s3], [sflag:$0x3] =	stream.linear.gather [hbm4b:s12+s3], $0x2710, $0x38;
	[tilespmem:$0x1F780] =	vst v63  }
0x1a: {  	_ =	swait.ge [sflag:s17], $0x2710  }
0x1b: {  	[sflag:s17] =	ssyncset.done $0x0  }
0x1c: {  	[sflag:s17] =	ssyncadd.s32 $0xFFFFD8F0  }
0x1d: {  	[tilespmem:s18], [sflag:$0x3] =	stream.linear.gather [hbm4b:s13+s3], $0x3E80, $0x38;
	[tilespmem:$0x1F780] =	vst v63  }
0x1e: {  	_ =	swait.ge [sflag:s17], $0x3E80  }
0x1f: {  	[sflag:s17] =	ssyncset.done $0x0  }
0x20: {  	[sflag:s17] =	ssyncadd.s32 $0xFFFFC180  }
0x21: {  	[bflag:$0x0] =	sbarrier.arrive $0xFFFF  }
0x22: {  	[spmem:s20], [sflag:s19] =	dma.local [hbm:s9], $0x2800  }
.Ltmp2:
0x23: {  	_ =	swait.ge [sflag:s17], $0x2800;
	(pc) =	sbr.rel @p0 .LBB2_11-.Ltmp2, $4  }
0x24: {  	[sflag:s17] =	ssyncset.done $0x0  }
0x25: {  	[sflag:s17] =	ssyncadd.s32 $0xFFFFD800  }
0x26: {  	[bflag:$0x0] =	sbarrier.arrive $0xFFFF  }
0x27: {  	s26 =	simm.s32 $0x0  }
.Ltmp3:
0x28: {  	(pc) =	sbr.rel .LBB2_3-.Ltmp3, $4  }
0x29: {  	_ = 	snop  }
0x2a: {  	[tilespmem:s22], [sflag:$0x1] =	stream.indirect.gather [hbm4b:s4+s21], $0x80, s26, s21, $0xb8;
	[tilespmem:$0x1F780] =	vst v63  }
0x2b: {  	s28 =	simm.s32 $0xA0;
	s29 =	simm.s32 $0x2780  }
0x2c: {  	[tilespmem:s23], [sflag:$0x2] =	stream.indirect.gather [hbm4b:s4+s21], $0x80, s21, s21, $0xb8;
	[tilespmem:$0x1F780] =	vst v63  }
.LBB2_5:
0x2d: {  	s26 =	sadd.s32 $0x1, s26  }
0x2e: {  	p1 =	sne.s32 s26, $0x7D  }
.Ltmp4:
0x2f: {  	_ = 	snop;
	(pc) =	sbr.rel @!p1 .LBB2_6-.Ltmp4, $2  }
0x30: {  	_ =	sdelay $0x2  }
0x31: {  	s28 =	sadd.s32 $0x50, s28;
	s29 =	sadd.s32 $0x80, s29  }
.LBB2_3:
0x32: {  	s30 =	sand.u32 $0x1, s26  }
0x33: {  	p1 =	seq.s32 s30, $0x1  }
0x34: {  	s31 =	simm.s32 @!p1 $0x1  }
0x35: {  	_ =	swait.ge @!p1 [sflag:s31], $0x2800  }
0x36: {  	[sflag:s31] =	ssyncset.done @!p1 $0x0  }
0x37: {  	s0 =	simm.s32 @!p1 $0x6780;
	[sflag:s31] =	ssyncadd.s32 @!p1 $0xFFFFD800;
	s31 =	simm.s32 @!p1 $0x50  }
0x38: {  	[spmem:s2] =	stream.indirect.scatter.add.f32 @!p1 [tilespmem:s0], [sflag:$0x3], $0x80, s29, s31, $0xb8;
	[tilespmem:$0x1F780] =	vst v63  }
0x39: {  	s0 =	simm.s32 @!p1 $0x3  }
0x3a: {  	p2 =	sgt.u32 @!p1 s26, $0x7A;
	_ =	swait.ge @!p1 [sflag:s0], $0x2800  }
0x3b: {  	p2 =	por p2, p1;
	[sflag:s0] =	ssyncset.done @!p1 $0x0  }
0x3c: {  	s31 =	simm.s32 @!p2 $0x6780;
	[sflag:s0] =	ssyncadd.s32 @!p1 $0xFFFFD800;
	s0 =	simm.s32 @!p2 $0x50  }
0x3d: {  	[tilespmem:s31], [sflag:$0x1] =	stream.indirect.gather @!p2 [hbm4b:s4+s0], $0x80, s28, s0, $0xb8;
	[tilespmem:$0x1F780] =	vst v63  }
0x3e: {  	p2 =	seq.s32 @!p1 s30, $0x0  }
0x3f: {  	p1 =	por p1, !p2  }
.Ltmp5:
0x40: {  	_ = 	snop;
	(pc) =	sbr.rel @!p1 .LBB2_5-.Ltmp5, $1  }
0x41: {  	_ =	sdelay $0x3  }
0x42: {  	_ =	swait.ge [sflag:s24], $0x2800  }
0x43: {  	[sflag:s24] =	ssyncset.done $0x0  }
0x44: {  	[sflag:s24] =	ssyncadd.s32 $0xFFFFD800  }
0x45: {  	[spmem:s2] =	stream.indirect.scatter.add.f32 [tilespmem:s23], [sflag:$0x3], $0x80, s29, s21, $0xb8;
	[tilespmem:$0x1F780] =	vst v63  }
.Ltmp6:
0x46: {  	_ = 	snop;
	(pc) =	sbr.rel .LBB2_5-.Ltmp6, $4  }
0x47: {  	_ =	swait.ge [sflag:s17], $0x2800  }
0x48: {  	p1 =	sgt.u32 s26, $0x7A;
	[sflag:s17] =	ssyncset.done $0x0  }
0x49: {  	s0 =	simm.s32 @!p1 $0x50;
	s30 =	simm.s32 @!p1 $0x8F80;
	[sflag:s17] =	ssyncadd.s32 $0xFFFFD800  }
0x4a: {  	[tilespmem:s30], [sflag:$0x2] =	stream.indirect.gather @!p1 [hbm4b:s4+s0], $0x80, s28, s0, $0xb8;
	[tilespmem:$0x1F780] =	vst v63  }
.LBB2_11:
.Ltmp7:
0x4b: {  	(pc) =	sbr.rel .LBB2_12-.Ltmp7, $4  }
0x4c: {  	_ = 	snop  }
0x4d: {  	[tilespmem:s22], [sflag:$0x1] =	stream.indirect.gather [hbm4b:s5+s21], $0x80, s26, s21, $0xb8;
	[tilespmem:$0x1F780] =	vst v63  }
0x4e: {  	s28 =	simm.s32 $0xA0;
	s29 =	simm.s32 $0x2780  }
0x4f: {  	[tilespmem:s23], [sflag:$0x2] =	stream.indirect.gather [hbm4b:s5+s21], $0x80, s21, s21, $0xb8;
	[tilespmem:$0x1F780] =	vst v63  }
.LBB2_14:
0x50: {  	s26 =	sadd.s32 $0x1, s26  }
0x51: {  	p1 =	seq.s32 s26, $0x7D  }
.Ltmp8:
0x52: {  	_ = 	snop;
	(pc) =	sbr.rel @p1 .LBB2_15-.Ltmp8, $2  }
0x53: {  	_ =	sdelay $0x2  }
0x54: {  	s28 =	sadd.s32 $0x50, s28;
	s29 =	sadd.s32 $0x80, s29  }
.LBB2_12:
0x55: {  	s0 =	sand.u32 $0x1, s26  }
0x56: {  	p1 =	seq.s32 s0, $0x1  }
0x57: {  	s30 =	simm.s32 @!p1 $0x1  }
0x58: {  	_ =	swait.ge @!p1 [sflag:s30], $0x2800  }
0x59: {  	[sflag:s30] =	ssyncset.done @!p1 $0x0  }
0x5a: {  	s31 =	simm.s32 @!p1 $0x6780;
	[sflag:s30] =	ssyncadd.s32 @!p1 $0xFFFFD800;
	s30 =	simm.s32 @!p1 $0x50  }
0x5b: {  	[spmem:s2] =	stream.indirect.scatter.add.f32 @!p1 [tilespmem:s31], [sflag:$0x3], $0x80, s29, s30, $0xb8;
	[tilespmem:$0x1F780] =	vst v63  }
0x5c: {  	s30 =	simm.s32 @!p1 $0x3  }
0x5d: {  	p2 =	sgt.u32 @!p1 s26, $0x7A;
	_ =	swait.ge @!p1 [sflag:s30], $0x2800  }
0x5e: {  	p2 =	por p2, p1;
	[sflag:s30] =	ssyncset.done @!p1 $0x0  }
0x5f: {  	s31 =	simm.s32 @!p2 $0x6780;
	[sflag:s30] =	ssyncadd.s32 @!p1 $0xFFFFD800;
	s30 =	simm.s32 @!p2 $0x50  }
0x60: {  	[tilespmem:s31], [sflag:$0x1] =	stream.indirect.gather @!p2 [hbm4b:s5+s30], $0x80, s28, s30, $0xb8;
	[tilespmem:$0x1F780] =	vst v63  }
0x61: {  	p2 =	seq.s32 @!p1 s0, $0x0  }
0x62: {  	p1 =	por p1, !p2  }
.Ltmp9:
0x63: {  	_ = 	snop;
	(pc) =	sbr.rel @!p1 .LBB2_14-.Ltmp9, $1  }
0x64: {  	_ =	sdelay $0x3  }
0x65: {  	_ =	swait.ge [sflag:s24], $0x2800  }
0x66: {  	[sflag:s24] =	ssyncset.done $0x0  }
0x67: {  	[sflag:s24] =	ssyncadd.s32 $0xFFFFD800  }
0x68: {  	[spmem:s2] =	stream.indirect.scatter.add.f32 [tilespmem:s23], [sflag:$0x3], $0x80, s29, s21, $0xb8;
	[tilespmem:$0x1F780] =	vst v63  }
.Ltmp10:
0x69: {  	_ = 	snop;
	(pc) =	sbr.rel .LBB2_14-.Ltmp10, $4  }
0x6a: {  	_ =	swait.ge [sflag:s17], $0x2800  }
0x6b: {  	p1 =	sgt.u32 s26, $0x7A;
	[sflag:s17] =	ssyncset.done $0x0  }
0x6c: {  	s0 =	simm.s32 @!p1 $0x50;
	s30 =	simm.s32 @!p1 $0x8F80;
	[sflag:s17] =	ssyncadd.s32 $0xFFFFD800  }
0x6d: {  	[tilespmem:s30], [sflag:$0x2] =	stream.indirect.gather @!p1 [hbm4b:s5+s0], $0x80, s28, s0, $0xb8;
	[tilespmem:$0x1F780] =	vst v63  }
.LBB2_6:
0x6e: {  	[bflag:$0x0] =	sbarrier.arrive $0xFFFF  }
0x6f: {  	[hbm:s15], [sflag:s19] =	dma.local [spmem:s20], $0x2800  }
0x70: {  	_ =	swait.ge [sflag:s17], $0x2800  }
0x71: {  	[sflag:s17] =	ssyncset.done $0x0  }
0x72: {  	[sflag:s17] =	ssyncadd.s32 $0xFFFFD800  }
0x73: {  	[bflag:$0x0] =	sbarrier.arrive $0xFFFF  }
0x74: {  	[spmem:s20], [sflag:s19] =	dma.local [hbm:s9], $0x2800  }
0x75: {  	_ =	swait.ge [sflag:s17], $0x2800  }
0x76: {  	[sflag:s17] =	ssyncset.done $0x0  }
.Ltmp11:
0x77: {  	[sflag:s17] =	ssyncadd.s32 $0xFFFFD800;
	(pc) =	sbr.rel .LBB2_7-.Ltmp11, $4  }
0x78: {  	s26 =	simm.s32 $0x0;
	[bflag:$0x0] =	sbarrier.arrive $0xFFFF  }
0x79: {  	[tilespmem:s22], [sflag:$0x1] =	stream.indirect.gather [hbm4b:s6+s21], $0x80, s26, s21, $0xb8;
	[tilespmem:$0x1F780] =	vst v63  }
0x7a: {  	s28 =	simm.s32 $0xA0;
	s29 =	simm.s32 $0x2780  }
0x7b: {  	[tilespmem:s23], [sflag:$0x2] =	stream.indirect.gather [hbm4b:s6+s21], $0x80, s21, s21, $0xb8;
	[tilespmem:$0x1F780] =	vst v63  }
.LBB2_9:
0x7c: {  	s26 =	sadd.s32 $0x1, s26  }
0x7d: {  	p1 =	seq.s32 s26, $0x7D  }
.Ltmp12:
0x7e: {  	_ = 	snop;
	(pc) =	sbr.rel @p1 .LBB2_10-.Ltmp12, $2  }
0x7f: {  	_ =	sdelay $0x2  }
0x80: {  	s28 =	sadd.s32 $0x50, s28;
	s29 =	sadd.s32 $0x80, s29  }
.LBB2_7:
0x81: {  	s0 =	sand.u32 $0x1, s26  }
0x82: {  	p1 =	seq.s32 s0, $0x1  }
0x83: {  	s30 =	simm.s32 @!p1 $0x1  }
0x84: {  	_ =	swait.ge @!p1 [sflag:s30], $0x2800  }
0x85: {  	[sflag:s30] =	ssyncset.done @!p1 $0x0  }
0x86: {  	s31 =	simm.s32 @!p1 $0x6780;
	[sflag:s30] =	ssyncadd.s32 @!p1 $0xFFFFD800;
	s30 =	simm.s32 @!p1 $0x50  }
0x87: {  	[spmem:s2] =	stream.indirect.scatter.add.f32 @!p1 [tilespmem:s31], [sflag:$0x3], $0x80, s29, s30, $0xb8;
	[tilespmem:$0x1F780] =	vst v63  }
0x88: {  	s30 =	simm.s32 @!p1 $0x3  }
0x89: {  	p2 =	sgt.u32 @!p1 s26, $0x7A;
	_ =	swait.ge @!p1 [sflag:s30], $0x2800  }
0x8a: {  	p2 =	por p2, p1;
	[sflag:s30] =	ssyncset.done @!p1 $0x0  }
0x8b: {  	s31 =	simm.s32 @!p2 $0x6780;
	[sflag:s30] =	ssyncadd.s32 @!p1 $0xFFFFD800;
	s30 =	simm.s32 @!p2 $0x50  }
0x8c: {  	[tilespmem:s31], [sflag:$0x1] =	stream.indirect.gather @!p2 [hbm4b:s6+s30], $0x80, s28, s30, $0xb8;
	[tilespmem:$0x1F780] =	vst v63  }
0x8d: {  	p2 =	seq.s32 @!p1 s0, $0x0  }
0x8e: {  	p1 =	por p1, !p2  }
.Ltmp13:
0x8f: {  	_ = 	snop;
	(pc) =	sbr.rel @!p1 .LBB2_9-.Ltmp13, $1  }
0x90: {  	_ =	sdelay $0x3  }
0x91: {  	_ =	swait.ge [sflag:s24], $0x2800  }
0x92: {  	[sflag:s24] =	ssyncset.done $0x0  }
0x93: {  	[sflag:s24] =	ssyncadd.s32 $0xFFFFD800  }
0x94: {  	[spmem:s2] =	stream.indirect.scatter.add.f32 [tilespmem:s23], [sflag:$0x3], $0x80, s29, s21, $0xb8;
	[tilespmem:$0x1F780] =	vst v63  }
.Ltmp14:
0x95: {  	_ = 	snop;
	(pc) =	sbr.rel .LBB2_9-.Ltmp14, $4  }
0x96: {  	_ =	swait.ge [sflag:s17], $0x2800  }
0x97: {  	p1 =	sgt.u32 s26, $0x7A;
	[sflag:s17] =	ssyncset.done $0x0  }
0x98: {  	s0 =	simm.s32 @!p1 $0x50;
	s30 =	simm.s32 @!p1 $0x8F80;
	[sflag:s17] =	ssyncadd.s32 $0xFFFFD800  }
0x99: {  	[tilespmem:s30], [sflag:$0x2] =	stream.indirect.gather @!p1 [hbm4b:s6+s0], $0x80, s28, s0, $0xb8;
	[tilespmem:$0x1F780] =	vst v63  }
.LBB2_15:
0x9a: {  	[bflag:$0x0] =	sbarrier.arrive $0xFFFF  }
0x9b: {  	[hbm:s14], [sflag:s19] =	dma.local [spmem:s20], $0x2800  }
0x9c: {  	_ =	swait.ge [sflag:s17], $0x2800  }
0x9d: {  	[sflag:s17] =	ssyncset.done $0x0  }
0x9e: {  	[sflag:s17] =	ssyncadd.s32 $0xFFFFD800  }
0x9f: {  	[bflag:$0x0] =	sbarrier.arrive $0xFFFF  }
0xa0: {  	[spmem:s20], [sflag:s19] =	dma.local [hbm:s9], $0x2800  }
0xa1: {  	_ =	swait.ge [sflag:s17], $0x2800  }
0xa2: {  	[sflag:s17] =	ssyncset.done $0x0  }
.Ltmp15:
0xa3: {  	[sflag:s17] =	ssyncadd.s32 $0xFFFFD800;
	(pc) =	sbr.rel .LBB2_16-.Ltmp15, $4  }
0xa4: {  	s26 =	simm.s32 $0x0;
	[bflag:$0x0] =	sbarrier.arrive $0xFFFF  }
0xa5: {  	[tilespmem:s22], [sflag:$0x1] =	stream.indirect.gather [hbm4b:s7+s21], $0x80, s26, s21, $0xb8;
	[tilespmem:$0x1F780] =	vst v63  }
0xa6: {  	s28 =	simm.s32 $0xA0;
	s29 =	simm.s32 $0x2780  }
0xa7: {  	[tilespmem:s23], [sflag:$0x2] =	stream.indirect.gather [hbm4b:s7+s21], $0x80, s21, s21, $0xb8;
	[tilespmem:$0x1F780] =	vst v63  }
.LBB2_18:
0xa8: {  	s26 =	sadd.s32 $0x1, s26  }
0xa9: {  	p1 =	sne.s32 s26, $0x7D  }
.Ltmp16:
0xaa: {  	_ = 	snop;
	(pc) =	sbr.rel @!p1 .LBB2_19-.Ltmp16, $2  }
0xab: {  	_ =	sdelay $0x2  }
0xac: {  	s28 =	sadd.s32 $0x50, s28;
	s29 =	sadd.s32 $0x80, s29  }
.LBB2_16:
0xad: {  	s0 =	sand.u32 $0x1, s26  }
0xae: {  	p1 =	seq.s32 s0, $0x1  }
0xaf: {  	s30 =	simm.s32 @!p1 $0x1  }
0xb0: {  	_ =	swait.ge @!p1 [sflag:s30], $0x2800  }
0xb1: {  	[sflag:s30] =	ssyncset.done @!p1 $0x0  }
0xb2: {  	s31 =	simm.s32 @!p1 $0x6780;
	[sflag:s30] =	ssyncadd.s32 @!p1 $0xFFFFD800;
	s30 =	simm.s32 @!p1 $0x50  }
0xb3: {  	[spmem:s2] =	stream.indirect.scatter.add.f32 @!p1 [tilespmem:s31], [sflag:$0x3], $0x80, s29, s30, $0xb8;
	[tilespmem:$0x1F780] =	vst v63  }
0xb4: {  	s30 =	simm.s32 @!p1 $0x3  }
0xb5: {  	p2 =	sgt.u32 @!p1 s26, $0x7A;
	_ =	swait.ge @!p1 [sflag:s30], $0x2800  }
0xb6: {  	p2 =	por p2, p1;
	[sflag:s30] =	ssyncset.done @!p1 $0x0  }
0xb7: {  	s31 =	simm.s32 @!p2 $0x6780;
	[sflag:s30] =	ssyncadd.s32 @!p1 $0xFFFFD800;
	s30 =	simm.s32 @!p2 $0x50  }
0xb8: {  	[tilespmem:s31], [sflag:$0x1] =	stream.indirect.gather @!p2 [hbm4b:s7+s30], $0x80, s28, s30, $0xb8;
	[tilespmem:$0x1F780] =	vst v63  }
0xb9: {  	p2 =	seq.s32 @!p1 s0, $0x0  }
0xba: {  	p1 =	por p1, !p2  }
.Ltmp17:
0xbb: {  	_ = 	snop;
	(pc) =	sbr.rel @!p1 .LBB2_18-.Ltmp17, $1  }
0xbc: {  	_ =	sdelay $0x3  }
0xbd: {  	_ =	swait.ge [sflag:s24], $0x2800  }
0xbe: {  	[sflag:s24] =	ssyncset.done $0x0  }
0xbf: {  	[sflag:s24] =	ssyncadd.s32 $0xFFFFD800  }
0xc0: {  	[spmem:s2] =	stream.indirect.scatter.add.f32 [tilespmem:s23], [sflag:$0x3], $0x80, s29, s21, $0xb8;
	[tilespmem:$0x1F780] =	vst v63  }
.Ltmp18:
0xc1: {  	_ = 	snop;
	(pc) =	sbr.rel .LBB2_18-.Ltmp18, $4  }
0xc2: {  	_ =	swait.ge [sflag:s17], $0x2800  }
0xc3: {  	p1 =	sgt.u32 s26, $0x7A;
	[sflag:s17] =	ssyncset.done $0x0  }
0xc4: {  	s0 =	simm.s32 @!p1 $0x50;
	s30 =	simm.s32 @!p1 $0x8F80;
	[sflag:s17] =	ssyncadd.s32 $0xFFFFD800  }
0xc5: {  	[tilespmem:s30], [sflag:$0x2] =	stream.indirect.gather @!p1 [hbm4b:s7+s0], $0x80, s28, s0, $0xb8;
	[tilespmem:$0x1F780] =	vst v63  }
.LBB2_10:
.Ltmp19:
0xc6: {  	(pc) =	sbr.rel .LBB2_20-.Ltmp19, $2  }
0xc7: {  	_ =	sdelay $0x2  }
0xc8: {  	s26 =	smov.u32 s10  }
.LBB2_21:
0xc9: {  	_ =	sfence.sel $0x180000  }
0xca: {  	[bflag:$0x0] =	sbarrier.arrive $0xFFFF  }
0xcb: {  	_ =	strace $0x9000004D  }
0xcc: {  	[bflag:$0x2] =	sbarrier.arrive $0xFFFF  }
0xcd: {  	p0 =	sne.s32 s1, $0x0;
	s0 =	rddreg [dreg:$0x2]  }
0xce: {  	s0 =	sadd.s32 @!p0 $0x100000, s0  }
0xcf: {  	[sflag:s0] =	ssyncadd.tile.s32 @!p0 $0x1;
	_ =	shalt  }
.Lfunc_end2:
_tile_overlayer_lowered:
.L_overlay_start_2:
0xd0: {  	(tag) =	ssettag $0x2  }
0xd1: {  	s0 =	rddreg [dreg:$0x0];
	s2 =	stileid.u32  }
0xd2: {  	s1 =	rddreg [dreg:$0x1];
	p0 =	sne.s32 s2, $0x0  }
0xd3: {  	s3 =	rddreg [dreg:$0x2];
	[bflag:$0x3] =	sbarrier.arrive $0xFFFF;
	s2 =	simm.s32 @!p0 $0x1C03  }
0xd4: {  	[timem:s3], [sflag:s2] =	dma.local @!p0 [hbm:s0], s1  }
0xd5: {  	s0 =	simm.s32 @!p0 $0x3  }
0xd6: {  	_ =	swait.ge @!p0 [sflag:s0], s1  }
0xd7: {  	s1 =	ssub.s32 @!p0 $0x0, s1;
	[sflag:s0] =	ssyncset.done @!p0 $0x0  }
0xd8: {  	[sflag:s0] =	ssyncadd.s32 @!p0 s1  }
0xd9: {  	[bflag:$0x3] =	sbarrier.arrive $0xFFFF  }
0xda: {  	_ =	shalt  }

// kernel: kernel.19.cloned.1.call-start
scs
__scs_entry_jumppad:
0x0: {  	(pc) =	sbr.rel $0x88, $3  }
0x1: {  	(tag) =	ssettag $0x0;
	lr =	simm.s32 $0x1  }
0x2: {  	[smem:$0x3F90] =	sst lr;
	_ =	strace $0xD0000000  }
0x3: {  	_ = 	snop  }
0x4: {  	_ = 	snop  }
0x5: {  	_ = 	snop  }
0x6: {  	_ = 	snop  }
0x7: {  	_ = 	snop  }
__scs_overlays_trampoline_lowered:
0x8: {  	[smem:$0x3F9F] =	sst s0  }
0x9: {  	[smem:$0x3FA0] =	sst s1  }
0xa: {  	[smem:$0x3FA1] =	sst s2  }
0xb: {  	[smem:$0x3FA2] =	sst s3  }
0xc: {  	[smem:$0x3FA3] =	sst s4  }
0xd: {  	[smem:$0x3FA4] =	sst s5  }
0xe: {  	[smem:$0x3FA5] =	sst s6  }
0xf: {  	[smem:$0x3FA6] =	sst s7  }
0x10: {  	[smem:$0x3FA7] =	sst s8  }
0x11: {  	[smem:$0x3FA8] =	sst s9;
	s0 =	simm.s32 @!p0 $0x0  }
0x12: {  	s1 =	sld [smem:$0x3F8E];
	s0 =	simm.s32 @p0 $0x1  }
0x13: {  	[smem:$0x3FA9] =	sst s0;
	s0 =	simm.s32 @!p1 $0x0  }
0x14: {  	s2 =	sld [smem:$0x3F8D];
	s0 =	simm.s32 @p1 $0x1  }
0x15: {  	[smem:$0x3FAA] =	sst s0;
	s0 =	simm.s32 @!p2 $0x0  }
0x16: {  	s3 =	sld [smem:$0x3FDB];
	s0 =	simm.s32 @p2 $0x1  }
0x17: {  	s4 =	simm.s32 $0x1BF5;
	[smem:$0x3FAC] =	sst s0  }
0x18: {  	s0 =	sld [smem:$0x3F8F];
	_ =	swait.ge [sflag:s4], $0x0  }
0x19: {  	s7 =	sld [smem:$0x3F90]  }
0x1a: {  	s8 =	sadd.s32 $0xFFFFE003, lr  }
0x1b: {  	s9 =	sadd.s32 $0xFFFFFEF7, lr;
	s5 =	simm.s32 $0xFFFFFFFF;
	p2 =	slt.u32 s8, $0xFFFFF086  }
0x1c: {  	p1 =	slt.u32 s9, $0xF7A;
	s5 =	simm.s32 @!p2 $0x0  }
0x1d: {  	s5 =	simm.s32 @p1 $0x1;
	p0 =	seq.s32 s7, s2  }
0x1e: {  	s7 =	smul.u32 @!p0 $0xF7A, s2;
	p2 =	seq.s32 @!p0 s5, $0x0  }
0x1f: {  	s9 =	smul.u32 $0xF7A, s1;
	s8 =	simm.s32 @!p0 $0x1BF5;
	p2 =	por !p2, p0  }
0x20: {  	[sflag:s8] =	ssyncset.s32 @!p0 $0xFFFFF086;
	s6 =	sadd.s32 @!p0 s3, s7;
	s7 =	simm.s32 @!p0 $0x108  }
0x21: {  	s3 =	sadd.s32 s3, s9;
	s6 =	sadd.s32 @!p0 $0x88, s6;
	s7 =	simm.s32 @p2 $0x1082  }
0x22: {  	[simem:s7], [sflag:s8] =	dma.local @!p0 [hbm:s6], $0xF7A  }
0x23: {  	s9 =	sor.u32 $0xD0000000, s2;
	s6 =	simm.s32 $0x108;
	_ =	swait.ge @!p0 [sflag:s8], $0x0  }
0x24: {  	s3 =	sadd.s32 $0x88, s3;
	s6 =	simm.s32 @!p1 $0x1082;
	[sflag:s4] =	ssyncset.s32 $0xFFFFF086  }
0x25: {  	[simem:s6], [sflag:s4] =	dma.local [hbm:s3], $0xF7A  }
0x26: {  	[smem:$0x3F90] =	sst s1;
	(tag) =	ssettag s2;
	_ =	strace s9  }
0x27: {  	s1 =	sld [smem:$0x3FA0]  }
0x28: {  	s2 =	sld [smem:$0x3FA1]  }
0x29: {  	s4 =	sld [smem:$0x3FA3]  }
0x2a: {  	p0 =	seq.s32 s5, $0x0;
	s5 =	sld [smem:$0x3FA4]  }
0x2b: {  	s6 =	sld [smem:$0x3FA5]  }
0x2c: {  	s7 =	sld [smem:$0x3FA6]  }
0x2d: {  	s3 =	simm.s32 $0x108;
	s8 =	sld [smem:$0x3FA7]  }
0x2e: {  	s3 =	simm.s32 @!p0 $0x1082;
	s9 =	sld [smem:$0x3FA8]  }
0x2f: {  	lr =	sadd.s32 s0, s3;
	s0 =	sld [smem:$0x3F9F]  }
0x30: {  	s3 =	sld [smem:$0x3FA2]  }
0x31: {  	[smem:$0x3FAB] =	sst s10  }
0x32: {  	s10 =	sld [smem:$0x3FA9];
	_ =	sdelay $0x3  }
0x33: {  	p0 =	seq.s32 s10, $0x1;
	s10 =	sld [smem:$0x3FAB];
	_ =	sdelay $0x3  }
0x34: {  	[smem:$0x3FAB] =	sst s10  }
0x35: {  	s10 =	sld [smem:$0x3FAA];
	_ =	sdelay $0x3  }
0x36: {  	p1 =	seq.s32 s10, $0x1;
	s10 =	sld [smem:$0x3FAB];
	_ =	sdelay $0x3  }
0x37: {  	[smem:$0x3FAB] =	sst s10  }
0x38: {  	s10 =	sld [smem:$0x3FAC]  }
0x39: {  	_ = 	snop;
	(pc) =	sbr.ind lr, $3  }
0x3a: {  	_ = 	snop  }
0x3b: {  	_ = 	snop  }
0x3c: {  	p2 =	seq.s32 s10, $0x1;
	s10 =	sld [smem:$0x3FAB]  }
0x3d: {  	_ =	shalt  }
0x3e: {  	_ =	shalt  }
0x3f: {  	_ =	shalt  }
0x40: {  	_ =	shalt  }
0x41: {  	_ =	shalt  }
0x42: {  	_ =	shalt  }
0x43: {  	_ =	shalt  }
0x44: {  	_ =	shalt  }
0x45: {  	_ =	shalt  }
0x46: {  	_ =	shalt  }
0x47: {  	_ =	shalt  }
0x48: {  	_ =	shalt  }
0x49: {  	_ =	shalt  }
0x4a: {  	_ =	shalt  }
0x4b: {  	_ =	shalt  }
0x4c: {  	_ =	shalt  }
0x4d: {  	_ =	shalt  }
0x4e: {  	_ =	shalt  }
0x4f: {  	_ =	shalt  }
0x50: {  	_ =	shalt  }
0x51: {  	_ =	shalt  }
0x52: {  	_ =	shalt  }
0x53: {  	_ =	shalt  }
0x54: {  	_ =	shalt  }
0x55: {  	_ =	shalt  }
0x56: {  	_ =	shalt  }
0x57: {  	_ =	shalt  }
0x58: {  	_ =	shalt  }
0x59: {  	_ =	shalt  }
0x5a: {  	_ =	shalt  }
0x5b: {  	_ =	shalt  }
0x5c: {  	_ =	shalt  }
0x5d: {  	_ =	shalt  }
0x5e: {  	_ =	shalt  }
0x5f: {  	_ =	shalt  }
0x60: {  	_ =	shalt  }
0x61: {  	_ =	shalt  }
0x62: {  	_ =	shalt  }
0x63: {  	_ =	shalt  }
0x64: {  	_ =	shalt  }
0x65: {  	_ =	shalt  }
0x66: {  	_ =	shalt  }
0x67: {  	_ =	shalt  }
0x68: {  	_ =	shalt  }
0x69: {  	_ =	shalt  }
0x6a: {  	_ =	shalt  }
0x6b: {  	_ =	shalt  }
0x6c: {  	_ =	shalt  }
0x6d: {  	_ =	shalt  }
0x6e: {  	_ =	shalt  }
0x6f: {  	_ =	shalt  }
0x70: {  	_ =	shalt  }
0x71: {  	_ =	shalt  }
0x72: {  	_ =	shalt  }
0x73: {  	_ =	shalt  }
0x74: {  	_ =	shalt  }
0x75: {  	_ =	shalt  }
0x76: {  	_ =	shalt  }
0x77: {  	_ =	shalt  }
0x78: {  	_ =	shalt  }
0x79: {  	_ =	shalt  }
0x7a: {  	_ =	shalt  }
0x7b: {  	_ =	shalt  }
0x7c: {  	_ =	shalt  }
0x7d: {  	_ =	shalt  }
0x7e: {  	_ =	shalt  }
0x7f: {  	_ =	shalt  }
0x80: {  	_ =	shalt  }
0x81: {  	_ =	shalt  }
0x82: {  	_ =	shalt  }
0x83: {  	_ =	shalt  }
0x84: {  	_ =	shalt  }
0x85: {  	_ =	shalt  }
0x86: {  	_ =	shalt  }
0x87: {  	_ =	shalt  }
.Lfunc_end0:
.L_simem_size_0:
called_computation.3_lowered:
.L_overlay_start_0:
0x88: {  	s2 =	sld [smem:$0x3FD9]  }
0x89: {  	s3 =	sld [smem:$0x3FFE];
	_ =	sdelay $0x1  }
0x8a: {  	s1 =	srdreg.scid  }
0x8b: {  	s0 =	sand.u32 $0x1, s1  }
0x8c: {  	s16 =	sshll.u32 s0, $0xA;
	s2 =	sadd.s32 s3, s2  }
0x8d: {  	s2 =	sadd.s32 s2, s16  }
0x8e: {  	[smem:$0x3FB7] =	sst s2  }
0x8f: {  	_ = 	snop  }
0x90: {  	(tm) =	ssettm $0x1  }
0x91: {  	s17 =	sld [smem:$0x3FFB];
	_ =	sdelay $0x3  }
0x92: {  	_ =	strace s17  }
0x93: {  	s2 =	sld [smem:$0x3FFC];
	_ =	sdelay $0x3  }
0x94: {  	_ =	strace s2  }
0x95: {  	s2 =	sld [smem:$0x3FFD];
	_ =	sdelay $0x3  }
0x96: {  	_ =	strace s2  }
0x97: {  	_ =	strace $0x8FFFFFFF  }
0x98: {  	s18 =	sld [smem:$0x3FDB];
	_ =	sdelay $0x1  }
0x99: {  	s19 =	simm.s32 $_scs_section_size  }
0x9a: {  	s4 =	simm.s32 $_size__tile_overlayer_lowered;
	s5 =	simm.s32 $_tile_overlayer_lowered  }
0x9b: {  	s22 =	simm.s32 $0x1BFF;
	s21 =	sshll.u32 s5, $0x1;
	s2 =	sadd.s32 s19, s18  }
0x9c: {  	s6 =	simm.s32 $0x0;
	s20 =	sshll.u32 s4, $0x1;
	s4 =	sadd.s32 s21, s2  }
0x9d: {  	[timem:s6], [sflag:s22] =	dma.local [hbm:s4], s20  }
0x9e: {  	_ =	swait.ge [sflag:s22], s20  }
0x9f: {  	s3 =	ssub.s32 $0x0, s20;
	[sflag:s22] =	ssyncset.done $0x0  }
0xa0: {  	[sflag:s22] =	ssyncadd.s32 s3;
	_ =	sdelay $0x1  }
0xa1: {  	s23 =	simm.s32 $0x1B8B  }
0xa2: {  	_ =	swait.ge [sflag:s23], $0x1  }
0xa3: {  	[sflag:s23] =	ssyncset.done $0x0  }
0xa4: {  	s25 =	simm.s32 $0x1B8E;
	s24 =	sld [smem:$0x3FFE];
	[sflag:s23] =	ssyncadd.s32 $0xFFFFFFFF  }
0xa5: {  	s26 =	simm.s32 $execute0_lowered;
	[smem:$0x3FD2] =	sst s25  }
0xa6: {  	s4 =	sshll.u32 s26, $0x1;
	_ =	strace $0x8000004F;
	[dreg:$0x1] =	wrdreg $0xFFFFFFFF  }
0xa7: {  	s28 =	simm.s32 $_size_execute0_lowered;
	s2 =	sadd.s32 s2, s4;
	[dreg:$0x0] =	wrdreg $0x0  }
0xa8: {  	s4 =	sshll.u32 s28, $0x1;
	[dreg:$0x2] =	wrdreg s2  }
0xa9: {  	[dreg:$0x3] =	wrdreg s4  }
0xaa: {  	[dreg:$0x4] =	wrdreg $0xC0  }
0xab: {  	_ =	task [dreg:s6], $0x5FFFF  }
0xac: {  	[dreg:$0x1] =	wrdreg $0xFFFFFFFF  }
0xad: {  	[dreg:$0x0] =	wrdreg $0x60  }
0xae: {  	[dreg:$0x2] =	wrdreg s24  }
0xaf: {  	[dreg:$0x3] =	wrdreg $0x9  }
0xb0: {  	_ =	task.clear_ibuf [dreg:s6], $0x4FFFF;
	_ =	strace $0x9000004F  }
0xb1: {  	s29 =	simm.s32 $0x9;
	_ =	strace $0x80000051  }
0xb2: {  	_ =	swait.ge [sflag:s29], $0x1  }
0xb3: {  	[sflag:s29] =	ssyncadd.s32 $0xFFFFFFFF  }
0xb4: {  	_ =	strace $0x90000051  }
0xb5: {  	_ =	sfence  }
0xb6: {  	s30 =	sld [smem:$0x0];
	_ =	sdelay $0x2  }
0xb7: {  	s31 =	sshll.u32 s1, $0xD;
	s1 =	sshrl.u32 s1, $0x2  }
0xb8: {  	s3 =	sand.u32 $0x4000, s31;
	s1 =	sadd.s32 s1, s30  }
0xb9: {  	s0 =	sor.u32 s3, s0;
	s1 =	sshll.u32 s1, $0x11  }
0xba: {  	s0 =	sor.u32 s1, s0  }
0xbb: {  	s0 =	sadd.s32 $0x8F2B, s0  }
0xbc: {  	[sflag:s0] =	ssyncadd.remote.s32 $0x1  }
0xbd: {  	_ =	sfence.sel $0xFFFF  }
0xbe: {  	[dreg:$0x0] =	wrdreg $0xFFFFFFFF;
	(pc) =	sbr.abs _section_cstart, $3  }
0xbf: {  	[dreg:$0x1] =	wrdreg $0xFFFFFFFF  }
0xc0: {  	_ =	task.clear_ibuf [dreg:s6], $0x2FFFF;
	_ =	strace $0x9FFFFFFF  }
0xc1: {  	(tm) =	ssettm $0x7FFFFFFF  }
tec
execute0_lowered:
.L_overlay_start_1:
0x0: {  	(tag) =	ssettag $0x1  }
0x1: {  	s8 =	rddreg [dreg:$0x0]  }
0x2: {  	s0 =	rddreg [dreg:$0x1];
	s2 =	simm.s32 $0x0;
	s1 =	stileid.u32  }
0x3: {  	s5 =	srdreg.scid;
	[smem:$0x7FF] =	sst s2  }
0x4: {  	s3 =	sadd.s32 $0x4C00, s8;
	s4 =	sshll.u32 s1, $0x4;
	s6 =	sadd.s32 $0x2BE00, s8  }
0x5: {  	s7 =	sand.u32 $0x1, s5;
	_ =	strace $0x80000050;
	s4 =	sadd.s32 s4, s8  }
0x6: {  	s9 =	ssub.s32 $0x2, s7;
	p0 =	seq.s32 s7, $0x1;
	s7 =	simm.s32 $0x1  }
0x7: {  	s5 =	sadd.s32 $0x129A00, s4;
	s4 =	simm.s32 $0x2;
	s10 =	sshrl.u32 s9, $0x1  }
0x8: {  	[tilespmem:s2], [sflag:$0x2] =	stream.linear.gather [hbm4b:s5+s2], $0x80, $0x38;
	[tilespmem:$0x4080] =	vst v63  }
0x9: {  	s3 =	smov.u32 @p0 s6;
	s6 =	simm.s32 $0x80;
	_ =	swait.ge [sflag:s4], $0x80  }
0xa: {  	s9 =	ssub.s32 s9, s10;
	s10 =	sadd.s32 $0x53000, s8;
	[sflag:s4] =	ssyncset.done $0x0  }
0xb: {  	s8 =	sadd.s32 $0x5B000, s8;
	s9 =	smax.u32 s9, $0x1;
	[sflag:s4] =	ssyncadd.s32 $0xFFFFFF80  }
0xc: {  	[tilespmem:s6], [sflag:$0x1] =	stream.indirect.gather [hbm4b:s3+s6], $0x80, s2, s6, $0xb8;
	[tilespmem:$0x4080] =	vst v63  }
0xd: {  	s10 =	smov.u32 @p0 s8;
	p0 =	sne.s32 s9, $0x1;
	_ =	swait.ge [sflag:s7], $0x4000  }
.Ltmp0:
0xe: {  	s31 =	sshll.u32 s1, $0xB;
	[sflag:s7] =	ssyncset.done $0x0;
	(pc) =	sbr.rel @!p0 .LBB2_2-.Ltmp0, $4  }
0xf: {  	s8 =	sadd.s32 s10, s31;
	[sflag:s7] =	ssyncadd.s32 $0xFFFFC000  }
0x10: {  	[hbm4b:s8+s2] =	stream.linear.scatter [tilespmem:s6], [sflag:$0x2], $0x4000, $0x38;
	[tilespmem:$0x4080] =	vst v63  }
0x11: {  	_ =	swait.ge [sflag:s4], $0x4000  }
0x12: {  	s9 =	sadd.s32 $0xFFFFFFFF, s9;
	[sflag:s4] =	ssyncset.done $0x0  }
.LBB2_1:
0x13: {  	p0 =	sne.s32 s9, $0x1;
	s9 =	sadd.s32 $0xFFFFFFFF, s9;
	[sflag:s4] =	ssyncadd.s32 $0xFFFFC000  }
0x14: {  	[tilespmem:s2], [sflag:$0x2] =	stream.linear.gather [hbm4b:s5+s2], $0x80, $0x38;
	[tilespmem:$0x4080] =	vst v63  }
0x15: {  	_ =	swait.ge [sflag:s4], $0x80  }
0x16: {  	[sflag:s4] =	ssyncset.done $0x0  }
0x17: {  	[sflag:s4] =	ssyncadd.s32 $0xFFFFFF80  }
0x18: {  	[tilespmem:s6], [sflag:$0x1] =	stream.indirect.gather [hbm4b:s3+s6], $0x80, s2, s6, $0xb8;
	[tilespmem:$0x4080] =	vst v63  }
0x19: {  	_ =	swait.ge [sflag:s7], $0x4000  }
.Ltmp1:
0x1a: {  	[sflag:s7] =	ssyncset.done $0x0;
	(pc) =	sbr.rel @p0 .LBB2_1-.Ltmp1, $4  }
0x1b: {  	[sflag:s7] =	ssyncadd.s32 $0xFFFFC000  }
0x1c: {  	[hbm4b:s8+s2] =	stream.linear.scatter [tilespmem:s6], [sflag:$0x2], $0x4000, $0x38;
	[tilespmem:$0x4080] =	vst v63  }
0x1d: {  	_ =	swait.ge [sflag:s4], $0x4000  }
0x1e: {  	[sflag:s4] =	ssyncset.done $0x0  }
.LBB2_2:
0x1f: {  	[sflag:s4] =	ssyncadd.s32 $0xFFFFC000  }
0x20: {  	_ =	sfence.sel $0x180000  }
0x21: {  	[bflag:$0x0] =	sbarrier.arrive $0xFFFF  }
0x22: {  	p0 =	sne.s32 s1, $0x0;
	_ =	strace $0x90000050  }
0x23: {  	s0 =	sadd.s32 @!p0 $0x100000, s0;
	[bflag:$0x2] =	sbarrier.arrive $0xFFFF  }
0x24: {  	[sflag:s0] =	ssyncadd.tile.s32 @!p0 $0x1;
	_ =	shalt  }
.Lfunc_end2:
_tile_overlayer_lowered:
.L_overlay_start_2:
0x25: {  	(tag) =	ssettag $0x2  }
0x26: {  	s0 =	rddreg [dreg:$0x0];
	s2 =	stileid.u32  }
0x27: {  	s1 =	rddreg [dreg:$0x1];
	p0 =	sne.s32 s2, $0x0  }
0x28: {  	s3 =	rddreg [dreg:$0x2];
	[bflag:$0x3] =	sbarrier.arrive $0xFFFF;
	s2 =	simm.s32 @!p0 $0x1C02  }
0x29: {  	[timem:s3], [sflag:s2] =	dma.local @!p0 [hbm:s0], s1  }
0x2a: {  	s0 =	simm.s32 @!p0 $0x2  }
0x2b: {  	_ =	swait.ge @!p0 [sflag:s0], s1  }
0x2c: {  	s1 =	ssub.s32 @!p0 $0x0, s1;
	[sflag:s0] =	ssyncset.done @!p0 $0x0  }
0x2d: {  	[sflag:s0] =	ssyncadd.s32 @!p0 s1  }
0x2e: {  	[bflag:$0x3] =	sbarrier.arrive $0xFFFF  }
0x2f: {  	_ =	shalt  }

</sc_bundles>
